<compile_context>
chip_gen: v7x
topology: tpu7x:2x2x1
jax: 0.10.2.dev20260603
libtpu: 0.0.44.dev20260713+nightly
codegen_flags: <defaults>
</compile_context>

<pallas_src>
import functools

import jax
import jax.numpy as jnp
from jax import lax
from jax.experimental import pallas as pl
from jax.experimental.pallas import tpu as pltpu
from jax.experimental.pallas import tpu_sc as plsc

NW = 32
T = 256
IB = 128
VL = 16


def _sc_embed(seq_blk, e1_blk, e2_blk, we, wpe, n, dw, dp, npos):
    d = dw + 2 * dp
    per_w = n // NW
    steps = per_w // T
    k = T // IB

    mesh = plsc.VectorSubcoreMesh(core_axis_name="c", subcore_axis_name="s")

    @functools.partial(
        pl.kernel,
        out_type=jax.ShapeDtypeStruct((n, d), jnp.float32),
        mesh=mesh,
        compiler_params=pltpu.CompilerParams(use_tc_tiling_on_sc=False),
        scratch_types=(
            [pltpu.VMEM((k, IB), jnp.int32)] * 3
            + [pltpu.VMEM((T,), jnp.int32)] * 6
            + [pltpu.VMEM((T, dw), jnp.float32)] * 3
            + [pltpu.VMEM((T, 2 * dp), jnp.float32)] * 3
            + [pltpu.VMEM((npos, dp), jnp.float32)]
            + [pltpu.SemaphoreType.DMA] * 6
        ),
    )
    def body(seq_hbm, e1_hbm, e2_hbm, we_hbm, wpe_hbm, out_hbm,
             si0, si1, si2, p1a, p1b, p1c, p2a, p2b, p2c,
             w0, w1, w2, rows0, rows1, rows2,
             wpe_v, gs0, gs1, gs2, ws0, ws1, ws2):
        cid = lax.axis_index("c")
        sid = lax.axis_index("s")
        wid = sid * 2 + cid
        sblk0 = wid * steps
        si_v = (si0, si1, si2)
        p1_v = (p1a, p1b, p1c)
        p2_v = (p2a, p2b, p2c)
        w_v = (w0, w1, w2)
        rows_v = (rows0, rows1, rows2)
        gsem = (gs0, gs1, gs2)
        wsem = (ws0, ws1, ws2)

        pltpu.sync_copy(wpe_hbm, wpe_v)

        def out_copies(b, row0):
            rows = pl.ds(row0, T)
            return [
                pltpu.make_async_copy(
                    w_v[b], out_hbm.at[rows, pl.ds(0, dw)], wsem[b]),
                pltpu.make_async_copy(
                    rows_v[b], out_hbm.at[rows, pl.ds(dw, 2 * dp)],
                    wsem[b]),
            ]

        def gather_copies(b):
            return [
                pltpu.make_async_copy(
                    we_hbm.at[si_v[b].at[j]],
                    w_v[b].at[pl.ds(j * IB, IB)], gsem[b])
                for j in range(k)
            ]

        def load_and_gather(b, t):
            pltpu.sync_copy(seq_hbm.at[sblk0 + t], si_v[b])
            pltpu.sync_copy(e1_hbm.at[sblk0 + t], p1_v[b])
            pltpu.sync_copy(e2_hbm.at[sblk0 + t], p2_v[b])
            for c in gather_copies(b):
                c.start()

        def fuse_pos(b):
            p1r = p1_v[b]
            p2r = p2_v[b]
            rows = rows_v[b]

            def fuse(g, carry2):
                p1vec = p1r[pl.ds(g * VL, VL)]
                p2vec = p2r[pl.ds(g * VL, VL)]
                for u in range(VL):
                    row = g * VL + u
                    p1 = p1vec[u]
                    p2 = p2vec[u]
                    for c in range(dp // VL):
                        rows[row, pl.ds(c * VL, VL)] = (
                            wpe_v[p1, pl.ds(c * VL, VL)])
                    for c in range(dp // VL):
                        rows[row, pl.ds(dp + c * VL, VL)] = (
                            wpe_v[p2, pl.ds(c * VL, VL)])
                return carry2

            lax.fori_loop(0, T // VL, fuse, 0)

        load_and_gather(0, 0)

        def step3(t3, carry):
            for u in range(3):
                t = t3 * 3 + u
                nb = (u + 1) % 3
                row0 = wid * per_w + t * T

                @pl.when(t >= 2)
                def _drain_old():
                    for c in out_copies(nb, row0 - 2 * T):
                        c.wait()

                load_and_gather(nb, t + 1)
                fuse_pos(u)
                for c in gather_copies(u):
                    c.wait()
                for c in out_copies(u, row0):
                    c.start()
            return carry

        lax.fori_loop(0, (steps - 1) // 3, step3, 0)

        tl = steps - 1
        trow0 = wid * per_w + tl * T
        for c in out_copies(1, trow0 - 2 * T):
            c.wait()
        fuse_pos(0)
        for c in gather_copies(0):
            c.wait()
        for c in out_copies(0, trow0):
            c.start()

        for c in out_copies(2, trow0 - T):
            c.wait()
        for c in out_copies(0, trow0):
            c.wait()

    return body(seq_blk, e1_blk, e2_blk, we, wpe)


def kernel(seq_inputs, e1_pos_inputs, e2_pos_inputs, we, wpe):
    b, l = seq_inputs.shape
    dw = we.shape[1]
    dp = wpe.shape[1]
    npos = wpe.shape[0]
    n = b * l
    assert n % (NW * T) == 0 and T % IB == 0
    assert (n // (NW * T)) % 3 == 1
    k = T // IB
    seq_blk = seq_inputs.reshape(n // T, k, IB)
    e1_blk = e1_pos_inputs.reshape(n // T, T)
    e2_blk = e2_pos_inputs.reshape(n // T, T)
    out = _sc_embed(seq_blk, e1_blk, e2_blk, we, wpe, n, dw, dp, npos)
    return out.reshape(b, l, dw + 2 * dp)

# --- scband reference (transcript-rebuilt; emitter-appended) ---
"""Pipeline reference for scband-encoder-layer-81561428951350 (READ-ONLY COPY).

The authoritative reference and input builder live on the scoring server;
editing this copy changes nothing except your own understanding.
"""

import jax, jax.numpy as jnp
import numpy as np

VOCAB = 1000000
DW = 64
DP = 32
INPUT_LEN = 200
BATCH = 4096

def setup_inputs(seed: int = 0) -> dict:
    key = jax.random.key(seed)
    k1, k2, k3, k4, k5 = jax.random.split(key, 5)
    seq_inputs = jax.random.randint(k1, (BATCH, INPUT_LEN), 0, VOCAB, dtype=jnp.int32)
    e1_pos_inputs = jax.random.randint(k2, (BATCH, INPUT_LEN), 0, 2 * INPUT_LEN, dtype=jnp.int32)
    e2_pos_inputs = jax.random.randint(k3, (BATCH, INPUT_LEN), 0, 2 * INPUT_LEN, dtype=jnp.int32)
    we = jax.random.normal(k4, (VOCAB, DW), dtype=jnp.float32) * 0.02
    wpe = jax.random.normal(k5, (2 * INPUT_LEN, DP), dtype=jnp.float32) * 0.02
    return {
        "seq_inputs": seq_inputs,
        "e1_pos_inputs": e1_pos_inputs,
        "e2_pos_inputs": e2_pos_inputs,
        "we": we,
        "wpe": wpe,
    }

def reference(seq_inputs, e1_pos_inputs, e2_pos_inputs, we, wpe):
    # word embedding lookup
    seq_emb = jnp.take(we, seq_inputs, axis=0)          # [B, L, DW]
    # shared position embedding table, two lookups
    e1_pos_emb = jnp.take(wpe, e1_pos_inputs, axis=0)   # [B, L, DP]
    e2_pos_emb = jnp.take(wpe, e2_pos_inputs, axis=0)   # [B, L, DP]
    # concatenate along the feature axis (keras concatenate default axis=-1)
    seq_concat = jnp.concatenate([seq_emb, e1_pos_emb, e2_pos_emb], axis=-1)  # [B, L, DW+2*DP]
    return seq_concat

if __name__ == "__main__":
    import jax
    _d = setup_inputs()
    print(jax.jit(kernel)(*tuple(_d.values())))

</pallas_src>

<mosaic_0001>
#map = affine_map<(d0, d1) -> (0, 0, 0)>
#map1 = affine_map<(d0, d1) -> (0, 0)>
module attributes {stable_mosaic.version = 14 : i64} {
  func.func @body(%arg0: i32, %arg1: i32, %arg2: memref<3200x2x128xi32, #tpu.memory_space<hbm>>, %arg3: memref<3200x256xi32, #tpu.memory_space<hbm>>, %arg4: memref<3200x256xi32, #tpu.memory_space<hbm>>, %arg5: memref<1000000x64xf32, #tpu.memory_space<hbm>>, %arg6: memref<400x32xf32, #tpu.memory_space<hbm>>, %arg7: memref<819200x128xf32, #tpu.memory_space<hbm>>, %arg8: memref<2x128xi32, #tpu.memory_space<vmem>>, %arg9: memref<2x128xi32, #tpu.memory_space<vmem>>, %arg10: memref<2x128xi32, #tpu.memory_space<vmem>>, %arg11: memref<256xi32, #tpu.memory_space<vmem>>, %arg12: memref<256xi32, #tpu.memory_space<vmem>>, %arg13: memref<256xi32, #tpu.memory_space<vmem>>, %arg14: memref<256xi32, #tpu.memory_space<vmem>>, %arg15: memref<256xi32, #tpu.memory_space<vmem>>, %arg16: memref<256xi32, #tpu.memory_space<vmem>>, %arg17: memref<256x64xf32, #tpu.memory_space<vmem>>, %arg18: memref<256x64xf32, #tpu.memory_space<vmem>>, %arg19: memref<256x64xf32, #tpu.memory_space<vmem>>, %arg20: memref<256x64xf32, #tpu.memory_space<vmem>>, %arg21: memref<256x64xf32, #tpu.memory_space<vmem>>, %arg22: memref<256x64xf32, #tpu.memory_space<vmem>>, %arg23: memref<400x32xf32, #tpu.memory_space<vmem>>, %arg24: memref<!tpu.dma_semaphore, #tpu.memory_space<semaphore_mem>>, %arg25: memref<!tpu.dma_semaphore, #tpu.memory_space<semaphore_mem>>, %arg26: memref<!tpu.dma_semaphore, #tpu.memory_space<semaphore_mem>>, %arg27: memref<!tpu.dma_semaphore, #tpu.memory_space<semaphore_mem>>, %arg28: memref<!tpu.dma_semaphore, #tpu.memory_space<semaphore_mem>>, %arg29: memref<!tpu.dma_semaphore, #tpu.memory_space<semaphore_mem>>) attributes {dimension_semantics = [#tpu.dimension_semantics<core_parallel>, #tpu.dimension_semantics<subcore_parallel>], iteration_bounds = array<i64: 2, 16>, scalar_prefetch = 0 : i64, scratch_operands = 22 : i64, tpu.core_type = #tpu.core_type<sc_vector_subcore>, window_params = [{transform_indices = #map}, {transform_indices = #map1}, {transform_indices = #map1}, {transform_indices = #map1}, {transform_indices = #map1}, {transform_indices = #map1}]} {
    %mul3A = arith.constant 2 : i32
    %mul3A_0 = arith.muli %arg1, %mul3A : i32
    %add3A = arith.addi %mul3A_0, %arg0 : i32
    %mul3A_1 = arith.constant 100 : i32
    %mul3A_2 = arith.muli %add3A, %mul3A_1 : i32
    "tpu.region"() ({
      %run_scoped3A = tpu.sem_alloc : memref<!tpu.dma_semaphore, #tpu.memory_space<semaphore_mem>>
      tpu.enqueue_dma source(%arg6 : memref<400x32xf32, #tpu.memory_space<hbm>>) target(%arg23 : memref<400x32xf32, #tpu.memory_space<vmem>>) target_semaphore(%run_scoped3A : memref<!tpu.dma_semaphore, #tpu.memory_space<semaphore_mem>>)
      tpu.wait_dma2 semaphore(%run_scoped3A : memref<!tpu.dma_semaphore, #tpu.memory_space<semaphore_mem>>) src(%arg6 : memref<400x32xf32, #tpu.memory_space<hbm>>) dst(%arg23 : memref<400x32xf32, #tpu.memory_space<vmem>>)
      tpu.yield
    }) : () -> ()
    %add3A_3 = arith.constant 0 : i32
    %add3A_4 = arith.addi %mul3A_2, %add3A_3 : i32
    "tpu.region"() ({
      %run_scoped3A = tpu.sem_alloc : memref<!tpu.dma_semaphore, #tpu.memory_space<semaphore_mem>>
      %dma_start3A_97 = arith.constant 0 : i32
      %dma_start3A_98 = arith.constant 0 : i32
      %dma_start3A_99 = tpu.memref_slice %arg2[%add3A_4, %dma_start3A_97, %dma_start3A_98] : memref<3200x2x128xi32, #tpu.memory_space<hbm>> -> memref<1x2x128xi32, #tpu.memory_space<hbm>>
      %dma_start3A_100 = tpu.memref_squeeze %dma_start3A_99 : memref<1x2x128xi32, #tpu.memory_space<hbm>> -> memref<2x128xi32, #tpu.memory_space<hbm>>
      %dma_start3A_101 = arith.constant 0 : i32
      %dma_start3A_102 = arith.constant 0 : i32
      %dma_start3A_103 = tpu.memref_slice %arg2[%add3A_4, %dma_start3A_101, %dma_start3A_102] : memref<3200x2x128xi32, #tpu.memory_space<hbm>> -> memref<1x2x128xi32, #tpu.memory_space<hbm>>
      %dma_start3A_104 = tpu.memref_squeeze %dma_start3A_103 : memref<1x2x128xi32, #tpu.memory_space<hbm>> -> memref<2x128xi32, #tpu.memory_space<hbm>>
      tpu.enqueue_dma source(%dma_start3A_104 : memref<2x128xi32, #tpu.memory_space<hbm>>) target(%arg8 : memref<2x128xi32, #tpu.memory_space<vmem>>) target_semaphore(%run_scoped3A : memref<!tpu.dma_semaphore, #tpu.memory_space<semaphore_mem>>)
      %dma_wait3A_105 = arith.constant 0 : i32
      %dma_wait3A_106 = arith.constant 0 : i32
      %dma_wait3A_107 = tpu.memref_slice %arg2[%add3A_4, %dma_wait3A_105, %dma_wait3A_106] : memref<3200x2x128xi32, #tpu.memory_space<hbm>> -> memref<1x2x128xi32, #tpu.memory_space<hbm>>
      %dma_wait3A_108 = tpu.memref_squeeze %dma_wait3A_107 : memref<1x2x128xi32, #tpu.memory_space<hbm>> -> memref<2x128xi32, #tpu.memory_space<hbm>>
      %dma_wait3A_109 = arith.constant 0 : i32
      %dma_wait3A_110 = arith.constant 0 : i32
      %dma_wait3A_111 = tpu.memref_slice %arg2[%add3A_4, %dma_wait3A_109, %dma_wait3A_110] : memref<3200x2x128xi32, #tpu.memory_space<hbm>> -> memref<1x2x128xi32, #tpu.memory_space<hbm>>
      %dma_wait3A_112 = tpu.memref_squeeze %dma_wait3A_111 : memref<1x2x128xi32, #tpu.memory_space<hbm>> -> memref<2x128xi32, #tpu.memory_space<hbm>>
      tpu.wait_dma2 semaphore(%run_scoped3A : memref<!tpu.dma_semaphore, #tpu.memory_space<semaphore_mem>>) src(%dma_wait3A_112 : memref<2x128xi32, #tpu.memory_space<hbm>>) dst(%arg8 : memref<2x128xi32, #tpu.memory_space<vmem>>)
      tpu.yield
    }) : () -> ()
    %add3A_5 = arith.constant 0 : i32
    %add3A_6 = arith.addi %mul3A_2, %add3A_5 : i32
    "tpu.region"() ({
      %run_scoped3A = tpu.sem_alloc : memref<!tpu.dma_semaphore, #tpu.memory_space<semaphore_mem>>
      %dma_start3A_97 = arith.constant 0 : i32
      %dma_start3A_98 = tpu.memref_slice %arg3[%add3A_6, %dma_start3A_97] : memref<3200x256xi32, #tpu.memory_space<hbm>> -> memref<1x256xi32, #tpu.memory_space<hbm>>
      %dma_start3A_99 = tpu.memref_squeeze %dma_start3A_98 : memref<1x256xi32, #tpu.memory_space<hbm>> -> memref<256xi32, #tpu.memory_space<hbm>>
      %dma_start3A_100 = arith.constant 0 : i32
      %dma_start3A_101 = tpu.memref_slice %arg3[%add3A_6, %dma_start3A_100] : memref<3200x256xi32, #tpu.memory_space<hbm>> -> memref<1x256xi32, #tpu.memory_space<hbm>>
      %dma_start3A_102 = tpu.memref_squeeze %dma_start3A_101 : memref<1x256xi32, #tpu.memory_space<hbm>> -> memref<256xi32, #tpu.memory_space<hbm>>
      tpu.enqueue_dma source(%dma_start3A_102 : memref<256xi32, #tpu.memory_space<hbm>>) target(%arg11 : memref<256xi32, #tpu.memory_space<vmem>>) target_semaphore(%run_scoped3A : memref<!tpu.dma_semaphore, #tpu.memory_space<semaphore_mem>>)
      %dma_wait3A_103 = arith.constant 0 : i32
      %dma_wait3A_104 = tpu.memref_slice %arg3[%add3A_6, %dma_wait3A_103] : memref<3200x256xi32, #tpu.memory_space<hbm>> -> memref<1x256xi32, #tpu.memory_space<hbm>>
      %dma_wait3A_105 = tpu.memref_squeeze %dma_wait3A_104 : memref<1x256xi32, #tpu.memory_space<hbm>> -> memref<256xi32, #tpu.memory_space<hbm>>
      %dma_wait3A_106 = arith.constant 0 : i32
      %dma_wait3A_107 = tpu.memref_slice %arg3[%add3A_6, %dma_wait3A_106] : memref<3200x256xi32, #tpu.memory_space<hbm>> -> memref<1x256xi32, #tpu.memory_space<hbm>>
      %dma_wait3A_108 = tpu.memref_squeeze %dma_wait3A_107 : memref<1x256xi32, #tpu.memory_space<hbm>> -> memref<256xi32, #tpu.memory_space<hbm>>
      tpu.wait_dma2 semaphore(%run_scoped3A : memref<!tpu.dma_semaphore, #tpu.memory_space<semaphore_mem>>) src(%dma_wait3A_108 : memref<256xi32, #tpu.memory_space<hbm>>) dst(%arg11 : memref<256xi32, #tpu.memory_space<vmem>>)
      tpu.yield
    }) : () -> ()
    %add3A_7 = arith.constant 0 : i32
    %add3A_8 = arith.addi %mul3A_2, %add3A_7 : i32
    "tpu.region"() ({
      %run_scoped3A = tpu.sem_alloc : memref<!tpu.dma_semaphore, #tpu.memory_space<semaphore_mem>>
      %dma_start3A_97 = arith.constant 0 : i32
      %dma_start3A_98 = tpu.memref_slice %arg4[%add3A_8, %dma_start3A_97] : memref<3200x256xi32, #tpu.memory_space<hbm>> -> memref<1x256xi32, #tpu.memory_space<hbm>>
      %dma_start3A_99 = tpu.memref_squeeze %dma_start3A_98 : memref<1x256xi32, #tpu.memory_space<hbm>> -> memref<256xi32, #tpu.memory_space<hbm>>
      %dma_start3A_100 = arith.constant 0 : i32
      %dma_start3A_101 = tpu.memref_slice %arg4[%add3A_8, %dma_start3A_100] : memref<3200x256xi32, #tpu.memory_space<hbm>> -> memref<1x256xi32, #tpu.memory_space<hbm>>
      %dma_start3A_102 = tpu.memref_squeeze %dma_start3A_101 : memref<1x256xi32, #tpu.memory_space<hbm>> -> memref<256xi32, #tpu.memory_space<hbm>>
      tpu.enqueue_dma source(%dma_start3A_102 : memref<256xi32, #tpu.memory_space<hbm>>) target(%arg14 : memref<256xi32, #tpu.memory_space<vmem>>) target_semaphore(%run_scoped3A : memref<!tpu.dma_semaphore, #tpu.memory_space<semaphore_mem>>)
      %dma_wait3A_103 = arith.constant 0 : i32
      %dma_wait3A_104 = tpu.memref_slice %arg4[%add3A_8, %dma_wait3A_103] : memref<3200x256xi32, #tpu.memory_space<hbm>> -> memref<1x256xi32, #tpu.memory_space<hbm>>
      %dma_wait3A_105 = tpu.memref_squeeze %dma_wait3A_104 : memref<1x256xi32, #tpu.memory_space<hbm>> -> memref<256xi32, #tpu.memory_space<hbm>>
      %dma_wait3A_106 = arith.constant 0 : i32
      %dma_wait3A_107 = tpu.memref_slice %arg4[%add3A_8, %dma_wait3A_106] : memref<3200x256xi32, #tpu.memory_space<hbm>> -> memref<1x256xi32, #tpu.memory_space<hbm>>
      %dma_wait3A_108 = tpu.memref_squeeze %dma_wait3A_107 : memref<1x256xi32, #tpu.memory_space<hbm>> -> memref<256xi32, #tpu.memory_space<hbm>>
      tpu.wait_dma2 semaphore(%run_scoped3A : memref<!tpu.dma_semaphore, #tpu.memory_space<semaphore_mem>>) src(%dma_wait3A_108 : memref<256xi32, #tpu.memory_space<hbm>>) dst(%arg14 : memref<256xi32, #tpu.memory_space<vmem>>)
      tpu.yield
    }) : () -> ()
    %dma_start3A = arith.constant 0 : i32
    %dma_start3A_9 = arith.constant 0 : i32
    %dma_start3A_10 = arith.constant 0 : i32
    %dma_start3A_11 = tpu.memref_slice %arg17[%dma_start3A_9, %dma_start3A_10] : memref<256x64xf32, #tpu.memory_space<vmem>> -> memref<128x64xf32, #tpu.memory_space<vmem>>
    %dma_start3A_12 = arith.constant 0 : i32
    %dma_start3A_13 = tpu.memref_slice %arg8[%dma_start3A, %dma_start3A_12] : memref<2x128xi32, #tpu.memory_space<vmem>> -> memref<1x128xi32, #tpu.memory_space<vmem>>
    %dma_start3A_14 = tpu.memref_squeeze %dma_start3A_13 : memref<1x128xi32, #tpu.memory_space<vmem>> -> memref<128xi32, #tpu.memory_space<vmem>>
    %dma_start3A_15 = arith.constant 0 : i32
    %dma_start3A_16 = arith.constant 0 : i32
    %dma_start3A_17 = tpu.memref_slice %arg5[%dma_start3A_15, %dma_start3A_16] : memref<1000000x64xf32, #tpu.memory_space<hbm>> -> memref<1000000x64xf32, #tpu.memory_space<hbm>>
    tpu.enqueue_indirect_dma source(%dma_start3A_17 : memref<1000000x64xf32, #tpu.memory_space<hbm>>) target(%dma_start3A_11 : memref<128x64xf32, #tpu.memory_space<vmem>>) offsets(%dma_start3A_14 : memref<128xi32, #tpu.memory_space<vmem>>) semaphore(%arg24 : memref<!tpu.dma_semaphore, #tpu.memory_space<semaphore_mem>>)
    %dma_start3A_18 = arith.constant 1 : i32
    %dma_start3A_19 = arith.constant 128 : i32
    %dma_start3A_20 = arith.constant 0 : i32
    %dma_start3A_21 = tpu.memref_slice %arg17[%dma_start3A_19, %dma_start3A_20] : memref<256x64xf32, #tpu.memory_space<vmem>> -> memref<128x64xf32, #tpu.memory_space<vmem>>
    %dma_start3A_22 = arith.constant 0 : i32
    %dma_start3A_23 = tpu.memref_slice %arg8[%dma_start3A_18, %dma_start3A_22] : memref<2x128xi32, #tpu.memory_space<vmem>> -> memref<1x128xi32, #tpu.memory_space<vmem>>
    %dma_start3A_24 = tpu.memref_squeeze %dma_start3A_23 : memref<1x128xi32, #tpu.memory_space<vmem>> -> memref<128xi32, #tpu.memory_space<vmem>>
    %dma_start3A_25 = arith.constant 0 : i32
    %dma_start3A_26 = arith.constant 0 : i32
    %dma_start3A_27 = tpu.memref_slice %arg5[%dma_start3A_25, %dma_start3A_26] : memref<1000000x64xf32, #tpu.memory_space<hbm>> -> memref<1000000x64xf32, #tpu.memory_space<hbm>>
    tpu.enqueue_indirect_dma source(%dma_start3A_27 : memref<1000000x64xf32, #tpu.memory_space<hbm>>) target(%dma_start3A_21 : memref<128x64xf32, #tpu.memory_space<vmem>>) offsets(%dma_start3A_24 : memref<128xi32, #tpu.memory_space<vmem>>) semaphore(%arg24 : memref<!tpu.dma_semaphore, #tpu.memory_space<semaphore_mem>>)
    %scan3A = arith.constant 0 : i32
    %scan3A_28 = arith.constant 0 : i32
    %scan3A_29 = arith.constant 33 : i32
    %scan3A_30 = arith.addi %scan3A_28, %scan3A_29 : i32
    %scan3A_31 = arith.constant 1 : i32
    scf.for %scan3A_97 = %scan3A_28 to %scan3A_30 step %scan3A_31  : i32 {
      %mul3A_98 = arith.constant 3 : i32
      %mul3A_99 = arith.muli %scan3A_97, %mul3A_98 : i32
      %add3A_100 = arith.constant 0 : i32
      %add3A_101 = arith.addi %mul3A_99, %add3A_100 : i32
      %mul3A_102 = arith.constant 25600 : i32
      %mul3A_103 = arith.muli %add3A, %mul3A_102 : i32
      %mul3A_104 = arith.constant 256 : i32
      %mul3A_105 = arith.muli %add3A_101, %mul3A_104 : i32
      %add3A_106 = arith.addi %mul3A_103, %mul3A_105 : i32
      %ge3A = arith.constant 2 : i32
      %ge3A_107 = arith.cmpi sge, %add3A_101, %ge3A : i32
      %convert_element_type3A = arith.extui %ge3A_107 : i1 to i32
      %cond3A = arith.constant 0 : i32
      %cond3A_108 = arith.cmpi ne, %convert_element_type3A, %cond3A : i32
      scf.if %cond3A_108 {
        %sub3A_314 = arith.constant 512 : i32
        %sub3A_315 = arith.subi %add3A_106, %sub3A_314 : i32
        %dma_wait3A_316 = arith.constant 0 : i32
        %dma_wait3A_317 = tpu.memref_slice %arg7[%sub3A_315, %dma_wait3A_316] : memref<819200x128xf32, #tpu.memory_space<hbm>> -> memref<256x64xf32, #tpu.memory_space<hbm>>
        %dma_wait3A_318 = arith.constant 0 : i32
        %dma_wait3A_319 = tpu.memref_slice %arg7[%sub3A_315, %dma_wait3A_318] : memref<819200x128xf32, #tpu.memory_space<hbm>> -> memref<256x64xf32, #tpu.memory_space<hbm>>
        tpu.wait_dma2 semaphore(%arg28 : memref<!tpu.dma_semaphore, #tpu.memory_space<semaphore_mem>>) src(%arg18 : memref<256x64xf32, #tpu.memory_space<vmem>>) dst(%dma_wait3A_319 : memref<256x64xf32, #tpu.memory_space<hbm>>)
        %dma_wait3A_320 = arith.constant 64 : i32
        %dma_wait3A_321 = tpu.memref_slice %arg7[%sub3A_315, %dma_wait3A_320] : memref<819200x128xf32, #tpu.memory_space<hbm>> -> memref<256x64xf32, #tpu.memory_space<hbm>>
        %dma_wait3A_322 = arith.constant 64 : i32
        %dma_wait3A_323 = tpu.memref_slice %arg7[%sub3A_315, %dma_wait3A_322] : memref<819200x128xf32, #tpu.memory_space<hbm>> -> memref<256x64xf32, #tpu.memory_space<hbm>>
        tpu.wait_dma2 semaphore(%arg28 : memref<!tpu.dma_semaphore, #tpu.memory_space<semaphore_mem>>) src(%arg21 : memref<256x64xf32, #tpu.memory_space<vmem>>) dst(%dma_wait3A_323 : memref<256x64xf32, #tpu.memory_space<hbm>>)
      } else {
      }
      %add3A_109 = arith.constant 1 : i32
      %add3A_110 = arith.addi %add3A_101, %add3A_109 : i32
      %add3A_111 = arith.addi %mul3A_2, %add3A_110 : i32
      "tpu.region"() ({
        %run_scoped3A = tpu.sem_alloc : memref<!tpu.dma_semaphore, #tpu.memory_space<semaphore_mem>>
        %dma_start3A_314 = arith.constant 0 : i32
        %dma_start3A_315 = arith.constant 0 : i32
        %dma_start3A_316 = tpu.memref_slice %arg2[%add3A_111, %dma_start3A_314, %dma_start3A_315] : memref<3200x2x128xi32, #tpu.memory_space<hbm>> -> memref<1x2x128xi32, #tpu.memory_space<hbm>>
        %dma_start3A_317 = tpu.memref_squeeze %dma_start3A_316 : memref<1x2x128xi32, #tpu.memory_space<hbm>> -> memref<2x128xi32, #tpu.memory_space<hbm>>
        %dma_start3A_318 = arith.constant 0 : i32
        %dma_start3A_319 = arith.constant 0 : i32
        %dma_start3A_320 = tpu.memref_slice %arg2[%add3A_111, %dma_start3A_318, %dma_start3A_319] : memref<3200x2x128xi32, #tpu.memory_space<hbm>> -> memref<1x2x128xi32, #tpu.memory_space<hbm>>
        %dma_start3A_321 = tpu.memref_squeeze %dma_start3A_320 : memref<1x2x128xi32, #tpu.memory_space<hbm>> -> memref<2x128xi32, #tpu.memory_space<hbm>>
        tpu.enqueue_dma source(%dma_start3A_321 : memref<2x128xi32, #tpu.memory_space<hbm>>) target(%arg9 : memref<2x128xi32, #tpu.memory_space<vmem>>) target_semaphore(%run_scoped3A : memref<!tpu.dma_semaphore, #tpu.memory_space<semaphore_mem>>)
        %dma_wait3A_322 = arith.constant 0 : i32
        %dma_wait3A_323 = arith.constant 0 : i32
        %dma_wait3A_324 = tpu.memref_slice %arg2[%add3A_111, %dma_wait3A_322, %dma_wait3A_323] : memref<3200x2x128xi32, #tpu.memory_space<hbm>> -> memref<1x2x128xi32, #tpu.memory_space<hbm>>
        %dma_wait3A_325 = tpu.memref_squeeze %dma_wait3A_324 : memref<1x2x128xi32, #tpu.memory_space<hbm>> -> memref<2x128xi32, #tpu.memory_space<hbm>>
        %dma_wait3A_326 = arith.constant 0 : i32
        %dma_wait3A_327 = arith.constant 0 : i32
        %dma_wait3A_328 = tpu.memref_slice %arg2[%add3A_111, %dma_wait3A_326, %dma_wait3A_327] : memref<3200x2x128xi32, #tpu.memory_space<hbm>> -> memref<1x2x128xi32, #tpu.memory_space<hbm>>
        %dma_wait3A_329 = tpu.memref_squeeze %dma_wait3A_328 : memref<1x2x128xi32, #tpu.memory_space<hbm>> -> memref<2x128xi32, #tpu.memory_space<hbm>>
        tpu.wait_dma2 semaphore(%run_scoped3A : memref<!tpu.dma_semaphore, #tpu.memory_space<semaphore_mem>>) src(%dma_wait3A_329 : memref<2x128xi32, #tpu.memory_space<hbm>>) dst(%arg9 : memref<2x128xi32, #tpu.memory_space<vmem>>)
        tpu.yield
      }) : () -> ()
      %add3A_112 = arith.addi %mul3A_2, %add3A_110 : i32
      "tpu.region"() ({
        %run_scoped3A = tpu.sem_alloc : memref<!tpu.dma_semaphore, #tpu.memory_space<semaphore_mem>>
        %dma_start3A_314 = arith.constant 0 : i32
        %dma_start3A_315 = tpu.memref_slice %arg3[%add3A_112, %dma_start3A_314] : memref<3200x256xi32, #tpu.memory_space<hbm>> -> memref<1x256xi32, #tpu.memory_space<hbm>>
        %dma_start3A_316 = tpu.memref_squeeze %dma_start3A_315 : memref<1x256xi32, #tpu.memory_space<hbm>> -> memref<256xi32, #tpu.memory_space<hbm>>
        %dma_start3A_317 = arith.constant 0 : i32
        %dma_start3A_318 = tpu.memref_slice %arg3[%add3A_112, %dma_start3A_317] : memref<3200x256xi32, #tpu.memory_space<hbm>> -> memref<1x256xi32, #tpu.memory_space<hbm>>
        %dma_start3A_319 = tpu.memref_squeeze %dma_start3A_318 : memref<1x256xi32, #tpu.memory_space<hbm>> -> memref<256xi32, #tpu.memory_space<hbm>>
        tpu.enqueue_dma source(%dma_start3A_319 : memref<256xi32, #tpu.memory_space<hbm>>) target(%arg12 : memref<256xi32, #tpu.memory_space<vmem>>) target_semaphore(%run_scoped3A : memref<!tpu.dma_semaphore, #tpu.memory_space<semaphore_mem>>)
        %dma_wait3A_320 = arith.constant 0 : i32
        %dma_wait3A_321 = tpu.memref_slice %arg3[%add3A_112, %dma_wait3A_320] : memref<3200x256xi32, #tpu.memory_space<hbm>> -> memref<1x256xi32, #tpu.memory_space<hbm>>
        %dma_wait3A_322 = tpu.memref_squeeze %dma_wait3A_321 : memref<1x256xi32, #tpu.memory_space<hbm>> -> memref<256xi32, #tpu.memory_space<hbm>>
        %dma_wait3A_323 = arith.constant 0 : i32
        %dma_wait3A_324 = tpu.memref_slice %arg3[%add3A_112, %dma_wait3A_323] : memref<3200x256xi32, #tpu.memory_space<hbm>> -> memref<1x256xi32, #tpu.memory_space<hbm>>
        %dma_wait3A_325 = tpu.memref_squeeze %dma_wait3A_324 : memref<1x256xi32, #tpu.memory_space<hbm>> -> memref<256xi32, #tpu.memory_space<hbm>>
        tpu.wait_dma2 semaphore(%run_scoped3A : memref<!tpu.dma_semaphore, #tpu.memory_space<semaphore_mem>>) src(%dma_wait3A_325 : memref<256xi32, #tpu.memory_space<hbm>>) dst(%arg12 : memref<256xi32, #tpu.memory_space<vmem>>)
        tpu.yield
      }) : () -> ()
      %add3A_113 = arith.addi %mul3A_2, %add3A_110 : i32
      "tpu.region"() ({
        %run_scoped3A = tpu.sem_alloc : memref<!tpu.dma_semaphore, #tpu.memory_space<semaphore_mem>>
        %dma_start3A_314 = arith.constant 0 : i32
        %dma_start3A_315 = tpu.memref_slice %arg4[%add3A_113, %dma_start3A_314] : memref<3200x256xi32, #tpu.memory_space<hbm>> -> memref<1x256xi32, #tpu.memory_space<hbm>>
        %dma_start3A_316 = tpu.memref_squeeze %dma_start3A_315 : memref<1x256xi32, #tpu.memory_space<hbm>> -> memref<256xi32, #tpu.memory_space<hbm>>
        %dma_start3A_317 = arith.constant 0 : i32
        %dma_start3A_318 = tpu.memref_slice %arg4[%add3A_113, %dma_start3A_317] : memref<3200x256xi32, #tpu.memory_space<hbm>> -> memref<1x256xi32, #tpu.memory_space<hbm>>
        %dma_start3A_319 = tpu.memref_squeeze %dma_start3A_318 : memref<1x256xi32, #tpu.memory_space<hbm>> -> memref<256xi32, #tpu.memory_space<hbm>>
        tpu.enqueue_dma source(%dma_start3A_319 : memref<256xi32, #tpu.memory_space<hbm>>) target(%arg15 : memref<256xi32, #tpu.memory_space<vmem>>) target_semaphore(%run_scoped3A : memref<!tpu.dma_semaphore, #tpu.memory_space<semaphore_mem>>)
        %dma_wait3A_320 = arith.constant 0 : i32
        %dma_wait3A_321 = tpu.memref_slice %arg4[%add3A_113, %dma_wait3A_320] : memref<3200x256xi32, #tpu.memory_space<hbm>> -> memref<1x256xi32, #tpu.memory_space<hbm>>
        %dma_wait3A_322 = tpu.memref_squeeze %dma_wait3A_321 : memref<1x256xi32, #tpu.memory_space<hbm>> -> memref<256xi32, #tpu.memory_space<hbm>>
        %dma_wait3A_323 = arith.constant 0 : i32
        %dma_wait3A_324 = tpu.memref_slice %arg4[%add3A_113, %dma_wait3A_323] : memref<3200x256xi32, #tpu.memory_space<hbm>> -> memref<1x256xi32, #tpu.memory_space<hbm>>
        %dma_wait3A_325 = tpu.memref_squeeze %dma_wait3A_324 : memref<1x256xi32, #tpu.memory_space<hbm>> -> memref<256xi32, #tpu.memory_space<hbm>>
        tpu.wait_dma2 semaphore(%run_scoped3A : memref<!tpu.dma_semaphore, #tpu.memory_space<semaphore_mem>>) src(%dma_wait3A_325 : memref<256xi32, #tpu.memory_space<hbm>>) dst(%arg15 : memref<256xi32, #tpu.memory_space<vmem>>)
        tpu.yield
      }) : () -> ()
      %dma_start3A_114 = arith.constant 0 : i32
      %dma_start3A_115 = arith.constant 0 : i32
      %dma_start3A_116 = arith.constant 0 : i32
      %dma_start3A_117 = tpu.memref_slice %arg18[%dma_start3A_115, %dma_start3A_116] : memref<256x64xf32, #tpu.memory_space<vmem>> -> memref<128x64xf32, #tpu.memory_space<vmem>>
      %dma_start3A_118 = arith.constant 0 : i32
      %dma_start3A_119 = tpu.memref_slice %arg9[%dma_start3A_114, %dma_start3A_118] : memref<2x128xi32, #tpu.memory_space<vmem>> -> memref<1x128xi32, #tpu.memory_space<vmem>>
      %dma_start3A_120 = tpu.memref_squeeze %dma_start3A_119 : memref<1x128xi32, #tpu.memory_space<vmem>> -> memref<128xi32, #tpu.memory_space<vmem>>
      %dma_start3A_121 = arith.constant 0 : i32
      %dma_start3A_122 = arith.constant 0 : i32
      %dma_start3A_123 = tpu.memref_slice %arg5[%dma_start3A_121, %dma_start3A_122] : memref<1000000x64xf32, #tpu.memory_space<hbm>> -> memref<1000000x64xf32, #tpu.memory_space<hbm>>
      tpu.enqueue_indirect_dma source(%dma_start3A_123 : memref<1000000x64xf32, #tpu.memory_space<hbm>>) target(%dma_start3A_117 : memref<128x64xf32, #tpu.memory_space<vmem>>) offsets(%dma_start3A_120 : memref<128xi32, #tpu.memory_space<vmem>>) semaphore(%arg25 : memref<!tpu.dma_semaphore, #tpu.memory_space<semaphore_mem>>)
      %dma_start3A_124 = arith.constant 1 : i32
      %dma_start3A_125 = arith.constant 128 : i32
      %dma_start3A_126 = arith.constant 0 : i32
      %dma_start3A_127 = tpu.memref_slice %arg18[%dma_start3A_125, %dma_start3A_126] : memref<256x64xf32, #tpu.memory_space<vmem>> -> memref<128x64xf32, #tpu.memory_space<vmem>>
      %dma_start3A_128 = arith.constant 0 : i32
      %dma_start3A_129 = tpu.memref_slice %arg9[%dma_start3A_124, %dma_start3A_128] : memref<2x128xi32, #tpu.memory_space<vmem>> -> memref<1x128xi32, #tpu.memory_space<vmem>>
      %dma_start3A_130 = tpu.memref_squeeze %dma_start3A_129 : memref<1x128xi32, #tpu.memory_space<vmem>> -> memref<128xi32, #tpu.memory_space<vmem>>
      %dma_start3A_131 = arith.constant 0 : i32
      %dma_start3A_132 = arith.constant 0 : i32
      %dma_start3A_133 = tpu.memref_slice %arg5[%dma_start3A_131, %dma_start3A_132] : memref<1000000x64xf32, #tpu.memory_space<hbm>> -> memref<1000000x64xf32, #tpu.memory_space<hbm>>
      tpu.enqueue_indirect_dma source(%dma_start3A_133 : memref<1000000x64xf32, #tpu.memory_space<hbm>>) target(%dma_start3A_127 : memref<128x64xf32, #tpu.memory_space<vmem>>) offsets(%dma_start3A_130 : memref<128xi32, #tpu.memory_space<vmem>>) semaphore(%arg25 : memref<!tpu.dma_semaphore, #tpu.memory_space<semaphore_mem>>)
      %scan3A_134 = arith.constant 0 : i32
      %scan3A_135 = arith.constant 0 : i32
      %scan3A_136 = arith.constant 16 : i32
      %scan3A_137 = arith.addi %scan3A_135, %scan3A_136 : i32
      %scan3A_138 = arith.constant 1 : i32
      scf.for %scan3A_314 = %scan3A_135 to %scan3A_137 step %scan3A_138  : i32 {
        %mul3A_315 = arith.constant 16 : i32
        %mul3A_316 = arith.muli %scan3A_314, %mul3A_315 : i32
        %get3A = arith.index_cast %mul3A_316 : i32 to index
        %get3A_317 = tpu.vector_load %arg11[%get3A] {strides = array<i32>} : memref<256xi32, #tpu.memory_space<vmem>>, vector<16xi32>,
        %get3A_318 = vector.shape_cast %get3A_317 : vector<16xi32> to vector<16xi32>
        %mul3A_319 = arith.constant 16 : i32
        %mul3A_320 = arith.muli %scan3A_314, %mul3A_319 : i32
        %get3A_321 = arith.index_cast %mul3A_320 : i32 to index
        %get3A_322 = tpu.vector_load %arg14[%get3A_321] {strides = array<i32>} : memref<256xi32, #tpu.memory_space<vmem>>, vector<16xi32>,
        %get3A_323 = vector.shape_cast %get3A_322 : vector<16xi32> to vector<16xi32>
        %mul3A_324 = arith.constant 16 : i32
        %mul3A_325 = arith.muli %scan3A_314, %mul3A_324 : i32
        %add3A_326 = arith.constant 0 : i32
        %add3A_327 = arith.addi %mul3A_325, %add3A_326 : i32
        %slice3A = vector.extract_strided_slice %get3A_318 {offsets = [0], sizes = [1], strides = [1]} : vector<16xi32> to vector<1xi32>
        %squeeze3A = vector.extract %slice3A[0] : i32 from vector<1xi32>
        %slice3A_328 = vector.extract_strided_slice %get3A_323 {offsets = [0], sizes = [1], strides = [1]} : vector<16xi32> to vector<1xi32>
        %squeeze3A_329 = vector.extract %slice3A_328[0] : i32 from vector<1xi32>
        %get3A_330 = arith.index_cast %squeeze3A : i32 to index
        %get3A_331 = arith.constant 0 : index
        %get3A_332 = tpu.vector_load %arg23[%get3A_330, %get3A_331] {strides = array<i32>} : memref<400x32xf32, #tpu.memory_space<vmem>>, vector<1x16xf32>,
        %get3A_333 = vector.shape_cast %get3A_332 : vector<1x16xf32> to vector<16xf32>
        %swap3A = arith.index_cast %add3A_327 : i32 to index
        %swap3A_334 = arith.constant 0 : index
        %swap3A_335 = tpu.vector_load %arg20[%swap3A, %swap3A_334] {strides = array<i32>} : memref<256x64xf32, #tpu.memory_space<vmem>>, vector<1x16xf32>,
        %swap3A_336 = vector.shape_cast %swap3A_335 : vector<1x16xf32> to vector<16xf32>
        %swap3A_337 = vector.shape_cast %get3A_333 : vector<16xf32> to vector<1x16xf32>
        tpu.vector_store %arg20[%swap3A, %swap3A_334], %swap3A_337 {strides = array<i32>} : memref<256x64xf32, #tpu.memory_space<vmem>>, vector<1x16xf32>,
        %get3A_338 = arith.index_cast %squeeze3A : i32 to index
        %get3A_339 = arith.constant 16 : index
        %get3A_340 = tpu.vector_load %arg23[%get3A_338, %get3A_339] {strides = array<i32>} : memref<400x32xf32, #tpu.memory_space<vmem>>, vector<1x16xf32>,
        %get3A_341 = vector.shape_cast %get3A_340 : vector<1x16xf32> to vector<16xf32>
        %swap3A_342 = arith.index_cast %add3A_327 : i32 to index
        %swap3A_343 = arith.constant 16 : index
        %swap3A_344 = tpu.vector_load %arg20[%swap3A_342, %swap3A_343] {strides = array<i32>} : memref<256x64xf32, #tpu.memory_space<vmem>>, vector<1x16xf32>,
        %swap3A_345 = vector.shape_cast %swap3A_344 : vector<1x16xf32> to vector<16xf32>
        %swap3A_346 = vector.shape_cast %get3A_341 : vector<16xf32> to vector<1x16xf32>
        tpu.vector_store %arg20[%swap3A_342, %swap3A_343], %swap3A_346 {strides = array<i32>} : memref<256x64xf32, #tpu.memory_space<vmem>>, vector<1x16xf32>,
        %get3A_347 = arith.index_cast %squeeze3A_329 : i32 to index
        %get3A_348 = arith.constant 0 : index
        %get3A_349 = tpu.vector_load %arg23[%get3A_347, %get3A_348] {strides = array<i32>} : memref<400x32xf32, #tpu.memory_space<vmem>>, vector<1x16xf32>,
        %get3A_350 = vector.shape_cast %get3A_349 : vector<1x16xf32> to vector<16xf32>
        %swap3A_351 = arith.index_cast %add3A_327 : i32 to index
        %swap3A_352 = arith.constant 32 : index
        %swap3A_353 = tpu.vector_load %arg20[%swap3A_351, %swap3A_352] {strides = array<i32>} : memref<256x64xf32, #tpu.memory_space<vmem>>, vector<1x16xf32>,
        %swap3A_354 = vector.shape_cast %swap3A_353 : vector<1x16xf32> to vector<16xf32>
        %swap3A_355 = vector.shape_cast %get3A_350 : vector<16xf32> to vector<1x16xf32>
        tpu.vector_store %arg20[%swap3A_351, %swap3A_352], %swap3A_355 {strides = array<i32>} : memref<256x64xf32, #tpu.memory_space<vmem>>, vector<1x16xf32>,
        %get3A_356 = arith.index_cast %squeeze3A_329 : i32 to index
        %get3A_357 = arith.constant 16 : index
        %get3A_358 = tpu.vector_load %arg23[%get3A_356, %get3A_357] {strides = array<i32>} : memref<400x32xf32, #tpu.memory_space<vmem>>, vector<1x16xf32>,
        %get3A_359 = vector.shape_cast %get3A_358 : vector<1x16xf32> to vector<16xf32>
        %swap3A_360 = arith.index_cast %add3A_327 : i32 to index
        %swap3A_361 = arith.constant 48 : index
        %swap3A_362 = tpu.vector_load %arg20[%swap3A_360, %swap3A_361] {strides = array<i32>} : memref<256x64xf32, #tpu.memory_space<vmem>>, vector<1x16xf32>,
        %swap3A_363 = vector.shape_cast %swap3A_362 : vector<1x16xf32> to vector<16xf32>
        %swap3A_364 = vector.shape_cast %get3A_359 : vector<16xf32> to vector<1x16xf32>
        tpu.vector_store %arg20[%swap3A_360, %swap3A_361], %swap3A_364 {strides = array<i32>} : memref<256x64xf32, #tpu.memory_space<vmem>>, vector<1x16xf32>,
        %mul3A_365 = arith.constant 16 : i32
        %mul3A_366 = arith.muli %scan3A_314, %mul3A_365 : i32
        %add3A_367 = arith.constant 1 : i32
        %add3A_368 = arith.addi %mul3A_366, %add3A_367 : i32
        %slice3A_369 = vector.extract_strided_slice %get3A_318 {offsets = [1], sizes = [1], strides = [1]} : vector<16xi32> to vector<1xi32>
        %squeeze3A_370 = vector.extract %slice3A_369[0] : i32 from vector<1xi32>
        %slice3A_371 = vector.extract_strided_slice %get3A_323 {offsets = [1], sizes = [1], strides = [1]} : vector<16xi32> to vector<1xi32>
        %squeeze3A_372 = vector.extract %slice3A_371[0] : i32 from vector<1xi32>
        %get3A_373 = arith.index_cast %squeeze3A_370 : i32 to index
        %get3A_374 = arith.constant 0 : index
        %get3A_375 = tpu.vector_load %arg23[%get3A_373, %get3A_374] {strides = array<i32>} : memref<400x32xf32, #tpu.memory_space<vmem>>, vector<1x16xf32>,
        %get3A_376 = vector.shape_cast %get3A_375 : vector<1x16xf32> to vector<16xf32>
        %swap3A_377 = arith.index_cast %add3A_368 : i32 to index
        %swap3A_378 = arith.constant 0 : index
        %swap3A_379 = tpu.vector_load %arg20[%swap3A_377, %swap3A_378] {strides = array<i32>} : memref<256x64xf32, #tpu.memory_space<vmem>>, vector<1x16xf32>,
        %swap3A_380 = vector.shape_cast %swap3A_379 : vector<1x16xf32> to vector<16xf32>
        %swap3A_381 = vector.shape_cast %get3A_376 : vector<16xf32> to vector<1x16xf32>
        tpu.vector_store %arg20[%swap3A_377, %swap3A_378], %swap3A_381 {strides = array<i32>} : memref<256x64xf32, #tpu.memory_space<vmem>>, vector<1x16xf32>,
        %get3A_382 = arith.index_cast %squeeze3A_370 : i32 to index
        %get3A_383 = arith.constant 16 : index
        %get3A_384 = tpu.vector_load %arg23[%get3A_382, %get3A_383] {strides = array<i32>} : memref<400x32xf32, #tpu.memory_space<vmem>>, vector<1x16xf32>,
        %get3A_385 = vector.shape_cast %get3A_384 : vector<1x16xf32> to vector<16xf32>
        %swap3A_386 = arith.index_cast %add3A_368 : i32 to index
        %swap3A_387 = arith.constant 16 : index
        %swap3A_388 = tpu.vector_load %arg20[%swap3A_386, %swap3A_387] {strides = array<i32>} : memref<256x64xf32, #tpu.memory_space<vmem>>, vector<1x16xf32>,
        %swap3A_389 = vector.shape_cast %swap3A_388 : vector<1x16xf32> to vector<16xf32>
        %swap3A_390 = vector.shape_cast %get3A_385 : vector<16xf32> to vector<1x16xf32>
        tpu.vector_store %arg20[%swap3A_386, %swap3A_387], %swap3A_390 {strides = array<i32>} : memref<256x64xf32, #tpu.memory_space<vmem>>, vector<1x16xf32>,
        %get3A_391 = arith.index_cast %squeeze3A_372 : i32 to index
        %get3A_392 = arith.constant 0 : index
        %get3A_393 = tpu.vector_load %arg23[%get3A_391, %get3A_392] {strides = array<i32>} : memref<400x32xf32, #tpu.memory_space<vmem>>, vector<1x16xf32>,
        %get3A_394 = vector.shape_cast %get3A_393 : vector<1x16xf32> to vector<16xf32>
        %swap3A_395 = arith.index_cast %add3A_368 : i32 to index
        %swap3A_396 = arith.constant 32 : index
        %swap3A_397 = tpu.vector_load %arg20[%swap3A_395, %swap3A_396] {strides = array<i32>} : memref<256x64xf32, #tpu.memory_space<vmem>>, vector<1x16xf32>,
        %swap3A_398 = vector.shape_cast %swap3A_397 : vector<1x16xf32> to vector<16xf32>
        %swap3A_399 = vector.shape_cast %get3A_394 : vector<16xf32> to vector<1x16xf32>
        tpu.vector_store %arg20[%swap3A_395, %swap3A_396], %swap3A_399 {strides = array<i32>} : memref<256x64xf32, #tpu.memory_space<vmem>>, vector<1x16xf32>,
        %get3A_400 = arith.index_cast %squeeze3A_372 : i32 to index
        %get3A_401 = arith.constant 16 : index
        %get3A_402 = tpu.vector_load %arg23[%get3A_400, %get3A_401] {strides = array<i32>} : memref<400x32xf32, #tpu.memory_space<vmem>>, vector<1x16xf32>,
        %get3A_403 = vector.shape_cast %get3A_402 : vector<1x16xf32> to vector<16xf32>
        %swap3A_404 = arith.index_cast %add3A_368 : i32 to index
        %swap3A_405 = arith.constant 48 : index
        %swap3A_406 = tpu.vector_load %arg20[%swap3A_404, %swap3A_405] {strides = array<i32>} : memref<256x64xf32, #tpu.memory_space<vmem>>, vector<1x16xf32>,
        %swap3A_407 = vector.shape_cast %swap3A_406 : vector<1x16xf32> to vector<16xf32>
        %swap3A_408 = vector.shape_cast %get3A_403 : vector<16xf32> to vector<1x16xf32>
        tpu.vector_store %arg20[%swap3A_404, %swap3A_405], %swap3A_408 {strides = array<i32>} : memref<256x64xf32, #tpu.memory_space<vmem>>, vector<1x16xf32>,
        %mul3A_409 = arith.constant 16 : i32
        %mul3A_410 = arith.muli %scan3A_314, %mul3A_409 : i32
        %add3A_411 = arith.constant 2 : i32
        %add3A_412 = arith.addi %mul3A_410, %add3A_411 : i32
        %slice3A_413 = vector.extract_strided_slice %get3A_318 {offsets = [2], sizes = [1], strides = [1]} : vector<16xi32> to vector<1xi32>
        %squeeze3A_414 = vector.extract %slice3A_413[0] : i32 from vector<1xi32>
        %slice3A_415 = vector.extract_strided_slice %get3A_323 {offsets = [2], sizes = [1], strides = [1]} : vector<16xi32> to vector<1xi32>
        %squeeze3A_416 = vector.extract %slice3A_415[0] : i32 from vector<1xi32>
        %get3A_417 = arith.index_cast %squeeze3A_414 : i32 to index
        %get3A_418 = arith.constant 0 : index
        %get3A_419 = tpu.vector_load %arg23[%get3A_417, %get3A_418] {strides = array<i32>} : memref<400x32xf32, #tpu.memory_space<vmem>>, vector<1x16xf32>,
        %get3A_420 = vector.shape_cast %get3A_419 : vector<1x16xf32> to vector<16xf32>
        %swap3A_421 = arith.index_cast %add3A_412 : i32 to index
        %swap3A_422 = arith.constant 0 : index
        %swap3A_423 = tpu.vector_load %arg20[%swap3A_421, %swap3A_422] {strides = array<i32>} : memref<256x64xf32, #tpu.memory_space<vmem>>, vector<1x16xf32>,
        %swap3A_424 = vector.shape_cast %swap3A_423 : vector<1x16xf32> to vector<16xf32>
        %swap3A_425 = vector.shape_cast %get3A_420 : vector<16xf32> to vector<1x16xf32>
        tpu.vector_store %arg20[%swap3A_421, %swap3A_422], %swap3A_425 {strides = array<i32>} : memref<256x64xf32, #tpu.memory_space<vmem>>, vector<1x16xf32>,
        %get3A_426 = arith.index_cast %squeeze3A_414 : i32 to index
        %get3A_427 = arith.constant 16 : index
        %get3A_428 = tpu.vector_load %arg23[%get3A_426, %get3A_427] {strides = array<i32>} : memref<400x32xf32, #tpu.memory_space<vmem>>, vector<1x16xf32>,
        %get3A_429 = vector.shape_cast %get3A_428 : vector<1x16xf32> to vector<16xf32>
        %swap3A_430 = arith.index_cast %add3A_412 : i32 to index
        %swap3A_431 = arith.constant 16 : index
        %swap3A_432 = tpu.vector_load %arg20[%swap3A_430, %swap3A_431] {strides = array<i32>} : memref<256x64xf32, #tpu.memory_space<vmem>>, vector<1x16xf32>,
        %swap3A_433 = vector.shape_cast %swap3A_432 : vector<1x16xf32> to vector<16xf32>
        %swap3A_434 = vector.shape_cast %get3A_429 : vector<16xf32> to vector<1x16xf32>
        tpu.vector_store %arg20[%swap3A_430, %swap3A_431], %swap3A_434 {strides = array<i32>} : memref<256x64xf32, #tpu.memory_space<vmem>>, vector<1x16xf32>,
        %get3A_435 = arith.index_cast %squeeze3A_416 : i32 to index
        %get3A_436 = arith.constant 0 : index
        %get3A_437 = tpu.vector_load %arg23[%get3A_435, %get3A_436] {strides = array<i32>} : memref<400x32xf32, #tpu.memory_space<vmem>>, vector<1x16xf32>,
        %get3A_438 = vector.shape_cast %get3A_437 : vector<1x16xf32> to vector<16xf32>
        %swap3A_439 = arith.index_cast %add3A_412 : i32 to index
        %swap3A_440 = arith.constant 32 : index
        %swap3A_441 = tpu.vector_load %arg20[%swap3A_439, %swap3A_440] {strides = array<i32>} : memref<256x64xf32, #tpu.memory_space<vmem>>, vector<1x16xf32>,
        %swap3A_442 = vector.shape_cast %swap3A_441 : vector<1x16xf32> to vector<16xf32>
        %swap3A_443 = vector.shape_cast %get3A_438 : vector<16xf32> to vector<1x16xf32>
        tpu.vector_store %arg20[%swap3A_439, %swap3A_440], %swap3A_443 {strides = array<i32>} : memref<256x64xf32, #tpu.memory_space<vmem>>, vector<1x16xf32>,
        %get3A_444 = arith.index_cast %squeeze3A_416 : i32 to index
        %get3A_445 = arith.constant 16 : index
        %get3A_446 = tpu.vector_load %arg23[%get3A_444, %get3A_445] {strides = array<i32>} : memref<400x32xf32, #tpu.memory_space<vmem>>, vector<1x16xf32>,
        %get3A_447 = vector.shape_cast %get3A_446 : vector<1x16xf32> to vector<16xf32>
        %swap3A_448 = arith.index_cast %add3A_412 : i32 to index
        %swap3A_449 = arith.constant 48 : index
        %swap3A_450 = tpu.vector_load %arg20[%swap3A_448, %swap3A_449] {strides = array<i32>} : memref<256x64xf32, #tpu.memory_space<vmem>>, vector<1x16xf32>,
        %swap3A_451 = vector.shape_cast %swap3A_450 : vector<1x16xf32> to vector<16xf32>
        %swap3A_452 = vector.shape_cast %get3A_447 : vector<16xf32> to vector<1x16xf32>
        tpu.vector_store %arg20[%swap3A_448, %swap3A_449], %swap3A_452 {strides = array<i32>} : memref<256x64xf32, #tpu.memory_space<vmem>>, vector<1x16xf32>,
        %mul3A_453 = arith.constant 16 : i32
        %mul3A_454 = arith.muli %scan3A_314, %mul3A_453 : i32
        %add3A_455 = arith.constant 3 : i32
        %add3A_456 = arith.addi %mul3A_454, %add3A_455 : i32
        %slice3A_457 = vector.extract_strided_slice %get3A_318 {offsets = [3], sizes = [1], strides = [1]} : vector<16xi32> to vector<1xi32>
        %squeeze3A_458 = vector.extract %slice3A_457[0] : i32 from vector<1xi32>
        %slice3A_459 = vector.extract_strided_slice %get3A_323 {offsets = [3], sizes = [1], strides = [1]} : vector<16xi32> to vector<1xi32>
        %squeeze3A_460 = vector.extract %slice3A_459[0] : i32 from vector<1xi32>
        %get3A_461 = arith.index_cast %squeeze3A_458 : i32 to index
        %get3A_462 = arith.constant 0 : index
        %get3A_463 = tpu.vector_load %arg23[%get3A_461, %get3A_462] {strides = array<i32>} : memref<400x32xf32, #tpu.memory_space<vmem>>, vector<1x16xf32>,
        %get3A_464 = vector.shape_cast %get3A_463 : vector<1x16xf32> to vector<16xf32>
        %swap3A_465 = arith.index_cast %add3A_456 : i32 to index
        %swap3A_466 = arith.constant 0 : index
        %swap3A_467 = tpu.vector_load %arg20[%swap3A_465, %swap3A_466] {strides = array<i32>} : memref<256x64xf32, #tpu.memory_space<vmem>>, vector<1x16xf32>,
        %swap3A_468 = vector.shape_cast %swap3A_467 : vector<1x16xf32> to vector<16xf32>
        %swap3A_469 = vector.shape_cast %get3A_464 : vector<16xf32> to vector<1x16xf32>
        tpu.vector_store %arg20[%swap3A_465, %swap3A_466], %swap3A_469 {strides = array<i32>} : memref<256x64xf32, #tpu.memory_space<vmem>>, vector<1x16xf32>,
        %get3A_470 = arith.index_cast %squeeze3A_458 : i32 to index
        %get3A_471 = arith.constant 16 : index
        %get3A_472 = tpu.vector_load %arg23[%get3A_470, %get3A_471] {strides = array<i32>} : memref<400x32xf32, #tpu.memory_space<vmem>>, vector<1x16xf32>,
        %get3A_473 = vector.shape_cast %get3A_472 : vector<1x16xf32> to vector<16xf32>
        %swap3A_474 = arith.index_cast %add3A_456 : i32 to index
        %swap3A_475 = arith.constant 16 : index
        %swap3A_476 = tpu.vector_load %arg20[%swap3A_474, %swap3A_475] {strides = array<i32>} : memref<256x64xf32, #tpu.memory_space<vmem>>, vector<1x16xf32>,
        %swap3A_477 = vector.shape_cast %swap3A_476 : vector<1x16xf32> to vector<16xf32>
        %swap3A_478 = vector.shape_cast %get3A_473 : vector<16xf32> to vector<1x16xf32>
        tpu.vector_store %arg20[%swap3A_474, %swap3A_475], %swap3A_478 {strides = array<i32>} : memref<256x64xf32, #tpu.memory_space<vmem>>, vector<1x16xf32>,
        %get3A_479 = arith.index_cast %squeeze3A_460 : i32 to index
        %get3A_480 = arith.constant 0 : index
        %get3A_481 = tpu.vector_load %arg23[%get3A_479, %get3A_480] {strides = array<i32>} : memref<400x32xf32, #tpu.memory_space<vmem>>, vector<1x16xf32>,
        %get3A_482 = vector.shape_cast %get3A_481 : vector<1x16xf32> to vector<16xf32>
        %swap3A_483 = arith.index_cast %add3A_456 : i32 to index
        %swap3A_484 = arith.constant 32 : index
        %swap3A_485 = tpu.vector_load %arg20[%swap3A_483, %swap3A_484] {strides = array<i32>} : memref<256x64xf32, #tpu.memory_space<vmem>>, vector<1x16xf32>,
        %swap3A_486 = vector.shape_cast %swap3A_485 : vector<1x16xf32> to vector<16xf32>
        %swap3A_487 = vector.shape_cast %get3A_482 : vector<16xf32> to vector<1x16xf32>
        tpu.vector_store %arg20[%swap3A_483, %swap3A_484], %swap3A_487 {strides = array<i32>} : memref<256x64xf32, #tpu.memory_space<vmem>>, vector<1x16xf32>,
        %get3A_488 = arith.index_cast %squeeze3A_460 : i32 to index
        %get3A_489 = arith.constant 16 : index
        %get3A_490 = tpu.vector_load %arg23[%get3A_488, %get3A_489] {strides = array<i32>} : memref<400x32xf32, #tpu.memory_space<vmem>>, vector<1x16xf32>,
        %get3A_491 = vector.shape_cast %get3A_490 : vector<1x16xf32> to vector<16xf32>
        %swap3A_492 = arith.index_cast %add3A_456 : i32 to index
        %swap3A_493 = arith.constant 48 : index
        %swap3A_494 = tpu.vector_load %arg20[%swap3A_492, %swap3A_493] {strides = array<i32>} : memref<256x64xf32, #tpu.memory_space<vmem>>, vector<1x16xf32>,
        %swap3A_495 = vector.shape_cast %swap3A_494 : vector<1x16xf32> to vector<16xf32>
        %swap3A_496 = vector.shape_cast %get3A_491 : vector<16xf32> to vector<1x16xf32>
        tpu.vector_store %arg20[%swap3A_492, %swap3A_493], %swap3A_496 {strides = array<i32>} : memref<256x64xf32, #tpu.memory_space<vmem>>, vector<1x16xf32>,
        %mul3A_497 = arith.constant 16 : i32
        %mul3A_498 = arith.muli %scan3A_314, %mul3A_497 : i32
        %add3A_499 = arith.constant 4 : i32
        %add3A_500 = arith.addi %mul3A_498, %add3A_499 : i32
        %slice3A_501 = vector.extract_strided_slice %get3A_318 {offsets = [4], sizes = [1], strides = [1]} : vector<16xi32> to vector<1xi32>
        %squeeze3A_502 = vector.extract %slice3A_501[0] : i32 from vector<1xi32>
        %slice3A_503 = vector.extract_strided_slice %get3A_323 {offsets = [4], sizes = [1], strides = [1]} : vector<16xi32> to vector<1xi32>
        %squeeze3A_504 = vector.extract %slice3A_503[0] : i32 from vector<1xi32>
        %get3A_505 = arith.index_cast %squeeze3A_502 : i32 to index
        %get3A_506 = arith.constant 0 : index
        %get3A_507 = tpu.vector_load %arg23[%get3A_505, %get3A_506] {strides = array<i32>} : memref<400x32xf32, #tpu.memory_space<vmem>>, vector<1x16xf32>,
        %get3A_508 = vector.shape_cast %get3A_507 : vector<1x16xf32> to vector<16xf32>
        %swap3A_509 = arith.index_cast %add3A_500 : i32 to index
        %swap3A_510 = arith.constant 0 : index
        %swap3A_511 = tpu.vector_load %arg20[%swap3A_509, %swap3A_510] {strides = array<i32>} : memref<256x64xf32, #tpu.memory_space<vmem>>, vector<1x16xf32>,
        %swap3A_512 = vector.shape_cast %swap3A_511 : vector<1x16xf32> to vector<16xf32>
        %swap3A_513 = vector.shape_cast %get3A_508 : vector<16xf32> to vector<1x16xf32>
        tpu.vector_store %arg20[%swap3A_509, %swap3A_510], %swap3A_513 {strides = array<i32>} : memref<256x64xf32, #tpu.memory_space<vmem>>, vector<1x16xf32>,
        %get3A_514 = arith.index_cast %squeeze3A_502 : i32 to index
        %get3A_515 = arith.constant 16 : index
        %get3A_516 = tpu.vector_load %arg23[%get3A_514, %get3A_515] {strides = array<i32>} : memref<400x32xf32, #tpu.memory_space<vmem>>, vector<1x16xf32>,
        %get3A_517 = vector.shape_cast %get3A_516 : vector<1x16xf32> to vector<16xf32>
        %swap3A_518 = arith.index_cast %add3A_500 : i32 to index
        %swap3A_519 = arith.constant 16 : index
        %swap3A_520 = tpu.vector_load %arg20[%swap3A_518, %swap3A_519] {strides = array<i32>} : memref<256x64xf32, #tpu.memory_space<vmem>>, vector<1x16xf32>,
        %swap3A_521 = vector.shape_cast %swap3A_520 : vector<1x16xf32> to vector<16xf32>
        %swap3A_522 = vector.shape_cast %get3A_517 : vector<16xf32> to vector<1x16xf32>
        tpu.vector_store %arg20[%swap3A_518, %swap3A_519], %swap3A_522 {strides = array<i32>} : memref<256x64xf32, #tpu.memory_space<vmem>>, vector<1x16xf32>,
        %get3A_523 = arith.index_cast %squeeze3A_504 : i32 to index
        %get3A_524 = arith.constant 0 : index
        %get3A_525 = tpu.vector_load %arg23[%get3A_523, %get3A_524] {strides = array<i32>} : memref<400x32xf32, #tpu.memory_space<vmem>>, vector<1x16xf32>,
        %get3A_526 = vector.shape_cast %get3A_525 : vector<1x16xf32> to vector<16xf32>
        %swap3A_527 = arith.index_cast %add3A_500 : i32 to index
        %swap3A_528 = arith.constant 32 : index
        %swap3A_529 = tpu.vector_load %arg20[%swap3A_527, %swap3A_528] {strides = array<i32>} : memref<256x64xf32, #tpu.memory_space<vmem>>, vector<1x16xf32>,
        %swap3A_530 = vector.shape_cast %swap3A_529 : vector<1x16xf32> to vector<16xf32>
        %swap3A_531 = vector.shape_cast %get3A_526 : vector<16xf32> to vector<1x16xf32>
        tpu.vector_store %arg20[%swap3A_527, %swap3A_528], %swap3A_531 {strides = array<i32>} : memref<256x64xf32, #tpu.memory_space<vmem>>, vector<1x16xf32>,
        %get3A_532 = arith.index_cast %squeeze3A_504 : i32 to index
        %get3A_533 = arith.constant 16 : index
        %get3A_534 = tpu.vector_load %arg23[%get3A_532, %get3A_533] {strides = array<i32>} : memref<400x32xf32, #tpu.memory_space<vmem>>, vector<1x16xf32>,
        %get3A_535 = vector.shape_cast %get3A_534 : vector<1x16xf32> to vector<16xf32>
        %swap3A_536 = arith.index_cast %add3A_500 : i32 to index
        %swap3A_537 = arith.constant 48 : index
        %swap3A_538 = tpu.vector_load %arg20[%swap3A_536, %swap3A_537] {strides = array<i32>} : memref<256x64xf32, #tpu.memory_space<vmem>>, vector<1x16xf32>,
        %swap3A_539 = vector.shape_cast %swap3A_538 : vector<1x16xf32> to vector<16xf32>
        %swap3A_540 = vector.shape_cast %get3A_535 : vector<16xf32> to vector<1x16xf32>
        tpu.vector_store %arg20[%swap3A_536, %swap3A_537], %swap3A_540 {strides = array<i32>} : memref<256x64xf32, #tpu.memory_space<vmem>>, vector<1x16xf32>,
        %mul3A_541 = arith.constant 16 : i32
        %mul3A_542 = arith.muli %scan3A_314, %mul3A_541 : i32
        %add3A_543 = arith.constant 5 : i32
        %add3A_544 = arith.addi %mul3A_542, %add3A_543 : i32
        %slice3A_545 = vector.extract_strided_slice %get3A_318 {offsets = [5], sizes = [1], strides = [1]} : vector<16xi32> to vector<1xi32>
        %squeeze3A_546 = vector.extract %slice3A_545[0] : i32 from vector<1xi32>
        %slice3A_547 = vector.extract_strided_slice %get3A_323 {offsets = [5], sizes = [1], strides = [1]} : vector<16xi32> to vector<1xi32>
        %squeeze3A_548 = vector.extract %slice3A_547[0] : i32 from vector<1xi32>
        %get3A_549 = arith.index_cast %squeeze3A_546 : i32 to index
        %get3A_550 = arith.constant 0 : index
        %get3A_551 = tpu.vector_load %arg23[%get3A_549, %get3A_550] {strides = array<i32>} : memref<400x32xf32, #tpu.memory_space<vmem>>, vector<1x16xf32>,
        %get3A_552 = vector.shape_cast %get3A_551 : vector<1x16xf32> to vector<16xf32>
        %swap3A_553 = arith.index_cast %add3A_544 : i32 to index
        %swap3A_554 = arith.constant 0 : index
        %swap3A_555 = tpu.vector_load %arg20[%swap3A_553, %swap3A_554] {strides = array<i32>} : memref<256x64xf32, #tpu.memory_space<vmem>>, vector<1x16xf32>,
        %swap3A_556 = vector.shape_cast %swap3A_555 : vector<1x16xf32> to vector<16xf32>
        %swap3A_557 = vector.shape_cast %get3A_552 : vector<16xf32> to vector<1x16xf32>
        tpu.vector_store %arg20[%swap3A_553, %swap3A_554], %swap3A_557 {strides = array<i32>} : memref<256x64xf32, #tpu.memory_space<vmem>>, vector<1x16xf32>,
        %get3A_558 = arith.index_cast %squeeze3A_546 : i32 to index
        %get3A_559 = arith.constant 16 : index
        %get3A_560 = tpu.vector_load %arg23[%get3A_558, %get3A_559] {strides = array<i32>} : memref<400x32xf32, #tpu.memory_space<vmem>>, vector<1x16xf32>,
        %get3A_561 = vector.shape_cast %get3A_560 : vector<1x16xf32> to vector<16xf32>
        %swap3A_562 = arith.index_cast %add3A_544 : i32 to index
        %swap3A_563 = arith.constant 16 : index
        %swap3A_564 = tpu.vector_load %arg20[%swap3A_562, %swap3A_563] {strides = array<i32>} : memref<256x64xf32, #tpu.memory_space<vmem>>, vector<1x16xf32>,
        %swap3A_565 = vector.shape_cast %swap3A_564 : vector<1x16xf32> to vector<16xf32>
        %swap3A_566 = vector.shape_cast %get3A_561 : vector<16xf32> to vector<1x16xf32>
        tpu.vector_store %arg20[%swap3A_562, %swap3A_563], %swap3A_566 {strides = array<i32>} : memref<256x64xf32, #tpu.memory_space<vmem>>, vector<1x16xf32>,
        %get3A_567 = arith.index_cast %squeeze3A_548 : i32 to index
        %get3A_568 = arith.constant 0 : index
        %get3A_569 = tpu.vector_load %arg23[%get3A_567, %get3A_568] {strides = array<i32>} : memref<400x32xf32, #tpu.memory_space<vmem>>, vector<1x16xf32>,
        %get3A_570 = vector.shape_cast %get3A_569 : vector<1x16xf32> to vector<16xf32>
        %swap3A_571 = arith.index_cast %add3A_544 : i32 to index
        %swap3A_572 = arith.constant 32 : index
        %swap3A_573 = tpu.vector_load %arg20[%swap3A_571, %swap3A_572] {strides = array<i32>} : memref<256x64xf32, #tpu.memory_space<vmem>>, vector<1x16xf32>,
        %swap3A_574 = vector.shape_cast %swap3A_573 : vector<1x16xf32> to vector<16xf32>
        %swap3A_575 = vector.shape_cast %get3A_570 : vector<16xf32> to vector<1x16xf32>
        tpu.vector_store %arg20[%swap3A_571, %swap3A_572], %swap3A_575 {strides = array<i32>} : memref<256x64xf32, #tpu.memory_space<vmem>>, vector<1x16xf32>,
        %get3A_576 = arith.index_cast %squeeze3A_548 : i32 to index
        %get3A_577 = arith.constant 16 : index
        %get3A_578 = tpu.vector_load %arg23[%get3A_576, %get3A_577] {strides = array<i32>} : memref<400x32xf32, #tpu.memory_space<vmem>>, vector<1x16xf32>,
        %get3A_579 = vector.shape_cast %get3A_578 : vector<1x16xf32> to vector<16xf32>
        %swap3A_580 = arith.index_cast %add3A_544 : i32 to index
        %swap3A_581 = arith.constant 48 : index
        %swap3A_582 = tpu.vector_load %arg20[%swap3A_580, %swap3A_581] {strides = array<i32>} : memref<256x64xf32, #tpu.memory_space<vmem>>, vector<1x16xf32>,
        %swap3A_583 = vector.shape_cast %swap3A_582 : vector<1x16xf32> to vector<16xf32>
        %swap3A_584 = vector.shape_cast %get3A_579 : vector<16xf32> to vector<1x16xf32>
        tpu.vector_store %arg20[%swap3A_580, %swap3A_581], %swap3A_584 {strides = array<i32>} : memref<256x64xf32, #tpu.memory_space<vmem>>, vector<1x16xf32>,
        %mul3A_585 = arith.constant 16 : i32
        %mul3A_586 = arith.muli %scan3A_314, %mul3A_585 : i32
        %add3A_587 = arith.constant 6 : i32
        %add3A_588 = arith.addi %mul3A_586, %add3A_587 : i32
        %slice3A_589 = vector.extract_strided_slice %get3A_318 {offsets = [6], sizes = [1], strides = [1]} : vector<16xi32> to vector<1xi32>
        %squeeze3A_590 = vector.extract %slice3A_589[0] : i32 from vector<1xi32>
        %slice3A_591 = vector.extract_strided_slice %get3A_323 {offsets = [6], sizes = [1], strides = [1]} : vector<16xi32> to vector<1xi32>
        %squeeze3A_592 = vector.extract %slice3A_591[0] : i32 from vector<1xi32>
        %get3A_593 = arith.index_cast %squeeze3A_590 : i32 to index
        %get3A_594 = arith.constant 0 : index
        %get3A_595 = tpu.vector_load %arg23[%get3A_593, %get3A_594] {strides = array<i32>} : memref<400x32xf32, #tpu.memory_space<vmem>>, vector<1x16xf32>,
        %get3A_596 = vector.shape_cast %get3A_595 : vector<1x16xf32> to vector<16xf32>
        %swap3A_597 = arith.index_cast %add3A_588 : i32 to index
        %swap3A_598 = arith.constant 0 : index
        %swap3A_599 = tpu.vector_load %arg20[%swap3A_597, %swap3A_598] {strides = array<i32>} : memref<256x64xf32, #tpu.memory_space<vmem>>, vector<1x16xf32>,
        %swap3A_600 = vector.shape_cast %swap3A_599 : vector<1x16xf32> to vector<16xf32>
        %swap3A_601 = vector.shape_cast %get3A_596 : vector<16xf32> to vector<1x16xf32>
        tpu.vector_store %arg20[%swap3A_597, %swap3A_598], %swap3A_601 {strides = array<i32>} : memref<256x64xf32, #tpu.memory_space<vmem>>, vector<1x16xf32>,
        %get3A_602 = arith.index_cast %squeeze3A_590 : i32 to index
        %get3A_603 = arith.constant 16 : index
        %get3A_604 = tpu.vector_load %arg23[%get3A_602, %get3A_603] {strides = array<i32>} : memref<400x32xf32, #tpu.memory_space<vmem>>, vector<1x16xf32>,
        %get3A_605 = vector.shape_cast %get3A_604 : vector<1x16xf32> to vector<16xf32>
        %swap3A_606 = arith.index_cast %add3A_588 : i32 to index
        %swap3A_607 = arith.constant 16 : index
        %swap3A_608 = tpu.vector_load %arg20[%swap3A_606, %swap3A_607] {strides = array<i32>} : memref<256x64xf32, #tpu.memory_space<vmem>>, vector<1x16xf32>,
        %swap3A_609 = vector.shape_cast %swap3A_608 : vector<1x16xf32> to vector<16xf32>
        %swap3A_610 = vector.shape_cast %get3A_605 : vector<16xf32> to vector<1x16xf32>
        tpu.vector_store %arg20[%swap3A_606, %swap3A_607], %swap3A_610 {strides = array<i32>} : memref<256x64xf32, #tpu.memory_space<vmem>>, vector<1x16xf32>,
        %get3A_611 = arith.index_cast %squeeze3A_592 : i32 to index
        %get3A_612 = arith.constant 0 : index
        %get3A_613 = tpu.vector_load %arg23[%get3A_611, %get3A_612] {strides = array<i32>} : memref<400x32xf32, #tpu.memory_space<vmem>>, vector<1x16xf32>,
        %get3A_614 = vector.shape_cast %get3A_613 : vector<1x16xf32> to vector<16xf32>
        %swap3A_615 = arith.index_cast %add3A_588 : i32 to index
        %swap3A_616 = arith.constant 32 : index
        %swap3A_617 = tpu.vector_load %arg20[%swap3A_615, %swap3A_616] {strides = array<i32>} : memref<256x64xf32, #tpu.memory_space<vmem>>, vector<1x16xf32>,
        %swap3A_618 = vector.shape_cast %swap3A_617 : vector<1x16xf32> to vector<16xf32>
        %swap3A_619 = vector.shape_cast %get3A_614 : vector<16xf32> to vector<1x16xf32>
        tpu.vector_store %arg20[%swap3A_615, %swap3A_616], %swap3A_619 {strides = array<i32>} : memref<256x64xf32, #tpu.memory_space<vmem>>, vector<1x16xf32>,
        %get3A_620 = arith.index_cast %squeeze3A_592 : i32 to index
        %get3A_621 = arith.constant 16 : index
        %get3A_622 = tpu.vector_load %arg23[%get3A_620, %get3A_621] {strides = array<i32>} : memref<400x32xf32, #tpu.memory_space<vmem>>, vector<1x16xf32>,
        %get3A_623 = vector.shape_cast %get3A_622 : vector<1x16xf32> to vector<16xf32>
        %swap3A_624 = arith.index_cast %add3A_588 : i32 to index
        %swap3A_625 = arith.constant 48 : index
        %swap3A_626 = tpu.vector_load %arg20[%swap3A_624, %swap3A_625] {strides = array<i32>} : memref<256x64xf32, #tpu.memory_space<vmem>>, vector<1x16xf32>,
        %swap3A_627 = vector.shape_cast %swap3A_626 : vector<1x16xf32> to vector<16xf32>
        %swap3A_628 = vector.shape_cast %get3A_623 : vector<16xf32> to vector<1x16xf32>
        tpu.vector_store %arg20[%swap3A_624, %swap3A_625], %swap3A_628 {strides = array<i32>} : memref<256x64xf32, #tpu.memory_space<vmem>>, vector<1x16xf32>,
        %mul3A_629 = arith.constant 16 : i32
        %mul3A_630 = arith.muli %scan3A_314, %mul3A_629 : i32
        %add3A_631 = arith.constant 7 : i32
        %add3A_632 = arith.addi %mul3A_630, %add3A_631 : i32
        %slice3A_633 = vector.extract_strided_slice %get3A_318 {offsets = [7], sizes = [1], strides = [1]} : vector<16xi32> to vector<1xi32>
        %squeeze3A_634 = vector.extract %slice3A_633[0] : i32 from vector<1xi32>
        %slice3A_635 = vector.extract_strided_slice %get3A_323 {offsets = [7], sizes = [1], strides = [1]} : vector<16xi32> to vector<1xi32>
        %squeeze3A_636 = vector.extract %slice3A_635[0] : i32 from vector<1xi32>
        %get3A_637 = arith.index_cast %squeeze3A_634 : i32 to index
        %get3A_638 = arith.constant 0 : index
        %get3A_639 = tpu.vector_load %arg23[%get3A_637, %get3A_638] {strides = array<i32>} : memref<400x32xf32, #tpu.memory_space<vmem>>, vector<1x16xf32>,
        %get3A_640 = vector.shape_cast %get3A_639 : vector<1x16xf32> to vector<16xf32>
        %swap3A_641 = arith.index_cast %add3A_632 : i32 to index
        %swap3A_642 = arith.constant 0 : index
        %swap3A_643 = tpu.vector_load %arg20[%swap3A_641, %swap3A_642] {strides = array<i32>} : memref<256x64xf32, #tpu.memory_space<vmem>>, vector<1x16xf32>,
        %swap3A_644 = vector.shape_cast %swap3A_643 : vector<1x16xf32> to vector<16xf32>
        %swap3A_645 = vector.shape_cast %get3A_640 : vector<16xf32> to vector<1x16xf32>
        tpu.vector_store %arg20[%swap3A_641, %swap3A_642], %swap3A_645 {strides = array<i32>} : memref<256x64xf32, #tpu.memory_space<vmem>>, vector<1x16xf32>,
        %get3A_646 = arith.index_cast %squeeze3A_634 : i32 to index
        %get3A_647 = arith.constant 16 : index
        %get3A_648 = tpu.vector_load %arg23[%get3A_646, %get3A_647] {strides = array<i32>} : memref<400x32xf32, #tpu.memory_space<vmem>>, vector<1x16xf32>,
        %get3A_649 = vector.shape_cast %get3A_648 : vector<1x16xf32> to vector<16xf32>
        %swap3A_650 = arith.index_cast %add3A_632 : i32 to index
        %swap3A_651 = arith.constant 16 : index
        %swap3A_652 = tpu.vector_load %arg20[%swap3A_650, %swap3A_651] {strides = array<i32>} : memref<256x64xf32, #tpu.memory_space<vmem>>, vector<1x16xf32>,
        %swap3A_653 = vector.shape_cast %swap3A_652 : vector<1x16xf32> to vector<16xf32>
        %swap3A_654 = vector.shape_cast %get3A_649 : vector<16xf32> to vector<1x16xf32>
        tpu.vector_store %arg20[%swap3A_650, %swap3A_651], %swap3A_654 {strides = array<i32>} : memref<256x64xf32, #tpu.memory_space<vmem>>, vector<1x16xf32>,
        %get3A_655 = arith.index_cast %squeeze3A_636 : i32 to index
        %get3A_656 = arith.constant 0 : index
        %get3A_657 = tpu.vector_load %arg23[%get3A_655, %get3A_656] {strides = array<i32>} : memref<400x32xf32, #tpu.memory_space<vmem>>, vector<1x16xf32>,
        %get3A_658 = vector.shape_cast %get3A_657 : vector<1x16xf32> to vector<16xf32>
        %swap3A_659 = arith.index_cast %add3A_632 : i32 to index
        %swap3A_660 = arith.constant 32 : index
        %swap3A_661 = tpu.vector_load %arg20[%swap3A_659, %swap3A_660] {strides = array<i32>} : memref<256x64xf32, #tpu.memory_space<vmem>>, vector<1x16xf32>,
        %swap3A_662 = vector.shape_cast %swap3A_661 : vector<1x16xf32> to vector<16xf32>
        %swap3A_663 = vector.shape_cast %get3A_658 : vector<16xf32> to vector<1x16xf32>
        tpu.vector_store %arg20[%swap3A_659, %swap3A_660], %swap3A_663 {strides = array<i32>} : memref<256x64xf32, #tpu.memory_space<vmem>>, vector<1x16xf32>,
        %get3A_664 = arith.index_cast %squeeze3A_636 : i32 to index
        %get3A_665 = arith.constant 16 : index
        %get3A_666 = tpu.vector_load %arg23[%get3A_664, %get3A_665] {strides = array<i32>} : memref<400x32xf32, #tpu.memory_space<vmem>>, vector<1x16xf32>,
        %get3A_667 = vector.shape_cast %get3A_666 : vector<1x16xf32> to vector<16xf32>
        %swap3A_668 = arith.index_cast %add3A_632 : i32 to index
        %swap3A_669 = arith.constant 48 : index
        %swap3A_670 = tpu.vector_load %arg20[%swap3A_668, %swap3A_669] {strides = array<i32>} : memref<256x64xf32, #tpu.memory_space<vmem>>, vector<1x16xf32>,
        %swap3A_671 = vector.shape_cast %swap3A_670 : vector<1x16xf32> to vector<16xf32>
        %swap3A_672 = vector.shape_cast %get3A_667 : vector<16xf32> to vector<1x16xf32>
        tpu.vector_store %arg20[%swap3A_668, %swap3A_669], %swap3A_672 {strides = array<i32>} : memref<256x64xf32, #tpu.memory_space<vmem>>, vector<1x16xf32>,
        %mul3A_673 = arith.constant 16 : i32
        %mul3A_674 = arith.muli %scan3A_314, %mul3A_673 : i32
        %add3A_675 = arith.constant 8 : i32
        %add3A_676 = arith.addi %mul3A_674, %add3A_675 : i32
        %slice3A_677 = vector.extract_strided_slice %get3A_318 {offsets = [8], sizes = [1], strides = [1]} : vector<16xi32> to vector<1xi32>
        %squeeze3A_678 = vector.extract %slice3A_677[0] : i32 from vector<1xi32>
        %slice3A_679 = vector.extract_strided_slice %get3A_323 {offsets = [8], sizes = [1], strides = [1]} : vector<16xi32> to vector<1xi32>
        %squeeze3A_680 = vector.extract %slice3A_679[0] : i32 from vector<1xi32>
        %get3A_681 = arith.index_cast %squeeze3A_678 : i32 to index
        %get3A_682 = arith.constant 0 : index
        %get3A_683 = tpu.vector_load %arg23[%get3A_681, %get3A_682] {strides = array<i32>} : memref<400x32xf32, #tpu.memory_space<vmem>>, vector<1x16xf32>,
        %get3A_684 = vector.shape_cast %get3A_683 : vector<1x16xf32> to vector<16xf32>
        %swap3A_685 = arith.index_cast %add3A_676 : i32 to index
        %swap3A_686 = arith.constant 0 : index
        %swap3A_687 = tpu.vector_load %arg20[%swap3A_685, %swap3A_686] {strides = array<i32>} : memref<256x64xf32, #tpu.memory_space<vmem>>, vector<1x16xf32>,
        %swap3A_688 = vector.shape_cast %swap3A_687 : vector<1x16xf32> to vector<16xf32>
        %swap3A_689 = vector.shape_cast %get3A_684 : vector<16xf32> to vector<1x16xf32>
        tpu.vector_store %arg20[%swap3A_685, %swap3A_686], %swap3A_689 {strides = array<i32>} : memref<256x64xf32, #tpu.memory_space<vmem>>, vector<1x16xf32>,
        %get3A_690 = arith.index_cast %squeeze3A_678 : i32 to index
        %get3A_691 = arith.constant 16 : index
        %get3A_692 = tpu.vector_load %arg23[%get3A_690, %get3A_691] {strides = array<i32>} : memref<400x32xf32, #tpu.memory_space<vmem>>, vector<1x16xf32>,
        %get3A_693 = vector.shape_cast %get3A_692 : vector<1x16xf32> to vector<16xf32>
        %swap3A_694 = arith.index_cast %add3A_676 : i32 to index
        %swap3A_695 = arith.constant 16 : index
        %swap3A_696 = tpu.vector_load %arg20[%swap3A_694, %swap3A_695] {strides = array<i32>} : memref<256x64xf32, #tpu.memory_space<vmem>>, vector<1x16xf32>,
        %swap3A_697 = vector.shape_cast %swap3A_696 : vector<1x16xf32> to vector<16xf32>
        %swap3A_698 = vector.shape_cast %get3A_693 : vector<16xf32> to vector<1x16xf32>
        tpu.vector_store %arg20[%swap3A_694, %swap3A_695], %swap3A_698 {strides = array<i32>} : memref<256x64xf32, #tpu.memory_space<vmem>>, vector<1x16xf32>,
        %get3A_699 = arith.index_cast %squeeze3A_680 : i32 to index
        %get3A_700 = arith.constant 0 : index
        %get3A_701 = tpu.vector_load %arg23[%get3A_699, %get3A_700] {strides = array<i32>} : memref<400x32xf32, #tpu.memory_space<vmem>>, vector<1x16xf32>,
        %get3A_702 = vector.shape_cast %get3A_701 : vector<1x16xf32> to vector<16xf32>
        %swap3A_703 = arith.index_cast %add3A_676 : i32 to index
        %swap3A_704 = arith.constant 32 : index
        %swap3A_705 = tpu.vector_load %arg20[%swap3A_703, %swap3A_704] {strides = array<i32>} : memref<256x64xf32, #tpu.memory_space<vmem>>, vector<1x16xf32>,
        %swap3A_706 = vector.shape_cast %swap3A_705 : vector<1x16xf32> to vector<16xf32>
        %swap3A_707 = vector.shape_cast %get3A_702 : vector<16xf32> to vector<1x16xf32>
        tpu.vector_store %arg20[%swap3A_703, %swap3A_704], %swap3A_707 {strides = array<i32>} : memref<256x64xf32, #tpu.memory_space<vmem>>, vector<1x16xf32>,
        %get3A_708 = arith.index_cast %squeeze3A_680 : i32 to index
        %get3A_709 = arith.constant 16 : index
        %get3A_710 = tpu.vector_load %arg23[%get3A_708, %get3A_709] {strides = array<i32>} : memref<400x32xf32, #tpu.memory_space<vmem>>, vector<1x16xf32>,
        %get3A_711 = vector.shape_cast %get3A_710 : vector<1x16xf32> to vector<16xf32>
        %swap3A_712 = arith.index_cast %add3A_676 : i32 to index
        %swap3A_713 = arith.constant 48 : index
        %swap3A_714 = tpu.vector_load %arg20[%swap3A_712, %swap3A_713] {strides = array<i32>} : memref<256x64xf32, #tpu.memory_space<vmem>>, vector<1x16xf32>,
        %swap3A_715 = vector.shape_cast %swap3A_714 : vector<1x16xf32> to vector<16xf32>
        %swap3A_716 = vector.shape_cast %get3A_711 : vector<16xf32> to vector<1x16xf32>
        tpu.vector_store %arg20[%swap3A_712, %swap3A_713], %swap3A_716 {strides = array<i32>} : memref<256x64xf32, #tpu.memory_space<vmem>>, vector<1x16xf32>,
        %mul3A_717 = arith.constant 16 : i32
        %mul3A_718 = arith.muli %scan3A_314, %mul3A_717 : i32
        %add3A_719 = arith.constant 9 : i32
        %add3A_720 = arith.addi %mul3A_718, %add3A_719 : i32
        %slice3A_721 = vector.extract_strided_slice %get3A_318 {offsets = [9], sizes = [1], strides = [1]} : vector<16xi32> to vector<1xi32>
        %squeeze3A_722 = vector.extract %slice3A_721[0] : i32 from vector<1xi32>
        %slice3A_723 = vector.extract_strided_slice %get3A_323 {offsets = [9], sizes = [1], strides = [1]} : vector<16xi32> to vector<1xi32>
        %squeeze3A_724 = vector.extract %slice3A_723[0] : i32 from vector<1xi32>
        %get3A_725 = arith.index_cast %squeeze3A_722 : i32 to index
        %get3A_726 = arith.constant 0 : index
        %get3A_727 = tpu.vector_load %arg23[%get3A_725, %get3A_726] {strides = array<i32>} : memref<400x32xf32, #tpu.memory_space<vmem>>, vector<1x16xf32>,
        %get3A_728 = vector.shape_cast %get3A_727 : vector<1x16xf32> to vector<16xf32>
        %swap3A_729 = arith.index_cast %add3A_720 : i32 to index
        %swap3A_730 = arith.constant 0 : index
        %swap3A_731 = tpu.vector_load %arg20[%swap3A_729, %swap3A_730] {strides = array<i32>} : memref<256x64xf32, #tpu.memory_space<vmem>>, vector<1x16xf32>,
        %swap3A_732 = vector.shape_cast %swap3A_731 : vector<1x16xf32> to vector<16xf32>
        %swap3A_733 = vector.shape_cast %get3A_728 : vector<16xf32> to vector<1x16xf32>
        tpu.vector_store %arg20[%swap3A_729, %swap3A_730], %swap3A_733 {strides = array<i32>} : memref<256x64xf32, #tpu.memory_space<vmem>>, vector<1x16xf32>,
        %get3A_734 = arith.index_cast %squeeze3A_722 : i32 to index
        %get3A_735 = arith.constant 16 : index
        %get3A_736 = tpu.vector_load %arg23[%get3A_734, %get3A_735] {strides = array<i32>} : memref<400x32xf32, #tpu.memory_space<vmem>>, vector<1x16xf32>,
        %get3A_737 = vector.shape_cast %get3A_736 : vector<1x16xf32> to vector<16xf32>
        %swap3A_738 = arith.index_cast %add3A_720 : i32 to index
        %swap3A_739 = arith.constant 16 : index
        %swap3A_740 = tpu.vector_load %arg20[%swap3A_738, %swap3A_739] {strides = array<i32>} : memref<256x64xf32, #tpu.memory_space<vmem>>, vector<1x16xf32>,
        %swap3A_741 = vector.shape_cast %swap3A_740 : vector<1x16xf32> to vector<16xf32>
        %swap3A_742 = vector.shape_cast %get3A_737 : vector<16xf32> to vector<1x16xf32>
        tpu.vector_store %arg20[%swap3A_738, %swap3A_739], %swap3A_742 {strides = array<i32>} : memref<256x64xf32, #tpu.memory_space<vmem>>, vector<1x16xf32>,
        %get3A_743 = arith.index_cast %squeeze3A_724 : i32 to index
        %get3A_744 = arith.constant 0 : index
        %get3A_745 = tpu.vector_load %arg23[%get3A_743, %get3A_744] {strides = array<i32>} : memref<400x32xf32, #tpu.memory_space<vmem>>, vector<1x16xf32>,
        %get3A_746 = vector.shape_cast %get3A_745 : vector<1x16xf32> to vector<16xf32>
        %swap3A_747 = arith.index_cast %add3A_720 : i32 to index
        %swap3A_748 = arith.constant 32 : index
        %swap3A_749 = tpu.vector_load %arg20[%swap3A_747, %swap3A_748] {strides = array<i32>} : memref<256x64xf32, #tpu.memory_space<vmem>>, vector<1x16xf32>,
        %swap3A_750 = vector.shape_cast %swap3A_749 : vector<1x16xf32> to vector<16xf32>
        %swap3A_751 = vector.shape_cast %get3A_746 : vector<16xf32> to vector<1x16xf32>
        tpu.vector_store %arg20[%swap3A_747, %swap3A_748], %swap3A_751 {strides = array<i32>} : memref<256x64xf32, #tpu.memory_space<vmem>>, vector<1x16xf32>,
        %get3A_752 = arith.index_cast %squeeze3A_724 : i32 to index
        %get3A_753 = arith.constant 16 : index
        %get3A_754 = tpu.vector_load %arg23[%get3A_752, %get3A_753] {strides = array<i32>} : memref<400x32xf32, #tpu.memory_space<vmem>>, vector<1x16xf32>,
        %get3A_755 = vector.shape_cast %get3A_754 : vector<1x16xf32> to vector<16xf32>
        %swap3A_756 = arith.index_cast %add3A_720 : i32 to index
        %swap3A_757 = arith.constant 48 : index
        %swap3A_758 = tpu.vector_load %arg20[%swap3A_756, %swap3A_757] {strides = array<i32>} : memref<256x64xf32, #tpu.memory_space<vmem>>, vector<1x16xf32>,
        %swap3A_759 = vector.shape_cast %swap3A_758 : vector<1x16xf32> to vector<16xf32>
        %swap3A_760 = vector.shape_cast %get3A_755 : vector<16xf32> to vector<1x16xf32>
        tpu.vector_store %arg20[%swap3A_756, %swap3A_757], %swap3A_760 {strides = array<i32>} : memref<256x64xf32, #tpu.memory_space<vmem>>, vector<1x16xf32>,
        %mul3A_761 = arith.constant 16 : i32
        %mul3A_762 = arith.muli %scan3A_314, %mul3A_761 : i32
        %add3A_763 = arith.constant 10 : i32
        %add3A_764 = arith.addi %mul3A_762, %add3A_763 : i32
        %slice3A_765 = vector.extract_strided_slice %get3A_318 {offsets = [10], sizes = [1], strides = [1]} : vector<16xi32> to vector<1xi32>
        %squeeze3A_766 = vector.extract %slice3A_765[0] : i32 from vector<1xi32>
        %slice3A_767 = vector.extract_strided_slice %get3A_323 {offsets = [10], sizes = [1], strides = [1]} : vector<16xi32> to vector<1xi32>
        %squeeze3A_768 = vector.extract %slice3A_767[0] : i32 from vector<1xi32>
        %get3A_769 = arith.index_cast %squeeze3A_766 : i32 to index
        %get3A_770 = arith.constant 0 : index
        %get3A_771 = tpu.vector_load %arg23[%get3A_769, %get3A_770] {strides = array<i32>} : memref<400x32xf32, #tpu.memory_space<vmem>>, vector<1x16xf32>,
        %get3A_772 = vector.shape_cast %get3A_771 : vector<1x16xf32> to vector<16xf32>
        %swap3A_773 = arith.index_cast %add3A_764 : i32 to index
        %swap3A_774 = arith.constant 0 : index
        %swap3A_775 = tpu.vector_load %arg20[%swap3A_773, %swap3A_774] {strides = array<i32>} : memref<256x64xf32, #tpu.memory_space<vmem>>, vector<1x16xf32>,
        %swap3A_776 = vector.shape_cast %swap3A_775 : vector<1x16xf32> to vector<16xf32>
        %swap3A_777 = vector.shape_cast %get3A_772 : vector<16xf32> to vector<1x16xf32>
        tpu.vector_store %arg20[%swap3A_773, %swap3A_774], %swap3A_777 {strides = array<i32>} : memref<256x64xf32, #tpu.memory_space<vmem>>, vector<1x16xf32>,
        %get3A_778 = arith.index_cast %squeeze3A_766 : i32 to index
        %get3A_779 = arith.constant 16 : index
        %get3A_780 = tpu.vector_load %arg23[%get3A_778, %get3A_779] {strides = array<i32>} : memref<400x32xf32, #tpu.memory_space<vmem>>, vector<1x16xf32>,
        %get3A_781 = vector.shape_cast %get3A_780 : vector<1x16xf32> to vector<16xf32>
        %swap3A_782 = arith.index_cast %add3A_764 : i32 to index
        %swap3A_783 = arith.constant 16 : index
        %swap3A_784 = tpu.vector_load %arg20[%swap3A_782, %swap3A_783] {strides = array<i32>} : memref<256x64xf32, #tpu.memory_space<vmem>>, vector<1x16xf32>,
        %swap3A_785 = vector.shape_cast %swap3A_784 : vector<1x16xf32> to vector<16xf32>
        %swap3A_786 = vector.shape_cast %get3A_781 : vector<16xf32> to vector<1x16xf32>
        tpu.vector_store %arg20[%swap3A_782, %swap3A_783], %swap3A_786 {strides = array<i32>} : memref<256x64xf32, #tpu.memory_space<vmem>>, vector<1x16xf32>,
        %get3A_787 = arith.index_cast %squeeze3A_768 : i32 to index
        %get3A_788 = arith.constant 0 : index
        %get3A_789 = tpu.vector_load %arg23[%get3A_787, %get3A_788] {strides = array<i32>} : memref<400x32xf32, #tpu.memory_space<vmem>>, vector<1x16xf32>,
        %get3A_790 = vector.shape_cast %get3A_789 : vector<1x16xf32> to vector<16xf32>
        %swap3A_791 = arith.index_cast %add3A_764 : i32 to index
        %swap3A_792 = arith.constant 32 : index
        %swap3A_793 = tpu.vector_load %arg20[%swap3A_791, %swap3A_792] {strides = array<i32>} : memref<256x64xf32, #tpu.memory_space<vmem>>, vector<1x16xf32>,
        %swap3A_794 = vector.shape_cast %swap3A_793 : vector<1x16xf32> to vector<16xf32>
        %swap3A_795 = vector.shape_cast %get3A_790 : vector<16xf32> to vector<1x16xf32>
        tpu.vector_store %arg20[%swap3A_791, %swap3A_792], %swap3A_795 {strides = array<i32>} : memref<256x64xf32, #tpu.memory_space<vmem>>, vector<1x16xf32>,
        %get3A_796 = arith.index_cast %squeeze3A_768 : i32 to index
        %get3A_797 = arith.constant 16 : index
        %get3A_798 = tpu.vector_load %arg23[%get3A_796, %get3A_797] {strides = array<i32>} : memref<400x32xf32, #tpu.memory_space<vmem>>, vector<1x16xf32>,
        %get3A_799 = vector.shape_cast %get3A_798 : vector<1x16xf32> to vector<16xf32>
        %swap3A_800 = arith.index_cast %add3A_764 : i32 to index
        %swap3A_801 = arith.constant 48 : index
        %swap3A_802 = tpu.vector_load %arg20[%swap3A_800, %swap3A_801] {strides = array<i32>} : memref<256x64xf32, #tpu.memory_space<vmem>>, vector<1x16xf32>,
        %swap3A_803 = vector.shape_cast %swap3A_802 : vector<1x16xf32> to vector<16xf32>
        %swap3A_804 = vector.shape_cast %get3A_799 : vector<16xf32> to vector<1x16xf32>
        tpu.vector_store %arg20[%swap3A_800, %swap3A_801], %swap3A_804 {strides = array<i32>} : memref<256x64xf32, #tpu.memory_space<vmem>>, vector<1x16xf32>,
        %mul3A_805 = arith.constant 16 : i32
        %mul3A_806 = arith.muli %scan3A_314, %mul3A_805 : i32
        %add3A_807 = arith.constant 11 : i32
        %add3A_808 = arith.addi %mul3A_806, %add3A_807 : i32
        %slice3A_809 = vector.extract_strided_slice %get3A_318 {offsets = [11], sizes = [1], strides = [1]} : vector<16xi32> to vector<1xi32>
        %squeeze3A_810 = vector.extract %slice3A_809[0] : i32 from vector<1xi32>
        %slice3A_811 = vector.extract_strided_slice %get3A_323 {offsets = [11], sizes = [1], strides = [1]} : vector<16xi32> to vector<1xi32>
        %squeeze3A_812 = vector.extract %slice3A_811[0] : i32 from vector<1xi32>
        %get3A_813 = arith.index_cast %squeeze3A_810 : i32 to index
        %get3A_814 = arith.constant 0 : index
        %get3A_815 = tpu.vector_load %arg23[%get3A_813, %get3A_814] {strides = array<i32>} : memref<400x32xf32, #tpu.memory_space<vmem>>, vector<1x16xf32>,
        %get3A_816 = vector.shape_cast %get3A_815 : vector<1x16xf32> to vector<16xf32>
        %swap3A_817 = arith.index_cast %add3A_808 : i32 to index
        %swap3A_818 = arith.constant 0 : index
        %swap3A_819 = tpu.vector_load %arg20[%swap3A_817, %swap3A_818] {strides = array<i32>} : memref<256x64xf32, #tpu.memory_space<vmem>>, vector<1x16xf32>,
        %swap3A_820 = vector.shape_cast %swap3A_819 : vector<1x16xf32> to vector<16xf32>
        %swap3A_821 = vector.shape_cast %get3A_816 : vector<16xf32> to vector<1x16xf32>
        tpu.vector_store %arg20[%swap3A_817, %swap3A_818], %swap3A_821 {strides = array<i32>} : memref<256x64xf32, #tpu.memory_space<vmem>>, vector<1x16xf32>,
        %get3A_822 = arith.index_cast %squeeze3A_810 : i32 to index
        %get3A_823 = arith.constant 16 : index
        %get3A_824 = tpu.vector_load %arg23[%get3A_822, %get3A_823] {strides = array<i32>} : memref<400x32xf32, #tpu.memory_space<vmem>>, vector<1x16xf32>,
        %get3A_825 = vector.shape_cast %get3A_824 : vector<1x16xf32> to vector<16xf32>
        %swap3A_826 = arith.index_cast %add3A_808 : i32 to index
        %swap3A_827 = arith.constant 16 : index
        %swap3A_828 = tpu.vector_load %arg20[%swap3A_826, %swap3A_827] {strides = array<i32>} : memref<256x64xf32, #tpu.memory_space<vmem>>, vector<1x16xf32>,
        %swap3A_829 = vector.shape_cast %swap3A_828 : vector<1x16xf32> to vector<16xf32>
        %swap3A_830 = vector.shape_cast %get3A_825 : vector<16xf32> to vector<1x16xf32>
        tpu.vector_store %arg20[%swap3A_826, %swap3A_827], %swap3A_830 {strides = array<i32>} : memref<256x64xf32, #tpu.memory_space<vmem>>, vector<1x16xf32>,
        %get3A_831 = arith.index_cast %squeeze3A_812 : i32 to index
        %get3A_832 = arith.constant 0 : index
        %get3A_833 = tpu.vector_load %arg23[%get3A_831, %get3A_832] {strides = array<i32>} : memref<400x32xf32, #tpu.memory_space<vmem>>, vector<1x16xf32>,
        %get3A_834 = vector.shape_cast %get3A_833 : vector<1x16xf32> to vector<16xf32>
        %swap3A_835 = arith.index_cast %add3A_808 : i32 to index
        %swap3A_836 = arith.constant 32 : index
        %swap3A_837 = tpu.vector_load %arg20[%swap3A_835, %swap3A_836] {strides = array<i32>} : memref<256x64xf32, #tpu.memory_space<vmem>>, vector<1x16xf32>,
        %swap3A_838 = vector.shape_cast %swap3A_837 : vector<1x16xf32> to vector<16xf32>
        %swap3A_839 = vector.shape_cast %get3A_834 : vector<16xf32> to vector<1x16xf32>
        tpu.vector_store %arg20[%swap3A_835, %swap3A_836], %swap3A_839 {strides = array<i32>} : memref<256x64xf32, #tpu.memory_space<vmem>>, vector<1x16xf32>,
        %get3A_840 = arith.index_cast %squeeze3A_812 : i32 to index
        %get3A_841 = arith.constant 16 : index
        %get3A_842 = tpu.vector_load %arg23[%get3A_840, %get3A_841] {strides = array<i32>} : memref<400x32xf32, #tpu.memory_space<vmem>>, vector<1x16xf32>,
        %get3A_843 = vector.shape_cast %get3A_842 : vector<1x16xf32> to vector<16xf32>
        %swap3A_844 = arith.index_cast %add3A_808 : i32 to index
        %swap3A_845 = arith.constant 48 : index
        %swap3A_846 = tpu.vector_load %arg20[%swap3A_844, %swap3A_845] {strides = array<i32>} : memref<256x64xf32, #tpu.memory_space<vmem>>, vector<1x16xf32>,
        %swap3A_847 = vector.shape_cast %swap3A_846 : vector<1x16xf32> to vector<16xf32>
        %swap3A_848 = vector.shape_cast %get3A_843 : vector<16xf32> to vector<1x16xf32>
        tpu.vector_store %arg20[%swap3A_844, %swap3A_845], %swap3A_848 {strides = array<i32>} : memref<256x64xf32, #tpu.memory_space<vmem>>, vector<1x16xf32>,
        %mul3A_849 = arith.constant 16 : i32
        %mul3A_850 = arith.muli %scan3A_314, %mul3A_849 : i32
        %add3A_851 = arith.constant 12 : i32
        %add3A_852 = arith.addi %mul3A_850, %add3A_851 : i32
        %slice3A_853 = vector.extract_strided_slice %get3A_318 {offsets = [12], sizes = [1], strides = [1]} : vector<16xi32> to vector<1xi32>
        %squeeze3A_854 = vector.extract %slice3A_853[0] : i32 from vector<1xi32>
        %slice3A_855 = vector.extract_strided_slice %get3A_323 {offsets = [12], sizes = [1], strides = [1]} : vector<16xi32> to vector<1xi32>
        %squeeze3A_856 = vector.extract %slice3A_855[0] : i32 from vector<1xi32>
        %get3A_857 = arith.index_cast %squeeze3A_854 : i32 to index
        %get3A_858 = arith.constant 0 : index
        %get3A_859 = tpu.vector_load %arg23[%get3A_857, %get3A_858] {strides = array<i32>} : memref<400x32xf32, #tpu.memory_space<vmem>>, vector<1x16xf32>,
        %get3A_860 = vector.shape_cast %get3A_859 : vector<1x16xf32> to vector<16xf32>
        %swap3A_861 = arith.index_cast %add3A_852 : i32 to index
        %swap3A_862 = arith.constant 0 : index
        %swap3A_863 = tpu.vector_load %arg20[%swap3A_861, %swap3A_862] {strides = array<i32>} : memref<256x64xf32, #tpu.memory_space<vmem>>, vector<1x16xf32>,
        %swap3A_864 = vector.shape_cast %swap3A_863 : vector<1x16xf32> to vector<16xf32>
        %swap3A_865 = vector.shape_cast %get3A_860 : vector<16xf32> to vector<1x16xf32>
        tpu.vector_store %arg20[%swap3A_861, %swap3A_862], %swap3A_865 {strides = array<i32>} : memref<256x64xf32, #tpu.memory_space<vmem>>, vector<1x16xf32>,
        %get3A_866 = arith.index_cast %squeeze3A_854 : i32 to index
        %get3A_867 = arith.constant 16 : index
        %get3A_868 = tpu.vector_load %arg23[%get3A_866, %get3A_867] {strides = array<i32>} : memref<400x32xf32, #tpu.memory_space<vmem>>, vector<1x16xf32>,
        %get3A_869 = vector.shape_cast %get3A_868 : vector<1x16xf32> to vector<16xf32>
        %swap3A_870 = arith.index_cast %add3A_852 : i32 to index
        %swap3A_871 = arith.constant 16 : index
        %swap3A_872 = tpu.vector_load %arg20[%swap3A_870, %swap3A_871] {strides = array<i32>} : memref<256x64xf32, #tpu.memory_space<vmem>>, vector<1x16xf32>,
        %swap3A_873 = vector.shape_cast %swap3A_872 : vector<1x16xf32> to vector<16xf32>
        %swap3A_874 = vector.shape_cast %get3A_869 : vector<16xf32> to vector<1x16xf32>
        tpu.vector_store %arg20[%swap3A_870, %swap3A_871], %swap3A_874 {strides = array<i32>} : memref<256x64xf32, #tpu.memory_space<vmem>>, vector<1x16xf32>,
        %get3A_875 = arith.index_cast %squeeze3A_856 : i32 to index
        %get3A_876 = arith.constant 0 : index
        %get3A_877 = tpu.vector_load %arg23[%get3A_875, %get3A_876] {strides = array<i32>} : memref<400x32xf32, #tpu.memory_space<vmem>>, vector<1x16xf32>,
        %get3A_878 = vector.shape_cast %get3A_877 : vector<1x16xf32> to vector<16xf32>
        %swap3A_879 = arith.index_cast %add3A_852 : i32 to index
        %swap3A_880 = arith.constant 32 : index
        %swap3A_881 = tpu.vector_load %arg20[%swap3A_879, %swap3A_880] {strides = array<i32>} : memref<256x64xf32, #tpu.memory_space<vmem>>, vector<1x16xf32>,
        %swap3A_882 = vector.shape_cast %swap3A_881 : vector<1x16xf32> to vector<16xf32>
        %swap3A_883 = vector.shape_cast %get3A_878 : vector<16xf32> to vector<1x16xf32>
        tpu.vector_store %arg20[%swap3A_879, %swap3A_880], %swap3A_883 {strides = array<i32>} : memref<256x64xf32, #tpu.memory_space<vmem>>, vector<1x16xf32>,
        %get3A_884 = arith.index_cast %squeeze3A_856 : i32 to index
        %get3A_885 = arith.constant 16 : index
        %get3A_886 = tpu.vector_load %arg23[%get3A_884, %get3A_885] {strides = array<i32>} : memref<400x32xf32, #tpu.memory_space<vmem>>, vector<1x16xf32>,
        %get3A_887 = vector.shape_cast %get3A_886 : vector<1x16xf32> to vector<16xf32>
        %swap3A_888 = arith.index_cast %add3A_852 : i32 to index
        %swap3A_889 = arith.constant 48 : index
        %swap3A_890 = tpu.vector_load %arg20[%swap3A_888, %swap3A_889] {strides = array<i32>} : memref<256x64xf32, #tpu.memory_space<vmem>>, vector<1x16xf32>,
        %swap3A_891 = vector.shape_cast %swap3A_890 : vector<1x16xf32> to vector<16xf32>
        %swap3A_892 = vector.shape_cast %get3A_887 : vector<16xf32> to vector<1x16xf32>
        tpu.vector_store %arg20[%swap3A_888, %swap3A_889], %swap3A_892 {strides = array<i32>} : memref<256x64xf32, #tpu.memory_space<vmem>>, vector<1x16xf32>,
        %mul3A_893 = arith.constant 16 : i32
        %mul3A_894 = arith.muli %scan3A_314, %mul3A_893 : i32
        %add3A_895 = arith.constant 13 : i32
        %add3A_896 = arith.addi %mul3A_894, %add3A_895 : i32
        %slice3A_897 = vector.extract_strided_slice %get3A_318 {offsets = [13], sizes = [1], strides = [1]} : vector<16xi32> to vector<1xi32>
        %squeeze3A_898 = vector.extract %slice3A_897[0] : i32 from vector<1xi32>
        %slice3A_899 = vector.extract_strided_slice %get3A_323 {offsets = [13], sizes = [1], strides = [1]} : vector<16xi32> to vector<1xi32>
        %squeeze3A_900 = vector.extract %slice3A_899[0] : i32 from vector<1xi32>
        %get3A_901 = arith.index_cast %squeeze3A_898 : i32 to index
        %get3A_902 = arith.constant 0 : index
        %get3A_903 = tpu.vector_load %arg23[%get3A_901, %get3A_902] {strides = array<i32>} : memref<400x32xf32, #tpu.memory_space<vmem>>, vector<1x16xf32>,
        %get3A_904 = vector.shape_cast %get3A_903 : vector<1x16xf32> to vector<16xf32>
        %swap3A_905 = arith.index_cast %add3A_896 : i32 to index
        %swap3A_906 = arith.constant 0 : index
        %swap3A_907 = tpu.vector_load %arg20[%swap3A_905, %swap3A_906] {strides = array<i32>} : memref<256x64xf32, #tpu.memory_space<vmem>>, vector<1x16xf32>,
        %swap3A_908 = vector.shape_cast %swap3A_907 : vector<1x16xf32> to vector<16xf32>
        %swap3A_909 = vector.shape_cast %get3A_904 : vector<16xf32> to vector<1x16xf32>
        tpu.vector_store %arg20[%swap3A_905, %swap3A_906], %swap3A_909 {strides = array<i32>} : memref<256x64xf32, #tpu.memory_space<vmem>>, vector<1x16xf32>,
        %get3A_910 = arith.index_cast %squeeze3A_898 : i32 to index
        %get3A_911 = arith.constant 16 : index
        %get3A_912 = tpu.vector_load %arg23[%get3A_910, %get3A_911] {strides = array<i32>} : memref<400x32xf32, #tpu.memory_space<vmem>>, vector<1x16xf32>,
        %get3A_913 = vector.shape_cast %get3A_912 : vector<1x16xf32> to vector<16xf32>
        %swap3A_914 = arith.index_cast %add3A_896 : i32 to index
        %swap3A_915 = arith.constant 16 : index
        %swap3A_916 = tpu.vector_load %arg20[%swap3A_914, %swap3A_915] {strides = array<i32>} : memref<256x64xf32, #tpu.memory_space<vmem>>, vector<1x16xf32>,
        %swap3A_917 = vector.shape_cast %swap3A_916 : vector<1x16xf32> to vector<16xf32>
        %swap3A_918 = vector.shape_cast %get3A_913 : vector<16xf32> to vector<1x16xf32>
        tpu.vector_store %arg20[%swap3A_914, %swap3A_915], %swap3A_918 {strides = array<i32>} : memref<256x64xf32, #tpu.memory_space<vmem>>, vector<1x16xf32>,
        %get3A_919 = arith.index_cast %squeeze3A_900 : i32 to index
        %get3A_920 = arith.constant 0 : index
        %get3A_921 = tpu.vector_load %arg23[%get3A_919, %get3A_920] {strides = array<i32>} : memref<400x32xf32, #tpu.memory_space<vmem>>, vector<1x16xf32>,
        %get3A_922 = vector.shape_cast %get3A_921 : vector<1x16xf32> to vector<16xf32>
        %swap3A_923 = arith.index_cast %add3A_896 : i32 to index
        %swap3A_924 = arith.constant 32 : index
        %swap3A_925 = tpu.vector_load %arg20[%swap3A_923, %swap3A_924] {strides = array<i32>} : memref<256x64xf32, #tpu.memory_space<vmem>>, vector<1x16xf32>,
        %swap3A_926 = vector.shape_cast %swap3A_925 : vector<1x16xf32> to vector<16xf32>
        %swap3A_927 = vector.shape_cast %get3A_922 : vector<16xf32> to vector<1x16xf32>
        tpu.vector_store %arg20[%swap3A_923, %swap3A_924], %swap3A_927 {strides = array<i32>} : memref<256x64xf32, #tpu.memory_space<vmem>>, vector<1x16xf32>,
        %get3A_928 = arith.index_cast %squeeze3A_900 : i32 to index
        %get3A_929 = arith.constant 16 : index
        %get3A_930 = tpu.vector_load %arg23[%get3A_928, %get3A_929] {strides = array<i32>} : memref<400x32xf32, #tpu.memory_space<vmem>>, vector<1x16xf32>,
        %get3A_931 = vector.shape_cast %get3A_930 : vector<1x16xf32> to vector<16xf32>
        %swap3A_932 = arith.index_cast %add3A_896 : i32 to index
        %swap3A_933 = arith.constant 48 : index
        %swap3A_934 = tpu.vector_load %arg20[%swap3A_932, %swap3A_933] {strides = array<i32>} : memref<256x64xf32, #tpu.memory_space<vmem>>, vector<1x16xf32>,
        %swap3A_935 = vector.shape_cast %swap3A_934 : vector<1x16xf32> to vector<16xf32>
        %swap3A_936 = vector.shape_cast %get3A_931 : vector<16xf32> to vector<1x16xf32>
        tpu.vector_store %arg20[%swap3A_932, %swap3A_933], %swap3A_936 {strides = array<i32>} : memref<256x64xf32, #tpu.memory_space<vmem>>, vector<1x16xf32>,
        %mul3A_937 = arith.constant 16 : i32
        %mul3A_938 = arith.muli %scan3A_314, %mul3A_937 : i32
        %add3A_939 = arith.constant 14 : i32
        %add3A_940 = arith.addi %mul3A_938, %add3A_939 : i32
        %slice3A_941 = vector.extract_strided_slice %get3A_318 {offsets = [14], sizes = [1], strides = [1]} : vector<16xi32> to vector<1xi32>
        %squeeze3A_942 = vector.extract %slice3A_941[0] : i32 from vector<1xi32>
        %slice3A_943 = vector.extract_strided_slice %get3A_323 {offsets = [14], sizes = [1], strides = [1]} : vector<16xi32> to vector<1xi32>
        %squeeze3A_944 = vector.extract %slice3A_943[0] : i32 from vector<1xi32>
        %get3A_945 = arith.index_cast %squeeze3A_942 : i32 to index
        %get3A_946 = arith.constant 0 : index
        %get3A_947 = tpu.vector_load %arg23[%get3A_945, %get3A_946] {strides = array<i32>} : memref<400x32xf32, #tpu.memory_space<vmem>>, vector<1x16xf32>,
        %get3A_948 = vector.shape_cast %get3A_947 : vector<1x16xf32> to vector<16xf32>
        %swap3A_949 = arith.index_cast %add3A_940 : i32 to index
        %swap3A_950 = arith.constant 0 : index
        %swap3A_951 = tpu.vector_load %arg20[%swap3A_949, %swap3A_950] {strides = array<i32>} : memref<256x64xf32, #tpu.memory_space<vmem>>, vector<1x16xf32>,
        %swap3A_952 = vector.shape_cast %swap3A_951 : vector<1x16xf32> to vector<16xf32>
        %swap3A_953 = vector.shape_cast %get3A_948 : vector<16xf32> to vector<1x16xf32>
        tpu.vector_store %arg20[%swap3A_949, %swap3A_950], %swap3A_953 {strides = array<i32>} : memref<256x64xf32, #tpu.memory_space<vmem>>, vector<1x16xf32>,
        %get3A_954 = arith.index_cast %squeeze3A_942 : i32 to index
        %get3A_955 = arith.constant 16 : index
        %get3A_956 = tpu.vector_load %arg23[%get3A_954, %get3A_955] {strides = array<i32>} : memref<400x32xf32, #tpu.memory_space<vmem>>, vector<1x16xf32>,
        %get3A_957 = vector.shape_cast %get3A_956 : vector<1x16xf32> to vector<16xf32>
        %swap3A_958 = arith.index_cast %add3A_940 : i32 to index
        %swap3A_959 = arith.constant 16 : index
        %swap3A_960 = tpu.vector_load %arg20[%swap3A_958, %swap3A_959] {strides = array<i32>} : memref<256x64xf32, #tpu.memory_space<vmem>>, vector<1x16xf32>,
        %swap3A_961 = vector.shape_cast %swap3A_960 : vector<1x16xf32> to vector<16xf32>
        %swap3A_962 = vector.shape_cast %get3A_957 : vector<16xf32> to vector<1x16xf32>
        tpu.vector_store %arg20[%swap3A_958, %swap3A_959], %swap3A_962 {strides = array<i32>} : memref<256x64xf32, #tpu.memory_space<vmem>>, vector<1x16xf32>,
        %get3A_963 = arith.index_cast %squeeze3A_944 : i32 to index
        %get3A_964 = arith.constant 0 : index
        %get3A_965 = tpu.vector_load %arg23[%get3A_963, %get3A_964] {strides = array<i32>} : memref<400x32xf32, #tpu.memory_space<vmem>>, vector<1x16xf32>,
        %get3A_966 = vector.shape_cast %get3A_965 : vector<1x16xf32> to vector<16xf32>
        %swap3A_967 = arith.index_cast %add3A_940 : i32 to index
        %swap3A_968 = arith.constant 32 : index
        %swap3A_969 = tpu.vector_load %arg20[%swap3A_967, %swap3A_968] {strides = array<i32>} : memref<256x64xf32, #tpu.memory_space<vmem>>, vector<1x16xf32>,
        %swap3A_970 = vector.shape_cast %swap3A_969 : vector<1x16xf32> to vector<16xf32>
        %swap3A_971 = vector.shape_cast %get3A_966 : vector<16xf32> to vector<1x16xf32>
        tpu.vector_store %arg20[%swap3A_967, %swap3A_968], %swap3A_971 {strides = array<i32>} : memref<256x64xf32, #tpu.memory_space<vmem>>, vector<1x16xf32>,
        %get3A_972 = arith.index_cast %squeeze3A_944 : i32 to index
        %get3A_973 = arith.constant 16 : index
        %get3A_974 = tpu.vector_load %arg23[%get3A_972, %get3A_973] {strides = array<i32>} : memref<400x32xf32, #tpu.memory_space<vmem>>, vector<1x16xf32>,
        %get3A_975 = vector.shape_cast %get3A_974 : vector<1x16xf32> to vector<16xf32>
        %swap3A_976 = arith.index_cast %add3A_940 : i32 to index
        %swap3A_977 = arith.constant 48 : index
        %swap3A_978 = tpu.vector_load %arg20[%swap3A_976, %swap3A_977] {strides = array<i32>} : memref<256x64xf32, #tpu.memory_space<vmem>>, vector<1x16xf32>,
        %swap3A_979 = vector.shape_cast %swap3A_978 : vector<1x16xf32> to vector<16xf32>
        %swap3A_980 = vector.shape_cast %get3A_975 : vector<16xf32> to vector<1x16xf32>
        tpu.vector_store %arg20[%swap3A_976, %swap3A_977], %swap3A_980 {strides = array<i32>} : memref<256x64xf32, #tpu.memory_space<vmem>>, vector<1x16xf32>,
        %mul3A_981 = arith.constant 16 : i32
        %mul3A_982 = arith.muli %scan3A_314, %mul3A_981 : i32
        %add3A_983 = arith.constant 15 : i32
        %add3A_984 = arith.addi %mul3A_982, %add3A_983 : i32
        %slice3A_985 = vector.extract_strided_slice %get3A_318 {offsets = [15], sizes = [1], strides = [1]} : vector<16xi32> to vector<1xi32>
        %squeeze3A_986 = vector.extract %slice3A_985[0] : i32 from vector<1xi32>
        %slice3A_987 = vector.extract_strided_slice %get3A_323 {offsets = [15], sizes = [1], strides = [1]} : vector<16xi32> to vector<1xi32>
        %squeeze3A_988 = vector.extract %slice3A_987[0] : i32 from vector<1xi32>
        %get3A_989 = arith.index_cast %squeeze3A_986 : i32 to index
        %get3A_990 = arith.constant 0 : index
        %get3A_991 = tpu.vector_load %arg23[%get3A_989, %get3A_990] {strides = array<i32>} : memref<400x32xf32, #tpu.memory_space<vmem>>, vector<1x16xf32>,
        %get3A_992 = vector.shape_cast %get3A_991 : vector<1x16xf32> to vector<16xf32>
        %swap3A_993 = arith.index_cast %add3A_984 : i32 to index
        %swap3A_994 = arith.constant 0 : index
        %swap3A_995 = tpu.vector_load %arg20[%swap3A_993, %swap3A_994] {strides = array<i32>} : memref<256x64xf32, #tpu.memory_space<vmem>>, vector<1x16xf32>,
        %swap3A_996 = vector.shape_cast %swap3A_995 : vector<1x16xf32> to vector<16xf32>
        %swap3A_997 = vector.shape_cast %get3A_992 : vector<16xf32> to vector<1x16xf32>
        tpu.vector_store %arg20[%swap3A_993, %swap3A_994], %swap3A_997 {strides = array<i32>} : memref<256x64xf32, #tpu.memory_space<vmem>>, vector<1x16xf32>,
        %get3A_998 = arith.index_cast %squeeze3A_986 : i32 to index
        %get3A_999 = arith.constant 16 : index
        %get3A_1000 = tpu.vector_load %arg23[%get3A_998, %get3A_999] {strides = array<i32>} : memref<400x32xf32, #tpu.memory_space<vmem>>, vector<1x16xf32>,
        %get3A_1001 = vector.shape_cast %get3A_1000 : vector<1x16xf32> to vector<16xf32>
        %swap3A_1002 = arith.index_cast %add3A_984 : i32 to index
        %swap3A_1003 = arith.constant 16 : index
        %swap3A_1004 = tpu.vector_load %arg20[%swap3A_1002, %swap3A_1003] {strides = array<i32>} : memref<256x64xf32, #tpu.memory_space<vmem>>, vector<1x16xf32>,
        %swap3A_1005 = vector.shape_cast %swap3A_1004 : vector<1x16xf32> to vector<16xf32>
        %swap3A_1006 = vector.shape_cast %get3A_1001 : vector<16xf32> to vector<1x16xf32>
        tpu.vector_store %arg20[%swap3A_1002, %swap3A_1003], %swap3A_1006 {strides = array<i32>} : memref<256x64xf32, #tpu.memory_space<vmem>>, vector<1x16xf32>,
        %get3A_1007 = arith.index_cast %squeeze3A_988 : i32 to index
        %get3A_1008 = arith.constant 0 : index
        %get3A_1009 = tpu.vector_load %arg23[%get3A_1007, %get3A_1008] {strides = array<i32>} : memref<400x32xf32, #tpu.memory_space<vmem>>, vector<1x16xf32>,
        %get3A_1010 = vector.shape_cast %get3A_1009 : vector<1x16xf32> to vector<16xf32>
        %swap3A_1011 = arith.index_cast %add3A_984 : i32 to index
        %swap3A_1012 = arith.constant 32 : index
        %swap3A_1013 = tpu.vector_load %arg20[%swap3A_1011, %swap3A_1012] {strides = array<i32>} : memref<256x64xf32, #tpu.memory_space<vmem>>, vector<1x16xf32>,
        %swap3A_1014 = vector.shape_cast %swap3A_1013 : vector<1x16xf32> to vector<16xf32>
        %swap3A_1015 = vector.shape_cast %get3A_1010 : vector<16xf32> to vector<1x16xf32>
        tpu.vector_store %arg20[%swap3A_1011, %swap3A_1012], %swap3A_1015 {strides = array<i32>} : memref<256x64xf32, #tpu.memory_space<vmem>>, vector<1x16xf32>,
        %get3A_1016 = arith.index_cast %squeeze3A_988 : i32 to index
        %get3A_1017 = arith.constant 16 : index
        %get3A_1018 = tpu.vector_load %arg23[%get3A_1016, %get3A_1017] {strides = array<i32>} : memref<400x32xf32, #tpu.memory_space<vmem>>, vector<1x16xf32>,
        %get3A_1019 = vector.shape_cast %get3A_1018 : vector<1x16xf32> to vector<16xf32>
        %swap3A_1020 = arith.index_cast %add3A_984 : i32 to index
        %swap3A_1021 = arith.constant 48 : index
        %swap3A_1022 = tpu.vector_load %arg20[%swap3A_1020, %swap3A_1021] {strides = array<i32>} : memref<256x64xf32, #tpu.memory_space<vmem>>, vector<1x16xf32>,
        %swap3A_1023 = vector.shape_cast %swap3A_1022 : vector<1x16xf32> to vector<16xf32>
        %swap3A_1024 = vector.shape_cast %get3A_1019 : vector<16xf32> to vector<1x16xf32>
        tpu.vector_store %arg20[%swap3A_1020, %swap3A_1021], %swap3A_1024 {strides = array<i32>} : memref<256x64xf32, #tpu.memory_space<vmem>>, vector<1x16xf32>,
      }
      %scan3A_139 = arith.constant 16 : i32
      %dma_wait3A_140 = arith.constant 0 : i32
      %dma_wait3A_141 = arith.constant 0 : i32
      %dma_wait3A_142 = arith.constant 0 : i32
      %dma_wait3A_143 = tpu.memref_slice %arg17[%dma_wait3A_141, %dma_wait3A_142] : memref<256x64xf32, #tpu.memory_space<vmem>> -> memref<128x64xf32, #tpu.memory_space<vmem>>
      %dma_wait3A_144 = arith.constant 0 : i32
      %dma_wait3A_145 = tpu.memref_slice %arg8[%dma_wait3A_140, %dma_wait3A_144] : memref<2x128xi32, #tpu.memory_space<vmem>> -> memref<1x128xi32, #tpu.memory_space<vmem>>
      %dma_wait3A_146 = tpu.memref_squeeze %dma_wait3A_145 : memref<1x128xi32, #tpu.memory_space<vmem>> -> memref<128xi32, #tpu.memory_space<vmem>>
      %dma_wait3A_147 = arith.constant 0 : i32
      %dma_wait3A_148 = arith.constant 0 : i32
      %dma_wait3A_149 = tpu.memref_slice %arg5[%dma_wait3A_147, %dma_wait3A_148] : memref<1000000x64xf32, #tpu.memory_space<hbm>> -> memref<1000000x64xf32, #tpu.memory_space<hbm>>
      tpu.wait_indirect_dma semaphore(%arg24 : memref<!tpu.dma_semaphore, #tpu.memory_space<semaphore_mem>>) src(%dma_wait3A_149 : memref<1000000x64xf32, #tpu.memory_space<hbm>>) dst(%dma_wait3A_143 : memref<128x64xf32, #tpu.memory_space<vmem>>)
      %dma_wait3A_150 = arith.constant 1 : i32
      %dma_wait3A_151 = arith.constant 128 : i32
      %dma_wait3A_152 = arith.constant 0 : i32
      %dma_wait3A_153 = tpu.memref_slice %arg17[%dma_wait3A_151, %dma_wait3A_152] : memref<256x64xf32, #tpu.memory_space<vmem>> -> memref<128x64xf32, #tpu.memory_space<vmem>>
      %dma_wait3A_154 = arith.constant 0 : i32
      %dma_wait3A_155 = tpu.memref_slice %arg8[%dma_wait3A_150, %dma_wait3A_154] : memref<2x128xi32, #tpu.memory_space<vmem>> -> memref<1x128xi32, #tpu.memory_space<vmem>>
      %dma_wait3A_156 = tpu.memref_squeeze %dma_wait3A_155 : memref<1x128xi32, #tpu.memory_space<vmem>> -> memref<128xi32, #tpu.memory_space<vmem>>
      %dma_wait3A_157 = arith.constant 0 : i32
      %dma_wait3A_158 = arith.constant 0 : i32
      %dma_wait3A_159 = tpu.memref_slice %arg5[%dma_wait3A_157, %dma_wait3A_158] : memref<1000000x64xf32, #tpu.memory_space<hbm>> -> memref<1000000x64xf32, #tpu.memory_space<hbm>>
      tpu.wait_indirect_dma semaphore(%arg24 : memref<!tpu.dma_semaphore, #tpu.memory_space<semaphore_mem>>) src(%dma_wait3A_159 : memref<1000000x64xf32, #tpu.memory_space<hbm>>) dst(%dma_wait3A_153 : memref<128x64xf32, #tpu.memory_space<vmem>>)
      %dma_start3A_160 = arith.constant 0 : i32
      %dma_start3A_161 = tpu.memref_slice %arg7[%add3A_106, %dma_start3A_160] : memref<819200x128xf32, #tpu.memory_space<hbm>> -> memref<256x64xf32, #tpu.memory_space<hbm>>
      %dma_start3A_162 = arith.constant 0 : i32
      %dma_start3A_163 = tpu.memref_slice %arg7[%add3A_106, %dma_start3A_162] : memref<819200x128xf32, #tpu.memory_space<hbm>> -> memref<256x64xf32, #tpu.memory_space<hbm>>
      tpu.enqueue_dma source(%arg17 : memref<256x64xf32, #tpu.memory_space<vmem>>) target(%dma_start3A_163 : memref<256x64xf32, #tpu.memory_space<hbm>>) target_semaphore(%arg27 : memref<!tpu.dma_semaphore, #tpu.memory_space<semaphore_mem>>)
      %dma_start3A_164 = arith.constant 64 : i32
      %dma_start3A_165 = tpu.memref_slice %arg7[%add3A_106, %dma_start3A_164] : memref<819200x128xf32, #tpu.memory_space<hbm>> -> memref<256x64xf32, #tpu.memory_space<hbm>>
      %dma_start3A_166 = arith.constant 64 : i32
      %dma_start3A_167 = tpu.memref_slice %arg7[%add3A_106, %dma_start3A_166] : memref<819200x128xf32, #tpu.memory_space<hbm>> -> memref<256x64xf32, #tpu.memory_space<hbm>>
      tpu.enqueue_dma source(%arg20 : memref<256x64xf32, #tpu.memory_space<vmem>>) target(%dma_start3A_167 : memref<256x64xf32, #tpu.memory_space<hbm>>) target_semaphore(%arg27 : memref<!tpu.dma_semaphore, #tpu.memory_space<semaphore_mem>>)
      %mul3A_168 = arith.constant 3 : i32
      %mul3A_169 = arith.muli %scan3A_97, %mul3A_168 : i32
      %add3A_170 = arith.constant 1 : i32
      %add3A_171 = arith.addi %mul3A_169, %add3A_170 : i32
      %mul3A_172 = arith.constant 25600 : i32
      %mul3A_173 = arith.muli %add3A, %mul3A_172 : i32
      %mul3A_174 = arith.constant 256 : i32
      %mul3A_175 = arith.muli %add3A_171, %mul3A_174 : i32
      %add3A_176 = arith.addi %mul3A_173, %mul3A_175 : i32
      %ge3A_177 = arith.constant 2 : i32
      %ge3A_178 = arith.cmpi sge, %add3A_171, %ge3A_177 : i32
      %convert_element_type3A_179 = arith.extui %ge3A_178 : i1 to i32
      %cond3A_180 = arith.constant 0 : i32
      %cond3A_181 = arith.cmpi ne, %convert_element_type3A_179, %cond3A_180 : i32
      scf.if %cond3A_181 {
        %sub3A_314 = arith.constant 512 : i32
        %sub3A_315 = arith.subi %add3A_176, %sub3A_314 : i32
        %dma_wait3A_316 = arith.constant 0 : i32
        %dma_wait3A_317 = tpu.memref_slice %arg7[%sub3A_315, %dma_wait3A_316] : memref<819200x128xf32, #tpu.memory_space<hbm>> -> memref<256x64xf32, #tpu.memory_space<hbm>>
        %dma_wait3A_318 = arith.constant 0 : i32
        %dma_wait3A_319 = tpu.memref_slice %arg7[%sub3A_315, %dma_wait3A_318] : memref<819200x128xf32, #tpu.memory_space<hbm>> -> memref<256x64xf32, #tpu.memory_space<hbm>>
        tpu.wait_dma2 semaphore(%arg29 : memref<!tpu.dma_semaphore, #tpu.memory_space<semaphore_mem>>) src(%arg19 : memref<256x64xf32, #tpu.memory_space<vmem>>) dst(%dma_wait3A_319 : memref<256x64xf32, #tpu.memory_space<hbm>>)
        %dma_wait3A_320 = arith.constant 64 : i32
        %dma_wait3A_321 = tpu.memref_slice %arg7[%sub3A_315, %dma_wait3A_320] : memref<819200x128xf32, #tpu.memory_space<hbm>> -> memref<256x64xf32, #tpu.memory_space<hbm>>
        %dma_wait3A_322 = arith.constant 64 : i32
        %dma_wait3A_323 = tpu.memref_slice %arg7[%sub3A_315, %dma_wait3A_322] : memref<819200x128xf32, #tpu.memory_space<hbm>> -> memref<256x64xf32, #tpu.memory_space<hbm>>
        tpu.wait_dma2 semaphore(%arg29 : memref<!tpu.dma_semaphore, #tpu.memory_space<semaphore_mem>>) src(%arg22 : memref<256x64xf32, #tpu.memory_space<vmem>>) dst(%dma_wait3A_323 : memref<256x64xf32, #tpu.memory_space<hbm>>)
      } else {
      }
      %add3A_182 = arith.constant 1 : i32
      %add3A_183 = arith.addi %add3A_171, %add3A_182 : i32
      %add3A_184 = arith.addi %mul3A_2, %add3A_183 : i32
      "tpu.region"() ({
        %run_scoped3A = tpu.sem_alloc : memref<!tpu.dma_semaphore, #tpu.memory_space<semaphore_mem>>
        %dma_start3A_314 = arith.constant 0 : i32
        %dma_start3A_315 = arith.constant 0 : i32
        %dma_start3A_316 = tpu.memref_slice %arg2[%add3A_184, %dma_start3A_314, %dma_start3A_315] : memref<3200x2x128xi32, #tpu.memory_space<hbm>> -> memref<1x2x128xi32, #tpu.memory_space<hbm>>
        %dma_start3A_317 = tpu.memref_squeeze %dma_start3A_316 : memref<1x2x128xi32, #tpu.memory_space<hbm>> -> memref<2x128xi32, #tpu.memory_space<hbm>>
        %dma_start3A_318 = arith.constant 0 : i32
        %dma_start3A_319 = arith.constant 0 : i32
        %dma_start3A_320 = tpu.memref_slice %arg2[%add3A_184, %dma_start3A_318, %dma_start3A_319] : memref<3200x2x128xi32, #tpu.memory_space<hbm>> -> memref<1x2x128xi32, #tpu.memory_space<hbm>>
        %dma_start3A_321 = tpu.memref_squeeze %dma_start3A_320 : memref<1x2x128xi32, #tpu.memory_space<hbm>> -> memref<2x128xi32, #tpu.memory_space<hbm>>
        tpu.enqueue_dma source(%dma_start3A_321 : memref<2x128xi32, #tpu.memory_space<hbm>>) target(%arg10 : memref<2x128xi32, #tpu.memory_space<vmem>>) target_semaphore(%run_scoped3A : memref<!tpu.dma_semaphore, #tpu.memory_space<semaphore_mem>>)
        %dma_wait3A_322 = arith.constant 0 : i32
        %dma_wait3A_323 = arith.constant 0 : i32
        %dma_wait3A_324 = tpu.memref_slice %arg2[%add3A_184, %dma_wait3A_322, %dma_wait3A_323] : memref<3200x2x128xi32, #tpu.memory_space<hbm>> -> memref<1x2x128xi32, #tpu.memory_space<hbm>>
        %dma_wait3A_325 = tpu.memref_squeeze %dma_wait3A_324 : memref<1x2x128xi32, #tpu.memory_space<hbm>> -> memref<2x128xi32, #tpu.memory_space<hbm>>
        %dma_wait3A_326 = arith.constant 0 : i32
        %dma_wait3A_327 = arith.constant 0 : i32
        %dma_wait3A_328 = tpu.memref_slice %arg2[%add3A_184, %dma_wait3A_326, %dma_wait3A_327] : memref<3200x2x128xi32, #tpu.memory_space<hbm>> -> memref<1x2x128xi32, #tpu.memory_space<hbm>>
        %dma_wait3A_329 = tpu.memref_squeeze %dma_wait3A_328 : memref<1x2x128xi32, #tpu.memory_space<hbm>> -> memref<2x128xi32, #tpu.memory_space<hbm>>
        tpu.wait_dma2 semaphore(%run_scoped3A : memref<!tpu.dma_semaphore, #tpu.memory_space<semaphore_mem>>) src(%dma_wait3A_329 : memref<2x128xi32, #tpu.memory_space<hbm>>) dst(%arg10 : memref<2x128xi32, #tpu.memory_space<vmem>>)
        tpu.yield
      }) : () -> ()
      %add3A_185 = arith.addi %mul3A_2, %add3A_183 : i32
      "tpu.region"() ({
        %run_scoped3A = tpu.sem_alloc : memref<!tpu.dma_semaphore, #tpu.memory_space<semaphore_mem>>
        %dma_start3A_314 = arith.constant 0 : i32
        %dma_start3A_315 = tpu.memref_slice %arg3[%add3A_185, %dma_start3A_314] : memref<3200x256xi32, #tpu.memory_space<hbm>> -> memref<1x256xi32, #tpu.memory_space<hbm>>
        %dma_start3A_316 = tpu.memref_squeeze %dma_start3A_315 : memref<1x256xi32, #tpu.memory_space<hbm>> -> memref<256xi32, #tpu.memory_space<hbm>>
        %dma_start3A_317 = arith.constant 0 : i32
        %dma_start3A_318 = tpu.memref_slice %arg3[%add3A_185, %dma_start3A_317] : memref<3200x256xi32, #tpu.memory_space<hbm>> -> memref<1x256xi32, #tpu.memory_space<hbm>>
        %dma_start3A_319 = tpu.memref_squeeze %dma_start3A_318 : memref<1x256xi32, #tpu.memory_space<hbm>> -> memref<256xi32, #tpu.memory_space<hbm>>
        tpu.enqueue_dma source(%dma_start3A_319 : memref<256xi32, #tpu.memory_space<hbm>>) target(%arg13 : memref<256xi32, #tpu.memory_space<vmem>>) target_semaphore(%run_scoped3A : memref<!tpu.dma_semaphore, #tpu.memory_space<semaphore_mem>>)
        %dma_wait3A_320 = arith.constant 0 : i32
        %dma_wait3A_321 = tpu.memref_slice %arg3[%add3A_185, %dma_wait3A_320] : memref<3200x256xi32, #tpu.memory_space<hbm>> -> memref<1x256xi32, #tpu.memory_space<hbm>>
        %dma_wait3A_322 = tpu.memref_squeeze %dma_wait3A_321 : memref<1x256xi32, #tpu.memory_space<hbm>> -> memref<256xi32, #tpu.memory_space<hbm>>
        %dma_wait3A_323 = arith.constant 0 : i32
        %dma_wait3A_324 = tpu.memref_slice %arg3[%add3A_185, %dma_wait3A_323] : memref<3200x256xi32, #tpu.memory_space<hbm>> -> memref<1x256xi32, #tpu.memory_space<hbm>>
        %dma_wait3A_325 = tpu.memref_squeeze %dma_wait3A_324 : memref<1x256xi32, #tpu.memory_space<hbm>> -> memref<256xi32, #tpu.memory_space<hbm>>
        tpu.wait_dma2 semaphore(%run_scoped3A : memref<!tpu.dma_semaphore, #tpu.memory_space<semaphore_mem>>) src(%dma_wait3A_325 : memref<256xi32, #tpu.memory_space<hbm>>) dst(%arg13 : memref<256xi32, #tpu.memory_space<vmem>>)
        tpu.yield
      }) : () -> ()
      %add3A_186 = arith.addi %mul3A_2, %add3A_183 : i32
      "tpu.region"() ({
        %run_scoped3A = tpu.sem_alloc : memref<!tpu.dma_semaphore, #tpu.memory_space<semaphore_mem>>
        %dma_start3A_314 = arith.constant 0 : i32
        %dma_start3A_315 = tpu.memref_slice %arg4[%add3A_186, %dma_start3A_314] : memref<3200x256xi32, #tpu.memory_space<hbm>> -> memref<1x256xi32, #tpu.memory_space<hbm>>
        %dma_start3A_316 = tpu.memref_squeeze %dma_start3A_315 : memref<1x256xi32, #tpu.memory_space<hbm>> -> memref<256xi32, #tpu.memory_space<hbm>>
        %dma_start3A_317 = arith.constant 0 : i32
        %dma_start3A_318 = tpu.memref_slice %arg4[%add3A_186, %dma_start3A_317] : memref<3200x256xi32, #tpu.memory_space<hbm>> -> memref<1x256xi32, #tpu.memory_space<hbm>>
        %dma_start3A_319 = tpu.memref_squeeze %dma_start3A_318 : memref<1x256xi32, #tpu.memory_space<hbm>> -> memref<256xi32, #tpu.memory_space<hbm>>
        tpu.enqueue_dma source(%dma_start3A_319 : memref<256xi32, #tpu.memory_space<hbm>>) target(%arg16 : memref<256xi32, #tpu.memory_space<vmem>>) target_semaphore(%run_scoped3A : memref<!tpu.dma_semaphore, #tpu.memory_space<semaphore_mem>>)
        %dma_wait3A_320 = arith.constant 0 : i32
        %dma_wait3A_321 = tpu.memref_slice %arg4[%add3A_186, %dma_wait3A_320] : memref<3200x256xi32, #tpu.memory_space<hbm>> -> memref<1x256xi32, #tpu.memory_space<hbm>>
        %dma_wait3A_322 = tpu.memref_squeeze %dma_wait3A_321 : memref<1x256xi32, #tpu.memory_space<hbm>> -> memref<256xi32, #tpu.memory_space<hbm>>
        %dma_wait3A_323 = arith.constant 0 : i32
        %dma_wait3A_324 = tpu.memref_slice %arg4[%add3A_186, %dma_wait3A_323] : memref<3200x256xi32, #tpu.memory_space<hbm>> -> memref<1x256xi32, #tpu.memory_space<hbm>>
        %dma_wait3A_325 = tpu.memref_squeeze %dma_wait3A_324 : memref<1x256xi32, #tpu.memory_space<hbm>> -> memref<256xi32, #tpu.memory_space<hbm>>
        tpu.wait_dma2 semaphore(%run_scoped3A : memref<!tpu.dma_semaphore, #tpu.memory_space<semaphore_mem>>) src(%dma_wait3A_325 : memref<256xi32, #tpu.memory_space<hbm>>) dst(%arg16 : memref<256xi32, #tpu.memory_space<vmem>>)
        tpu.yield
      }) : () -> ()
      %dma_start3A_187 = arith.constant 0 : i32
      %dma_start3A_188 = arith.constant 0 : i32
      %dma_start3A_189 = arith.constant 0 : i32
      %dma_start3A_190 = tpu.memref_slice %arg19[%dma_start3A_188, %dma_start3A_189] : memref<256x64xf32, #tpu.memory_space<vmem>> -> memref<128x64xf32, #tpu.memory_space<vmem>>
      %dma_start3A_191 = arith.constant 0 : i32
      %dma_start3A_192 = tpu.memref_slice %arg10[%dma_start3A_187, %dma_start3A_191] : memref<2x128xi32, #tpu.memory_space<vmem>> -> memref<1x128xi32, #tpu.memory_space<vmem>>
      %dma_start3A_193 = tpu.memref_squeeze %dma_start3A_192 : memref<1x128xi32, #tpu.memory_space<vmem>> -> memref<128xi32, #tpu.memory_space<vmem>>
      %dma_start3A_194 = arith.constant 0 : i32
      %dma_start3A_195 = arith.constant 0 : i32
      %dma_start3A_196 = tpu.memref_slice %arg5[%dma_start3A_194, %dma_start3A_195] : memref<1000000x64xf32, #tpu.memory_space<hbm>> -> memref<1000000x64xf32, #tpu.memory_space<hbm>>
      tpu.enqueue_indirect_dma source(%dma_start3A_196 : memref<1000000x64xf32, #tpu.memory_space<hbm>>) target(%dma_start3A_190 : memref<128x64xf32, #tpu.memory_space<vmem>>) offsets(%dma_start3A_193 : memref<128xi32, #tpu.memory_space<vmem>>) semaphore(%arg26 : memref<!tpu.dma_semaphore, #tpu.memory_space<semaphore_mem>>)
      %dma_start3A_197 = arith.constant 1 : i32
      %dma_start3A_198 = arith.constant 128 : i32
      %dma_start3A_199 = arith.constant 0 : i32
      %dma_start3A_200 = tpu.memref_slice %arg19[%dma_start3A_198, %dma_start3A_199] : memref<256x64xf32, #tpu.memory_space<vmem>> -> memref<128x64xf32, #tpu.memory_space<vmem>>
      %dma_start3A_201 = arith.constant 0 : i32
      %dma_start3A_202 = tpu.memref_slice %arg10[%dma_start3A_197, %dma_start3A_201] : memref<2x128xi32, #tpu.memory_space<vmem>> -> memref<1x128xi32, #tpu.memory_space<vmem>>
      %dma_start3A_203 = tpu.memref_squeeze %dma_start3A_202 : memref<1x128xi32, #tpu.memory_space<vmem>> -> memref<128xi32, #tpu.memory_space<vmem>>
      %dma_start3A_204 = arith.constant 0 : i32
      %dma_start3A_205 = arith.constant 0 : i32
      %dma_start3A_206 = tpu.memref_slice %arg5[%dma_start3A_204, %dma_start3A_205] : memref<1000000x64xf32, #tpu.memory_space<hbm>> -> memref<1000000x64xf32, #tpu.memory_space<hbm>>
      tpu.enqueue_indirect_dma source(%dma_start3A_206 : memref<1000000x64xf32, #tpu.memory_space<hbm>>) target(%dma_start3A_200 : memref<128x64xf32, #tpu.memory_space<vmem>>) offsets(%dma_start3A_203 : memref<128xi32, #tpu.memory_space<vmem>>) semaphore(%arg26 : memref<!tpu.dma_semaphore, #tpu.memory_space<semaphore_mem>>)
      %scan3A_207 = arith.constant 0 : i32
      %scan3A_208 = arith.constant 0 : i32
      %scan3A_209 = arith.constant 16 : i32
      %scan3A_210 = arith.addi %scan3A_208, %scan3A_209 : i32
      %scan3A_211 = arith.constant 1 : i32
      scf.for %scan3A_314 = %scan3A_208 to %scan3A_210 step %scan3A_211  : i32 {
        %mul3A_315 = arith.constant 16 : i32
        %mul3A_316 = arith.muli %scan3A_314, %mul3A_315 : i32
        %get3A = arith.index_cast %mul3A_316 : i32 to index
        %get3A_317 = tpu.vector_load %arg12[%get3A] {strides = array<i32>} : memref<256xi32, #tpu.memory_space<vmem>>, vector<16xi32>,
        %get3A_318 = vector.shape_cast %get3A_317 : vector<16xi32> to vector<16xi32>
        %mul3A_319 = arith.constant 16 : i32
        %mul3A_320 = arith.muli %scan3A_314, %mul3A_319 : i32
        %get3A_321 = arith.index_cast %mul3A_320 : i32 to index
        %get3A_322 = tpu.vector_load %arg15[%get3A_321] {strides = array<i32>} : memref<256xi32, #tpu.memory_space<vmem>>, vector<16xi32>,
        %get3A_323 = vector.shape_cast %get3A_322 : vector<16xi32> to vector<16xi32>
        %mul3A_324 = arith.constant 16 : i32
        %mul3A_325 = arith.muli %scan3A_314, %mul3A_324 : i32
        %add3A_326 = arith.constant 0 : i32
        %add3A_327 = arith.addi %mul3A_325, %add3A_326 : i32
        %slice3A = vector.extract_strided_slice %get3A_318 {offsets = [0], sizes = [1], strides = [1]} : vector<16xi32> to vector<1xi32>
        %squeeze3A = vector.extract %slice3A[0] : i32 from vector<1xi32>
        %slice3A_328 = vector.extract_strided_slice %get3A_323 {offsets = [0], sizes = [1], strides = [1]} : vector<16xi32> to vector<1xi32>
        %squeeze3A_329 = vector.extract %slice3A_328[0] : i32 from vector<1xi32>
        %get3A_330 = arith.index_cast %squeeze3A : i32 to index
        %get3A_331 = arith.constant 0 : index
        %get3A_332 = tpu.vector_load %arg23[%get3A_330, %get3A_331] {strides = array<i32>} : memref<400x32xf32, #tpu.memory_space<vmem>>, vector<1x16xf32>,
        %get3A_333 = vector.shape_cast %get3A_332 : vector<1x16xf32> to vector<16xf32>
        %swap3A = arith.index_cast %add3A_327 : i32 to index
        %swap3A_334 = arith.constant 0 : index
        %swap3A_335 = tpu.vector_load %arg21[%swap3A, %swap3A_334] {strides = array<i32>} : memref<256x64xf32, #tpu.memory_space<vmem>>, vector<1x16xf32>,
        %swap3A_336 = vector.shape_cast %swap3A_335 : vector<1x16xf32> to vector<16xf32>
        %swap3A_337 = vector.shape_cast %get3A_333 : vector<16xf32> to vector<1x16xf32>
        tpu.vector_store %arg21[%swap3A, %swap3A_334], %swap3A_337 {strides = array<i32>} : memref<256x64xf32, #tpu.memory_space<vmem>>, vector<1x16xf32>,
        %get3A_338 = arith.index_cast %squeeze3A : i32 to index
        %get3A_339 = arith.constant 16 : index
        %get3A_340 = tpu.vector_load %arg23[%get3A_338, %get3A_339] {strides = array<i32>} : memref<400x32xf32, #tpu.memory_space<vmem>>, vector<1x16xf32>,
        %get3A_341 = vector.shape_cast %get3A_340 : vector<1x16xf32> to vector<16xf32>
        %swap3A_342 = arith.index_cast %add3A_327 : i32 to index
        %swap3A_343 = arith.constant 16 : index
        %swap3A_344 = tpu.vector_load %arg21[%swap3A_342, %swap3A_343] {strides = array<i32>} : memref<256x64xf32, #tpu.memory_space<vmem>>, vector<1x16xf32>,
        %swap3A_345 = vector.shape_cast %swap3A_344 : vector<1x16xf32> to vector<16xf32>
        %swap3A_346 = vector.shape_cast %get3A_341 : vector<16xf32> to vector<1x16xf32>
        tpu.vector_store %arg21[%swap3A_342, %swap3A_343], %swap3A_346 {strides = array<i32>} : memref<256x64xf32, #tpu.memory_space<vmem>>, vector<1x16xf32>,
        %get3A_347 = arith.index_cast %squeeze3A_329 : i32 to index
        %get3A_348 = arith.constant 0 : index
        %get3A_349 = tpu.vector_load %arg23[%get3A_347, %get3A_348] {strides = array<i32>} : memref<400x32xf32, #tpu.memory_space<vmem>>, vector<1x16xf32>,
        %get3A_350 = vector.shape_cast %get3A_349 : vector<1x16xf32> to vector<16xf32>
        %swap3A_351 = arith.index_cast %add3A_327 : i32 to index
        %swap3A_352 = arith.constant 32 : index
        %swap3A_353 = tpu.vector_load %arg21[%swap3A_351, %swap3A_352] {strides = array<i32>} : memref<256x64xf32, #tpu.memory_space<vmem>>, vector<1x16xf32>,
        %swap3A_354 = vector.shape_cast %swap3A_353 : vector<1x16xf32> to vector<16xf32>
        %swap3A_355 = vector.shape_cast %get3A_350 : vector<16xf32> to vector<1x16xf32>
        tpu.vector_store %arg21[%swap3A_351, %swap3A_352], %swap3A_355 {strides = array<i32>} : memref<256x64xf32, #tpu.memory_space<vmem>>, vector<1x16xf32>,
        %get3A_356 = arith.index_cast %squeeze3A_329 : i32 to index
        %get3A_357 = arith.constant 16 : index
        %get3A_358 = tpu.vector_load %arg23[%get3A_356, %get3A_357] {strides = array<i32>} : memref<400x32xf32, #tpu.memory_space<vmem>>, vector<1x16xf32>,
        %get3A_359 = vector.shape_cast %get3A_358 : vector<1x16xf32> to vector<16xf32>
        %swap3A_360 = arith.index_cast %add3A_327 : i32 to index
        %swap3A_361 = arith.constant 48 : index
        %swap3A_362 = tpu.vector_load %arg21[%swap3A_360, %swap3A_361] {strides = array<i32>} : memref<256x64xf32, #tpu.memory_space<vmem>>, vector<1x16xf32>,
        %swap3A_363 = vector.shape_cast %swap3A_362 : vector<1x16xf32> to vector<16xf32>
        %swap3A_364 = vector.shape_cast %get3A_359 : vector<16xf32> to vector<1x16xf32>
        tpu.vector_store %arg21[%swap3A_360, %swap3A_361], %swap3A_364 {strides = array<i32>} : memref<256x64xf32, #tpu.memory_space<vmem>>, vector<1x16xf32>,
        %mul3A_365 = arith.constant 16 : i32
        %mul3A_366 = arith.muli %scan3A_314, %mul3A_365 : i32
        %add3A_367 = arith.constant 1 : i32
        %add3A_368 = arith.addi %mul3A_366, %add3A_367 : i32
        %slice3A_369 = vector.extract_strided_slice %get3A_318 {offsets = [1], sizes = [1], strides = [1]} : vector<16xi32> to vector<1xi32>
        %squeeze3A_370 = vector.extract %slice3A_369[0] : i32 from vector<1xi32>
        %slice3A_371 = vector.extract_strided_slice %get3A_323 {offsets = [1], sizes = [1], strides = [1]} : vector<16xi32> to vector<1xi32>
        %squeeze3A_372 = vector.extract %slice3A_371[0] : i32 from vector<1xi32>
        %get3A_373 = arith.index_cast %squeeze3A_370 : i32 to index
        %get3A_374 = arith.constant 0 : index
        %get3A_375 = tpu.vector_load %arg23[%get3A_373, %get3A_374] {strides = array<i32>} : memref<400x32xf32, #tpu.memory_space<vmem>>, vector<1x16xf32>,
        %get3A_376 = vector.shape_cast %get3A_375 : vector<1x16xf32> to vector<16xf32>
        %swap3A_377 = arith.index_cast %add3A_368 : i32 to index
        %swap3A_378 = arith.constant 0 : index
        %swap3A_379 = tpu.vector_load %arg21[%swap3A_377, %swap3A_378] {strides = array<i32>} : memref<256x64xf32, #tpu.memory_space<vmem>>, vector<1x16xf32>,
        %swap3A_380 = vector.shape_cast %swap3A_379 : vector<1x16xf32> to vector<16xf32>
        %swap3A_381 = vector.shape_cast %get3A_376 : vector<16xf32> to vector<1x16xf32>
        tpu.vector_store %arg21[%swap3A_377, %swap3A_378], %swap3A_381 {strides = array<i32>} : memref<256x64xf32, #tpu.memory_space<vmem>>, vector<1x16xf32>,
        %get3A_382 = arith.index_cast %squeeze3A_370 : i32 to index
        %get3A_383 = arith.constant 16 : index
        %get3A_384 = tpu.vector_load %arg23[%get3A_382, %get3A_383] {strides = array<i32>} : memref<400x32xf32, #tpu.memory_space<vmem>>, vector<1x16xf32>,
        %get3A_385 = vector.shape_cast %get3A_384 : vector<1x16xf32> to vector<16xf32>
        %swap3A_386 = arith.index_cast %add3A_368 : i32 to index
        %swap3A_387 = arith.constant 16 : index
        %swap3A_388 = tpu.vector_load %arg21[%swap3A_386, %swap3A_387] {strides = array<i32>} : memref<256x64xf32, #tpu.memory_space<vmem>>, vector<1x16xf32>,
        %swap3A_389 = vector.shape_cast %swap3A_388 : vector<1x16xf32> to vector<16xf32>
        %swap3A_390 = vector.shape_cast %get3A_385 : vector<16xf32> to vector<1x16xf32>
        tpu.vector_store %arg21[%swap3A_386, %swap3A_387], %swap3A_390 {strides = array<i32>} : memref<256x64xf32, #tpu.memory_space<vmem>>, vector<1x16xf32>,
        %get3A_391 = arith.index_cast %squeeze3A_372 : i32 to index
        %get3A_392 = arith.constant 0 : index
        %get3A_393 = tpu.vector_load %arg23[%get3A_391, %get3A_392] {strides = array<i32>} : memref<400x32xf32, #tpu.memory_space<vmem>>, vector<1x16xf32>,
        %get3A_394 = vector.shape_cast %get3A_393 : vector<1x16xf32> to vector<16xf32>
        %swap3A_395 = arith.index_cast %add3A_368 : i32 to index
        %swap3A_396 = arith.constant 32 : index
        %swap3A_397 = tpu.vector_load %arg21[%swap3A_395, %swap3A_396] {strides = array<i32>} : memref<256x64xf32, #tpu.memory_space<vmem>>, vector<1x16xf32>,
        %swap3A_398 = vector.shape_cast %swap3A_397 : vector<1x16xf32> to vector<16xf32>
        %swap3A_399 = vector.shape_cast %get3A_394 : vector<16xf32> to vector<1x16xf32>
        tpu.vector_store %arg21[%swap3A_395, %swap3A_396], %swap3A_399 {strides = array<i32>} : memref<256x64xf32, #tpu.memory_space<vmem>>, vector<1x16xf32>,
        %get3A_400 = arith.index_cast %squeeze3A_372 : i32 to index
        %get3A_401 = arith.constant 16 : index
        %get3A_402 = tpu.vector_load %arg23[%get3A_400, %get3A_401] {strides = array<i32>} : memref<400x32xf32, #tpu.memory_space<vmem>>, vector<1x16xf32>,
        %get3A_403 = vector.shape_cast %get3A_402 : vector<1x16xf32> to vector<16xf32>
        %swap3A_404 = arith.index_cast %add3A_368 : i32 to index
        %swap3A_405 = arith.constant 48 : index
        %swap3A_406 = tpu.vector_load %arg21[%swap3A_404, %swap3A_405] {strides = array<i32>} : memref<256x64xf32, #tpu.memory_space<vmem>>, vector<1x16xf32>,
        %swap3A_407 = vector.shape_cast %swap3A_406 : vector<1x16xf32> to vector<16xf32>
        %swap3A_408 = vector.shape_cast %get3A_403 : vector<16xf32> to vector<1x16xf32>
        tpu.vector_store %arg21[%swap3A_404, %swap3A_405], %swap3A_408 {strides = array<i32>} : memref<256x64xf32, #tpu.memory_space<vmem>>, vector<1x16xf32>,
        %mul3A_409 = arith.constant 16 : i32
        %mul3A_410 = arith.muli %scan3A_314, %mul3A_409 : i32
        %add3A_411 = arith.constant 2 : i32
        %add3A_412 = arith.addi %mul3A_410, %add3A_411 : i32
        %slice3A_413 = vector.extract_strided_slice %get3A_318 {offsets = [2], sizes = [1], strides = [1]} : vector<16xi32> to vector<1xi32>
        %squeeze3A_414 = vector.extract %slice3A_413[0] : i32 from vector<1xi32>
        %slice3A_415 = vector.extract_strided_slice %get3A_323 {offsets = [2], sizes = [1], strides = [1]} : vector<16xi32> to vector<1xi32>
        %squeeze3A_416 = vector.extract %slice3A_415[0] : i32 from vector<1xi32>
        %get3A_417 = arith.index_cast %squeeze3A_414 : i32 to index
        %get3A_418 = arith.constant 0 : index
        %get3A_419 = tpu.vector_load %arg23[%get3A_417, %get3A_418] {strides = array<i32>} : memref<400x32xf32, #tpu.memory_space<vmem>>, vector<1x16xf32>,
        %get3A_420 = vector.shape_cast %get3A_419 : vector<1x16xf32> to vector<16xf32>
        %swap3A_421 = arith.index_cast %add3A_412 : i32 to index
        %swap3A_422 = arith.constant 0 : index
        %swap3A_423 = tpu.vector_load %arg21[%swap3A_421, %swap3A_422] {strides = array<i32>} : memref<256x64xf32, #tpu.memory_space<vmem>>, vector<1x16xf32>,
        %swap3A_424 = vector.shape_cast %swap3A_423 : vector<1x16xf32> to vector<16xf32>
        %swap3A_425 = vector.shape_cast %get3A_420 : vector<16xf32> to vector<1x16xf32>
        tpu.vector_store %arg21[%swap3A_421, %swap3A_422], %swap3A_425 {strides = array<i32>} : memref<256x64xf32, #tpu.memory_space<vmem>>, vector<1x16xf32>,
        %get3A_426 = arith.index_cast %squeeze3A_414 : i32 to index
        %get3A_427 = arith.constant 16 : index
        %get3A_428 = tpu.vector_load %arg23[%get3A_426, %get3A_427] {strides = array<i32>} : memref<400x32xf32, #tpu.memory_space<vmem>>, vector<1x16xf32>,
        %get3A_429 = vector.shape_cast %get3A_428 : vector<1x16xf32> to vector<16xf32>
        %swap3A_430 = arith.index_cast %add3A_412 : i32 to index
        %swap3A_431 = arith.constant 16 : index
        %swap3A_432 = tpu.vector_load %arg21[%swap3A_430, %swap3A_431] {strides = array<i32>} : memref<256x64xf32, #tpu.memory_space<vmem>>, vector<1x16xf32>,
        %swap3A_433 = vector.shape_cast %swap3A_432 : vector<1x16xf32> to vector<16xf32>
        %swap3A_434 = vector.shape_cast %get3A_429 : vector<16xf32> to vector<1x16xf32>
        tpu.vector_store %arg21[%swap3A_430, %swap3A_431], %swap3A_434 {strides = array<i32>} : memref<256x64xf32, #tpu.memory_space<vmem>>, vector<1x16xf32>,
        %get3A_435 = arith.index_cast %squeeze3A_416 : i32 to index
        %get3A_436 = arith.constant 0 : index
        %get3A_437 = tpu.vector_load %arg23[%get3A_435, %get3A_436] {strides = array<i32>} : memref<400x32xf32, #tpu.memory_space<vmem>>, vector<1x16xf32>,
        %get3A_438 = vector.shape_cast %get3A_437 : vector<1x16xf32> to vector<16xf32>
        %swap3A_439 = arith.index_cast %add3A_412 : i32 to index
        %swap3A_440 = arith.constant 32 : index
        %swap3A_441 = tpu.vector_load %arg21[%swap3A_439, %swap3A_440] {strides = array<i32>} : memref<256x64xf32, #tpu.memory_space<vmem>>, vector<1x16xf32>,
        %swap3A_442 = vector.shape_cast %swap3A_441 : vector<1x16xf32> to vector<16xf32>
        %swap3A_443 = vector.shape_cast %get3A_438 : vector<16xf32> to vector<1x16xf32>
        tpu.vector_store %arg21[%swap3A_439, %swap3A_440], %swap3A_443 {strides = array<i32>} : memref<256x64xf32, #tpu.memory_space<vmem>>, vector<1x16xf32>,
        %get3A_444 = arith.index_cast %squeeze3A_416 : i32 to index
        %get3A_445 = arith.constant 16 : index
        %get3A_446 = tpu.vector_load %arg23[%get3A_444, %get3A_445] {strides = array<i32>} : memref<400x32xf32, #tpu.memory_space<vmem>>, vector<1x16xf32>,
        %get3A_447 = vector.shape_cast %get3A_446 : vector<1x16xf32> to vector<16xf32>
        %swap3A_448 = arith.index_cast %add3A_412 : i32 to index
        %swap3A_449 = arith.constant 48 : index
        %swap3A_450 = tpu.vector_load %arg21[%swap3A_448, %swap3A_449] {strides = array<i32>} : memref<256x64xf32, #tpu.memory_space<vmem>>, vector<1x16xf32>,
        %swap3A_451 = vector.shape_cast %swap3A_450 : vector<1x16xf32> to vector<16xf32>
        %swap3A_452 = vector.shape_cast %get3A_447 : vector<16xf32> to vector<1x16xf32>
        tpu.vector_store %arg21[%swap3A_448, %swap3A_449], %swap3A_452 {strides = array<i32>} : memref<256x64xf32, #tpu.memory_space<vmem>>, vector<1x16xf32>,
        %mul3A_453 = arith.constant 16 : i32
        %mul3A_454 = arith.muli %scan3A_314, %mul3A_453 : i32
        %add3A_455 = arith.constant 3 : i32
        %add3A_456 = arith.addi %mul3A_454, %add3A_455 : i32
        %slice3A_457 = vector.extract_strided_slice %get3A_318 {offsets = [3], sizes = [1], strides = [1]} : vector<16xi32> to vector<1xi32>
        %squeeze3A_458 = vector.extract %slice3A_457[0] : i32 from vector<1xi32>
        %slice3A_459 = vector.extract_strided_slice %get3A_323 {offsets = [3], sizes = [1], strides = [1]} : vector<16xi32> to vector<1xi32>
        %squeeze3A_460 = vector.extract %slice3A_459[0] : i32 from vector<1xi32>
        %get3A_461 = arith.index_cast %squeeze3A_458 : i32 to index
        %get3A_462 = arith.constant 0 : index
        %get3A_463 = tpu.vector_load %arg23[%get3A_461, %get3A_462] {strides = array<i32>} : memref<400x32xf32, #tpu.memory_space<vmem>>, vector<1x16xf32>,
        %get3A_464 = vector.shape_cast %get3A_463 : vector<1x16xf32> to vector<16xf32>
        %swap3A_465 = arith.index_cast %add3A_456 : i32 to index
        %swap3A_466 = arith.constant 0 : index
        %swap3A_467 = tpu.vector_load %arg21[%swap3A_465, %swap3A_466] {strides = array<i32>} : memref<256x64xf32, #tpu.memory_space<vmem>>, vector<1x16xf32>,
        %swap3A_468 = vector.shape_cast %swap3A_467 : vector<1x16xf32> to vector<16xf32>
        %swap3A_469 = vector.shape_cast %get3A_464 : vector<16xf32> to vector<1x16xf32>
        tpu.vector_store %arg21[%swap3A_465, %swap3A_466], %swap3A_469 {strides = array<i32>} : memref<256x64xf32, #tpu.memory_space<vmem>>, vector<1x16xf32>,
        %get3A_470 = arith.index_cast %squeeze3A_458 : i32 to index
        %get3A_471 = arith.constant 16 : index
        %get3A_472 = tpu.vector_load %arg23[%get3A_470, %get3A_471] {strides = array<i32>} : memref<400x32xf32, #tpu.memory_space<vmem>>, vector<1x16xf32>,
        %get3A_473 = vector.shape_cast %get3A_472 : vector<1x16xf32> to vector<16xf32>
        %swap3A_474 = arith.index_cast %add3A_456 : i32 to index
        %swap3A_475 = arith.constant 16 : index
        %swap3A_476 = tpu.vector_load %arg21[%swap3A_474, %swap3A_475] {strides = array<i32>} : memref<256x64xf32, #tpu.memory_space<vmem>>, vector<1x16xf32>,
        %swap3A_477 = vector.shape_cast %swap3A_476 : vector<1x16xf32> to vector<16xf32>
        %swap3A_478 = vector.shape_cast %get3A_473 : vector<16xf32> to vector<1x16xf32>
        tpu.vector_store %arg21[%swap3A_474, %swap3A_475], %swap3A_478 {strides = array<i32>} : memref<256x64xf32, #tpu.memory_space<vmem>>, vector<1x16xf32>,
        %get3A_479 = arith.index_cast %squeeze3A_460 : i32 to index
        %get3A_480 = arith.constant 0 : index
        %get3A_481 = tpu.vector_load %arg23[%get3A_479, %get3A_480] {strides = array<i32>} : memref<400x32xf32, #tpu.memory_space<vmem>>, vector<1x16xf32>,
        %get3A_482 = vector.shape_cast %get3A_481 : vector<1x16xf32> to vector<16xf32>
        %swap3A_483 = arith.index_cast %add3A_456 : i32 to index
        %swap3A_484 = arith.constant 32 : index
        %swap3A_485 = tpu.vector_load %arg21[%swap3A_483, %swap3A_484] {strides = array<i32>} : memref<256x64xf32, #tpu.memory_space<vmem>>, vector<1x16xf32>,
        %swap3A_486 = vector.shape_cast %swap3A_485 : vector<1x16xf32> to vector<16xf32>
        %swap3A_487 = vector.shape_cast %get3A_482 : vector<16xf32> to vector<1x16xf32>
        tpu.vector_store %arg21[%swap3A_483, %swap3A_484], %swap3A_487 {strides = array<i32>} : memref<256x64xf32, #tpu.memory_space<vmem>>, vector<1x16xf32>,
        %get3A_488 = arith.index_cast %squeeze3A_460 : i32 to index
        %get3A_489 = arith.constant 16 : index
        %get3A_490 = tpu.vector_load %arg23[%get3A_488, %get3A_489] {strides = array<i32>} : memref<400x32xf32, #tpu.memory_space<vmem>>, vector<1x16xf32>,
        %get3A_491 = vector.shape_cast %get3A_490 : vector<1x16xf32> to vector<16xf32>
        %swap3A_492 = arith.index_cast %add3A_456 : i32 to index
        %swap3A_493 = arith.constant 48 : index
        %swap3A_494 = tpu.vector_load %arg21[%swap3A_492, %swap3A_493] {strides = array<i32>} : memref<256x64xf32, #tpu.memory_space<vmem>>, vector<1x16xf32>,
        %swap3A_495 = vector.shape_cast %swap3A_494 : vector<1x16xf32> to vector<16xf32>
        %swap3A_496 = vector.shape_cast %get3A_491 : vector<16xf32> to vector<1x16xf32>
        tpu.vector_store %arg21[%swap3A_492, %swap3A_493], %swap3A_496 {strides = array<i32>} : memref<256x64xf32, #tpu.memory_space<vmem>>, vector<1x16xf32>,
        %mul3A_497 = arith.constant 16 : i32
        %mul3A_498 = arith.muli %scan3A_314, %mul3A_497 : i32
        %add3A_499 = arith.constant 4 : i32
        %add3A_500 = arith.addi %mul3A_498, %add3A_499 : i32
        %slice3A_501 = vector.extract_strided_slice %get3A_318 {offsets = [4], sizes = [1], strides = [1]} : vector<16xi32> to vector<1xi32>
        %squeeze3A_502 = vector.extract %slice3A_501[0] : i32 from vector<1xi32>
        %slice3A_503 = vector.extract_strided_slice %get3A_323 {offsets = [4], sizes = [1], strides = [1]} : vector<16xi32> to vector<1xi32>
        %squeeze3A_504 = vector.extract %slice3A_503[0] : i32 from vector<1xi32>
        %get3A_505 = arith.index_cast %squeeze3A_502 : i32 to index
        %get3A_506 = arith.constant 0 : index
        %get3A_507 = tpu.vector_load %arg23[%get3A_505, %get3A_506] {strides = array<i32>} : memref<400x32xf32, #tpu.memory_space<vmem>>, vector<1x16xf32>,
        %get3A_508 = vector.shape_cast %get3A_507 : vector<1x16xf32> to vector<16xf32>
        %swap3A_509 = arith.index_cast %add3A_500 : i32 to index
        %swap3A_510 = arith.constant 0 : index
        %swap3A_511 = tpu.vector_load %arg21[%swap3A_509, %swap3A_510] {strides = array<i32>} : memref<256x64xf32, #tpu.memory_space<vmem>>, vector<1x16xf32>,
        %swap3A_512 = vector.shape_cast %swap3A_511 : vector<1x16xf32> to vector<16xf32>
        %swap3A_513 = vector.shape_cast %get3A_508 : vector<16xf32> to vector<1x16xf32>
        tpu.vector_store %arg21[%swap3A_509, %swap3A_510], %swap3A_513 {strides = array<i32>} : memref<256x64xf32, #tpu.memory_space<vmem>>, vector<1x16xf32>,
        %get3A_514 = arith.index_cast %squeeze3A_502 : i32 to index
        %get3A_515 = arith.constant 16 : index
        %get3A_516 = tpu.vector_load %arg23[%get3A_514, %get3A_515] {strides = array<i32>} : memref<400x32xf32, #tpu.memory_space<vmem>>, vector<1x16xf32>,
        %get3A_517 = vector.shape_cast %get3A_516 : vector<1x16xf32> to vector<16xf32>
        %swap3A_518 = arith.index_cast %add3A_500 : i32 to index
        %swap3A_519 = arith.constant 16 : index
        %swap3A_520 = tpu.vector_load %arg21[%swap3A_518, %swap3A_519] {strides = array<i32>} : memref<256x64xf32, #tpu.memory_space<vmem>>, vector<1x16xf32>,
        %swap3A_521 = vector.shape_cast %swap3A_520 : vector<1x16xf32> to vector<16xf32>
        %swap3A_522 = vector.shape_cast %get3A_517 : vector<16xf32> to vector<1x16xf32>
        tpu.vector_store %arg21[%swap3A_518, %swap3A_519], %swap3A_522 {strides = array<i32>} : memref<256x64xf32, #tpu.memory_space<vmem>>, vector<1x16xf32>,
        %get3A_523 = arith.index_cast %squeeze3A_504 : i32 to index
        %get3A_524 = arith.constant 0 : index
        %get3A_525 = tpu.vector_load %arg23[%get3A_523, %get3A_524] {strides = array<i32>} : memref<400x32xf32, #tpu.memory_space<vmem>>, vector<1x16xf32>,
        %get3A_526 = vector.shape_cast %get3A_525 : vector<1x16xf32> to vector<16xf32>
        %swap3A_527 = arith.index_cast %add3A_500 : i32 to index
        %swap3A_528 = arith.constant 32 : index
        %swap3A_529 = tpu.vector_load %arg21[%swap3A_527, %swap3A_528] {strides = array<i32>} : memref<256x64xf32, #tpu.memory_space<vmem>>, vector<1x16xf32>,
        %swap3A_530 = vector.shape_cast %swap3A_529 : vector<1x16xf32> to vector<16xf32>
        %swap3A_531 = vector.shape_cast %get3A_526 : vector<16xf32> to vector<1x16xf32>
        tpu.vector_store %arg21[%swap3A_527, %swap3A_528], %swap3A_531 {strides = array<i32>} : memref<256x64xf32, #tpu.memory_space<vmem>>, vector<1x16xf32>,
        %get3A_532 = arith.index_cast %squeeze3A_504 : i32 to index
        %get3A_533 = arith.constant 16 : index
        %get3A_534 = tpu.vector_load %arg23[%get3A_532, %get3A_533] {strides = array<i32>} : memref<400x32xf32, #tpu.memory_space<vmem>>, vector<1x16xf32>,
        %get3A_535 = vector.shape_cast %get3A_534 : vector<1x16xf32> to vector<16xf32>
        %swap3A_536 = arith.index_cast %add3A_500 : i32 to index
        %swap3A_537 = arith.constant 48 : index
        %swap3A_538 = tpu.vector_load %arg21[%swap3A_536, %swap3A_537] {strides = array<i32>} : memref<256x64xf32, #tpu.memory_space<vmem>>, vector<1x16xf32>,
        %swap3A_539 = vector.shape_cast %swap3A_538 : vector<1x16xf32> to vector<16xf32>
        %swap3A_540 = vector.shape_cast %get3A_535 : vector<16xf32> to vector<1x16xf32>
        tpu.vector_store %arg21[%swap3A_536, %swap3A_537], %swap3A_540 {strides = array<i32>} : memref<256x64xf32, #tpu.memory_space<vmem>>, vector<1x16xf32>,
        %mul3A_541 = arith.constant 16 : i32
        %mul3A_542 = arith.muli %scan3A_314, %mul3A_541 : i32
        %add3A_543 = arith.constant 5 : i32
        %add3A_544 = arith.addi %mul3A_542, %add3A_543 : i32
        %slice3A_545 = vector.extract_strided_slice %get3A_318 {offsets = [5], sizes = [1], strides = [1]} : vector<16xi32> to vector<1xi32>
        %squeeze3A_546 = vector.extract %slice3A_545[0] : i32 from vector<1xi32>
        %slice3A_547 = vector.extract_strided_slice %get3A_323 {offsets = [5], sizes = [1], strides = [1]} : vector<16xi32> to vector<1xi32>
        %squeeze3A_548 = vector.extract %slice3A_547[0] : i32 from vector<1xi32>
        %get3A_549 = arith.index_cast %squeeze3A_546 : i32 to index
        %get3A_550 = arith.constant 0 : index
        %get3A_551 = tpu.vector_load %arg23[%get3A_549, %get3A_550] {strides = array<i32>} : memref<400x32xf32, #tpu.memory_space<vmem>>, vector<1x16xf32>,
        %get3A_552 = vector.shape_cast %get3A_551 : vector<1x16xf32> to vector<16xf32>
        %swap3A_553 = arith.index_cast %add3A_544 : i32 to index
        %swap3A_554 = arith.constant 0 : index
        %swap3A_555 = tpu.vector_load %arg21[%swap3A_553, %swap3A_554] {strides = array<i32>} : memref<256x64xf32, #tpu.memory_space<vmem>>, vector<1x16xf32>,
        %swap3A_556 = vector.shape_cast %swap3A_555 : vector<1x16xf32> to vector<16xf32>
        %swap3A_557 = vector.shape_cast %get3A_552 : vector<16xf32> to vector<1x16xf32>
        tpu.vector_store %arg21[%swap3A_553, %swap3A_554], %swap3A_557 {strides = array<i32>} : memref<256x64xf32, #tpu.memory_space<vmem>>, vector<1x16xf32>,
        %get3A_558 = arith.index_cast %squeeze3A_546 : i32 to index
        %get3A_559 = arith.constant 16 : index
        %get3A_560 = tpu.vector_load %arg23[%get3A_558, %get3A_559] {strides = array<i32>} : memref<400x32xf32, #tpu.memory_space<vmem>>, vector<1x16xf32>,
        %get3A_561 = vector.shape_cast %get3A_560 : vector<1x16xf32> to vector<16xf32>
        %swap3A_562 = arith.index_cast %add3A_544 : i32 to index
        %swap3A_563 = arith.constant 16 : index
        %swap3A_564 = tpu.vector_load %arg21[%swap3A_562, %swap3A_563] {strides = array<i32>} : memref<256x64xf32, #tpu.memory_space<vmem>>, vector<1x16xf32>,
        %swap3A_565 = vector.shape_cast %swap3A_564 : vector<1x16xf32> to vector<16xf32>
        %swap3A_566 = vector.shape_cast %get3A_561 : vector<16xf32> to vector<1x16xf32>
        tpu.vector_store %arg21[%swap3A_562, %swap3A_563], %swap3A_566 {strides = array<i32>} : memref<256x64xf32, #tpu.memory_space<vmem>>, vector<1x16xf32>,
        %get3A_567 = arith.index_cast %squeeze3A_548 : i32 to index
        %get3A_568 = arith.constant 0 : index
        %get3A_569 = tpu.vector_load %arg23[%get3A_567, %get3A_568] {strides = array<i32>} : memref<400x32xf32, #tpu.memory_space<vmem>>, vector<1x16xf32>,
        %get3A_570 = vector.shape_cast %get3A_569 : vector<1x16xf32> to vector<16xf32>
        %swap3A_571 = arith.index_cast %add3A_544 : i32 to index
        %swap3A_572 = arith.constant 32 : index
        %swap3A_573 = tpu.vector_load %arg21[%swap3A_571, %swap3A_572] {strides = array<i32>} : memref<256x64xf32, #tpu.memory_space<vmem>>, vector<1x16xf32>,
        %swap3A_574 = vector.shape_cast %swap3A_573 : vector<1x16xf32> to vector<16xf32>
        %swap3A_575 = vector.shape_cast %get3A_570 : vector<16xf32> to vector<1x16xf32>
        tpu.vector_store %arg21[%swap3A_571, %swap3A_572], %swap3A_575 {strides = array<i32>} : memref<256x64xf32, #tpu.memory_space<vmem>>, vector<1x16xf32>,
        %get3A_576 = arith.index_cast %squeeze3A_548 : i32 to index
        %get3A_577 = arith.constant 16 : index
        %get3A_578 = tpu.vector_load %arg23[%get3A_576, %get3A_577] {strides = array<i32>} : memref<400x32xf32, #tpu.memory_space<vmem>>, vector<1x16xf32>,
        %get3A_579 = vector.shape_cast %get3A_578 : vector<1x16xf32> to vector<16xf32>
        %swap3A_580 = arith.index_cast %add3A_544 : i32 to index
        %swap3A_581 = arith.constant 48 : index
        %swap3A_582 = tpu.vector_load %arg21[%swap3A_580, %swap3A_581] {strides = array<i32>} : memref<256x64xf32, #tpu.memory_space<vmem>>, vector<1x16xf32>,
        %swap3A_583 = vector.shape_cast %swap3A_582 : vector<1x16xf32> to vector<16xf32>
        %swap3A_584 = vector.shape_cast %get3A_579 : vector<16xf32> to vector<1x16xf32>
        tpu.vector_store %arg21[%swap3A_580, %swap3A_581], %swap3A_584 {strides = array<i32>} : memref<256x64xf32, #tpu.memory_space<vmem>>, vector<1x16xf32>,
        %mul3A_585 = arith.constant 16 : i32
        %mul3A_586 = arith.muli %scan3A_314, %mul3A_585 : i32
        %add3A_587 = arith.constant 6 : i32
        %add3A_588 = arith.addi %mul3A_586, %add3A_587 : i32
        %slice3A_589 = vector.extract_strided_slice %get3A_318 {offsets = [6], sizes = [1], strides = [1]} : vector<16xi32> to vector<1xi32>
        %squeeze3A_590 = vector.extract %slice3A_589[0] : i32 from vector<1xi32>
        %slice3A_591 = vector.extract_strided_slice %get3A_323 {offsets = [6], sizes = [1], strides = [1]} : vector<16xi32> to vector<1xi32>
        %squeeze3A_592 = vector.extract %slice3A_591[0] : i32 from vector<1xi32>
        %get3A_593 = arith.index_cast %squeeze3A_590 : i32 to index
        %get3A_594 = arith.constant 0 : index
        %get3A_595 = tpu.vector_load %arg23[%get3A_593, %get3A_594] {strides = array<i32>} : memref<400x32xf32, #tpu.memory_space<vmem>>, vector<1x16xf32>,
        %get3A_596 = vector.shape_cast %get3A_595 : vector<1x16xf32> to vector<16xf32>
        %swap3A_597 = arith.index_cast %add3A_588 : i32 to index
        %swap3A_598 = arith.constant 0 : index
        %swap3A_599 = tpu.vector_load %arg21[%swap3A_597, %swap3A_598] {strides = array<i32>} : memref<256x64xf32, #tpu.memory_space<vmem>>, vector<1x16xf32>,
        %swap3A_600 = vector.shape_cast %swap3A_599 : vector<1x16xf32> to vector<16xf32>
        %swap3A_601 = vector.shape_cast %get3A_596 : vector<16xf32> to vector<1x16xf32>
        tpu.vector_store %arg21[%swap3A_597, %swap3A_598], %swap3A_601 {strides = array<i32>} : memref<256x64xf32, #tpu.memory_space<vmem>>, vector<1x16xf32>,
        %get3A_602 = arith.index_cast %squeeze3A_590 : i32 to index
        %get3A_603 = arith.constant 16 : index
        %get3A_604 = tpu.vector_load %arg23[%get3A_602, %get3A_603] {strides = array<i32>} : memref<400x32xf32, #tpu.memory_space<vmem>>, vector<1x16xf32>,
        %get3A_605 = vector.shape_cast %get3A_604 : vector<1x16xf32> to vector<16xf32>
        %swap3A_606 = arith.index_cast %add3A_588 : i32 to index
        %swap3A_607 = arith.constant 16 : index
        %swap3A_608 = tpu.vector_load %arg21[%swap3A_606, %swap3A_607] {strides = array<i32>} : memref<256x64xf32, #tpu.memory_space<vmem>>, vector<1x16xf32>,
        %swap3A_609 = vector.shape_cast %swap3A_608 : vector<1x16xf32> to vector<16xf32>
        %swap3A_610 = vector.shape_cast %get3A_605 : vector<16xf32> to vector<1x16xf32>
        tpu.vector_store %arg21[%swap3A_606, %swap3A_607], %swap3A_610 {strides = array<i32>} : memref<256x64xf32, #tpu.memory_space<vmem>>, vector<1x16xf32>,
        %get3A_611 = arith.index_cast %squeeze3A_592 : i32 to index
        %get3A_612 = arith.constant 0 : index
        %get3A_613 = tpu.vector_load %arg23[%get3A_611, %get3A_612] {strides = array<i32>} : memref<400x32xf32, #tpu.memory_space<vmem>>, vector<1x16xf32>,
        %get3A_614 = vector.shape_cast %get3A_613 : vector<1x16xf32> to vector<16xf32>
        %swap3A_615 = arith.index_cast %add3A_588 : i32 to index
        %swap3A_616 = arith.constant 32 : index
        %swap3A_617 = tpu.vector_load %arg21[%swap3A_615, %swap3A_616] {strides = array<i32>} : memref<256x64xf32, #tpu.memory_space<vmem>>, vector<1x16xf32>,
        %swap3A_618 = vector.shape_cast %swap3A_617 : vector<1x16xf32> to vector<16xf32>
        %swap3A_619 = vector.shape_cast %get3A_614 : vector<16xf32> to vector<1x16xf32>
        tpu.vector_store %arg21[%swap3A_615, %swap3A_616], %swap3A_619 {strides = array<i32>} : memref<256x64xf32, #tpu.memory_space<vmem>>, vector<1x16xf32>,
        %get3A_620 = arith.index_cast %squeeze3A_592 : i32 to index
        %get3A_621 = arith.constant 16 : index
        %get3A_622 = tpu.vector_load %arg23[%get3A_620, %get3A_621] {strides = array<i32>} : memref<400x32xf32, #tpu.memory_space<vmem>>, vector<1x16xf32>,
        %get3A_623 = vector.shape_cast %get3A_622 : vector<1x16xf32> to vector<16xf32>
        %swap3A_624 = arith.index_cast %add3A_588 : i32 to index
        %swap3A_625 = arith.constant 48 : index
        %swap3A_626 = tpu.vector_load %arg21[%swap3A_624, %swap3A_625] {strides = array<i32>} : memref<256x64xf32, #tpu.memory_space<vmem>>, vector<1x16xf32>,
        %swap3A_627 = vector.shape_cast %swap3A_626 : vector<1x16xf32> to vector<16xf32>
        %swap3A_628 = vector.shape_cast %get3A_623 : vector<16xf32> to vector<1x16xf32>
        tpu.vector_store %arg21[%swap3A_624, %swap3A_625], %swap3A_628 {strides = array<i32>} : memref<256x64xf32, #tpu.memory_space<vmem>>, vector<1x16xf32>,
        %mul3A_629 = arith.constant 16 : i32
        %mul3A_630 = arith.muli %scan3A_314, %mul3A_629 : i32
        %add3A_631 = arith.constant 7 : i32
        %add3A_632 = arith.addi %mul3A_630, %add3A_631 : i32
        %slice3A_633 = vector.extract_strided_slice %get3A_318 {offsets = [7], sizes = [1], strides = [1]} : vector<16xi32> to vector<1xi32>
        %squeeze3A_634 = vector.extract %slice3A_633[0] : i32 from vector<1xi32>
        %slice3A_635 = vector.extract_strided_slice %get3A_323 {offsets = [7], sizes = [1], strides = [1]} : vector<16xi32> to vector<1xi32>
        %squeeze3A_636 = vector.extract %slice3A_635[0] : i32 from vector<1xi32>
        %get3A_637 = arith.index_cast %squeeze3A_634 : i32 to index
        %get3A_638 = arith.constant 0 : index
        %get3A_639 = tpu.vector_load %arg23[%get3A_637, %get3A_638] {strides = array<i32>} : memref<400x32xf32, #tpu.memory_space<vmem>>, vector<1x16xf32>,
        %get3A_640 = vector.shape_cast %get3A_639 : vector<1x16xf32> to vector<16xf32>
        %swap3A_641 = arith.index_cast %add3A_632 : i32 to index
        %swap3A_642 = arith.constant 0 : index
        %swap3A_643 = tpu.vector_load %arg21[%swap3A_641, %swap3A_642] {strides = array<i32>} : memref<256x64xf32, #tpu.memory_space<vmem>>, vector<1x16xf32>,
        %swap3A_644 = vector.shape_cast %swap3A_643 : vector<1x16xf32> to vector<16xf32>
        %swap3A_645 = vector.shape_cast %get3A_640 : vector<16xf32> to vector<1x16xf32>
        tpu.vector_store %arg21[%swap3A_641, %swap3A_642], %swap3A_645 {strides = array<i32>} : memref<256x64xf32, #tpu.memory_space<vmem>>, vector<1x16xf32>,
        %get3A_646 = arith.index_cast %squeeze3A_634 : i32 to index
        %get3A_647 = arith.constant 16 : index
        %get3A_648 = tpu.vector_load %arg23[%get3A_646, %get3A_647] {strides = array<i32>} : memref<400x32xf32, #tpu.memory_space<vmem>>, vector<1x16xf32>,
        %get3A_649 = vector.shape_cast %get3A_648 : vector<1x16xf32> to vector<16xf32>
        %swap3A_650 = arith.index_cast %add3A_632 : i32 to index
        %swap3A_651 = arith.constant 16 : index
        %swap3A_652 = tpu.vector_load %arg21[%swap3A_650, %swap3A_651] {strides = array<i32>} : memref<256x64xf32, #tpu.memory_space<vmem>>, vector<1x16xf32>,
        %swap3A_653 = vector.shape_cast %swap3A_652 : vector<1x16xf32> to vector<16xf32>
        %swap3A_654 = vector.shape_cast %get3A_649 : vector<16xf32> to vector<1x16xf32>
        tpu.vector_store %arg21[%swap3A_650, %swap3A_651], %swap3A_654 {strides = array<i32>} : memref<256x64xf32, #tpu.memory_space<vmem>>, vector<1x16xf32>,
        %get3A_655 = arith.index_cast %squeeze3A_636 : i32 to index
        %get3A_656 = arith.constant 0 : index
        %get3A_657 = tpu.vector_load %arg23[%get3A_655, %get3A_656] {strides = array<i32>} : memref<400x32xf32, #tpu.memory_space<vmem>>, vector<1x16xf32>,
        %get3A_658 = vector.shape_cast %get3A_657 : vector<1x16xf32> to vector<16xf32>
        %swap3A_659 = arith.index_cast %add3A_632 : i32 to index
        %swap3A_660 = arith.constant 32 : index
        %swap3A_661 = tpu.vector_load %arg21[%swap3A_659, %swap3A_660] {strides = array<i32>} : memref<256x64xf32, #tpu.memory_space<vmem>>, vector<1x16xf32>,
        %swap3A_662 = vector.shape_cast %swap3A_661 : vector<1x16xf32> to vector<16xf32>
        %swap3A_663 = vector.shape_cast %get3A_658 : vector<16xf32> to vector<1x16xf32>
        tpu.vector_store %arg21[%swap3A_659, %swap3A_660], %swap3A_663 {strides = array<i32>} : memref<256x64xf32, #tpu.memory_space<vmem>>, vector<1x16xf32>,
        %get3A_664 = arith.index_cast %squeeze3A_636 : i32 to index
        %get3A_665 = arith.constant 16 : index
        %get3A_666 = tpu.vector_load %arg23[%get3A_664, %get3A_665] {strides = array<i32>} : memref<400x32xf32, #tpu.memory_space<vmem>>, vector<1x16xf32>,
        %get3A_667 = vector.shape_cast %get3A_666 : vector<1x16xf32> to vector<16xf32>
        %swap3A_668 = arith.index_cast %add3A_632 : i32 to index
        %swap3A_669 = arith.constant 48 : index
        %swap3A_670 = tpu.vector_load %arg21[%swap3A_668, %swap3A_669] {strides = array<i32>} : memref<256x64xf32, #tpu.memory_space<vmem>>, vector<1x16xf32>,
        %swap3A_671 = vector.shape_cast %swap3A_670 : vector<1x16xf32> to vector<16xf32>
        %swap3A_672 = vector.shape_cast %get3A_667 : vector<16xf32> to vector<1x16xf32>
        tpu.vector_store %arg21[%swap3A_668, %swap3A_669], %swap3A_672 {strides = array<i32>} : memref<256x64xf32, #tpu.memory_space<vmem>>, vector<1x16xf32>,
        %mul3A_673 = arith.constant 16 : i32
        %mul3A_674 = arith.muli %scan3A_314, %mul3A_673 : i32
        %add3A_675 = arith.constant 8 : i32
        %add3A_676 = arith.addi %mul3A_674, %add3A_675 : i32
        %slice3A_677 = vector.extract_strided_slice %get3A_318 {offsets = [8], sizes = [1], strides = [1]} : vector<16xi32> to vector<1xi32>
        %squeeze3A_678 = vector.extract %slice3A_677[0] : i32 from vector<1xi32>
        %slice3A_679 = vector.extract_strided_slice %get3A_323 {offsets = [8], sizes = [1], strides = [1]} : vector<16xi32> to vector<1xi32>
        %squeeze3A_680 = vector.extract %slice3A_679[0] : i32 from vector<1xi32>
        %get3A_681 = arith.index_cast %squeeze3A_678 : i32 to index
        %get3A_682 = arith.constant 0 : index
        %get3A_683 = tpu.vector_load %arg23[%get3A_681, %get3A_682] {strides = array<i32>} : memref<400x32xf32, #tpu.memory_space<vmem>>, vector<1x16xf32>,
        %get3A_684 = vector.shape_cast %get3A_683 : vector<1x16xf32> to vector<16xf32>
        %swap3A_685 = arith.index_cast %add3A_676 : i32 to index
        %swap3A_686 = arith.constant 0 : index
        %swap3A_687 = tpu.vector_load %arg21[%swap3A_685, %swap3A_686] {strides = array<i32>} : memref<256x64xf32, #tpu.memory_space<vmem>>, vector<1x16xf32>,
        %swap3A_688 = vector.shape_cast %swap3A_687 : vector<1x16xf32> to vector<16xf32>
        %swap3A_689 = vector.shape_cast %get3A_684 : vector<16xf32> to vector<1x16xf32>
        tpu.vector_store %arg21[%swap3A_685, %swap3A_686], %swap3A_689 {strides = array<i32>} : memref<256x64xf32, #tpu.memory_space<vmem>>, vector<1x16xf32>,
        %get3A_690 = arith.index_cast %squeeze3A_678 : i32 to index
        %get3A_691 = arith.constant 16 : index
        %get3A_692 = tpu.vector_load %arg23[%get3A_690, %get3A_691] {strides = array<i32>} : memref<400x32xf32, #tpu.memory_space<vmem>>, vector<1x16xf32>,
        %get3A_693 = vector.shape_cast %get3A_692 : vector<1x16xf32> to vector<16xf32>
        %swap3A_694 = arith.index_cast %add3A_676 : i32 to index
        %swap3A_695 = arith.constant 16 : index
        %swap3A_696 = tpu.vector_load %arg21[%swap3A_694, %swap3A_695] {strides = array<i32>} : memref<256x64xf32, #tpu.memory_space<vmem>>, vector<1x16xf32>,
        %swap3A_697 = vector.shape_cast %swap3A_696 : vector<1x16xf32> to vector<16xf32>
        %swap3A_698 = vector.shape_cast %get3A_693 : vector<16xf32> to vector<1x16xf32>
        tpu.vector_store %arg21[%swap3A_694, %swap3A_695], %swap3A_698 {strides = array<i32>} : memref<256x64xf32, #tpu.memory_space<vmem>>, vector<1x16xf32>,
        %get3A_699 = arith.index_cast %squeeze3A_680 : i32 to index
        %get3A_700 = arith.constant 0 : index
        %get3A_701 = tpu.vector_load %arg23[%get3A_699, %get3A_700] {strides = array<i32>} : memref<400x32xf32, #tpu.memory_space<vmem>>, vector<1x16xf32>,
        %get3A_702 = vector.shape_cast %get3A_701 : vector<1x16xf32> to vector<16xf32>
        %swap3A_703 = arith.index_cast %add3A_676 : i32 to index
        %swap3A_704 = arith.constant 32 : index
        %swap3A_705 = tpu.vector_load %arg21[%swap3A_703, %swap3A_704] {strides = array<i32>} : memref<256x64xf32, #tpu.memory_space<vmem>>, vector<1x16xf32>,
        %swap3A_706 = vector.shape_cast %swap3A_705 : vector<1x16xf32> to vector<16xf32>
        %swap3A_707 = vector.shape_cast %get3A_702 : vector<16xf32> to vector<1x16xf32>
        tpu.vector_store %arg21[%swap3A_703, %swap3A_704], %swap3A_707 {strides = array<i32>} : memref<256x64xf32, #tpu.memory_space<vmem>>, vector<1x16xf32>,
        %get3A_708 = arith.index_cast %squeeze3A_680 : i32 to index
        %get3A_709 = arith.constant 16 : index
        %get3A_710 = tpu.vector_load %arg23[%get3A_708, %get3A_709] {strides = array<i32>} : memref<400x32xf32, #tpu.memory_space<vmem>>, vector<1x16xf32>,
        %get3A_711 = vector.shape_cast %get3A_710 : vector<1x16xf32> to vector<16xf32>
        %swap3A_712 = arith.index_cast %add3A_676 : i32 to index
        %swap3A_713 = arith.constant 48 : index
        %swap3A_714 = tpu.vector_load %arg21[%swap3A_712, %swap3A_713] {strides = array<i32>} : memref<256x64xf32, #tpu.memory_space<vmem>>, vector<1x16xf32>,
        %swap3A_715 = vector.shape_cast %swap3A_714 : vector<1x16xf32> to vector<16xf32>
        %swap3A_716 = vector.shape_cast %get3A_711 : vector<16xf32> to vector<1x16xf32>
        tpu.vector_store %arg21[%swap3A_712, %swap3A_713], %swap3A_716 {strides = array<i32>} : memref<256x64xf32, #tpu.memory_space<vmem>>, vector<1x16xf32>,
        %mul3A_717 = arith.constant 16 : i32
        %mul3A_718 = arith.muli %scan3A_314, %mul3A_717 : i32
        %add3A_719 = arith.constant 9 : i32
        %add3A_720 = arith.addi %mul3A_718, %add3A_719 : i32
        %slice3A_721 = vector.extract_strided_slice %get3A_318 {offsets = [9], sizes = [1], strides = [1]} : vector<16xi32> to vector<1xi32>
        %squeeze3A_722 = vector.extract %slice3A_721[0] : i32 from vector<1xi32>
        %slice3A_723 = vector.extract_strided_slice %get3A_323 {offsets = [9], sizes = [1], strides = [1]} : vector<16xi32> to vector<1xi32>
        %squeeze3A_724 = vector.extract %slice3A_723[0] : i32 from vector<1xi32>
        %get3A_725 = arith.index_cast %squeeze3A_722 : i32 to index
        %get3A_726 = arith.constant 0 : index
        %get3A_727 = tpu.vector_load %arg23[%get3A_725, %get3A_726] {strides = array<i32>} : memref<400x32xf32, #tpu.memory_space<vmem>>, vector<1x16xf32>,
        %get3A_728 = vector.shape_cast %get3A_727 : vector<1x16xf32> to vector<16xf32>
        %swap3A_729 = arith.index_cast %add3A_720 : i32 to index
        %swap3A_730 = arith.constant 0 : index
        %swap3A_731 = tpu.vector_load %arg21[%swap3A_729, %swap3A_730] {strides = array<i32>} : memref<256x64xf32, #tpu.memory_space<vmem>>, vector<1x16xf32>,
        %swap3A_732 = vector.shape_cast %swap3A_731 : vector<1x16xf32> to vector<16xf32>
        %swap3A_733 = vector.shape_cast %get3A_728 : vector<16xf32> to vector<1x16xf32>
        tpu.vector_store %arg21[%swap3A_729, %swap3A_730], %swap3A_733 {strides = array<i32>} : memref<256x64xf32, #tpu.memory_space<vmem>>, vector<1x16xf32>,
        %get3A_734 = arith.index_cast %squeeze3A_722 : i32 to index
        %get3A_735 = arith.constant 16 : index
        %get3A_736 = tpu.vector_load %arg23[%get3A_734, %get3A_735] {strides = array<i32>} : memref<400x32xf32, #tpu.memory_space<vmem>>, vector<1x16xf32>,
        %get3A_737 = vector.shape_cast %get3A_736 : vector<1x16xf32> to vector<16xf32>
        %swap3A_738 = arith.index_cast %add3A_720 : i32 to index
        %swap3A_739 = arith.constant 16 : index
        %swap3A_740 = tpu.vector_load %arg21[%swap3A_738, %swap3A_739] {strides = array<i32>} : memref<256x64xf32, #tpu.memory_space<vmem>>, vector<1x16xf32>,
        %swap3A_741 = vector.shape_cast %swap3A_740 : vector<1x16xf32> to vector<16xf32>
        %swap3A_742 = vector.shape_cast %get3A_737 : vector<16xf32> to vector<1x16xf32>
        tpu.vector_store %arg21[%swap3A_738, %swap3A_739], %swap3A_742 {strides = array<i32>} : memref<256x64xf32, #tpu.memory_space<vmem>>, vector<1x16xf32>,
        %get3A_743 = arith.index_cast %squeeze3A_724 : i32 to index
        %get3A_744 = arith.constant 0 : index
        %get3A_745 = tpu.vector_load %arg23[%get3A_743, %get3A_744] {strides = array<i32>} : memref<400x32xf32, #tpu.memory_space<vmem>>, vector<1x16xf32>,
        %get3A_746 = vector.shape_cast %get3A_745 : vector<1x16xf32> to vector<16xf32>
        %swap3A_747 = arith.index_cast %add3A_720 : i32 to index
        %swap3A_748 = arith.constant 32 : index
        %swap3A_749 = tpu.vector_load %arg21[%swap3A_747, %swap3A_748] {strides = array<i32>} : memref<256x64xf32, #tpu.memory_space<vmem>>, vector<1x16xf32>,
        %swap3A_750 = vector.shape_cast %swap3A_749 : vector<1x16xf32> to vector<16xf32>
        %swap3A_751 = vector.shape_cast %get3A_746 : vector<16xf32> to vector<1x16xf32>
        tpu.vector_store %arg21[%swap3A_747, %swap3A_748], %swap3A_751 {strides = array<i32>} : memref<256x64xf32, #tpu.memory_space<vmem>>, vector<1x16xf32>,
        %get3A_752 = arith.index_cast %squeeze3A_724 : i32 to index
        %get3A_753 = arith.constant 16 : index
        %get3A_754 = tpu.vector_load %arg23[%get3A_752, %get3A_753] {strides = array<i32>} : memref<400x32xf32, #tpu.memory_space<vmem>>, vector<1x16xf32>,
        %get3A_755 = vector.shape_cast %get3A_754 : vector<1x16xf32> to vector<16xf32>
        %swap3A_756 = arith.index_cast %add3A_720 : i32 to index
        %swap3A_757 = arith.constant 48 : index
        %swap3A_758 = tpu.vector_load %arg21[%swap3A_756, %swap3A_757] {strides = array<i32>} : memref<256x64xf32, #tpu.memory_space<vmem>>, vector<1x16xf32>,
        %swap3A_759 = vector.shape_cast %swap3A_758 : vector<1x16xf32> to vector<16xf32>
        %swap3A_760 = vector.shape_cast %get3A_755 : vector<16xf32> to vector<1x16xf32>
        tpu.vector_store %arg21[%swap3A_756, %swap3A_757], %swap3A_760 {strides = array<i32>} : memref<256x64xf32, #tpu.memory_space<vmem>>, vector<1x16xf32>,
        %mul3A_761 = arith.constant 16 : i32
        %mul3A_762 = arith.muli %scan3A_314, %mul3A_761 : i32
        %add3A_763 = arith.constant 10 : i32
        %add3A_764 = arith.addi %mul3A_762, %add3A_763 : i32
        %slice3A_765 = vector.extract_strided_slice %get3A_318 {offsets = [10], sizes = [1], strides = [1]} : vector<16xi32> to vector<1xi32>
        %squeeze3A_766 = vector.extract %slice3A_765[0] : i32 from vector<1xi32>
        %slice3A_767 = vector.extract_strided_slice %get3A_323 {offsets = [10], sizes = [1], strides = [1]} : vector<16xi32> to vector<1xi32>
        %squeeze3A_768 = vector.extract %slice3A_767[0] : i32 from vector<1xi32>
        %get3A_769 = arith.index_cast %squeeze3A_766 : i32 to index
        %get3A_770 = arith.constant 0 : index
        %get3A_771 = tpu.vector_load %arg23[%get3A_769, %get3A_770] {strides = array<i32>} : memref<400x32xf32, #tpu.memory_space<vmem>>, vector<1x16xf32>,
        %get3A_772 = vector.shape_cast %get3A_771 : vector<1x16xf32> to vector<16xf32>
        %swap3A_773 = arith.index_cast %add3A_764 : i32 to index
        %swap3A_774 = arith.constant 0 : index
        %swap3A_775 = tpu.vector_load %arg21[%swap3A_773, %swap3A_774] {strides = array<i32>} : memref<256x64xf32, #tpu.memory_space<vmem>>, vector<1x16xf32>,
        %swap3A_776 = vector.shape_cast %swap3A_775 : vector<1x16xf32> to vector<16xf32>
        %swap3A_777 = vector.shape_cast %get3A_772 : vector<16xf32> to vector<1x16xf32>
        tpu.vector_store %arg21[%swap3A_773, %swap3A_774], %swap3A_777 {strides = array<i32>} : memref<256x64xf32, #tpu.memory_space<vmem>>, vector<1x16xf32>,
        %get3A_778 = arith.index_cast %squeeze3A_766 : i32 to index
        %get3A_779 = arith.constant 16 : index
        %get3A_780 = tpu.vector_load %arg23[%get3A_778, %get3A_779] {strides = array<i32>} : memref<400x32xf32, #tpu.memory_space<vmem>>, vector<1x16xf32>,
        %get3A_781 = vector.shape_cast %get3A_780 : vector<1x16xf32> to vector<16xf32>
        %swap3A_782 = arith.index_cast %add3A_764 : i32 to index
        %swap3A_783 = arith.constant 16 : index
        %swap3A_784 = tpu.vector_load %arg21[%swap3A_782, %swap3A_783] {strides = array<i32>} : memref<256x64xf32, #tpu.memory_space<vmem>>, vector<1x16xf32>,
        %swap3A_785 = vector.shape_cast %swap3A_784 : vector<1x16xf32> to vector<16xf32>
        %swap3A_786 = vector.shape_cast %get3A_781 : vector<16xf32> to vector<1x16xf32>
        tpu.vector_store %arg21[%swap3A_782, %swap3A_783], %swap3A_786 {strides = array<i32>} : memref<256x64xf32, #tpu.memory_space<vmem>>, vector<1x16xf32>,
        %get3A_787 = arith.index_cast %squeeze3A_768 : i32 to index
        %get3A_788 = arith.constant 0 : index
        %get3A_789 = tpu.vector_load %arg23[%get3A_787, %get3A_788] {strides = array<i32>} : memref<400x32xf32, #tpu.memory_space<vmem>>, vector<1x16xf32>,
        %get3A_790 = vector.shape_cast %get3A_789 : vector<1x16xf32> to vector<16xf32>
        %swap3A_791 = arith.index_cast %add3A_764 : i32 to index
        %swap3A_792 = arith.constant 32 : index
        %swap3A_793 = tpu.vector_load %arg21[%swap3A_791, %swap3A_792] {strides = array<i32>} : memref<256x64xf32, #tpu.memory_space<vmem>>, vector<1x16xf32>,
        %swap3A_794 = vector.shape_cast %swap3A_793 : vector<1x16xf32> to vector<16xf32>
        %swap3A_795 = vector.shape_cast %get3A_790 : vector<16xf32> to vector<1x16xf32>
        tpu.vector_store %arg21[%swap3A_791, %swap3A_792], %swap3A_795 {strides = array<i32>} : memref<256x64xf32, #tpu.memory_space<vmem>>, vector<1x16xf32>,
        %get3A_796 = arith.index_cast %squeeze3A_768 : i32 to index
        %get3A_797 = arith.constant 16 : index
        %get3A_798 = tpu.vector_load %arg23[%get3A_796, %get3A_797] {strides = array<i32>} : memref<400x32xf32, #tpu.memory_space<vmem>>, vector<1x16xf32>,
        %get3A_799 = vector.shape_cast %get3A_798 : vector<1x16xf32> to vector<16xf32>
        %swap3A_800 = arith.index_cast %add3A_764 : i32 to index
        %swap3A_801 = arith.constant 48 : index
        %swap3A_802 = tpu.vector_load %arg21[%swap3A_800, %swap3A_801] {strides = array<i32>} : memref<256x64xf32, #tpu.memory_space<vmem>>, vector<1x16xf32>,
        %swap3A_803 = vector.shape_cast %swap3A_802 : vector<1x16xf32> to vector<16xf32>
        %swap3A_804 = vector.shape_cast %get3A_799 : vector<16xf32> to vector<1x16xf32>
        tpu.vector_store %arg21[%swap3A_800, %swap3A_801], %swap3A_804 {strides = array<i32>} : memref<256x64xf32, #tpu.memory_space<vmem>>, vector<1x16xf32>,
        %mul3A_805 = arith.constant 16 : i32
        %mul3A_806 = arith.muli %scan3A_314, %mul3A_805 : i32
        %add3A_807 = arith.constant 11 : i32
        %add3A_808 = arith.addi %mul3A_806, %add3A_807 : i32
        %slice3A_809 = vector.extract_strided_slice %get3A_318 {offsets = [11], sizes = [1], strides = [1]} : vector<16xi32> to vector<1xi32>
        %squeeze3A_810 = vector.extract %slice3A_809[0] : i32 from vector<1xi32>
        %slice3A_811 = vector.extract_strided_slice %get3A_323 {offsets = [11], sizes = [1], strides = [1]} : vector<16xi32> to vector<1xi32>
        %squeeze3A_812 = vector.extract %slice3A_811[0] : i32 from vector<1xi32>
        %get3A_813 = arith.index_cast %squeeze3A_810 : i32 to index
        %get3A_814 = arith.constant 0 : index
        %get3A_815 = tpu.vector_load %arg23[%get3A_813, %get3A_814] {strides = array<i32>} : memref<400x32xf32, #tpu.memory_space<vmem>>, vector<1x16xf32>,
        %get3A_816 = vector.shape_cast %get3A_815 : vector<1x16xf32> to vector<16xf32>
        %swap3A_817 = arith.index_cast %add3A_808 : i32 to index
        %swap3A_818 = arith.constant 0 : index
        %swap3A_819 = tpu.vector_load %arg21[%swap3A_817, %swap3A_818] {strides = array<i32>} : memref<256x64xf32, #tpu.memory_space<vmem>>, vector<1x16xf32>,
        %swap3A_820 = vector.shape_cast %swap3A_819 : vector<1x16xf32> to vector<16xf32>
        %swap3A_821 = vector.shape_cast %get3A_816 : vector<16xf32> to vector<1x16xf32>
        tpu.vector_store %arg21[%swap3A_817, %swap3A_818], %swap3A_821 {strides = array<i32>} : memref<256x64xf32, #tpu.memory_space<vmem>>, vector<1x16xf32>,
        %get3A_822 = arith.index_cast %squeeze3A_810 : i32 to index
        %get3A_823 = arith.constant 16 : index
        %get3A_824 = tpu.vector_load %arg23[%get3A_822, %get3A_823] {strides = array<i32>} : memref<400x32xf32, #tpu.memory_space<vmem>>, vector<1x16xf32>,
        %get3A_825 = vector.shape_cast %get3A_824 : vector<1x16xf32> to vector<16xf32>
        %swap3A_826 = arith.index_cast %add3A_808 : i32 to index
        %swap3A_827 = arith.constant 16 : index
        %swap3A_828 = tpu.vector_load %arg21[%swap3A_826, %swap3A_827] {strides = array<i32>} : memref<256x64xf32, #tpu.memory_space<vmem>>, vector<1x16xf32>,
        %swap3A_829 = vector.shape_cast %swap3A_828 : vector<1x16xf32> to vector<16xf32>
        %swap3A_830 = vector.shape_cast %get3A_825 : vector<16xf32> to vector<1x16xf32>
        tpu.vector_store %arg21[%swap3A_826, %swap3A_827], %swap3A_830 {strides = array<i32>} : memref<256x64xf32, #tpu.memory_space<vmem>>, vector<1x16xf32>,
        %get3A_831 = arith.index_cast %squeeze3A_812 : i32 to index
        %get3A_832 = arith.constant 0 : index
        %get3A_833 = tpu.vector_load %arg23[%get3A_831, %get3A_832] {strides = array<i32>} : memref<400x32xf32, #tpu.memory_space<vmem>>, vector<1x16xf32>,
        %get3A_834 = vector.shape_cast %get3A_833 : vector<1x16xf32> to vector<16xf32>
        %swap3A_835 = arith.index_cast %add3A_808 : i32 to index
        %swap3A_836 = arith.constant 32 : index
        %swap3A_837 = tpu.vector_load %arg21[%swap3A_835, %swap3A_836] {strides = array<i32>} : memref<256x64xf32, #tpu.memory_space<vmem>>, vector<1x16xf32>,
        %swap3A_838 = vector.shape_cast %swap3A_837 : vector<1x16xf32> to vector<16xf32>
        %swap3A_839 = vector.shape_cast %get3A_834 : vector<16xf32> to vector<1x16xf32>
        tpu.vector_store %arg21[%swap3A_835, %swap3A_836], %swap3A_839 {strides = array<i32>} : memref<256x64xf32, #tpu.memory_space<vmem>>, vector<1x16xf32>,
        %get3A_840 = arith.index_cast %squeeze3A_812 : i32 to index
        %get3A_841 = arith.constant 16 : index
        %get3A_842 = tpu.vector_load %arg23[%get3A_840, %get3A_841] {strides = array<i32>} : memref<400x32xf32, #tpu.memory_space<vmem>>, vector<1x16xf32>,
        %get3A_843 = vector.shape_cast %get3A_842 : vector<1x16xf32> to vector<16xf32>
        %swap3A_844 = arith.index_cast %add3A_808 : i32 to index
        %swap3A_845 = arith.constant 48 : index
        %swap3A_846 = tpu.vector_load %arg21[%swap3A_844, %swap3A_845] {strides = array<i32>} : memref<256x64xf32, #tpu.memory_space<vmem>>, vector<1x16xf32>,
        %swap3A_847 = vector.shape_cast %swap3A_846 : vector<1x16xf32> to vector<16xf32>
        %swap3A_848 = vector.shape_cast %get3A_843 : vector<16xf32> to vector<1x16xf32>
        tpu.vector_store %arg21[%swap3A_844, %swap3A_845], %swap3A_848 {strides = array<i32>} : memref<256x64xf32, #tpu.memory_space<vmem>>, vector<1x16xf32>,
        %mul3A_849 = arith.constant 16 : i32
        %mul3A_850 = arith.muli %scan3A_314, %mul3A_849 : i32
        %add3A_851 = arith.constant 12 : i32
        %add3A_852 = arith.addi %mul3A_850, %add3A_851 : i32
        %slice3A_853 = vector.extract_strided_slice %get3A_318 {offsets = [12], sizes = [1], strides = [1]} : vector<16xi32> to vector<1xi32>
        %squeeze3A_854 = vector.extract %slice3A_853[0] : i32 from vector<1xi32>
        %slice3A_855 = vector.extract_strided_slice %get3A_323 {offsets = [12], sizes = [1], strides = [1]} : vector<16xi32> to vector<1xi32>
        %squeeze3A_856 = vector.extract %slice3A_855[0] : i32 from vector<1xi32>
        %get3A_857 = arith.index_cast %squeeze3A_854 : i32 to index
        %get3A_858 = arith.constant 0 : index
        %get3A_859 = tpu.vector_load %arg23[%get3A_857, %get3A_858] {strides = array<i32>} : memref<400x32xf32, #tpu.memory_space<vmem>>, vector<1x16xf32>,
        %get3A_860 = vector.shape_cast %get3A_859 : vector<1x16xf32> to vector<16xf32>
        %swap3A_861 = arith.index_cast %add3A_852 : i32 to index
        %swap3A_862 = arith.constant 0 : index
        %swap3A_863 = tpu.vector_load %arg21[%swap3A_861, %swap3A_862] {strides = array<i32>} : memref<256x64xf32, #tpu.memory_space<vmem>>, vector<1x16xf32>,
        %swap3A_864 = vector.shape_cast %swap3A_863 : vector<1x16xf32> to vector<16xf32>
        %swap3A_865 = vector.shape_cast %get3A_860 : vector<16xf32> to vector<1x16xf32>
        tpu.vector_store %arg21[%swap3A_861, %swap3A_862], %swap3A_865 {strides = array<i32>} : memref<256x64xf32, #tpu.memory_space<vmem>>, vector<1x16xf32>,
        %get3A_866 = arith.index_cast %squeeze3A_854 : i32 to index
        %get3A_867 = arith.constant 16 : index
        %get3A_868 = tpu.vector_load %arg23[%get3A_866, %get3A_867] {strides = array<i32>} : memref<400x32xf32, #tpu.memory_space<vmem>>, vector<1x16xf32>,
        %get3A_869 = vector.shape_cast %get3A_868 : vector<1x16xf32> to vector<16xf32>
        %swap3A_870 = arith.index_cast %add3A_852 : i32 to index
        %swap3A_871 = arith.constant 16 : index
        %swap3A_872 = tpu.vector_load %arg21[%swap3A_870, %swap3A_871] {strides = array<i32>} : memref<256x64xf32, #tpu.memory_space<vmem>>, vector<1x16xf32>,
        %swap3A_873 = vector.shape_cast %swap3A_872 : vector<1x16xf32> to vector<16xf32>
        %swap3A_874 = vector.shape_cast %get3A_869 : vector<16xf32> to vector<1x16xf32>
        tpu.vector_store %arg21[%swap3A_870, %swap3A_871], %swap3A_874 {strides = array<i32>} : memref<256x64xf32, #tpu.memory_space<vmem>>, vector<1x16xf32>,
        %get3A_875 = arith.index_cast %squeeze3A_856 : i32 to index
        %get3A_876 = arith.constant 0 : index
        %get3A_877 = tpu.vector_load %arg23[%get3A_875, %get3A_876] {strides = array<i32>} : memref<400x32xf32, #tpu.memory_space<vmem>>, vector<1x16xf32>,
        %get3A_878 = vector.shape_cast %get3A_877 : vector<1x16xf32> to vector<16xf32>
        %swap3A_879 = arith.index_cast %add3A_852 : i32 to index
        %swap3A_880 = arith.constant 32 : index
        %swap3A_881 = tpu.vector_load %arg21[%swap3A_879, %swap3A_880] {strides = array<i32>} : memref<256x64xf32, #tpu.memory_space<vmem>>, vector<1x16xf32>,
        %swap3A_882 = vector.shape_cast %swap3A_881 : vector<1x16xf32> to vector<16xf32>
        %swap3A_883 = vector.shape_cast %get3A_878 : vector<16xf32> to vector<1x16xf32>
        tpu.vector_store %arg21[%swap3A_879, %swap3A_880], %swap3A_883 {strides = array<i32>} : memref<256x64xf32, #tpu.memory_space<vmem>>, vector<1x16xf32>,
        %get3A_884 = arith.index_cast %squeeze3A_856 : i32 to index
        %get3A_885 = arith.constant 16 : index
        %get3A_886 = tpu.vector_load %arg23[%get3A_884, %get3A_885] {strides = array<i32>} : memref<400x32xf32, #tpu.memory_space<vmem>>, vector<1x16xf32>,
        %get3A_887 = vector.shape_cast %get3A_886 : vector<1x16xf32> to vector<16xf32>
        %swap3A_888 = arith.index_cast %add3A_852 : i32 to index
        %swap3A_889 = arith.constant 48 : index
        %swap3A_890 = tpu.vector_load %arg21[%swap3A_888, %swap3A_889] {strides = array<i32>} : memref<256x64xf32, #tpu.memory_space<vmem>>, vector<1x16xf32>,
        %swap3A_891 = vector.shape_cast %swap3A_890 : vector<1x16xf32> to vector<16xf32>
        %swap3A_892 = vector.shape_cast %get3A_887 : vector<16xf32> to vector<1x16xf32>
        tpu.vector_store %arg21[%swap3A_888, %swap3A_889], %swap3A_892 {strides = array<i32>} : memref<256x64xf32, #tpu.memory_space<vmem>>, vector<1x16xf32>,
        %mul3A_893 = arith.constant 16 : i32
        %mul3A_894 = arith.muli %scan3A_314, %mul3A_893 : i32
        %add3A_895 = arith.constant 13 : i32
        %add3A_896 = arith.addi %mul3A_894, %add3A_895 : i32
        %slice3A_897 = vector.extract_strided_slice %get3A_318 {offsets = [13], sizes = [1], strides = [1]} : vector<16xi32> to vector<1xi32>
        %squeeze3A_898 = vector.extract %slice3A_897[0] : i32 from vector<1xi32>
        %slice3A_899 = vector.extract_strided_slice %get3A_323 {offsets = [13], sizes = [1], strides = [1]} : vector<16xi32> to vector<1xi32>
        %squeeze3A_900 = vector.extract %slice3A_899[0] : i32 from vector<1xi32>
        %get3A_901 = arith.index_cast %squeeze3A_898 : i32 to index
        %get3A_902 = arith.constant 0 : index
        %get3A_903 = tpu.vector_load %arg23[%get3A_901, %get3A_902] {strides = array<i32>} : memref<400x32xf32, #tpu.memory_space<vmem>>, vector<1x16xf32>,
        %get3A_904 = vector.shape_cast %get3A_903 : vector<1x16xf32> to vector<16xf32>
        %swap3A_905 = arith.index_cast %add3A_896 : i32 to index
        %swap3A_906 = arith.constant 0 : index
        %swap3A_907 = tpu.vector_load %arg21[%swap3A_905, %swap3A_906] {strides = array<i32>} : memref<256x64xf32, #tpu.memory_space<vmem>>, vector<1x16xf32>,
        %swap3A_908 = vector.shape_cast %swap3A_907 : vector<1x16xf32> to vector<16xf32>
        %swap3A_909 = vector.shape_cast %get3A_904 : vector<16xf32> to vector<1x16xf32>
        tpu.vector_store %arg21[%swap3A_905, %swap3A_906], %swap3A_909 {strides = array<i32>} : memref<256x64xf32, #tpu.memory_space<vmem>>, vector<1x16xf32>,
        %get3A_910 = arith.index_cast %squeeze3A_898 : i32 to index
        %get3A_911 = arith.constant 16 : index
        %get3A_912 = tpu.vector_load %arg23[%get3A_910, %get3A_911] {strides = array<i32>} : memref<400x32xf32, #tpu.memory_space<vmem>>, vector<1x16xf32>,
        %get3A_913 = vector.shape_cast %get3A_912 : vector<1x16xf32> to vector<16xf32>
        %swap3A_914 = arith.index_cast %add3A_896 : i32 to index
        %swap3A_915 = arith.constant 16 : index
        %swap3A_916 = tpu.vector_load %arg21[%swap3A_914, %swap3A_915] {strides = array<i32>} : memref<256x64xf32, #tpu.memory_space<vmem>>, vector<1x16xf32>,
        %swap3A_917 = vector.shape_cast %swap3A_916 : vector<1x16xf32> to vector<16xf32>
        %swap3A_918 = vector.shape_cast %get3A_913 : vector<16xf32> to vector<1x16xf32>
        tpu.vector_store %arg21[%swap3A_914, %swap3A_915], %swap3A_918 {strides = array<i32>} : memref<256x64xf32, #tpu.memory_space<vmem>>, vector<1x16xf32>,
        %get3A_919 = arith.index_cast %squeeze3A_900 : i32 to index
        %get3A_920 = arith.constant 0 : index
        %get3A_921 = tpu.vector_load %arg23[%get3A_919, %get3A_920] {strides = array<i32>} : memref<400x32xf32, #tpu.memory_space<vmem>>, vector<1x16xf32>,
        %get3A_922 = vector.shape_cast %get3A_921 : vector<1x16xf32> to vector<16xf32>
        %swap3A_923 = arith.index_cast %add3A_896 : i32 to index
        %swap3A_924 = arith.constant 32 : index
        %swap3A_925 = tpu.vector_load %arg21[%swap3A_923, %swap3A_924] {strides = array<i32>} : memref<256x64xf32, #tpu.memory_space<vmem>>, vector<1x16xf32>,
        %swap3A_926 = vector.shape_cast %swap3A_925 : vector<1x16xf32> to vector<16xf32>
        %swap3A_927 = vector.shape_cast %get3A_922 : vector<16xf32> to vector<1x16xf32>
        tpu.vector_store %arg21[%swap3A_923, %swap3A_924], %swap3A_927 {strides = array<i32>} : memref<256x64xf32, #tpu.memory_space<vmem>>, vector<1x16xf32>,
        %get3A_928 = arith.index_cast %squeeze3A_900 : i32 to index
        %get3A_929 = arith.constant 16 : index
        %get3A_930 = tpu.vector_load %arg23[%get3A_928, %get3A_929] {strides = array<i32>} : memref<400x32xf32, #tpu.memory_space<vmem>>, vector<1x16xf32>,
        %get3A_931 = vector.shape_cast %get3A_930 : vector<1x16xf32> to vector<16xf32>
        %swap3A_932 = arith.index_cast %add3A_896 : i32 to index
        %swap3A_933 = arith.constant 48 : index
        %swap3A_934 = tpu.vector_load %arg21[%swap3A_932, %swap3A_933] {strides = array<i32>} : memref<256x64xf32, #tpu.memory_space<vmem>>, vector<1x16xf32>,
        %swap3A_935 = vector.shape_cast %swap3A_934 : vector<1x16xf32> to vector<16xf32>
        %swap3A_936 = vector.shape_cast %get3A_931 : vector<16xf32> to vector<1x16xf32>
        tpu.vector_store %arg21[%swap3A_932, %swap3A_933], %swap3A_936 {strides = array<i32>} : memref<256x64xf32, #tpu.memory_space<vmem>>, vector<1x16xf32>,
        %mul3A_937 = arith.constant 16 : i32
        %mul3A_938 = arith.muli %scan3A_314, %mul3A_937 : i32
        %add3A_939 = arith.constant 14 : i32
        %add3A_940 = arith.addi %mul3A_938, %add3A_939 : i32
        %slice3A_941 = vector.extract_strided_slice %get3A_318 {offsets = [14], sizes = [1], strides = [1]} : vector<16xi32> to vector<1xi32>
        %squeeze3A_942 = vector.extract %slice3A_941[0] : i32 from vector<1xi32>
        %slice3A_943 = vector.extract_strided_slice %get3A_323 {offsets = [14], sizes = [1], strides = [1]} : vector<16xi32> to vector<1xi32>
        %squeeze3A_944 = vector.extract %slice3A_943[0] : i32 from vector<1xi32>
        %get3A_945 = arith.index_cast %squeeze3A_942 : i32 to index
        %get3A_946 = arith.constant 0 : index
        %get3A_947 = tpu.vector_load %arg23[%get3A_945, %get3A_946] {strides = array<i32>} : memref<400x32xf32, #tpu.memory_space<vmem>>, vector<1x16xf32>,
        %get3A_948 = vector.shape_cast %get3A_947 : vector<1x16xf32> to vector<16xf32>
        %swap3A_949 = arith.index_cast %add3A_940 : i32 to index
        %swap3A_950 = arith.constant 0 : index
        %swap3A_951 = tpu.vector_load %arg21[%swap3A_949, %swap3A_950] {strides = array<i32>} : memref<256x64xf32, #tpu.memory_space<vmem>>, vector<1x16xf32>,
        %swap3A_952 = vector.shape_cast %swap3A_951 : vector<1x16xf32> to vector<16xf32>
        %swap3A_953 = vector.shape_cast %get3A_948 : vector<16xf32> to vector<1x16xf32>
        tpu.vector_store %arg21[%swap3A_949, %swap3A_950], %swap3A_953 {strides = array<i32>} : memref<256x64xf32, #tpu.memory_space<vmem>>, vector<1x16xf32>,
        %get3A_954 = arith.index_cast %squeeze3A_942 : i32 to index
        %get3A_955 = arith.constant 16 : index
        %get3A_956 = tpu.vector_load %arg23[%get3A_954, %get3A_955] {strides = array<i32>} : memref<400x32xf32, #tpu.memory_space<vmem>>, vector<1x16xf32>,
        %get3A_957 = vector.shape_cast %get3A_956 : vector<1x16xf32> to vector<16xf32>
        %swap3A_958 = arith.index_cast %add3A_940 : i32 to index
        %swap3A_959 = arith.constant 16 : index
        %swap3A_960 = tpu.vector_load %arg21[%swap3A_958, %swap3A_959] {strides = array<i32>} : memref<256x64xf32, #tpu.memory_space<vmem>>, vector<1x16xf32>,
        %swap3A_961 = vector.shape_cast %swap3A_960 : vector<1x16xf32> to vector<16xf32>
        %swap3A_962 = vector.shape_cast %get3A_957 : vector<16xf32> to vector<1x16xf32>
        tpu.vector_store %arg21[%swap3A_958, %swap3A_959], %swap3A_962 {strides = array<i32>} : memref<256x64xf32, #tpu.memory_space<vmem>>, vector<1x16xf32>,
        %get3A_963 = arith.index_cast %squeeze3A_944 : i32 to index
        %get3A_964 = arith.constant 0 : index
        %get3A_965 = tpu.vector_load %arg23[%get3A_963, %get3A_964] {strides = array<i32>} : memref<400x32xf32, #tpu.memory_space<vmem>>, vector<1x16xf32>,
        %get3A_966 = vector.shape_cast %get3A_965 : vector<1x16xf32> to vector<16xf32>
        %swap3A_967 = arith.index_cast %add3A_940 : i32 to index
        %swap3A_968 = arith.constant 32 : index
        %swap3A_969 = tpu.vector_load %arg21[%swap3A_967, %swap3A_968] {strides = array<i32>} : memref<256x64xf32, #tpu.memory_space<vmem>>, vector<1x16xf32>,
        %swap3A_970 = vector.shape_cast %swap3A_969 : vector<1x16xf32> to vector<16xf32>
        %swap3A_971 = vector.shape_cast %get3A_966 : vector<16xf32> to vector<1x16xf32>
        tpu.vector_store %arg21[%swap3A_967, %swap3A_968], %swap3A_971 {strides = array<i32>} : memref<256x64xf32, #tpu.memory_space<vmem>>, vector<1x16xf32>,
        %get3A_972 = arith.index_cast %squeeze3A_944 : i32 to index
        %get3A_973 = arith.constant 16 : index
        %get3A_974 = tpu.vector_load %arg23[%get3A_972, %get3A_973] {strides = array<i32>} : memref<400x32xf32, #tpu.memory_space<vmem>>, vector<1x16xf32>,
        %get3A_975 = vector.shape_cast %get3A_974 : vector<1x16xf32> to vector<16xf32>
        %swap3A_976 = arith.index_cast %add3A_940 : i32 to index
        %swap3A_977 = arith.constant 48 : index
        %swap3A_978 = tpu.vector_load %arg21[%swap3A_976, %swap3A_977] {strides = array<i32>} : memref<256x64xf32, #tpu.memory_space<vmem>>, vector<1x16xf32>,
        %swap3A_979 = vector.shape_cast %swap3A_978 : vector<1x16xf32> to vector<16xf32>
        %swap3A_980 = vector.shape_cast %get3A_975 : vector<16xf32> to vector<1x16xf32>
        tpu.vector_store %arg21[%swap3A_976, %swap3A_977], %swap3A_980 {strides = array<i32>} : memref<256x64xf32, #tpu.memory_space<vmem>>, vector<1x16xf32>,
        %mul3A_981 = arith.constant 16 : i32
        %mul3A_982 = arith.muli %scan3A_314, %mul3A_981 : i32
        %add3A_983 = arith.constant 15 : i32
        %add3A_984 = arith.addi %mul3A_982, %add3A_983 : i32
        %slice3A_985 = vector.extract_strided_slice %get3A_318 {offsets = [15], sizes = [1], strides = [1]} : vector<16xi32> to vector<1xi32>
        %squeeze3A_986 = vector.extract %slice3A_985[0] : i32 from vector<1xi32>
        %slice3A_987 = vector.extract_strided_slice %get3A_323 {offsets = [15], sizes = [1], strides = [1]} : vector<16xi32> to vector<1xi32>
        %squeeze3A_988 = vector.extract %slice3A_987[0] : i32 from vector<1xi32>
        %get3A_989 = arith.index_cast %squeeze3A_986 : i32 to index
        %get3A_990 = arith.constant 0 : index
        %get3A_991 = tpu.vector_load %arg23[%get3A_989, %get3A_990] {strides = array<i32>} : memref<400x32xf32, #tpu.memory_space<vmem>>, vector<1x16xf32>,
        %get3A_992 = vector.shape_cast %get3A_991 : vector<1x16xf32> to vector<16xf32>
        %swap3A_993 = arith.index_cast %add3A_984 : i32 to index
        %swap3A_994 = arith.constant 0 : index
        %swap3A_995 = tpu.vector_load %arg21[%swap3A_993, %swap3A_994] {strides = array<i32>} : memref<256x64xf32, #tpu.memory_space<vmem>>, vector<1x16xf32>,
        %swap3A_996 = vector.shape_cast %swap3A_995 : vector<1x16xf32> to vector<16xf32>
        %swap3A_997 = vector.shape_cast %get3A_992 : vector<16xf32> to vector<1x16xf32>
        tpu.vector_store %arg21[%swap3A_993, %swap3A_994], %swap3A_997 {strides = array<i32>} : memref<256x64xf32, #tpu.memory_space<vmem>>, vector<1x16xf32>,
        %get3A_998 = arith.index_cast %squeeze3A_986 : i32 to index
        %get3A_999 = arith.constant 16 : index
        %get3A_1000 = tpu.vector_load %arg23[%get3A_998, %get3A_999] {strides = array<i32>} : memref<400x32xf32, #tpu.memory_space<vmem>>, vector<1x16xf32>,
        %get3A_1001 = vector.shape_cast %get3A_1000 : vector<1x16xf32> to vector<16xf32>
        %swap3A_1002 = arith.index_cast %add3A_984 : i32 to index
        %swap3A_1003 = arith.constant 16 : index
        %swap3A_1004 = tpu.vector_load %arg21[%swap3A_1002, %swap3A_1003] {strides = array<i32>} : memref<256x64xf32, #tpu.memory_space<vmem>>, vector<1x16xf32>,
        %swap3A_1005 = vector.shape_cast %swap3A_1004 : vector<1x16xf32> to vector<16xf32>
        %swap3A_1006 = vector.shape_cast %get3A_1001 : vector<16xf32> to vector<1x16xf32>
        tpu.vector_store %arg21[%swap3A_1002, %swap3A_1003], %swap3A_1006 {strides = array<i32>} : memref<256x64xf32, #tpu.memory_space<vmem>>, vector<1x16xf32>,
        %get3A_1007 = arith.index_cast %squeeze3A_988 : i32 to index
        %get3A_1008 = arith.constant 0 : index
        %get3A_1009 = tpu.vector_load %arg23[%get3A_1007, %get3A_1008] {strides = array<i32>} : memref<400x32xf32, #tpu.memory_space<vmem>>, vector<1x16xf32>,
        %get3A_1010 = vector.shape_cast %get3A_1009 : vector<1x16xf32> to vector<16xf32>
        %swap3A_1011 = arith.index_cast %add3A_984 : i32 to index
        %swap3A_1012 = arith.constant 32 : index
        %swap3A_1013 = tpu.vector_load %arg21[%swap3A_1011, %swap3A_1012] {strides = array<i32>} : memref<256x64xf32, #tpu.memory_space<vmem>>, vector<1x16xf32>,
        %swap3A_1014 = vector.shape_cast %swap3A_1013 : vector<1x16xf32> to vector<16xf32>
        %swap3A_1015 = vector.shape_cast %get3A_1010 : vector<16xf32> to vector<1x16xf32>
        tpu.vector_store %arg21[%swap3A_1011, %swap3A_1012], %swap3A_1015 {strides = array<i32>} : memref<256x64xf32, #tpu.memory_space<vmem>>, vector<1x16xf32>,
        %get3A_1016 = arith.index_cast %squeeze3A_988 : i32 to index
        %get3A_1017 = arith.constant 16 : index
        %get3A_1018 = tpu.vector_load %arg23[%get3A_1016, %get3A_1017] {strides = array<i32>} : memref<400x32xf32, #tpu.memory_space<vmem>>, vector<1x16xf32>,
        %get3A_1019 = vector.shape_cast %get3A_1018 : vector<1x16xf32> to vector<16xf32>
        %swap3A_1020 = arith.index_cast %add3A_984 : i32 to index
        %swap3A_1021 = arith.constant 48 : index
        %swap3A_1022 = tpu.vector_load %arg21[%swap3A_1020, %swap3A_1021] {strides = array<i32>} : memref<256x64xf32, #tpu.memory_space<vmem>>, vector<1x16xf32>,
        %swap3A_1023 = vector.shape_cast %swap3A_1022 : vector<1x16xf32> to vector<16xf32>
        %swap3A_1024 = vector.shape_cast %get3A_1019 : vector<16xf32> to vector<1x16xf32>
        tpu.vector_store %arg21[%swap3A_1020, %swap3A_1021], %swap3A_1024 {strides = array<i32>} : memref<256x64xf32, #tpu.memory_space<vmem>>, vector<1x16xf32>,
      }
      %scan3A_212 = arith.constant 16 : i32
      %dma_wait3A_213 = arith.constant 0 : i32
      %dma_wait3A_214 = arith.constant 0 : i32
      %dma_wait3A_215 = arith.constant 0 : i32
      %dma_wait3A_216 = tpu.memref_slice %arg18[%dma_wait3A_214, %dma_wait3A_215] : memref<256x64xf32, #tpu.memory_space<vmem>> -> memref<128x64xf32, #tpu.memory_space<vmem>>
      %dma_wait3A_217 = arith.constant 0 : i32
      %dma_wait3A_218 = tpu.memref_slice %arg9[%dma_wait3A_213, %dma_wait3A_217] : memref<2x128xi32, #tpu.memory_space<vmem>> -> memref<1x128xi32, #tpu.memory_space<vmem>>
      %dma_wait3A_219 = tpu.memref_squeeze %dma_wait3A_218 : memref<1x128xi32, #tpu.memory_space<vmem>> -> memref<128xi32, #tpu.memory_space<vmem>>
      %dma_wait3A_220 = arith.constant 0 : i32
      %dma_wait3A_221 = arith.constant 0 : i32
      %dma_wait3A_222 = tpu.memref_slice %arg5[%dma_wait3A_220, %dma_wait3A_221] : memref<1000000x64xf32, #tpu.memory_space<hbm>> -> memref<1000000x64xf32, #tpu.memory_space<hbm>>
      tpu.wait_indirect_dma semaphore(%arg25 : memref<!tpu.dma_semaphore, #tpu.memory_space<semaphore_mem>>) src(%dma_wait3A_222 : memref<1000000x64xf32, #tpu.memory_space<hbm>>) dst(%dma_wait3A_216 : memref<128x64xf32, #tpu.memory_space<vmem>>)
      %dma_wait3A_223 = arith.constant 1 : i32
      %dma_wait3A_224 = arith.constant 128 : i32
      %dma_wait3A_225 = arith.constant 0 : i32
      %dma_wait3A_226 = tpu.memref_slice %arg18[%dma_wait3A_224, %dma_wait3A_225] : memref<256x64xf32, #tpu.memory_space<vmem>> -> memref<128x64xf32, #tpu.memory_space<vmem>>
      %dma_wait3A_227 = arith.constant 0 : i32
      %dma_wait3A_228 = tpu.memref_slice %arg9[%dma_wait3A_223, %dma_wait3A_227] : memref<2x128xi32, #tpu.memory_space<vmem>> -> memref<1x128xi32, #tpu.memory_space<vmem>>
      %dma_wait3A_229 = tpu.memref_squeeze %dma_wait3A_228 : memref<1x128xi32, #tpu.memory_space<vmem>> -> memref<128xi32, #tpu.memory_space<vmem>>
      %dma_wait3A_230 = arith.constant 0 : i32
      %dma_wait3A_231 = arith.constant 0 : i32
      %dma_wait3A_232 = tpu.memref_slice %arg5[%dma_wait3A_230, %dma_wait3A_231] : memref<1000000x64xf32, #tpu.memory_space<hbm>> -> memref<1000000x64xf32, #tpu.memory_space<hbm>>
      tpu.wait_indirect_dma semaphore(%arg25 : memref<!tpu.dma_semaphore, #tpu.memory_space<semaphore_mem>>) src(%dma_wait3A_232 : memref<1000000x64xf32, #tpu.memory_space<hbm>>) dst(%dma_wait3A_226 : memref<128x64xf32, #tpu.memory_space<vmem>>)
      %dma_start3A_233 = arith.constant 0 : i32
      %dma_start3A_234 = tpu.memref_slice %arg7[%add3A_176, %dma_start3A_233] : memref<819200x128xf32, #tpu.memory_space<hbm>> -> memref<256x64xf32, #tpu.memory_space<hbm>>
      %dma_start3A_235 = arith.constant 0 : i32
      %dma_start3A_236 = tpu.memref_slice %arg7[%add3A_176, %dma_start3A_235] : memref<819200x128xf32, #tpu.memory_space<hbm>> -> memref<256x64xf32, #tpu.memory_space<hbm>>
      tpu.enqueue_dma source(%arg18 : memref<256x64xf32, #tpu.memory_space<vmem>>) target(%dma_start3A_236 : memref<256x64xf32, #tpu.memory_space<hbm>>) target_semaphore(%arg28 : memref<!tpu.dma_semaphore, #tpu.memory_space<semaphore_mem>>)
      %dma_start3A_237 = arith.constant 64 : i32
      %dma_start3A_238 = tpu.memref_slice %arg7[%add3A_176, %dma_start3A_237] : memref<819200x128xf32, #tpu.memory_space<hbm>> -> memref<256x64xf32, #tpu.memory_space<hbm>>
      %dma_start3A_239 = arith.constant 64 : i32
      %dma_start3A_240 = tpu.memref_slice %arg7[%add3A_176, %dma_start3A_239] : memref<819200x128xf32, #tpu.memory_space<hbm>> -> memref<256x64xf32, #tpu.memory_space<hbm>>
      tpu.enqueue_dma source(%arg21 : memref<256x64xf32, #tpu.memory_space<vmem>>) target(%dma_start3A_240 : memref<256x64xf32, #tpu.memory_space<hbm>>) target_semaphore(%arg28 : memref<!tpu.dma_semaphore, #tpu.memory_space<semaphore_mem>>)
      %mul3A_241 = arith.constant 3 : i32
      %mul3A_242 = arith.muli %scan3A_97, %mul3A_241 : i32
      %add3A_243 = arith.constant 2 : i32
      %add3A_244 = arith.addi %mul3A_242, %add3A_243 : i32
      %mul3A_245 = arith.constant 25600 : i32
      %mul3A_246 = arith.muli %add3A, %mul3A_245 : i32
      %mul3A_247 = arith.constant 256 : i32
      %mul3A_248 = arith.muli %add3A_244, %mul3A_247 : i32
      %add3A_249 = arith.addi %mul3A_246, %mul3A_248 : i32
      %ge3A_250 = arith.constant 2 : i32
      %ge3A_251 = arith.cmpi sge, %add3A_244, %ge3A_250 : i32
      %convert_element_type3A_252 = arith.extui %ge3A_251 : i1 to i32
      %cond3A_253 = arith.constant 0 : i32
      %cond3A_254 = arith.cmpi ne, %convert_element_type3A_252, %cond3A_253 : i32
      scf.if %cond3A_254 {
        %sub3A_314 = arith.constant 512 : i32
        %sub3A_315 = arith.subi %add3A_249, %sub3A_314 : i32
        %dma_wait3A_316 = arith.constant 0 : i32
        %dma_wait3A_317 = tpu.memref_slice %arg7[%sub3A_315, %dma_wait3A_316] : memref<819200x128xf32, #tpu.memory_space<hbm>> -> memref<256x64xf32, #tpu.memory_space<hbm>>
        %dma_wait3A_318 = arith.constant 0 : i32
        %dma_wait3A_319 = tpu.memref_slice %arg7[%sub3A_315, %dma_wait3A_318] : memref<819200x128xf32, #tpu.memory_space<hbm>> -> memref<256x64xf32, #tpu.memory_space<hbm>>
        tpu.wait_dma2 semaphore(%arg27 : memref<!tpu.dma_semaphore, #tpu.memory_space<semaphore_mem>>) src(%arg17 : memref<256x64xf32, #tpu.memory_space<vmem>>) dst(%dma_wait3A_319 : memref<256x64xf32, #tpu.memory_space<hbm>>)
        %dma_wait3A_320 = arith.constant 64 : i32
        %dma_wait3A_321 = tpu.memref_slice %arg7[%sub3A_315, %dma_wait3A_320] : memref<819200x128xf32, #tpu.memory_space<hbm>> -> memref<256x64xf32, #tpu.memory_space<hbm>>
        %dma_wait3A_322 = arith.constant 64 : i32
        %dma_wait3A_323 = tpu.memref_slice %arg7[%sub3A_315, %dma_wait3A_322] : memref<819200x128xf32, #tpu.memory_space<hbm>> -> memref<256x64xf32, #tpu.memory_space<hbm>>
        tpu.wait_dma2 semaphore(%arg27 : memref<!tpu.dma_semaphore, #tpu.memory_space<semaphore_mem>>) src(%arg20 : memref<256x64xf32, #tpu.memory_space<vmem>>) dst(%dma_wait3A_323 : memref<256x64xf32, #tpu.memory_space<hbm>>)
      } else {
      }
      %add3A_255 = arith.constant 1 : i32
      %add3A_256 = arith.addi %add3A_244, %add3A_255 : i32
      %add3A_257 = arith.addi %mul3A_2, %add3A_256 : i32
      "tpu.region"() ({
        %run_scoped3A = tpu.sem_alloc : memref<!tpu.dma_semaphore, #tpu.memory_space<semaphore_mem>>
        %dma_start3A_314 = arith.constant 0 : i32
        %dma_start3A_315 = arith.constant 0 : i32
        %dma_start3A_316 = tpu.memref_slice %arg2[%add3A_257, %dma_start3A_314, %dma_start3A_315] : memref<3200x2x128xi32, #tpu.memory_space<hbm>> -> memref<1x2x128xi32, #tpu.memory_space<hbm>>
        %dma_start3A_317 = tpu.memref_squeeze %dma_start3A_316 : memref<1x2x128xi32, #tpu.memory_space<hbm>> -> memref<2x128xi32, #tpu.memory_space<hbm>>
        %dma_start3A_318 = arith.constant 0 : i32
        %dma_start3A_319 = arith.constant 0 : i32
        %dma_start3A_320 = tpu.memref_slice %arg2[%add3A_257, %dma_start3A_318, %dma_start3A_319] : memref<3200x2x128xi32, #tpu.memory_space<hbm>> -> memref<1x2x128xi32, #tpu.memory_space<hbm>>
        %dma_start3A_321 = tpu.memref_squeeze %dma_start3A_320 : memref<1x2x128xi32, #tpu.memory_space<hbm>> -> memref<2x128xi32, #tpu.memory_space<hbm>>
        tpu.enqueue_dma source(%dma_start3A_321 : memref<2x128xi32, #tpu.memory_space<hbm>>) target(%arg8 : memref<2x128xi32, #tpu.memory_space<vmem>>) target_semaphore(%run_scoped3A : memref<!tpu.dma_semaphore, #tpu.memory_space<semaphore_mem>>)
        %dma_wait3A_322 = arith.constant 0 : i32
        %dma_wait3A_323 = arith.constant 0 : i32
        %dma_wait3A_324 = tpu.memref_slice %arg2[%add3A_257, %dma_wait3A_322, %dma_wait3A_323] : memref<3200x2x128xi32, #tpu.memory_space<hbm>> -> memref<1x2x128xi32, #tpu.memory_space<hbm>>
        %dma_wait3A_325 = tpu.memref_squeeze %dma_wait3A_324 : memref<1x2x128xi32, #tpu.memory_space<hbm>> -> memref<2x128xi32, #tpu.memory_space<hbm>>
        %dma_wait3A_326 = arith.constant 0 : i32
        %dma_wait3A_327 = arith.constant 0 : i32
        %dma_wait3A_328 = tpu.memref_slice %arg2[%add3A_257, %dma_wait3A_326, %dma_wait3A_327] : memref<3200x2x128xi32, #tpu.memory_space<hbm>> -> memref<1x2x128xi32, #tpu.memory_space<hbm>>
        %dma_wait3A_329 = tpu.memref_squeeze %dma_wait3A_328 : memref<1x2x128xi32, #tpu.memory_space<hbm>> -> memref<2x128xi32, #tpu.memory_space<hbm>>
        tpu.wait_dma2 semaphore(%run_scoped3A : memref<!tpu.dma_semaphore, #tpu.memory_space<semaphore_mem>>) src(%dma_wait3A_329 : memref<2x128xi32, #tpu.memory_space<hbm>>) dst(%arg8 : memref<2x128xi32, #tpu.memory_space<vmem>>)
        tpu.yield
      }) : () -> ()
      %add3A_258 = arith.addi %mul3A_2, %add3A_256 : i32
      "tpu.region"() ({
        %run_scoped3A = tpu.sem_alloc : memref<!tpu.dma_semaphore, #tpu.memory_space<semaphore_mem>>
        %dma_start3A_314 = arith.constant 0 : i32
        %dma_start3A_315 = tpu.memref_slice %arg3[%add3A_258, %dma_start3A_314] : memref<3200x256xi32, #tpu.memory_space<hbm>> -> memref<1x256xi32, #tpu.memory_space<hbm>>
        %dma_start3A_316 = tpu.memref_squeeze %dma_start3A_315 : memref<1x256xi32, #tpu.memory_space<hbm>> -> memref<256xi32, #tpu.memory_space<hbm>>
        %dma_start3A_317 = arith.constant 0 : i32
        %dma_start3A_318 = tpu.memref_slice %arg3[%add3A_258, %dma_start3A_317] : memref<3200x256xi32, #tpu.memory_space<hbm>> -> memref<1x256xi32, #tpu.memory_space<hbm>>
        %dma_start3A_319 = tpu.memref_squeeze %dma_start3A_318 : memref<1x256xi32, #tpu.memory_space<hbm>> -> memref<256xi32, #tpu.memory_space<hbm>>
        tpu.enqueue_dma source(%dma_start3A_319 : memref<256xi32, #tpu.memory_space<hbm>>) target(%arg11 : memref<256xi32, #tpu.memory_space<vmem>>) target_semaphore(%run_scoped3A : memref<!tpu.dma_semaphore, #tpu.memory_space<semaphore_mem>>)
        %dma_wait3A_320 = arith.constant 0 : i32
        %dma_wait3A_321 = tpu.memref_slice %arg3[%add3A_258, %dma_wait3A_320] : memref<3200x256xi32, #tpu.memory_space<hbm>> -> memref<1x256xi32, #tpu.memory_space<hbm>>
        %dma_wait3A_322 = tpu.memref_squeeze %dma_wait3A_321 : memref<1x256xi32, #tpu.memory_space<hbm>> -> memref<256xi32, #tpu.memory_space<hbm>>
        %dma_wait3A_323 = arith.constant 0 : i32
        %dma_wait3A_324 = tpu.memref_slice %arg3[%add3A_258, %dma_wait3A_323] : memref<3200x256xi32, #tpu.memory_space<hbm>> -> memref<1x256xi32, #tpu.memory_space<hbm>>
        %dma_wait3A_325 = tpu.memref_squeeze %dma_wait3A_324 : memref<1x256xi32, #tpu.memory_space<hbm>> -> memref<256xi32, #tpu.memory_space<hbm>>
        tpu.wait_dma2 semaphore(%run_scoped3A : memref<!tpu.dma_semaphore, #tpu.memory_space<semaphore_mem>>) src(%dma_wait3A_325 : memref<256xi32, #tpu.memory_space<hbm>>) dst(%arg11 : memref<256xi32, #tpu.memory_space<vmem>>)
        tpu.yield
      }) : () -> ()
      %add3A_259 = arith.addi %mul3A_2, %add3A_256 : i32
      "tpu.region"() ({
        %run_scoped3A = tpu.sem_alloc : memref<!tpu.dma_semaphore, #tpu.memory_space<semaphore_mem>>
        %dma_start3A_314 = arith.constant 0 : i32
        %dma_start3A_315 = tpu.memref_slice %arg4[%add3A_259, %dma_start3A_314] : memref<3200x256xi32, #tpu.memory_space<hbm>> -> memref<1x256xi32, #tpu.memory_space<hbm>>
        %dma_start3A_316 = tpu.memref_squeeze %dma_start3A_315 : memref<1x256xi32, #tpu.memory_space<hbm>> -> memref<256xi32, #tpu.memory_space<hbm>>
        %dma_start3A_317 = arith.constant 0 : i32
        %dma_start3A_318 = tpu.memref_slice %arg4[%add3A_259, %dma_start3A_317] : memref<3200x256xi32, #tpu.memory_space<hbm>> -> memref<1x256xi32, #tpu.memory_space<hbm>>
        %dma_start3A_319 = tpu.memref_squeeze %dma_start3A_318 : memref<1x256xi32, #tpu.memory_space<hbm>> -> memref<256xi32, #tpu.memory_space<hbm>>
        tpu.enqueue_dma source(%dma_start3A_319 : memref<256xi32, #tpu.memory_space<hbm>>) target(%arg14 : memref<256xi32, #tpu.memory_space<vmem>>) target_semaphore(%run_scoped3A : memref<!tpu.dma_semaphore, #tpu.memory_space<semaphore_mem>>)
        %dma_wait3A_320 = arith.constant 0 : i32
        %dma_wait3A_321 = tpu.memref_slice %arg4[%add3A_259, %dma_wait3A_320] : memref<3200x256xi32, #tpu.memory_space<hbm>> -> memref<1x256xi32, #tpu.memory_space<hbm>>
        %dma_wait3A_322 = tpu.memref_squeeze %dma_wait3A_321 : memref<1x256xi32, #tpu.memory_space<hbm>> -> memref<256xi32, #tpu.memory_space<hbm>>
        %dma_wait3A_323 = arith.constant 0 : i32
        %dma_wait3A_324 = tpu.memref_slice %arg4[%add3A_259, %dma_wait3A_323] : memref<3200x256xi32, #tpu.memory_space<hbm>> -> memref<1x256xi32, #tpu.memory_space<hbm>>
        %dma_wait3A_325 = tpu.memref_squeeze %dma_wait3A_324 : memref<1x256xi32, #tpu.memory_space<hbm>> -> memref<256xi32, #tpu.memory_space<hbm>>
        tpu.wait_dma2 semaphore(%run_scoped3A : memref<!tpu.dma_semaphore, #tpu.memory_space<semaphore_mem>>) src(%dma_wait3A_325 : memref<256xi32, #tpu.memory_space<hbm>>) dst(%arg14 : memref<256xi32, #tpu.memory_space<vmem>>)
        tpu.yield
      }) : () -> ()
      %dma_start3A_260 = arith.constant 0 : i32
      %dma_start3A_261 = arith.constant 0 : i32
      %dma_start3A_262 = arith.constant 0 : i32
      %dma_start3A_263 = tpu.memref_slice %arg17[%dma_start3A_261, %dma_start3A_262] : memref<256x64xf32, #tpu.memory_space<vmem>> -> memref<128x64xf32, #tpu.memory_space<vmem>>
      %dma_start3A_264 = arith.constant 0 : i32
      %dma_start3A_265 = tpu.memref_slice %arg8[%dma_start3A_260, %dma_start3A_264] : memref<2x128xi32, #tpu.memory_space<vmem>> -> memref<1x128xi32, #tpu.memory_space<vmem>>
      %dma_start3A_266 = tpu.memref_squeeze %dma_start3A_265 : memref<1x128xi32, #tpu.memory_space<vmem>> -> memref<128xi32, #tpu.memory_space<vmem>>
      %dma_start3A_267 = arith.constant 0 : i32
      %dma_start3A_268 = arith.constant 0 : i32
      %dma_start3A_269 = tpu.memref_slice %arg5[%dma_start3A_267, %dma_start3A_268] : memref<1000000x64xf32, #tpu.memory_space<hbm>> -> memref<1000000x64xf32, #tpu.memory_space<hbm>>
      tpu.enqueue_indirect_dma source(%dma_start3A_269 : memref<1000000x64xf32, #tpu.memory_space<hbm>>) target(%dma_start3A_263 : memref<128x64xf32, #tpu.memory_space<vmem>>) offsets(%dma_start3A_266 : memref<128xi32, #tpu.memory_space<vmem>>) semaphore(%arg24 : memref<!tpu.dma_semaphore, #tpu.memory_space<semaphore_mem>>)
      %dma_start3A_270 = arith.constant 1 : i32
      %dma_start3A_271 = arith.constant 128 : i32
      %dma_start3A_272 = arith.constant 0 : i32
      %dma_start3A_273 = tpu.memref_slice %arg17[%dma_start3A_271, %dma_start3A_272] : memref<256x64xf32, #tpu.memory_space<vmem>> -> memref<128x64xf32, #tpu.memory_space<vmem>>
      %dma_start3A_274 = arith.constant 0 : i32
      %dma_start3A_275 = tpu.memref_slice %arg8[%dma_start3A_270, %dma_start3A_274] : memref<2x128xi32, #tpu.memory_space<vmem>> -> memref<1x128xi32, #tpu.memory_space<vmem>>
      %dma_start3A_276 = tpu.memref_squeeze %dma_start3A_275 : memref<1x128xi32, #tpu.memory_space<vmem>> -> memref<128xi32, #tpu.memory_space<vmem>>
      %dma_start3A_277 = arith.constant 0 : i32
      %dma_start3A_278 = arith.constant 0 : i32
      %dma_start3A_279 = tpu.memref_slice %arg5[%dma_start3A_277, %dma_start3A_278] : memref<1000000x64xf32, #tpu.memory_space<hbm>> -> memref<1000000x64xf32, #tpu.memory_space<hbm>>
      tpu.enqueue_indirect_dma source(%dma_start3A_279 : memref<1000000x64xf32, #tpu.memory_space<hbm>>) target(%dma_start3A_273 : memref<128x64xf32, #tpu.memory_space<vmem>>) offsets(%dma_start3A_276 : memref<128xi32, #tpu.memory_space<vmem>>) semaphore(%arg24 : memref<!tpu.dma_semaphore, #tpu.memory_space<semaphore_mem>>)
      %scan3A_280 = arith.constant 0 : i32
      %scan3A_281 = arith.constant 0 : i32
      %scan3A_282 = arith.constant 16 : i32
      %scan3A_283 = arith.addi %scan3A_281, %scan3A_282 : i32
      %scan3A_284 = arith.constant 1 : i32
      scf.for %scan3A_314 = %scan3A_281 to %scan3A_283 step %scan3A_284  : i32 {
        %mul3A_315 = arith.constant 16 : i32
        %mul3A_316 = arith.muli %scan3A_314, %mul3A_315 : i32
        %get3A = arith.index_cast %mul3A_316 : i32 to index
        %get3A_317 = tpu.vector_load %arg13[%get3A] {strides = array<i32>} : memref<256xi32, #tpu.memory_space<vmem>>, vector<16xi32>,
        %get3A_318 = vector.shape_cast %get3A_317 : vector<16xi32> to vector<16xi32>
        %mul3A_319 = arith.constant 16 : i32
        %mul3A_320 = arith.muli %scan3A_314, %mul3A_319 : i32
        %get3A_321 = arith.index_cast %mul3A_320 : i32 to index
        %get3A_322 = tpu.vector_load %arg16[%get3A_321] {strides = array<i32>} : memref<256xi32, #tpu.memory_space<vmem>>, vector<16xi32>,
        %get3A_323 = vector.shape_cast %get3A_322 : vector<16xi32> to vector<16xi32>
        %mul3A_324 = arith.constant 16 : i32
        %mul3A_325 = arith.muli %scan3A_314, %mul3A_324 : i32
        %add3A_326 = arith.constant 0 : i32
        %add3A_327 = arith.addi %mul3A_325, %add3A_326 : i32
        %slice3A = vector.extract_strided_slice %get3A_318 {offsets = [0], sizes = [1], strides = [1]} : vector<16xi32> to vector<1xi32>
        %squeeze3A = vector.extract %slice3A[0] : i32 from vector<1xi32>
        %slice3A_328 = vector.extract_strided_slice %get3A_323 {offsets = [0], sizes = [1], strides = [1]} : vector<16xi32> to vector<1xi32>
        %squeeze3A_329 = vector.extract %slice3A_328[0] : i32 from vector<1xi32>
        %get3A_330 = arith.index_cast %squeeze3A : i32 to index
        %get3A_331 = arith.constant 0 : index
        %get3A_332 = tpu.vector_load %arg23[%get3A_330, %get3A_331] {strides = array<i32>} : memref<400x32xf32, #tpu.memory_space<vmem>>, vector<1x16xf32>,
        %get3A_333 = vector.shape_cast %get3A_332 : vector<1x16xf32> to vector<16xf32>
        %swap3A = arith.index_cast %add3A_327 : i32 to index
        %swap3A_334 = arith.constant 0 : index
        %swap3A_335 = tpu.vector_load %arg22[%swap3A, %swap3A_334] {strides = array<i32>} : memref<256x64xf32, #tpu.memory_space<vmem>>, vector<1x16xf32>,
        %swap3A_336 = vector.shape_cast %swap3A_335 : vector<1x16xf32> to vector<16xf32>
        %swap3A_337 = vector.shape_cast %get3A_333 : vector<16xf32> to vector<1x16xf32>
        tpu.vector_store %arg22[%swap3A, %swap3A_334], %swap3A_337 {strides = array<i32>} : memref<256x64xf32, #tpu.memory_space<vmem>>, vector<1x16xf32>,
        %get3A_338 = arith.index_cast %squeeze3A : i32 to index
        %get3A_339 = arith.constant 16 : index
        %get3A_340 = tpu.vector_load %arg23[%get3A_338, %get3A_339] {strides = array<i32>} : memref<400x32xf32, #tpu.memory_space<vmem>>, vector<1x16xf32>,
        %get3A_341 = vector.shape_cast %get3A_340 : vector<1x16xf32> to vector<16xf32>
        %swap3A_342 = arith.index_cast %add3A_327 : i32 to index
        %swap3A_343 = arith.constant 16 : index
        %swap3A_344 = tpu.vector_load %arg22[%swap3A_342, %swap3A_343] {strides = array<i32>} : memref<256x64xf32, #tpu.memory_space<vmem>>, vector<1x16xf32>,
        %swap3A_345 = vector.shape_cast %swap3A_344 : vector<1x16xf32> to vector<16xf32>
        %swap3A_346 = vector.shape_cast %get3A_341 : vector<16xf32> to vector<1x16xf32>
        tpu.vector_store %arg22[%swap3A_342, %swap3A_343], %swap3A_346 {strides = array<i32>} : memref<256x64xf32, #tpu.memory_space<vmem>>, vector<1x16xf32>,
        %get3A_347 = arith.index_cast %squeeze3A_329 : i32 to index
        %get3A_348 = arith.constant 0 : index
        %get3A_349 = tpu.vector_load %arg23[%get3A_347, %get3A_348] {strides = array<i32>} : memref<400x32xf32, #tpu.memory_space<vmem>>, vector<1x16xf32>,
        %get3A_350 = vector.shape_cast %get3A_349 : vector<1x16xf32> to vector<16xf32>
        %swap3A_351 = arith.index_cast %add3A_327 : i32 to index
        %swap3A_352 = arith.constant 32 : index
        %swap3A_353 = tpu.vector_load %arg22[%swap3A_351, %swap3A_352] {strides = array<i32>} : memref<256x64xf32, #tpu.memory_space<vmem>>, vector<1x16xf32>,
        %swap3A_354 = vector.shape_cast %swap3A_353 : vector<1x16xf32> to vector<16xf32>
        %swap3A_355 = vector.shape_cast %get3A_350 : vector<16xf32> to vector<1x16xf32>
        tpu.vector_store %arg22[%swap3A_351, %swap3A_352], %swap3A_355 {strides = array<i32>} : memref<256x64xf32, #tpu.memory_space<vmem>>, vector<1x16xf32>,
        %get3A_356 = arith.index_cast %squeeze3A_329 : i32 to index
        %get3A_357 = arith.constant 16 : index
        %get3A_358 = tpu.vector_load %arg23[%get3A_356, %get3A_357] {strides = array<i32>} : memref<400x32xf32, #tpu.memory_space<vmem>>, vector<1x16xf32>,
        %get3A_359 = vector.shape_cast %get3A_358 : vector<1x16xf32> to vector<16xf32>
        %swap3A_360 = arith.index_cast %add3A_327 : i32 to index
        %swap3A_361 = arith.constant 48 : index
        %swap3A_362 = tpu.vector_load %arg22[%swap3A_360, %swap3A_361] {strides = array<i32>} : memref<256x64xf32, #tpu.memory_space<vmem>>, vector<1x16xf32>,
        %swap3A_363 = vector.shape_cast %swap3A_362 : vector<1x16xf32> to vector<16xf32>
        %swap3A_364 = vector.shape_cast %get3A_359 : vector<16xf32> to vector<1x16xf32>
        tpu.vector_store %arg22[%swap3A_360, %swap3A_361], %swap3A_364 {strides = array<i32>} : memref<256x64xf32, #tpu.memory_space<vmem>>, vector<1x16xf32>,
        %mul3A_365 = arith.constant 16 : i32
        %mul3A_366 = arith.muli %scan3A_314, %mul3A_365 : i32
        %add3A_367 = arith.constant 1 : i32
        %add3A_368 = arith.addi %mul3A_366, %add3A_367 : i32
        %slice3A_369 = vector.extract_strided_slice %get3A_318 {offsets = [1], sizes = [1], strides = [1]} : vector<16xi32> to vector<1xi32>
        %squeeze3A_370 = vector.extract %slice3A_369[0] : i32 from vector<1xi32>
        %slice3A_371 = vector.extract_strided_slice %get3A_323 {offsets = [1], sizes = [1], strides = [1]} : vector<16xi32> to vector<1xi32>
        %squeeze3A_372 = vector.extract %slice3A_371[0] : i32 from vector<1xi32>
        %get3A_373 = arith.index_cast %squeeze3A_370 : i32 to index
        %get3A_374 = arith.constant 0 : index
        %get3A_375 = tpu.vector_load %arg23[%get3A_373, %get3A_374] {strides = array<i32>} : memref<400x32xf32, #tpu.memory_space<vmem>>, vector<1x16xf32>,
        %get3A_376 = vector.shape_cast %get3A_375 : vector<1x16xf32> to vector<16xf32>
        %swap3A_377 = arith.index_cast %add3A_368 : i32 to index
        %swap3A_378 = arith.constant 0 : index
        %swap3A_379 = tpu.vector_load %arg22[%swap3A_377, %swap3A_378] {strides = array<i32>} : memref<256x64xf32, #tpu.memory_space<vmem>>, vector<1x16xf32>,
        %swap3A_380 = vector.shape_cast %swap3A_379 : vector<1x16xf32> to vector<16xf32>
        %swap3A_381 = vector.shape_cast %get3A_376 : vector<16xf32> to vector<1x16xf32>
        tpu.vector_store %arg22[%swap3A_377, %swap3A_378], %swap3A_381 {strides = array<i32>} : memref<256x64xf32, #tpu.memory_space<vmem>>, vector<1x16xf32>,
        %get3A_382 = arith.index_cast %squeeze3A_370 : i32 to index
        %get3A_383 = arith.constant 16 : index
        %get3A_384 = tpu.vector_load %arg23[%get3A_382, %get3A_383] {strides = array<i32>} : memref<400x32xf32, #tpu.memory_space<vmem>>, vector<1x16xf32>,
        %get3A_385 = vector.shape_cast %get3A_384 : vector<1x16xf32> to vector<16xf32>
        %swap3A_386 = arith.index_cast %add3A_368 : i32 to index
        %swap3A_387 = arith.constant 16 : index
        %swap3A_388 = tpu.vector_load %arg22[%swap3A_386, %swap3A_387] {strides = array<i32>} : memref<256x64xf32, #tpu.memory_space<vmem>>, vector<1x16xf32>,
        %swap3A_389 = vector.shape_cast %swap3A_388 : vector<1x16xf32> to vector<16xf32>
        %swap3A_390 = vector.shape_cast %get3A_385 : vector<16xf32> to vector<1x16xf32>
        tpu.vector_store %arg22[%swap3A_386, %swap3A_387], %swap3A_390 {strides = array<i32>} : memref<256x64xf32, #tpu.memory_space<vmem>>, vector<1x16xf32>,
        %get3A_391 = arith.index_cast %squeeze3A_372 : i32 to index
        %get3A_392 = arith.constant 0 : index
        %get3A_393 = tpu.vector_load %arg23[%get3A_391, %get3A_392] {strides = array<i32>} : memref<400x32xf32, #tpu.memory_space<vmem>>, vector<1x16xf32>,
        %get3A_394 = vector.shape_cast %get3A_393 : vector<1x16xf32> to vector<16xf32>
        %swap3A_395 = arith.index_cast %add3A_368 : i32 to index
        %swap3A_396 = arith.constant 32 : index
        %swap3A_397 = tpu.vector_load %arg22[%swap3A_395, %swap3A_396] {strides = array<i32>} : memref<256x64xf32, #tpu.memory_space<vmem>>, vector<1x16xf32>,
        %swap3A_398 = vector.shape_cast %swap3A_397 : vector<1x16xf32> to vector<16xf32>
        %swap3A_399 = vector.shape_cast %get3A_394 : vector<16xf32> to vector<1x16xf32>
        tpu.vector_store %arg22[%swap3A_395, %swap3A_396], %swap3A_399 {strides = array<i32>} : memref<256x64xf32, #tpu.memory_space<vmem>>, vector<1x16xf32>,
        %get3A_400 = arith.index_cast %squeeze3A_372 : i32 to index
        %get3A_401 = arith.constant 16 : index
        %get3A_402 = tpu.vector_load %arg23[%get3A_400, %get3A_401] {strides = array<i32>} : memref<400x32xf32, #tpu.memory_space<vmem>>, vector<1x16xf32>,
        %get3A_403 = vector.shape_cast %get3A_402 : vector<1x16xf32> to vector<16xf32>
        %swap3A_404 = arith.index_cast %add3A_368 : i32 to index
        %swap3A_405 = arith.constant 48 : index
        %swap3A_406 = tpu.vector_load %arg22[%swap3A_404, %swap3A_405] {strides = array<i32>} : memref<256x64xf32, #tpu.memory_space<vmem>>, vector<1x16xf32>,
        %swap3A_407 = vector.shape_cast %swap3A_406 : vector<1x16xf32> to vector<16xf32>
        %swap3A_408 = vector.shape_cast %get3A_403 : vector<16xf32> to vector<1x16xf32>
        tpu.vector_store %arg22[%swap3A_404, %swap3A_405], %swap3A_408 {strides = array<i32>} : memref<256x64xf32, #tpu.memory_space<vmem>>, vector<1x16xf32>,
        %mul3A_409 = arith.constant 16 : i32
        %mul3A_410 = arith.muli %scan3A_314, %mul3A_409 : i32
        %add3A_411 = arith.constant 2 : i32
        %add3A_412 = arith.addi %mul3A_410, %add3A_411 : i32
        %slice3A_413 = vector.extract_strided_slice %get3A_318 {offsets = [2], sizes = [1], strides = [1]} : vector<16xi32> to vector<1xi32>
        %squeeze3A_414 = vector.extract %slice3A_413[0] : i32 from vector<1xi32>
        %slice3A_415 = vector.extract_strided_slice %get3A_323 {offsets = [2], sizes = [1], strides = [1]} : vector<16xi32> to vector<1xi32>
        %squeeze3A_416 = vector.extract %slice3A_415[0] : i32 from vector<1xi32>
        %get3A_417 = arith.index_cast %squeeze3A_414 : i32 to index
        %get3A_418 = arith.constant 0 : index
        %get3A_419 = tpu.vector_load %arg23[%get3A_417, %get3A_418] {strides = array<i32>} : memref<400x32xf32, #tpu.memory_space<vmem>>, vector<1x16xf32>,
        %get3A_420 = vector.shape_cast %get3A_419 : vector<1x16xf32> to vector<16xf32>
        %swap3A_421 = arith.index_cast %add3A_412 : i32 to index
        %swap3A_422 = arith.constant 0 : index
        %swap3A_423 = tpu.vector_load %arg22[%swap3A_421, %swap3A_422] {strides = array<i32>} : memref<256x64xf32, #tpu.memory_space<vmem>>, vector<1x16xf32>,
        %swap3A_424 = vector.shape_cast %swap3A_423 : vector<1x16xf32> to vector<16xf32>
        %swap3A_425 = vector.shape_cast %get3A_420 : vector<16xf32> to vector<1x16xf32>
        tpu.vector_store %arg22[%swap3A_421, %swap3A_422], %swap3A_425 {strides = array<i32>} : memref<256x64xf32, #tpu.memory_space<vmem>>, vector<1x16xf32>,
        %get3A_426 = arith.index_cast %squeeze3A_414 : i32 to index
        %get3A_427 = arith.constant 16 : index
        %get3A_428 = tpu.vector_load %arg23[%get3A_426, %get3A_427] {strides = array<i32>} : memref<400x32xf32, #tpu.memory_space<vmem>>, vector<1x16xf32>,
        %get3A_429 = vector.shape_cast %get3A_428 : vector<1x16xf32> to vector<16xf32>
        %swap3A_430 = arith.index_cast %add3A_412 : i32 to index
        %swap3A_431 = arith.constant 16 : index
        %swap3A_432 = tpu.vector_load %arg22[%swap3A_430, %swap3A_431] {strides = array<i32>} : memref<256x64xf32, #tpu.memory_space<vmem>>, vector<1x16xf32>,
        %swap3A_433 = vector.shape_cast %swap3A_432 : vector<1x16xf32> to vector<16xf32>
        %swap3A_434 = vector.shape_cast %get3A_429 : vector<16xf32> to vector<1x16xf32>
        tpu.vector_store %arg22[%swap3A_430, %swap3A_431], %swap3A_434 {strides = array<i32>} : memref<256x64xf32, #tpu.memory_space<vmem>>, vector<1x16xf32>,
        %get3A_435 = arith.index_cast %squeeze3A_416 : i32 to index
        %get3A_436 = arith.constant 0 : index
        %get3A_437 = tpu.vector_load %arg23[%get3A_435, %get3A_436] {strides = array<i32>} : memref<400x32xf32, #tpu.memory_space<vmem>>, vector<1x16xf32>,
        %get3A_438 = vector.shape_cast %get3A_437 : vector<1x16xf32> to vector<16xf32>
        %swap3A_439 = arith.index_cast %add3A_412 : i32 to index
        %swap3A_440 = arith.constant 32 : index
        %swap3A_441 = tpu.vector_load %arg22[%swap3A_439, %swap3A_440] {strides = array<i32>} : memref<256x64xf32, #tpu.memory_space<vmem>>, vector<1x16xf32>,
        %swap3A_442 = vector.shape_cast %swap3A_441 : vector<1x16xf32> to vector<16xf32>
        %swap3A_443 = vector.shape_cast %get3A_438 : vector<16xf32> to vector<1x16xf32>
        tpu.vector_store %arg22[%swap3A_439, %swap3A_440], %swap3A_443 {strides = array<i32>} : memref<256x64xf32, #tpu.memory_space<vmem>>, vector<1x16xf32>,
        %get3A_444 = arith.index_cast %squeeze3A_416 : i32 to index
        %get3A_445 = arith.constant 16 : index
        %get3A_446 = tpu.vector_load %arg23[%get3A_444, %get3A_445] {strides = array<i32>} : memref<400x32xf32, #tpu.memory_space<vmem>>, vector<1x16xf32>,
        %get3A_447 = vector.shape_cast %get3A_446 : vector<1x16xf32> to vector<16xf32>
        %swap3A_448 = arith.index_cast %add3A_412 : i32 to index
        %swap3A_449 = arith.constant 48 : index
        %swap3A_450 = tpu.vector_load %arg22[%swap3A_448, %swap3A_449] {strides = array<i32>} : memref<256x64xf32, #tpu.memory_space<vmem>>, vector<1x16xf32>,
        %swap3A_451 = vector.shape_cast %swap3A_450 : vector<1x16xf32> to vector<16xf32>
        %swap3A_452 = vector.shape_cast %get3A_447 : vector<16xf32> to vector<1x16xf32>
        tpu.vector_store %arg22[%swap3A_448, %swap3A_449], %swap3A_452 {strides = array<i32>} : memref<256x64xf32, #tpu.memory_space<vmem>>, vector<1x16xf32>,
        %mul3A_453 = arith.constant 16 : i32
        %mul3A_454 = arith.muli %scan3A_314, %mul3A_453 : i32
        %add3A_455 = arith.constant 3 : i32
        %add3A_456 = arith.addi %mul3A_454, %add3A_455 : i32
        %slice3A_457 = vector.extract_strided_slice %get3A_318 {offsets = [3], sizes = [1], strides = [1]} : vector<16xi32> to vector<1xi32>
        %squeeze3A_458 = vector.extract %slice3A_457[0] : i32 from vector<1xi32>
        %slice3A_459 = vector.extract_strided_slice %get3A_323 {offsets = [3], sizes = [1], strides = [1]} : vector<16xi32> to vector<1xi32>
        %squeeze3A_460 = vector.extract %slice3A_459[0] : i32 from vector<1xi32>
        %get3A_461 = arith.index_cast %squeeze3A_458 : i32 to index
        %get3A_462 = arith.constant 0 : index
        %get3A_463 = tpu.vector_load %arg23[%get3A_461, %get3A_462] {strides = array<i32>} : memref<400x32xf32, #tpu.memory_space<vmem>>, vector<1x16xf32>,
        %get3A_464 = vector.shape_cast %get3A_463 : vector<1x16xf32> to vector<16xf32>
        %swap3A_465 = arith.index_cast %add3A_456 : i32 to index
        %swap3A_466 = arith.constant 0 : index
        %swap3A_467 = tpu.vector_load %arg22[%swap3A_465, %swap3A_466] {strides = array<i32>} : memref<256x64xf32, #tpu.memory_space<vmem>>, vector<1x16xf32>,
        %swap3A_468 = vector.shape_cast %swap3A_467 : vector<1x16xf32> to vector<16xf32>
        %swap3A_469 = vector.shape_cast %get3A_464 : vector<16xf32> to vector<1x16xf32>
        tpu.vector_store %arg22[%swap3A_465, %swap3A_466], %swap3A_469 {strides = array<i32>} : memref<256x64xf32, #tpu.memory_space<vmem>>, vector<1x16xf32>,
        %get3A_470 = arith.index_cast %squeeze3A_458 : i32 to index
        %get3A_471 = arith.constant 16 : index
        %get3A_472 = tpu.vector_load %arg23[%get3A_470, %get3A_471] {strides = array<i32>} : memref<400x32xf32, #tpu.memory_space<vmem>>, vector<1x16xf32>,
        %get3A_473 = vector.shape_cast %get3A_472 : vector<1x16xf32> to vector<16xf32>
        %swap3A_474 = arith.index_cast %add3A_456 : i32 to index
        %swap3A_475 = arith.constant 16 : index
        %swap3A_476 = tpu.vector_load %arg22[%swap3A_474, %swap3A_475] {strides = array<i32>} : memref<256x64xf32, #tpu.memory_space<vmem>>, vector<1x16xf32>,
        %swap3A_477 = vector.shape_cast %swap3A_476 : vector<1x16xf32> to vector<16xf32>
        %swap3A_478 = vector.shape_cast %get3A_473 : vector<16xf32> to vector<1x16xf32>
        tpu.vector_store %arg22[%swap3A_474, %swap3A_475], %swap3A_478 {strides = array<i32>} : memref<256x64xf32, #tpu.memory_space<vmem>>, vector<1x16xf32>,
        %get3A_479 = arith.index_cast %squeeze3A_460 : i32 to index
        %get3A_480 = arith.constant 0 : index
        %get3A_481 = tpu.vector_load %arg23[%get3A_479, %get3A_480] {strides = array<i32>} : memref<400x32xf32, #tpu.memory_space<vmem>>, vector<1x16xf32>,
        %get3A_482 = vector.shape_cast %get3A_481 : vector<1x16xf32> to vector<16xf32>
        %swap3A_483 = arith.index_cast %add3A_456 : i32 to index
        %swap3A_484 = arith.constant 32 : index
        %swap3A_485 = tpu.vector_load %arg22[%swap3A_483, %swap3A_484] {strides = array<i32>} : memref<256x64xf32, #tpu.memory_space<vmem>>, vector<1x16xf32>,
        %swap3A_486 = vector.shape_cast %swap3A_485 : vector<1x16xf32> to vector<16xf32>
        %swap3A_487 = vector.shape_cast %get3A_482 : vector<16xf32> to vector<1x16xf32>
        tpu.vector_store %arg22[%swap3A_483, %swap3A_484], %swap3A_487 {strides = array<i32>} : memref<256x64xf32, #tpu.memory_space<vmem>>, vector<1x16xf32>,
        %get3A_488 = arith.index_cast %squeeze3A_460 : i32 to index
        %get3A_489 = arith.constant 16 : index
        %get3A_490 = tpu.vector_load %arg23[%get3A_488, %get3A_489] {strides = array<i32>} : memref<400x32xf32, #tpu.memory_space<vmem>>, vector<1x16xf32>,
        %get3A_491 = vector.shape_cast %get3A_490 : vector<1x16xf32> to vector<16xf32>
        %swap3A_492 = arith.index_cast %add3A_456 : i32 to index
        %swap3A_493 = arith.constant 48 : index
        %swap3A_494 = tpu.vector_load %arg22[%swap3A_492, %swap3A_493] {strides = array<i32>} : memref<256x64xf32, #tpu.memory_space<vmem>>, vector<1x16xf32>,
        %swap3A_495 = vector.shape_cast %swap3A_494 : vector<1x16xf32> to vector<16xf32>
        %swap3A_496 = vector.shape_cast %get3A_491 : vector<16xf32> to vector<1x16xf32>
        tpu.vector_store %arg22[%swap3A_492, %swap3A_493], %swap3A_496 {strides = array<i32>} : memref<256x64xf32, #tpu.memory_space<vmem>>, vector<1x16xf32>,
        %mul3A_497 = arith.constant 16 : i32
        %mul3A_498 = arith.muli %scan3A_314, %mul3A_497 : i32
        %add3A_499 = arith.constant 4 : i32
        %add3A_500 = arith.addi %mul3A_498, %add3A_499 : i32
        %slice3A_501 = vector.extract_strided_slice %get3A_318 {offsets = [4], sizes = [1], strides = [1]} : vector<16xi32> to vector<1xi32>
        %squeeze3A_502 = vector.extract %slice3A_501[0] : i32 from vector<1xi32>
        %slice3A_503 = vector.extract_strided_slice %get3A_323 {offsets = [4], sizes = [1], strides = [1]} : vector<16xi32> to vector<1xi32>
        %squeeze3A_504 = vector.extract %slice3A_503[0] : i32 from vector<1xi32>
        %get3A_505 = arith.index_cast %squeeze3A_502 : i32 to index
        %get3A_506 = arith.constant 0 : index
        %get3A_507 = tpu.vector_load %arg23[%get3A_505, %get3A_506] {strides = array<i32>} : memref<400x32xf32, #tpu.memory_space<vmem>>, vector<1x16xf32>,
        %get3A_508 = vector.shape_cast %get3A_507 : vector<1x16xf32> to vector<16xf32>
        %swap3A_509 = arith.index_cast %add3A_500 : i32 to index
        %swap3A_510 = arith.constant 0 : index
        %swap3A_511 = tpu.vector_load %arg22[%swap3A_509, %swap3A_510] {strides = array<i32>} : memref<256x64xf32, #tpu.memory_space<vmem>>, vector<1x16xf32>,
        %swap3A_512 = vector.shape_cast %swap3A_511 : vector<1x16xf32> to vector<16xf32>
        %swap3A_513 = vector.shape_cast %get3A_508 : vector<16xf32> to vector<1x16xf32>
        tpu.vector_store %arg22[%swap3A_509, %swap3A_510], %swap3A_513 {strides = array<i32>} : memref<256x64xf32, #tpu.memory_space<vmem>>, vector<1x16xf32>,
        %get3A_514 = arith.index_cast %squeeze3A_502 : i32 to index
        %get3A_515 = arith.constant 16 : index
        %get3A_516 = tpu.vector_load %arg23[%get3A_514, %get3A_515] {strides = array<i32>} : memref<400x32xf32, #tpu.memory_space<vmem>>, vector<1x16xf32>,
        %get3A_517 = vector.shape_cast %get3A_516 : vector<1x16xf32> to vector<16xf32>
        %swap3A_518 = arith.index_cast %add3A_500 : i32 to index
        %swap3A_519 = arith.constant 16 : index
        %swap3A_520 = tpu.vector_load %arg22[%swap3A_518, %swap3A_519] {strides = array<i32>} : memref<256x64xf32, #tpu.memory_space<vmem>>, vector<1x16xf32>,
        %swap3A_521 = vector.shape_cast %swap3A_520 : vector<1x16xf32> to vector<16xf32>
        %swap3A_522 = vector.shape_cast %get3A_517 : vector<16xf32> to vector<1x16xf32>
        tpu.vector_store %arg22[%swap3A_518, %swap3A_519], %swap3A_522 {strides = array<i32>} : memref<256x64xf32, #tpu.memory_space<vmem>>, vector<1x16xf32>,
        %get3A_523 = arith.index_cast %squeeze3A_504 : i32 to index
        %get3A_524 = arith.constant 0 : index
        %get3A_525 = tpu.vector_load %arg23[%get3A_523, %get3A_524] {strides = array<i32>} : memref<400x32xf32, #tpu.memory_space<vmem>>, vector<1x16xf32>,
        %get3A_526 = vector.shape_cast %get3A_525 : vector<1x16xf32> to vector<16xf32>
        %swap3A_527 = arith.index_cast %add3A_500 : i32 to index
        %swap3A_528 = arith.constant 32 : index
        %swap3A_529 = tpu.vector_load %arg22[%swap3A_527, %swap3A_528] {strides = array<i32>} : memref<256x64xf32, #tpu.memory_space<vmem>>, vector<1x16xf32>,
        %swap3A_530 = vector.shape_cast %swap3A_529 : vector<1x16xf32> to vector<16xf32>
        %swap3A_531 = vector.shape_cast %get3A_526 : vector<16xf32> to vector<1x16xf32>
        tpu.vector_store %arg22[%swap3A_527, %swap3A_528], %swap3A_531 {strides = array<i32>} : memref<256x64xf32, #tpu.memory_space<vmem>>, vector<1x16xf32>,
        %get3A_532 = arith.index_cast %squeeze3A_504 : i32 to index
        %get3A_533 = arith.constant 16 : index
        %get3A_534 = tpu.vector_load %arg23[%get3A_532, %get3A_533] {strides = array<i32>} : memref<400x32xf32, #tpu.memory_space<vmem>>, vector<1x16xf32>,
        %get3A_535 = vector.shape_cast %get3A_534 : vector<1x16xf32> to vector<16xf32>
        %swap3A_536 = arith.index_cast %add3A_500 : i32 to index
        %swap3A_537 = arith.constant 48 : index
        %swap3A_538 = tpu.vector_load %arg22[%swap3A_536, %swap3A_537] {strides = array<i32>} : memref<256x64xf32, #tpu.memory_space<vmem>>, vector<1x16xf32>,
        %swap3A_539 = vector.shape_cast %swap3A_538 : vector<1x16xf32> to vector<16xf32>
        %swap3A_540 = vector.shape_cast %get3A_535 : vector<16xf32> to vector<1x16xf32>
        tpu.vector_store %arg22[%swap3A_536, %swap3A_537], %swap3A_540 {strides = array<i32>} : memref<256x64xf32, #tpu.memory_space<vmem>>, vector<1x16xf32>,
        %mul3A_541 = arith.constant 16 : i32
        %mul3A_542 = arith.muli %scan3A_314, %mul3A_541 : i32
        %add3A_543 = arith.constant 5 : i32
        %add3A_544 = arith.addi %mul3A_542, %add3A_543 : i32
        %slice3A_545 = vector.extract_strided_slice %get3A_318 {offsets = [5], sizes = [1], strides = [1]} : vector<16xi32> to vector<1xi32>
        %squeeze3A_546 = vector.extract %slice3A_545[0] : i32 from vector<1xi32>
        %slice3A_547 = vector.extract_strided_slice %get3A_323 {offsets = [5], sizes = [1], strides = [1]} : vector<16xi32> to vector<1xi32>
        %squeeze3A_548 = vector.extract %slice3A_547[0] : i32 from vector<1xi32>
        %get3A_549 = arith.index_cast %squeeze3A_546 : i32 to index
        %get3A_550 = arith.constant 0 : index
        %get3A_551 = tpu.vector_load %arg23[%get3A_549, %get3A_550] {strides = array<i32>} : memref<400x32xf32, #tpu.memory_space<vmem>>, vector<1x16xf32>,
        %get3A_552 = vector.shape_cast %get3A_551 : vector<1x16xf32> to vector<16xf32>
        %swap3A_553 = arith.index_cast %add3A_544 : i32 to index
        %swap3A_554 = arith.constant 0 : index
        %swap3A_555 = tpu.vector_load %arg22[%swap3A_553, %swap3A_554] {strides = array<i32>} : memref<256x64xf32, #tpu.memory_space<vmem>>, vector<1x16xf32>,
        %swap3A_556 = vector.shape_cast %swap3A_555 : vector<1x16xf32> to vector<16xf32>
        %swap3A_557 = vector.shape_cast %get3A_552 : vector<16xf32> to vector<1x16xf32>
        tpu.vector_store %arg22[%swap3A_553, %swap3A_554], %swap3A_557 {strides = array<i32>} : memref<256x64xf32, #tpu.memory_space<vmem>>, vector<1x16xf32>,
        %get3A_558 = arith.index_cast %squeeze3A_546 : i32 to index
        %get3A_559 = arith.constant 16 : index
        %get3A_560 = tpu.vector_load %arg23[%get3A_558, %get3A_559] {strides = array<i32>} : memref<400x32xf32, #tpu.memory_space<vmem>>, vector<1x16xf32>,
        %get3A_561 = vector.shape_cast %get3A_560 : vector<1x16xf32> to vector<16xf32>
        %swap3A_562 = arith.index_cast %add3A_544 : i32 to index
        %swap3A_563 = arith.constant 16 : index
        %swap3A_564 = tpu.vector_load %arg22[%swap3A_562, %swap3A_563] {strides = array<i32>} : memref<256x64xf32, #tpu.memory_space<vmem>>, vector<1x16xf32>,
        %swap3A_565 = vector.shape_cast %swap3A_564 : vector<1x16xf32> to vector<16xf32>
        %swap3A_566 = vector.shape_cast %get3A_561 : vector<16xf32> to vector<1x16xf32>
        tpu.vector_store %arg22[%swap3A_562, %swap3A_563], %swap3A_566 {strides = array<i32>} : memref<256x64xf32, #tpu.memory_space<vmem>>, vector<1x16xf32>,
        %get3A_567 = arith.index_cast %squeeze3A_548 : i32 to index
        %get3A_568 = arith.constant 0 : index
        %get3A_569 = tpu.vector_load %arg23[%get3A_567, %get3A_568] {strides = array<i32>} : memref<400x32xf32, #tpu.memory_space<vmem>>, vector<1x16xf32>,
        %get3A_570 = vector.shape_cast %get3A_569 : vector<1x16xf32> to vector<16xf32>
        %swap3A_571 = arith.index_cast %add3A_544 : i32 to index
        %swap3A_572 = arith.constant 32 : index
        %swap3A_573 = tpu.vector_load %arg22[%swap3A_571, %swap3A_572] {strides = array<i32>} : memref<256x64xf32, #tpu.memory_space<vmem>>, vector<1x16xf32>,
        %swap3A_574 = vector.shape_cast %swap3A_573 : vector<1x16xf32> to vector<16xf32>
        %swap3A_575 = vector.shape_cast %get3A_570 : vector<16xf32> to vector<1x16xf32>
        tpu.vector_store %arg22[%swap3A_571, %swap3A_572], %swap3A_575 {strides = array<i32>} : memref<256x64xf32, #tpu.memory_space<vmem>>, vector<1x16xf32>,
        %get3A_576 = arith.index_cast %squeeze3A_548 : i32 to index
        %get3A_577 = arith.constant 16 : index
        %get3A_578 = tpu.vector_load %arg23[%get3A_576, %get3A_577] {strides = array<i32>} : memref<400x32xf32, #tpu.memory_space<vmem>>, vector<1x16xf32>,
        %get3A_579 = vector.shape_cast %get3A_578 : vector<1x16xf32> to vector<16xf32>
        %swap3A_580 = arith.index_cast %add3A_544 : i32 to index
        %swap3A_581 = arith.constant 48 : index
        %swap3A_582 = tpu.vector_load %arg22[%swap3A_580, %swap3A_581] {strides = array<i32>} : memref<256x64xf32, #tpu.memory_space<vmem>>, vector<1x16xf32>,
        %swap3A_583 = vector.shape_cast %swap3A_582 : vector<1x16xf32> to vector<16xf32>
        %swap3A_584 = vector.shape_cast %get3A_579 : vector<16xf32> to vector<1x16xf32>
        tpu.vector_store %arg22[%swap3A_580, %swap3A_581], %swap3A_584 {strides = array<i32>} : memref<256x64xf32, #tpu.memory_space<vmem>>, vector<1x16xf32>,
        %mul3A_585 = arith.constant 16 : i32
        %mul3A_586 = arith.muli %scan3A_314, %mul3A_585 : i32
        %add3A_587 = arith.constant 6 : i32
        %add3A_588 = arith.addi %mul3A_586, %add3A_587 : i32
        %slice3A_589 = vector.extract_strided_slice %get3A_318 {offsets = [6], sizes = [1], strides = [1]} : vector<16xi32> to vector<1xi32>
        %squeeze3A_590 = vector.extract %slice3A_589[0] : i32 from vector<1xi32>
        %slice3A_591 = vector.extract_strided_slice %get3A_323 {offsets = [6], sizes = [1], strides = [1]} : vector<16xi32> to vector<1xi32>
        %squeeze3A_592 = vector.extract %slice3A_591[0] : i32 from vector<1xi32>
        %get3A_593 = arith.index_cast %squeeze3A_590 : i32 to index
        %get3A_594 = arith.constant 0 : index
        %get3A_595 = tpu.vector_load %arg23[%get3A_593, %get3A_594] {strides = array<i32>} : memref<400x32xf32, #tpu.memory_space<vmem>>, vector<1x16xf32>,
        %get3A_596 = vector.shape_cast %get3A_595 : vector<1x16xf32> to vector<16xf32>
        %swap3A_597 = arith.index_cast %add3A_588 : i32 to index
        %swap3A_598 = arith.constant 0 : index
        %swap3A_599 = tpu.vector_load %arg22[%swap3A_597, %swap3A_598] {strides = array<i32>} : memref<256x64xf32, #tpu.memory_space<vmem>>, vector<1x16xf32>,
        %swap3A_600 = vector.shape_cast %swap3A_599 : vector<1x16xf32> to vector<16xf32>
        %swap3A_601 = vector.shape_cast %get3A_596 : vector<16xf32> to vector<1x16xf32>
        tpu.vector_store %arg22[%swap3A_597, %swap3A_598], %swap3A_601 {strides = array<i32>} : memref<256x64xf32, #tpu.memory_space<vmem>>, vector<1x16xf32>,
        %get3A_602 = arith.index_cast %squeeze3A_590 : i32 to index
        %get3A_603 = arith.constant 16 : index
        %get3A_604 = tpu.vector_load %arg23[%get3A_602, %get3A_603] {strides = array<i32>} : memref<400x32xf32, #tpu.memory_space<vmem>>, vector<1x16xf32>,
        %get3A_605 = vector.shape_cast %get3A_604 : vector<1x16xf32> to vector<16xf32>
        %swap3A_606 = arith.index_cast %add3A_588 : i32 to index
        %swap3A_607 = arith.constant 16 : index
        %swap3A_608 = tpu.vector_load %arg22[%swap3A_606, %swap3A_607] {strides = array<i32>} : memref<256x64xf32, #tpu.memory_space<vmem>>, vector<1x16xf32>,
        %swap3A_609 = vector.shape_cast %swap3A_608 : vector<1x16xf32> to vector<16xf32>
        %swap3A_610 = vector.shape_cast %get3A_605 : vector<16xf32> to vector<1x16xf32>
        tpu.vector_store %arg22[%swap3A_606, %swap3A_607], %swap3A_610 {strides = array<i32>} : memref<256x64xf32, #tpu.memory_space<vmem>>, vector<1x16xf32>,
        %get3A_611 = arith.index_cast %squeeze3A_592 : i32 to index
        %get3A_612 = arith.constant 0 : index
        %get3A_613 = tpu.vector_load %arg23[%get3A_611, %get3A_612] {strides = array<i32>} : memref<400x32xf32, #tpu.memory_space<vmem>>, vector<1x16xf32>,
        %get3A_614 = vector.shape_cast %get3A_613 : vector<1x16xf32> to vector<16xf32>
        %swap3A_615 = arith.index_cast %add3A_588 : i32 to index
        %swap3A_616 = arith.constant 32 : index
        %swap3A_617 = tpu.vector_load %arg22[%swap3A_615, %swap3A_616] {strides = array<i32>} : memref<256x64xf32, #tpu.memory_space<vmem>>, vector<1x16xf32>,
        %swap3A_618 = vector.shape_cast %swap3A_617 : vector<1x16xf32> to vector<16xf32>
        %swap3A_619 = vector.shape_cast %get3A_614 : vector<16xf32> to vector<1x16xf32>
        tpu.vector_store %arg22[%swap3A_615, %swap3A_616], %swap3A_619 {strides = array<i32>} : memref<256x64xf32, #tpu.memory_space<vmem>>, vector<1x16xf32>,
        %get3A_620 = arith.index_cast %squeeze3A_592 : i32 to index
        %get3A_621 = arith.constant 16 : index
        %get3A_622 = tpu.vector_load %arg23[%get3A_620, %get3A_621] {strides = array<i32>} : memref<400x32xf32, #tpu.memory_space<vmem>>, vector<1x16xf32>,
        %get3A_623 = vector.shape_cast %get3A_622 : vector<1x16xf32> to vector<16xf32>
        %swap3A_624 = arith.index_cast %add3A_588 : i32 to index
        %swap3A_625 = arith.constant 48 : index
        %swap3A_626 = tpu.vector_load %arg22[%swap3A_624, %swap3A_625] {strides = array<i32>} : memref<256x64xf32, #tpu.memory_space<vmem>>, vector<1x16xf32>,
        %swap3A_627 = vector.shape_cast %swap3A_626 : vector<1x16xf32> to vector<16xf32>
        %swap3A_628 = vector.shape_cast %get3A_623 : vector<16xf32> to vector<1x16xf32>
        tpu.vector_store %arg22[%swap3A_624, %swap3A_625], %swap3A_628 {strides = array<i32>} : memref<256x64xf32, #tpu.memory_space<vmem>>, vector<1x16xf32>,
        %mul3A_629 = arith.constant 16 : i32
        %mul3A_630 = arith.muli %scan3A_314, %mul3A_629 : i32
        %add3A_631 = arith.constant 7 : i32
        %add3A_632 = arith.addi %mul3A_630, %add3A_631 : i32
        %slice3A_633 = vector.extract_strided_slice %get3A_318 {offsets = [7], sizes = [1], strides = [1]} : vector<16xi32> to vector<1xi32>
        %squeeze3A_634 = vector.extract %slice3A_633[0] : i32 from vector<1xi32>
        %slice3A_635 = vector.extract_strided_slice %get3A_323 {offsets = [7], sizes = [1], strides = [1]} : vector<16xi32> to vector<1xi32>
        %squeeze3A_636 = vector.extract %slice3A_635[0] : i32 from vector<1xi32>
        %get3A_637 = arith.index_cast %squeeze3A_634 : i32 to index
        %get3A_638 = arith.constant 0 : index
        %get3A_639 = tpu.vector_load %arg23[%get3A_637, %get3A_638] {strides = array<i32>} : memref<400x32xf32, #tpu.memory_space<vmem>>, vector<1x16xf32>,
        %get3A_640 = vector.shape_cast %get3A_639 : vector<1x16xf32> to vector<16xf32>
        %swap3A_641 = arith.index_cast %add3A_632 : i32 to index
        %swap3A_642 = arith.constant 0 : index
        %swap3A_643 = tpu.vector_load %arg22[%swap3A_641, %swap3A_642] {strides = array<i32>} : memref<256x64xf32, #tpu.memory_space<vmem>>, vector<1x16xf32>,
        %swap3A_644 = vector.shape_cast %swap3A_643 : vector<1x16xf32> to vector<16xf32>
        %swap3A_645 = vector.shape_cast %get3A_640 : vector<16xf32> to vector<1x16xf32>
        tpu.vector_store %arg22[%swap3A_641, %swap3A_642], %swap3A_645 {strides = array<i32>} : memref<256x64xf32, #tpu.memory_space<vmem>>, vector<1x16xf32>,
        %get3A_646 = arith.index_cast %squeeze3A_634 : i32 to index
        %get3A_647 = arith.constant 16 : index
        %get3A_648 = tpu.vector_load %arg23[%get3A_646, %get3A_647] {strides = array<i32>} : memref<400x32xf32, #tpu.memory_space<vmem>>, vector<1x16xf32>,
        %get3A_649 = vector.shape_cast %get3A_648 : vector<1x16xf32> to vector<16xf32>
        %swap3A_650 = arith.index_cast %add3A_632 : i32 to index
        %swap3A_651 = arith.constant 16 : index
        %swap3A_652 = tpu.vector_load %arg22[%swap3A_650, %swap3A_651] {strides = array<i32>} : memref<256x64xf32, #tpu.memory_space<vmem>>, vector<1x16xf32>,
        %swap3A_653 = vector.shape_cast %swap3A_652 : vector<1x16xf32> to vector<16xf32>
        %swap3A_654 = vector.shape_cast %get3A_649 : vector<16xf32> to vector<1x16xf32>
        tpu.vector_store %arg22[%swap3A_650, %swap3A_651], %swap3A_654 {strides = array<i32>} : memref<256x64xf32, #tpu.memory_space<vmem>>, vector<1x16xf32>,
        %get3A_655 = arith.index_cast %squeeze3A_636 : i32 to index
        %get3A_656 = arith.constant 0 : index
        %get3A_657 = tpu.vector_load %arg23[%get3A_655, %get3A_656] {strides = array<i32>} : memref<400x32xf32, #tpu.memory_space<vmem>>, vector<1x16xf32>,
        %get3A_658 = vector.shape_cast %get3A_657 : vector<1x16xf32> to vector<16xf32>
        %swap3A_659 = arith.index_cast %add3A_632 : i32 to index
        %swap3A_660 = arith.constant 32 : index
        %swap3A_661 = tpu.vector_load %arg22[%swap3A_659, %swap3A_660] {strides = array<i32>} : memref<256x64xf32, #tpu.memory_space<vmem>>, vector<1x16xf32>,
        %swap3A_662 = vector.shape_cast %swap3A_661 : vector<1x16xf32> to vector<16xf32>
        %swap3A_663 = vector.shape_cast %get3A_658 : vector<16xf32> to vector<1x16xf32>
        tpu.vector_store %arg22[%swap3A_659, %swap3A_660], %swap3A_663 {strides = array<i32>} : memref<256x64xf32, #tpu.memory_space<vmem>>, vector<1x16xf32>,
        %get3A_664 = arith.index_cast %squeeze3A_636 : i32 to index
        %get3A_665 = arith.constant 16 : index
        %get3A_666 = tpu.vector_load %arg23[%get3A_664, %get3A_665] {strides = array<i32>} : memref<400x32xf32, #tpu.memory_space<vmem>>, vector<1x16xf32>,
        %get3A_667 = vector.shape_cast %get3A_666 : vector<1x16xf32> to vector<16xf32>
        %swap3A_668 = arith.index_cast %add3A_632 : i32 to index
        %swap3A_669 = arith.constant 48 : index
        %swap3A_670 = tpu.vector_load %arg22[%swap3A_668, %swap3A_669] {strides = array<i32>} : memref<256x64xf32, #tpu.memory_space<vmem>>, vector<1x16xf32>,
        %swap3A_671 = vector.shape_cast %swap3A_670 : vector<1x16xf32> to vector<16xf32>
        %swap3A_672 = vector.shape_cast %get3A_667 : vector<16xf32> to vector<1x16xf32>
        tpu.vector_store %arg22[%swap3A_668, %swap3A_669], %swap3A_672 {strides = array<i32>} : memref<256x64xf32, #tpu.memory_space<vmem>>, vector<1x16xf32>,
        %mul3A_673 = arith.constant 16 : i32
        %mul3A_674 = arith.muli %scan3A_314, %mul3A_673 : i32
        %add3A_675 = arith.constant 8 : i32
        %add3A_676 = arith.addi %mul3A_674, %add3A_675 : i32
        %slice3A_677 = vector.extract_strided_slice %get3A_318 {offsets = [8], sizes = [1], strides = [1]} : vector<16xi32> to vector<1xi32>
        %squeeze3A_678 = vector.extract %slice3A_677[0] : i32 from vector<1xi32>
        %slice3A_679 = vector.extract_strided_slice %get3A_323 {offsets = [8], sizes = [1], strides = [1]} : vector<16xi32> to vector<1xi32>
        %squeeze3A_680 = vector.extract %slice3A_679[0] : i32 from vector<1xi32>
        %get3A_681 = arith.index_cast %squeeze3A_678 : i32 to index
        %get3A_682 = arith.constant 0 : index
        %get3A_683 = tpu.vector_load %arg23[%get3A_681, %get3A_682] {strides = array<i32>} : memref<400x32xf32, #tpu.memory_space<vmem>>, vector<1x16xf32>,
        %get3A_684 = vector.shape_cast %get3A_683 : vector<1x16xf32> to vector<16xf32>
        %swap3A_685 = arith.index_cast %add3A_676 : i32 to index
        %swap3A_686 = arith.constant 0 : index
        %swap3A_687 = tpu.vector_load %arg22[%swap3A_685, %swap3A_686] {strides = array<i32>} : memref<256x64xf32, #tpu.memory_space<vmem>>, vector<1x16xf32>,
        %swap3A_688 = vector.shape_cast %swap3A_687 : vector<1x16xf32> to vector<16xf32>
        %swap3A_689 = vector.shape_cast %get3A_684 : vector<16xf32> to vector<1x16xf32>
        tpu.vector_store %arg22[%swap3A_685, %swap3A_686], %swap3A_689 {strides = array<i32>} : memref<256x64xf32, #tpu.memory_space<vmem>>, vector<1x16xf32>,
        %get3A_690 = arith.index_cast %squeeze3A_678 : i32 to index
        %get3A_691 = arith.constant 16 : index
        %get3A_692 = tpu.vector_load %arg23[%get3A_690, %get3A_691] {strides = array<i32>} : memref<400x32xf32, #tpu.memory_space<vmem>>, vector<1x16xf32>,
        %get3A_693 = vector.shape_cast %get3A_692 : vector<1x16xf32> to vector<16xf32>
        %swap3A_694 = arith.index_cast %add3A_676 : i32 to index
        %swap3A_695 = arith.constant 16 : index
        %swap3A_696 = tpu.vector_load %arg22[%swap3A_694, %swap3A_695] {strides = array<i32>} : memref<256x64xf32, #tpu.memory_space<vmem>>, vector<1x16xf32>,
        %swap3A_697 = vector.shape_cast %swap3A_696 : vector<1x16xf32> to vector<16xf32>
        %swap3A_698 = vector.shape_cast %get3A_693 : vector<16xf32> to vector<1x16xf32>
        tpu.vector_store %arg22[%swap3A_694, %swap3A_695], %swap3A_698 {strides = array<i32>} : memref<256x64xf32, #tpu.memory_space<vmem>>, vector<1x16xf32>,
        %get3A_699 = arith.index_cast %squeeze3A_680 : i32 to index
        %get3A_700 = arith.constant 0 : index
        %get3A_701 = tpu.vector_load %arg23[%get3A_699, %get3A_700] {strides = array<i32>} : memref<400x32xf32, #tpu.memory_space<vmem>>, vector<1x16xf32>,
        %get3A_702 = vector.shape_cast %get3A_701 : vector<1x16xf32> to vector<16xf32>
        %swap3A_703 = arith.index_cast %add3A_676 : i32 to index
        %swap3A_704 = arith.constant 32 : index
        %swap3A_705 = tpu.vector_load %arg22[%swap3A_703, %swap3A_704] {strides = array<i32>} : memref<256x64xf32, #tpu.memory_space<vmem>>, vector<1x16xf32>,
        %swap3A_706 = vector.shape_cast %swap3A_705 : vector<1x16xf32> to vector<16xf32>
        %swap3A_707 = vector.shape_cast %get3A_702 : vector<16xf32> to vector<1x16xf32>
        tpu.vector_store %arg22[%swap3A_703, %swap3A_704], %swap3A_707 {strides = array<i32>} : memref<256x64xf32, #tpu.memory_space<vmem>>, vector<1x16xf32>,
        %get3A_708 = arith.index_cast %squeeze3A_680 : i32 to index
        %get3A_709 = arith.constant 16 : index
        %get3A_710 = tpu.vector_load %arg23[%get3A_708, %get3A_709] {strides = array<i32>} : memref<400x32xf32, #tpu.memory_space<vmem>>, vector<1x16xf32>,
        %get3A_711 = vector.shape_cast %get3A_710 : vector<1x16xf32> to vector<16xf32>
        %swap3A_712 = arith.index_cast %add3A_676 : i32 to index
        %swap3A_713 = arith.constant 48 : index
        %swap3A_714 = tpu.vector_load %arg22[%swap3A_712, %swap3A_713] {strides = array<i32>} : memref<256x64xf32, #tpu.memory_space<vmem>>, vector<1x16xf32>,
        %swap3A_715 = vector.shape_cast %swap3A_714 : vector<1x16xf32> to vector<16xf32>
        %swap3A_716 = vector.shape_cast %get3A_711 : vector<16xf32> to vector<1x16xf32>
        tpu.vector_store %arg22[%swap3A_712, %swap3A_713], %swap3A_716 {strides = array<i32>} : memref<256x64xf32, #tpu.memory_space<vmem>>, vector<1x16xf32>,
        %mul3A_717 = arith.constant 16 : i32
        %mul3A_718 = arith.muli %scan3A_314, %mul3A_717 : i32
        %add3A_719 = arith.constant 9 : i32
        %add3A_720 = arith.addi %mul3A_718, %add3A_719 : i32
        %slice3A_721 = vector.extract_strided_slice %get3A_318 {offsets = [9], sizes = [1], strides = [1]} : vector<16xi32> to vector<1xi32>
        %squeeze3A_722 = vector.extract %slice3A_721[0] : i32 from vector<1xi32>
        %slice3A_723 = vector.extract_strided_slice %get3A_323 {offsets = [9], sizes = [1], strides = [1]} : vector<16xi32> to vector<1xi32>
        %squeeze3A_724 = vector.extract %slice3A_723[0] : i32 from vector<1xi32>
        %get3A_725 = arith.index_cast %squeeze3A_722 : i32 to index
        %get3A_726 = arith.constant 0 : index
        %get3A_727 = tpu.vector_load %arg23[%get3A_725, %get3A_726] {strides = array<i32>} : memref<400x32xf32, #tpu.memory_space<vmem>>, vector<1x16xf32>,
        %get3A_728 = vector.shape_cast %get3A_727 : vector<1x16xf32> to vector<16xf32>
        %swap3A_729 = arith.index_cast %add3A_720 : i32 to index
        %swap3A_730 = arith.constant 0 : index
        %swap3A_731 = tpu.vector_load %arg22[%swap3A_729, %swap3A_730] {strides = array<i32>} : memref<256x64xf32, #tpu.memory_space<vmem>>, vector<1x16xf32>,
        %swap3A_732 = vector.shape_cast %swap3A_731 : vector<1x16xf32> to vector<16xf32>
        %swap3A_733 = vector.shape_cast %get3A_728 : vector<16xf32> to vector<1x16xf32>
        tpu.vector_store %arg22[%swap3A_729, %swap3A_730], %swap3A_733 {strides = array<i32>} : memref<256x64xf32, #tpu.memory_space<vmem>>, vector<1x16xf32>,
        %get3A_734 = arith.index_cast %squeeze3A_722 : i32 to index
        %get3A_735 = arith.constant 16 : index
        %get3A_736 = tpu.vector_load %arg23[%get3A_734, %get3A_735] {strides = array<i32>} : memref<400x32xf32, #tpu.memory_space<vmem>>, vector<1x16xf32>,
        %get3A_737 = vector.shape_cast %get3A_736 : vector<1x16xf32> to vector<16xf32>
        %swap3A_738 = arith.index_cast %add3A_720 : i32 to index
        %swap3A_739 = arith.constant 16 : index
        %swap3A_740 = tpu.vector_load %arg22[%swap3A_738, %swap3A_739] {strides = array<i32>} : memref<256x64xf32, #tpu.memory_space<vmem>>, vector<1x16xf32>,
        %swap3A_741 = vector.shape_cast %swap3A_740 : vector<1x16xf32> to vector<16xf32>
        %swap3A_742 = vector.shape_cast %get3A_737 : vector<16xf32> to vector<1x16xf32>
        tpu.vector_store %arg22[%swap3A_738, %swap3A_739], %swap3A_742 {strides = array<i32>} : memref<256x64xf32, #tpu.memory_space<vmem>>, vector<1x16xf32>,
        %get3A_743 = arith.index_cast %squeeze3A_724 : i32 to index
        %get3A_744 = arith.constant 0 : index
        %get3A_745 = tpu.vector_load %arg23[%get3A_743, %get3A_744] {strides = array<i32>} : memref<400x32xf32, #tpu.memory_space<vmem>>, vector<1x16xf32>,
        %get3A_746 = vector.shape_cast %get3A_745 : vector<1x16xf32> to vector<16xf32>
        %swap3A_747 = arith.index_cast %add3A_720 : i32 to index
        %swap3A_748 = arith.constant 32 : index
        %swap3A_749 = tpu.vector_load %arg22[%swap3A_747, %swap3A_748] {strides = array<i32>} : memref<256x64xf32, #tpu.memory_space<vmem>>, vector<1x16xf32>,
        %swap3A_750 = vector.shape_cast %swap3A_749 : vector<1x16xf32> to vector<16xf32>
        %swap3A_751 = vector.shape_cast %get3A_746 : vector<16xf32> to vector<1x16xf32>
        tpu.vector_store %arg22[%swap3A_747, %swap3A_748], %swap3A_751 {strides = array<i32>} : memref<256x64xf32, #tpu.memory_space<vmem>>, vector<1x16xf32>,
        %get3A_752 = arith.index_cast %squeeze3A_724 : i32 to index
        %get3A_753 = arith.constant 16 : index
        %get3A_754 = tpu.vector_load %arg23[%get3A_752, %get3A_753] {strides = array<i32>} : memref<400x32xf32, #tpu.memory_space<vmem>>, vector<1x16xf32>,
        %get3A_755 = vector.shape_cast %get3A_754 : vector<1x16xf32> to vector<16xf32>
        %swap3A_756 = arith.index_cast %add3A_720 : i32 to index
        %swap3A_757 = arith.constant 48 : index
        %swap3A_758 = tpu.vector_load %arg22[%swap3A_756, %swap3A_757] {strides = array<i32>} : memref<256x64xf32, #tpu.memory_space<vmem>>, vector<1x16xf32>,
        %swap3A_759 = vector.shape_cast %swap3A_758 : vector<1x16xf32> to vector<16xf32>
        %swap3A_760 = vector.shape_cast %get3A_755 : vector<16xf32> to vector<1x16xf32>
        tpu.vector_store %arg22[%swap3A_756, %swap3A_757], %swap3A_760 {strides = array<i32>} : memref<256x64xf32, #tpu.memory_space<vmem>>, vector<1x16xf32>,
        %mul3A_761 = arith.constant 16 : i32
        %mul3A_762 = arith.muli %scan3A_314, %mul3A_761 : i32
        %add3A_763 = arith.constant 10 : i32
        %add3A_764 = arith.addi %mul3A_762, %add3A_763 : i32
        %slice3A_765 = vector.extract_strided_slice %get3A_318 {offsets = [10], sizes = [1], strides = [1]} : vector<16xi32> to vector<1xi32>
        %squeeze3A_766 = vector.extract %slice3A_765[0] : i32 from vector<1xi32>
        %slice3A_767 = vector.extract_strided_slice %get3A_323 {offsets = [10], sizes = [1], strides = [1]} : vector<16xi32> to vector<1xi32>
        %squeeze3A_768 = vector.extract %slice3A_767[0] : i32 from vector<1xi32>
        %get3A_769 = arith.index_cast %squeeze3A_766 : i32 to index
        %get3A_770 = arith.constant 0 : index
        %get3A_771 = tpu.vector_load %arg23[%get3A_769, %get3A_770] {strides = array<i32>} : memref<400x32xf32, #tpu.memory_space<vmem>>, vector<1x16xf32>,
        %get3A_772 = vector.shape_cast %get3A_771 : vector<1x16xf32> to vector<16xf32>
        %swap3A_773 = arith.index_cast %add3A_764 : i32 to index
        %swap3A_774 = arith.constant 0 : index
        %swap3A_775 = tpu.vector_load %arg22[%swap3A_773, %swap3A_774] {strides = array<i32>} : memref<256x64xf32, #tpu.memory_space<vmem>>, vector<1x16xf32>,
        %swap3A_776 = vector.shape_cast %swap3A_775 : vector<1x16xf32> to vector<16xf32>
        %swap3A_777 = vector.shape_cast %get3A_772 : vector<16xf32> to vector<1x16xf32>
        tpu.vector_store %arg22[%swap3A_773, %swap3A_774], %swap3A_777 {strides = array<i32>} : memref<256x64xf32, #tpu.memory_space<vmem>>, vector<1x16xf32>,
        %get3A_778 = arith.index_cast %squeeze3A_766 : i32 to index
        %get3A_779 = arith.constant 16 : index
        %get3A_780 = tpu.vector_load %arg23[%get3A_778, %get3A_779] {strides = array<i32>} : memref<400x32xf32, #tpu.memory_space<vmem>>, vector<1x16xf32>,
        %get3A_781 = vector.shape_cast %get3A_780 : vector<1x16xf32> to vector<16xf32>
        %swap3A_782 = arith.index_cast %add3A_764 : i32 to index
        %swap3A_783 = arith.constant 16 : index
        %swap3A_784 = tpu.vector_load %arg22[%swap3A_782, %swap3A_783] {strides = array<i32>} : memref<256x64xf32, #tpu.memory_space<vmem>>, vector<1x16xf32>,
        %swap3A_785 = vector.shape_cast %swap3A_784 : vector<1x16xf32> to vector<16xf32>
        %swap3A_786 = vector.shape_cast %get3A_781 : vector<16xf32> to vector<1x16xf32>
        tpu.vector_store %arg22[%swap3A_782, %swap3A_783], %swap3A_786 {strides = array<i32>} : memref<256x64xf32, #tpu.memory_space<vmem>>, vector<1x16xf32>,
        %get3A_787 = arith.index_cast %squeeze3A_768 : i32 to index
        %get3A_788 = arith.constant 0 : index
        %get3A_789 = tpu.vector_load %arg23[%get3A_787, %get3A_788] {strides = array<i32>} : memref<400x32xf32, #tpu.memory_space<vmem>>, vector<1x16xf32>,
        %get3A_790 = vector.shape_cast %get3A_789 : vector<1x16xf32> to vector<16xf32>
        %swap3A_791 = arith.index_cast %add3A_764 : i32 to index
        %swap3A_792 = arith.constant 32 : index
        %swap3A_793 = tpu.vector_load %arg22[%swap3A_791, %swap3A_792] {strides = array<i32>} : memref<256x64xf32, #tpu.memory_space<vmem>>, vector<1x16xf32>,
        %swap3A_794 = vector.shape_cast %swap3A_793 : vector<1x16xf32> to vector<16xf32>
        %swap3A_795 = vector.shape_cast %get3A_790 : vector<16xf32> to vector<1x16xf32>
        tpu.vector_store %arg22[%swap3A_791, %swap3A_792], %swap3A_795 {strides = array<i32>} : memref<256x64xf32, #tpu.memory_space<vmem>>, vector<1x16xf32>,
        %get3A_796 = arith.index_cast %squeeze3A_768 : i32 to index
        %get3A_797 = arith.constant 16 : index
        %get3A_798 = tpu.vector_load %arg23[%get3A_796, %get3A_797] {strides = array<i32>} : memref<400x32xf32, #tpu.memory_space<vmem>>, vector<1x16xf32>,
        %get3A_799 = vector.shape_cast %get3A_798 : vector<1x16xf32> to vector<16xf32>
        %swap3A_800 = arith.index_cast %add3A_764 : i32 to index
        %swap3A_801 = arith.constant 48 : index
        %swap3A_802 = tpu.vector_load %arg22[%swap3A_800, %swap3A_801] {strides = array<i32>} : memref<256x64xf32, #tpu.memory_space<vmem>>, vector<1x16xf32>,
        %swap3A_803 = vector.shape_cast %swap3A_802 : vector<1x16xf32> to vector<16xf32>
        %swap3A_804 = vector.shape_cast %get3A_799 : vector<16xf32> to vector<1x16xf32>
        tpu.vector_store %arg22[%swap3A_800, %swap3A_801], %swap3A_804 {strides = array<i32>} : memref<256x64xf32, #tpu.memory_space<vmem>>, vector<1x16xf32>,
        %mul3A_805 = arith.constant 16 : i32
        %mul3A_806 = arith.muli %scan3A_314, %mul3A_805 : i32
        %add3A_807 = arith.constant 11 : i32
        %add3A_808 = arith.addi %mul3A_806, %add3A_807 : i32
        %slice3A_809 = vector.extract_strided_slice %get3A_318 {offsets = [11], sizes = [1], strides = [1]} : vector<16xi32> to vector<1xi32>
        %squeeze3A_810 = vector.extract %slice3A_809[0] : i32 from vector<1xi32>
        %slice3A_811 = vector.extract_strided_slice %get3A_323 {offsets = [11], sizes = [1], strides = [1]} : vector<16xi32> to vector<1xi32>
        %squeeze3A_812 = vector.extract %slice3A_811[0] : i32 from vector<1xi32>
        %get3A_813 = arith.index_cast %squeeze3A_810 : i32 to index
        %get3A_814 = arith.constant 0 : index
        %get3A_815 = tpu.vector_load %arg23[%get3A_813, %get3A_814] {strides = array<i32>} : memref<400x32xf32, #tpu.memory_space<vmem>>, vector<1x16xf32>,
        %get3A_816 = vector.shape_cast %get3A_815 : vector<1x16xf32> to vector<16xf32>
        %swap3A_817 = arith.index_cast %add3A_808 : i32 to index
        %swap3A_818 = arith.constant 0 : index
        %swap3A_819 = tpu.vector_load %arg22[%swap3A_817, %swap3A_818] {strides = array<i32>} : memref<256x64xf32, #tpu.memory_space<vmem>>, vector<1x16xf32>,
        %swap3A_820 = vector.shape_cast %swap3A_819 : vector<1x16xf32> to vector<16xf32>
        %swap3A_821 = vector.shape_cast %get3A_816 : vector<16xf32> to vector<1x16xf32>
        tpu.vector_store %arg22[%swap3A_817, %swap3A_818], %swap3A_821 {strides = array<i32>} : memref<256x64xf32, #tpu.memory_space<vmem>>, vector<1x16xf32>,
        %get3A_822 = arith.index_cast %squeeze3A_810 : i32 to index
        %get3A_823 = arith.constant 16 : index
        %get3A_824 = tpu.vector_load %arg23[%get3A_822, %get3A_823] {strides = array<i32>} : memref<400x32xf32, #tpu.memory_space<vmem>>, vector<1x16xf32>,
        %get3A_825 = vector.shape_cast %get3A_824 : vector<1x16xf32> to vector<16xf32>
        %swap3A_826 = arith.index_cast %add3A_808 : i32 to index
        %swap3A_827 = arith.constant 16 : index
        %swap3A_828 = tpu.vector_load %arg22[%swap3A_826, %swap3A_827] {strides = array<i32>} : memref<256x64xf32, #tpu.memory_space<vmem>>, vector<1x16xf32>,
        %swap3A_829 = vector.shape_cast %swap3A_828 : vector<1x16xf32> to vector<16xf32>
        %swap3A_830 = vector.shape_cast %get3A_825 : vector<16xf32> to vector<1x16xf32>
        tpu.vector_store %arg22[%swap3A_826, %swap3A_827], %swap3A_830 {strides = array<i32>} : memref<256x64xf32, #tpu.memory_space<vmem>>, vector<1x16xf32>,
        %get3A_831 = arith.index_cast %squeeze3A_812 : i32 to index
        %get3A_832 = arith.constant 0 : index
        %get3A_833 = tpu.vector_load %arg23[%get3A_831, %get3A_832] {strides = array<i32>} : memref<400x32xf32, #tpu.memory_space<vmem>>, vector<1x16xf32>,
        %get3A_834 = vector.shape_cast %get3A_833 : vector<1x16xf32> to vector<16xf32>
        %swap3A_835 = arith.index_cast %add3A_808 : i32 to index
        %swap3A_836 = arith.constant 32 : index
        %swap3A_837 = tpu.vector_load %arg22[%swap3A_835, %swap3A_836] {strides = array<i32>} : memref<256x64xf32, #tpu.memory_space<vmem>>, vector<1x16xf32>,
        %swap3A_838 = vector.shape_cast %swap3A_837 : vector<1x16xf32> to vector<16xf32>
        %swap3A_839 = vector.shape_cast %get3A_834 : vector<16xf32> to vector<1x16xf32>
        tpu.vector_store %arg22[%swap3A_835, %swap3A_836], %swap3A_839 {strides = array<i32>} : memref<256x64xf32, #tpu.memory_space<vmem>>, vector<1x16xf32>,
        %get3A_840 = arith.index_cast %squeeze3A_812 : i32 to index
        %get3A_841 = arith.constant 16 : index
        %get3A_842 = tpu.vector_load %arg23[%get3A_840, %get3A_841] {strides = array<i32>} : memref<400x32xf32, #tpu.memory_space<vmem>>, vector<1x16xf32>,
        %get3A_843 = vector.shape_cast %get3A_842 : vector<1x16xf32> to vector<16xf32>
        %swap3A_844 = arith.index_cast %add3A_808 : i32 to index
        %swap3A_845 = arith.constant 48 : index
        %swap3A_846 = tpu.vector_load %arg22[%swap3A_844, %swap3A_845] {strides = array<i32>} : memref<256x64xf32, #tpu.memory_space<vmem>>, vector<1x16xf32>,
        %swap3A_847 = vector.shape_cast %swap3A_846 : vector<1x16xf32> to vector<16xf32>
        %swap3A_848 = vector.shape_cast %get3A_843 : vector<16xf32> to vector<1x16xf32>
        tpu.vector_store %arg22[%swap3A_844, %swap3A_845], %swap3A_848 {strides = array<i32>} : memref<256x64xf32, #tpu.memory_space<vmem>>, vector<1x16xf32>,
        %mul3A_849 = arith.constant 16 : i32
        %mul3A_850 = arith.muli %scan3A_314, %mul3A_849 : i32
        %add3A_851 = arith.constant 12 : i32
        %add3A_852 = arith.addi %mul3A_850, %add3A_851 : i32
        %slice3A_853 = vector.extract_strided_slice %get3A_318 {offsets = [12], sizes = [1], strides = [1]} : vector<16xi32> to vector<1xi32>
        %squeeze3A_854 = vector.extract %slice3A_853[0] : i32 from vector<1xi32>
        %slice3A_855 = vector.extract_strided_slice %get3A_323 {offsets = [12], sizes = [1], strides = [1]} : vector<16xi32> to vector<1xi32>
        %squeeze3A_856 = vector.extract %slice3A_855[0] : i32 from vector<1xi32>
        %get3A_857 = arith.index_cast %squeeze3A_854 : i32 to index
        %get3A_858 = arith.constant 0 : index
        %get3A_859 = tpu.vector_load %arg23[%get3A_857, %get3A_858] {strides = array<i32>} : memref<400x32xf32, #tpu.memory_space<vmem>>, vector<1x16xf32>,
        %get3A_860 = vector.shape_cast %get3A_859 : vector<1x16xf32> to vector<16xf32>
        %swap3A_861 = arith.index_cast %add3A_852 : i32 to index
        %swap3A_862 = arith.constant 0 : index
        %swap3A_863 = tpu.vector_load %arg22[%swap3A_861, %swap3A_862] {strides = array<i32>} : memref<256x64xf32, #tpu.memory_space<vmem>>, vector<1x16xf32>,
        %swap3A_864 = vector.shape_cast %swap3A_863 : vector<1x16xf32> to vector<16xf32>
        %swap3A_865 = vector.shape_cast %get3A_860 : vector<16xf32> to vector<1x16xf32>
        tpu.vector_store %arg22[%swap3A_861, %swap3A_862], %swap3A_865 {strides = array<i32>} : memref<256x64xf32, #tpu.memory_space<vmem>>, vector<1x16xf32>,
        %get3A_866 = arith.index_cast %squeeze3A_854 : i32 to index
        %get3A_867 = arith.constant 16 : index
        %get3A_868 = tpu.vector_load %arg23[%get3A_866, %get3A_867] {strides = array<i32>} : memref<400x32xf32, #tpu.memory_space<vmem>>, vector<1x16xf32>,
        %get3A_869 = vector.shape_cast %get3A_868 : vector<1x16xf32> to vector<16xf32>
        %swap3A_870 = arith.index_cast %add3A_852 : i32 to index
        %swap3A_871 = arith.constant 16 : index
        %swap3A_872 = tpu.vector_load %arg22[%swap3A_870, %swap3A_871] {strides = array<i32>} : memref<256x64xf32, #tpu.memory_space<vmem>>, vector<1x16xf32>,
        %swap3A_873 = vector.shape_cast %swap3A_872 : vector<1x16xf32> to vector<16xf32>
        %swap3A_874 = vector.shape_cast %get3A_869 : vector<16xf32> to vector<1x16xf32>
        tpu.vector_store %arg22[%swap3A_870, %swap3A_871], %swap3A_874 {strides = array<i32>} : memref<256x64xf32, #tpu.memory_space<vmem>>, vector<1x16xf32>,
        %get3A_875 = arith.index_cast %squeeze3A_856 : i32 to index
        %get3A_876 = arith.constant 0 : index
        %get3A_877 = tpu.vector_load %arg23[%get3A_875, %get3A_876] {strides = array<i32>} : memref<400x32xf32, #tpu.memory_space<vmem>>, vector<1x16xf32>,
        %get3A_878 = vector.shape_cast %get3A_877 : vector<1x16xf32> to vector<16xf32>
        %swap3A_879 = arith.index_cast %add3A_852 : i32 to index
        %swap3A_880 = arith.constant 32 : index
        %swap3A_881 = tpu.vector_load %arg22[%swap3A_879, %swap3A_880] {strides = array<i32>} : memref<256x64xf32, #tpu.memory_space<vmem>>, vector<1x16xf32>,
        %swap3A_882 = vector.shape_cast %swap3A_881 : vector<1x16xf32> to vector<16xf32>
        %swap3A_883 = vector.shape_cast %get3A_878 : vector<16xf32> to vector<1x16xf32>
        tpu.vector_store %arg22[%swap3A_879, %swap3A_880], %swap3A_883 {strides = array<i32>} : memref<256x64xf32, #tpu.memory_space<vmem>>, vector<1x16xf32>,
        %get3A_884 = arith.index_cast %squeeze3A_856 : i32 to index
        %get3A_885 = arith.constant 16 : index
        %get3A_886 = tpu.vector_load %arg23[%get3A_884, %get3A_885] {strides = array<i32>} : memref<400x32xf32, #tpu.memory_space<vmem>>, vector<1x16xf32>,
        %get3A_887 = vector.shape_cast %get3A_886 : vector<1x16xf32> to vector<16xf32>
        %swap3A_888 = arith.index_cast %add3A_852 : i32 to index
        %swap3A_889 = arith.constant 48 : index
        %swap3A_890 = tpu.vector_load %arg22[%swap3A_888, %swap3A_889] {strides = array<i32>} : memref<256x64xf32, #tpu.memory_space<vmem>>, vector<1x16xf32>,
        %swap3A_891 = vector.shape_cast %swap3A_890 : vector<1x16xf32> to vector<16xf32>
        %swap3A_892 = vector.shape_cast %get3A_887 : vector<16xf32> to vector<1x16xf32>
        tpu.vector_store %arg22[%swap3A_888, %swap3A_889], %swap3A_892 {strides = array<i32>} : memref<256x64xf32, #tpu.memory_space<vmem>>, vector<1x16xf32>,
        %mul3A_893 = arith.constant 16 : i32
        %mul3A_894 = arith.muli %scan3A_314, %mul3A_893 : i32
        %add3A_895 = arith.constant 13 : i32
        %add3A_896 = arith.addi %mul3A_894, %add3A_895 : i32
        %slice3A_897 = vector.extract_strided_slice %get3A_318 {offsets = [13], sizes = [1], strides = [1]} : vector<16xi32> to vector<1xi32>
        %squeeze3A_898 = vector.extract %slice3A_897[0] : i32 from vector<1xi32>
        %slice3A_899 = vector.extract_strided_slice %get3A_323 {offsets = [13], sizes = [1], strides = [1]} : vector<16xi32> to vector<1xi32>
        %squeeze3A_900 = vector.extract %slice3A_899[0] : i32 from vector<1xi32>
        %get3A_901 = arith.index_cast %squeeze3A_898 : i32 to index
        %get3A_902 = arith.constant 0 : index
        %get3A_903 = tpu.vector_load %arg23[%get3A_901, %get3A_902] {strides = array<i32>} : memref<400x32xf32, #tpu.memory_space<vmem>>, vector<1x16xf32>,
        %get3A_904 = vector.shape_cast %get3A_903 : vector<1x16xf32> to vector<16xf32>
        %swap3A_905 = arith.index_cast %add3A_896 : i32 to index
        %swap3A_906 = arith.constant 0 : index
        %swap3A_907 = tpu.vector_load %arg22[%swap3A_905, %swap3A_906] {strides = array<i32>} : memref<256x64xf32, #tpu.memory_space<vmem>>, vector<1x16xf32>,
        %swap3A_908 = vector.shape_cast %swap3A_907 : vector<1x16xf32> to vector<16xf32>
        %swap3A_909 = vector.shape_cast %get3A_904 : vector<16xf32> to vector<1x16xf32>
        tpu.vector_store %arg22[%swap3A_905, %swap3A_906], %swap3A_909 {strides = array<i32>} : memref<256x64xf32, #tpu.memory_space<vmem>>, vector<1x16xf32>,
        %get3A_910 = arith.index_cast %squeeze3A_898 : i32 to index
        %get3A_911 = arith.constant 16 : index
        %get3A_912 = tpu.vector_load %arg23[%get3A_910, %get3A_911] {strides = array<i32>} : memref<400x32xf32, #tpu.memory_space<vmem>>, vector<1x16xf32>,
        %get3A_913 = vector.shape_cast %get3A_912 : vector<1x16xf32> to vector<16xf32>
        %swap3A_914 = arith.index_cast %add3A_896 : i32 to index
        %swap3A_915 = arith.constant 16 : index
        %swap3A_916 = tpu.vector_load %arg22[%swap3A_914, %swap3A_915] {strides = array<i32>} : memref<256x64xf32, #tpu.memory_space<vmem>>, vector<1x16xf32>,
        %swap3A_917 = vector.shape_cast %swap3A_916 : vector<1x16xf32> to vector<16xf32>
        %swap3A_918 = vector.shape_cast %get3A_913 : vector<16xf32> to vector<1x16xf32>
        tpu.vector_store %arg22[%swap3A_914, %swap3A_915], %swap3A_918 {strides = array<i32>} : memref<256x64xf32, #tpu.memory_space<vmem>>, vector<1x16xf32>,
        %get3A_919 = arith.index_cast %squeeze3A_900 : i32 to index
        %get3A_920 = arith.constant 0 : index
        %get3A_921 = tpu.vector_load %arg23[%get3A_919, %get3A_920] {strides = array<i32>} : memref<400x32xf32, #tpu.memory_space<vmem>>, vector<1x16xf32>,
        %get3A_922 = vector.shape_cast %get3A_921 : vector<1x16xf32> to vector<16xf32>
        %swap3A_923 = arith.index_cast %add3A_896 : i32 to index
        %swap3A_924 = arith.constant 32 : index
        %swap3A_925 = tpu.vector_load %arg22[%swap3A_923, %swap3A_924] {strides = array<i32>} : memref<256x64xf32, #tpu.memory_space<vmem>>, vector<1x16xf32>,
        %swap3A_926 = vector.shape_cast %swap3A_925 : vector<1x16xf32> to vector<16xf32>
        %swap3A_927 = vector.shape_cast %get3A_922 : vector<16xf32> to vector<1x16xf32>
        tpu.vector_store %arg22[%swap3A_923, %swap3A_924], %swap3A_927 {strides = array<i32>} : memref<256x64xf32, #tpu.memory_space<vmem>>, vector<1x16xf32>,
        %get3A_928 = arith.index_cast %squeeze3A_900 : i32 to index
        %get3A_929 = arith.constant 16 : index
        %get3A_930 = tpu.vector_load %arg23[%get3A_928, %get3A_929] {strides = array<i32>} : memref<400x32xf32, #tpu.memory_space<vmem>>, vector<1x16xf32>,
        %get3A_931 = vector.shape_cast %get3A_930 : vector<1x16xf32> to vector<16xf32>
        %swap3A_932 = arith.index_cast %add3A_896 : i32 to index
        %swap3A_933 = arith.constant 48 : index
        %swap3A_934 = tpu.vector_load %arg22[%swap3A_932, %swap3A_933] {strides = array<i32>} : memref<256x64xf32, #tpu.memory_space<vmem>>, vector<1x16xf32>,
        %swap3A_935 = vector.shape_cast %swap3A_934 : vector<1x16xf32> to vector<16xf32>
        %swap3A_936 = vector.shape_cast %get3A_931 : vector<16xf32> to vector<1x16xf32>
        tpu.vector_store %arg22[%swap3A_932, %swap3A_933], %swap3A_936 {strides = array<i32>} : memref<256x64xf32, #tpu.memory_space<vmem>>, vector<1x16xf32>,
        %mul3A_937 = arith.constant 16 : i32
        %mul3A_938 = arith.muli %scan3A_314, %mul3A_937 : i32
        %add3A_939 = arith.constant 14 : i32
        %add3A_940 = arith.addi %mul3A_938, %add3A_939 : i32
        %slice3A_941 = vector.extract_strided_slice %get3A_318 {offsets = [14], sizes = [1], strides = [1]} : vector<16xi32> to vector<1xi32>
        %squeeze3A_942 = vector.extract %slice3A_941[0] : i32 from vector<1xi32>
        %slice3A_943 = vector.extract_strided_slice %get3A_323 {offsets = [14], sizes = [1], strides = [1]} : vector<16xi32> to vector<1xi32>
        %squeeze3A_944 = vector.extract %slice3A_943[0] : i32 from vector<1xi32>
        %get3A_945 = arith.index_cast %squeeze3A_942 : i32 to index
        %get3A_946 = arith.constant 0 : index
        %get3A_947 = tpu.vector_load %arg23[%get3A_945, %get3A_946] {strides = array<i32>} : memref<400x32xf32, #tpu.memory_space<vmem>>, vector<1x16xf32>,
        %get3A_948 = vector.shape_cast %get3A_947 : vector<1x16xf32> to vector<16xf32>
        %swap3A_949 = arith.index_cast %add3A_940 : i32 to index
        %swap3A_950 = arith.constant 0 : index
        %swap3A_951 = tpu.vector_load %arg22[%swap3A_949, %swap3A_950] {strides = array<i32>} : memref<256x64xf32, #tpu.memory_space<vmem>>, vector<1x16xf32>,
        %swap3A_952 = vector.shape_cast %swap3A_951 : vector<1x16xf32> to vector<16xf32>
        %swap3A_953 = vector.shape_cast %get3A_948 : vector<16xf32> to vector<1x16xf32>
        tpu.vector_store %arg22[%swap3A_949, %swap3A_950], %swap3A_953 {strides = array<i32>} : memref<256x64xf32, #tpu.memory_space<vmem>>, vector<1x16xf32>,
        %get3A_954 = arith.index_cast %squeeze3A_942 : i32 to index
        %get3A_955 = arith.constant 16 : index
        %get3A_956 = tpu.vector_load %arg23[%get3A_954, %get3A_955] {strides = array<i32>} : memref<400x32xf32, #tpu.memory_space<vmem>>, vector<1x16xf32>,
        %get3A_957 = vector.shape_cast %get3A_956 : vector<1x16xf32> to vector<16xf32>
        %swap3A_958 = arith.index_cast %add3A_940 : i32 to index
        %swap3A_959 = arith.constant 16 : index
        %swap3A_960 = tpu.vector_load %arg22[%swap3A_958, %swap3A_959] {strides = array<i32>} : memref<256x64xf32, #tpu.memory_space<vmem>>, vector<1x16xf32>,
        %swap3A_961 = vector.shape_cast %swap3A_960 : vector<1x16xf32> to vector<16xf32>
        %swap3A_962 = vector.shape_cast %get3A_957 : vector<16xf32> to vector<1x16xf32>
        tpu.vector_store %arg22[%swap3A_958, %swap3A_959], %swap3A_962 {strides = array<i32>} : memref<256x64xf32, #tpu.memory_space<vmem>>, vector<1x16xf32>,
        %get3A_963 = arith.index_cast %squeeze3A_944 : i32 to index
        %get3A_964 = arith.constant 0 : index
        %get3A_965 = tpu.vector_load %arg23[%get3A_963, %get3A_964] {strides = array<i32>} : memref<400x32xf32, #tpu.memory_space<vmem>>, vector<1x16xf32>,
        %get3A_966 = vector.shape_cast %get3A_965 : vector<1x16xf32> to vector<16xf32>
        %swap3A_967 = arith.index_cast %add3A_940 : i32 to index
        %swap3A_968 = arith.constant 32 : index
        %swap3A_969 = tpu.vector_load %arg22[%swap3A_967, %swap3A_968] {strides = array<i32>} : memref<256x64xf32, #tpu.memory_space<vmem>>, vector<1x16xf32>,
        %swap3A_970 = vector.shape_cast %swap3A_969 : vector<1x16xf32> to vector<16xf32>
        %swap3A_971 = vector.shape_cast %get3A_966 : vector<16xf32> to vector<1x16xf32>
        tpu.vector_store %arg22[%swap3A_967, %swap3A_968], %swap3A_971 {strides = array<i32>} : memref<256x64xf32, #tpu.memory_space<vmem>>, vector<1x16xf32>,
        %get3A_972 = arith.index_cast %squeeze3A_944 : i32 to index
        %get3A_973 = arith.constant 16 : index
        %get3A_974 = tpu.vector_load %arg23[%get3A_972, %get3A_973] {strides = array<i32>} : memref<400x32xf32, #tpu.memory_space<vmem>>, vector<1x16xf32>,
        %get3A_975 = vector.shape_cast %get3A_974 : vector<1x16xf32> to vector<16xf32>
        %swap3A_976 = arith.index_cast %add3A_940 : i32 to index
        %swap3A_977 = arith.constant 48 : index
        %swap3A_978 = tpu.vector_load %arg22[%swap3A_976, %swap3A_977] {strides = array<i32>} : memref<256x64xf32, #tpu.memory_space<vmem>>, vector<1x16xf32>,
        %swap3A_979 = vector.shape_cast %swap3A_978 : vector<1x16xf32> to vector<16xf32>
        %swap3A_980 = vector.shape_cast %get3A_975 : vector<16xf32> to vector<1x16xf32>
        tpu.vector_store %arg22[%swap3A_976, %swap3A_977], %swap3A_980 {strides = array<i32>} : memref<256x64xf32, #tpu.memory_space<vmem>>, vector<1x16xf32>,
        %mul3A_981 = arith.constant 16 : i32
        %mul3A_982 = arith.muli %scan3A_314, %mul3A_981 : i32
        %add3A_983 = arith.constant 15 : i32
        %add3A_984 = arith.addi %mul3A_982, %add3A_983 : i32
        %slice3A_985 = vector.extract_strided_slice %get3A_318 {offsets = [15], sizes = [1], strides = [1]} : vector<16xi32> to vector<1xi32>
        %squeeze3A_986 = vector.extract %slice3A_985[0] : i32 from vector<1xi32>
        %slice3A_987 = vector.extract_strided_slice %get3A_323 {offsets = [15], sizes = [1], strides = [1]} : vector<16xi32> to vector<1xi32>
        %squeeze3A_988 = vector.extract %slice3A_987[0] : i32 from vector<1xi32>
        %get3A_989 = arith.index_cast %squeeze3A_986 : i32 to index
        %get3A_990 = arith.constant 0 : index
        %get3A_991 = tpu.vector_load %arg23[%get3A_989, %get3A_990] {strides = array<i32>} : memref<400x32xf32, #tpu.memory_space<vmem>>, vector<1x16xf32>,
        %get3A_992 = vector.shape_cast %get3A_991 : vector<1x16xf32> to vector<16xf32>
        %swap3A_993 = arith.index_cast %add3A_984 : i32 to index
        %swap3A_994 = arith.constant 0 : index
        %swap3A_995 = tpu.vector_load %arg22[%swap3A_993, %swap3A_994] {strides = array<i32>} : memref<256x64xf32, #tpu.memory_space<vmem>>, vector<1x16xf32>,
        %swap3A_996 = vector.shape_cast %swap3A_995 : vector<1x16xf32> to vector<16xf32>
        %swap3A_997 = vector.shape_cast %get3A_992 : vector<16xf32> to vector<1x16xf32>
        tpu.vector_store %arg22[%swap3A_993, %swap3A_994], %swap3A_997 {strides = array<i32>} : memref<256x64xf32, #tpu.memory_space<vmem>>, vector<1x16xf32>,
        %get3A_998 = arith.index_cast %squeeze3A_986 : i32 to index
        %get3A_999 = arith.constant 16 : index
        %get3A_1000 = tpu.vector_load %arg23[%get3A_998, %get3A_999] {strides = array<i32>} : memref<400x32xf32, #tpu.memory_space<vmem>>, vector<1x16xf32>,
        %get3A_1001 = vector.shape_cast %get3A_1000 : vector<1x16xf32> to vector<16xf32>
        %swap3A_1002 = arith.index_cast %add3A_984 : i32 to index
        %swap3A_1003 = arith.constant 16 : index
        %swap3A_1004 = tpu.vector_load %arg22[%swap3A_1002, %swap3A_1003] {strides = array<i32>} : memref<256x64xf32, #tpu.memory_space<vmem>>, vector<1x16xf32>,
        %swap3A_1005 = vector.shape_cast %swap3A_1004 : vector<1x16xf32> to vector<16xf32>
        %swap3A_1006 = vector.shape_cast %get3A_1001 : vector<16xf32> to vector<1x16xf32>
        tpu.vector_store %arg22[%swap3A_1002, %swap3A_1003], %swap3A_1006 {strides = array<i32>} : memref<256x64xf32, #tpu.memory_space<vmem>>, vector<1x16xf32>,
        %get3A_1007 = arith.index_cast %squeeze3A_988 : i32 to index
        %get3A_1008 = arith.constant 0 : index
        %get3A_1009 = tpu.vector_load %arg23[%get3A_1007, %get3A_1008] {strides = array<i32>} : memref<400x32xf32, #tpu.memory_space<vmem>>, vector<1x16xf32>,
        %get3A_1010 = vector.shape_cast %get3A_1009 : vector<1x16xf32> to vector<16xf32>
        %swap3A_1011 = arith.index_cast %add3A_984 : i32 to index
        %swap3A_1012 = arith.constant 32 : index
        %swap3A_1013 = tpu.vector_load %arg22[%swap3A_1011, %swap3A_1012] {strides = array<i32>} : memref<256x64xf32, #tpu.memory_space<vmem>>, vector<1x16xf32>,
        %swap3A_1014 = vector.shape_cast %swap3A_1013 : vector<1x16xf32> to vector<16xf32>
        %swap3A_1015 = vector.shape_cast %get3A_1010 : vector<16xf32> to vector<1x16xf32>
        tpu.vector_store %arg22[%swap3A_1011, %swap3A_1012], %swap3A_1015 {strides = array<i32>} : memref<256x64xf32, #tpu.memory_space<vmem>>, vector<1x16xf32>,
        %get3A_1016 = arith.index_cast %squeeze3A_988 : i32 to index
        %get3A_1017 = arith.constant 16 : index
        %get3A_1018 = tpu.vector_load %arg23[%get3A_1016, %get3A_1017] {strides = array<i32>} : memref<400x32xf32, #tpu.memory_space<vmem>>, vector<1x16xf32>,
        %get3A_1019 = vector.shape_cast %get3A_1018 : vector<1x16xf32> to vector<16xf32>
        %swap3A_1020 = arith.index_cast %add3A_984 : i32 to index
        %swap3A_1021 = arith.constant 48 : index
        %swap3A_1022 = tpu.vector_load %arg22[%swap3A_1020, %swap3A_1021] {strides = array<i32>} : memref<256x64xf32, #tpu.memory_space<vmem>>, vector<1x16xf32>,
        %swap3A_1023 = vector.shape_cast %swap3A_1022 : vector<1x16xf32> to vector<16xf32>
        %swap3A_1024 = vector.shape_cast %get3A_1019 : vector<16xf32> to vector<1x16xf32>
        tpu.vector_store %arg22[%swap3A_1020, %swap3A_1021], %swap3A_1024 {strides = array<i32>} : memref<256x64xf32, #tpu.memory_space<vmem>>, vector<1x16xf32>,
      }
      %scan3A_285 = arith.constant 16 : i32
      %dma_wait3A_286 = arith.constant 0 : i32
      %dma_wait3A_287 = arith.constant 0 : i32
      %dma_wait3A_288 = arith.constant 0 : i32
      %dma_wait3A_289 = tpu.memref_slice %arg19[%dma_wait3A_287, %dma_wait3A_288] : memref<256x64xf32, #tpu.memory_space<vmem>> -> memref<128x64xf32, #tpu.memory_space<vmem>>
      %dma_wait3A_290 = arith.constant 0 : i32
      %dma_wait3A_291 = tpu.memref_slice %arg10[%dma_wait3A_286, %dma_wait3A_290] : memref<2x128xi32, #tpu.memory_space<vmem>> -> memref<1x128xi32, #tpu.memory_space<vmem>>
      %dma_wait3A_292 = tpu.memref_squeeze %dma_wait3A_291 : memref<1x128xi32, #tpu.memory_space<vmem>> -> memref<128xi32, #tpu.memory_space<vmem>>
      %dma_wait3A_293 = arith.constant 0 : i32
      %dma_wait3A_294 = arith.constant 0 : i32
      %dma_wait3A_295 = tpu.memref_slice %arg5[%dma_wait3A_293, %dma_wait3A_294] : memref<1000000x64xf32, #tpu.memory_space<hbm>> -> memref<1000000x64xf32, #tpu.memory_space<hbm>>
      tpu.wait_indirect_dma semaphore(%arg26 : memref<!tpu.dma_semaphore, #tpu.memory_space<semaphore_mem>>) src(%dma_wait3A_295 : memref<1000000x64xf32, #tpu.memory_space<hbm>>) dst(%dma_wait3A_289 : memref<128x64xf32, #tpu.memory_space<vmem>>)
      %dma_wait3A_296 = arith.constant 1 : i32
      %dma_wait3A_297 = arith.constant 128 : i32
      %dma_wait3A_298 = arith.constant 0 : i32
      %dma_wait3A_299 = tpu.memref_slice %arg19[%dma_wait3A_297, %dma_wait3A_298] : memref<256x64xf32, #tpu.memory_space<vmem>> -> memref<128x64xf32, #tpu.memory_space<vmem>>
      %dma_wait3A_300 = arith.constant 0 : i32
      %dma_wait3A_301 = tpu.memref_slice %arg10[%dma_wait3A_296, %dma_wait3A_300] : memref<2x128xi32, #tpu.memory_space<vmem>> -> memref<1x128xi32, #tpu.memory_space<vmem>>
      %dma_wait3A_302 = tpu.memref_squeeze %dma_wait3A_301 : memref<1x128xi32, #tpu.memory_space<vmem>> -> memref<128xi32, #tpu.memory_space<vmem>>
      %dma_wait3A_303 = arith.constant 0 : i32
      %dma_wait3A_304 = arith.constant 0 : i32
      %dma_wait3A_305 = tpu.memref_slice %arg5[%dma_wait3A_303, %dma_wait3A_304] : memref<1000000x64xf32, #tpu.memory_space<hbm>> -> memref<1000000x64xf32, #tpu.memory_space<hbm>>
      tpu.wait_indirect_dma semaphore(%arg26 : memref<!tpu.dma_semaphore, #tpu.memory_space<semaphore_mem>>) src(%dma_wait3A_305 : memref<1000000x64xf32, #tpu.memory_space<hbm>>) dst(%dma_wait3A_299 : memref<128x64xf32, #tpu.memory_space<vmem>>)
      %dma_start3A_306 = arith.constant 0 : i32
      %dma_start3A_307 = tpu.memref_slice %arg7[%add3A_249, %dma_start3A_306] : memref<819200x128xf32, #tpu.memory_space<hbm>> -> memref<256x64xf32, #tpu.memory_space<hbm>>
      %dma_start3A_308 = arith.constant 0 : i32
      %dma_start3A_309 = tpu.memref_slice %arg7[%add3A_249, %dma_start3A_308] : memref<819200x128xf32, #tpu.memory_space<hbm>> -> memref<256x64xf32, #tpu.memory_space<hbm>>
      tpu.enqueue_dma source(%arg19 : memref<256x64xf32, #tpu.memory_space<vmem>>) target(%dma_start3A_309 : memref<256x64xf32, #tpu.memory_space<hbm>>) target_semaphore(%arg29 : memref<!tpu.dma_semaphore, #tpu.memory_space<semaphore_mem>>)
      %dma_start3A_310 = arith.constant 64 : i32
      %dma_start3A_311 = tpu.memref_slice %arg7[%add3A_249, %dma_start3A_310] : memref<819200x128xf32, #tpu.memory_space<hbm>> -> memref<256x64xf32, #tpu.memory_space<hbm>>
      %dma_start3A_312 = arith.constant 64 : i32
      %dma_start3A_313 = tpu.memref_slice %arg7[%add3A_249, %dma_start3A_312] : memref<819200x128xf32, #tpu.memory_space<hbm>> -> memref<256x64xf32, #tpu.memory_space<hbm>>
      tpu.enqueue_dma source(%arg22 : memref<256x64xf32, #tpu.memory_space<vmem>>) target(%dma_start3A_313 : memref<256x64xf32, #tpu.memory_space<hbm>>) target_semaphore(%arg29 : memref<!tpu.dma_semaphore, #tpu.memory_space<semaphore_mem>>)
    }
    %scan3A_32 = arith.constant 33 : i32
    %mul3A_33 = arith.constant 25600 : i32
    %mul3A_34 = arith.muli %add3A, %mul3A_33 : i32
    %add3A_35 = arith.constant 25344 : i32
    %add3A_36 = arith.addi %mul3A_34, %add3A_35 : i32
    %sub3A = arith.constant 512 : i32
    %sub3A_37 = arith.subi %add3A_36, %sub3A : i32
    %dma_wait3A = arith.constant 0 : i32
    %dma_wait3A_38 = tpu.memref_slice %arg7[%sub3A_37, %dma_wait3A] : memref<819200x128xf32, #tpu.memory_space<hbm>> -> memref<256x64xf32, #tpu.memory_space<hbm>>
    %dma_wait3A_39 = arith.constant 0 : i32
    %dma_wait3A_40 = tpu.memref_slice %arg7[%sub3A_37, %dma_wait3A_39] : memref<819200x128xf32, #tpu.memory_space<hbm>> -> memref<256x64xf32, #tpu.memory_space<hbm>>
    tpu.wait_dma2 semaphore(%arg28 : memref<!tpu.dma_semaphore, #tpu.memory_space<semaphore_mem>>) src(%arg18 : memref<256x64xf32, #tpu.memory_space<vmem>>) dst(%dma_wait3A_40 : memref<256x64xf32, #tpu.memory_space<hbm>>)
    %dma_wait3A_41 = arith.constant 64 : i32
    %dma_wait3A_42 = tpu.memref_slice %arg7[%sub3A_37, %dma_wait3A_41] : memref<819200x128xf32, #tpu.memory_space<hbm>> -> memref<256x64xf32, #tpu.memory_space<hbm>>
    %dma_wait3A_43 = arith.constant 64 : i32
    %dma_wait3A_44 = tpu.memref_slice %arg7[%sub3A_37, %dma_wait3A_43] : memref<819200x128xf32, #tpu.memory_space<hbm>> -> memref<256x64xf32, #tpu.memory_space<hbm>>
    tpu.wait_dma2 semaphore(%arg28 : memref<!tpu.dma_semaphore, #tpu.memory_space<semaphore_mem>>) src(%arg21 : memref<256x64xf32, #tpu.memory_space<vmem>>) dst(%dma_wait3A_44 : memref<256x64xf32, #tpu.memory_space<hbm>>)
    %scan3A_45 = arith.constant 0 : i32
    %scan3A_46 = arith.constant 0 : i32
    %scan3A_47 = arith.constant 16 : i32
    %scan3A_48 = arith.addi %scan3A_46, %scan3A_47 : i32
    %scan3A_49 = arith.constant 1 : i32
    scf.for %scan3A_97 = %scan3A_46 to %scan3A_48 step %scan3A_49  : i32 {
      %mul3A_98 = arith.constant 16 : i32
      %mul3A_99 = arith.muli %scan3A_97, %mul3A_98 : i32
      %get3A = arith.index_cast %mul3A_99 : i32 to index
      %get3A_100 = tpu.vector_load %arg11[%get3A] {strides = array<i32>} : memref<256xi32, #tpu.memory_space<vmem>>, vector<16xi32>,
      %get3A_101 = vector.shape_cast %get3A_100 : vector<16xi32> to vector<16xi32>
      %mul3A_102 = arith.constant 16 : i32
      %mul3A_103 = arith.muli %scan3A_97, %mul3A_102 : i32
      %get3A_104 = arith.index_cast %mul3A_103 : i32 to index
      %get3A_105 = tpu.vector_load %arg14[%get3A_104] {strides = array<i32>} : memref<256xi32, #tpu.memory_space<vmem>>, vector<16xi32>,
      %get3A_106 = vector.shape_cast %get3A_105 : vector<16xi32> to vector<16xi32>
      %mul3A_107 = arith.constant 16 : i32
      %mul3A_108 = arith.muli %scan3A_97, %mul3A_107 : i32
      %add3A_109 = arith.constant 0 : i32
      %add3A_110 = arith.addi %mul3A_108, %add3A_109 : i32
      %slice3A = vector.extract_strided_slice %get3A_101 {offsets = [0], sizes = [1], strides = [1]} : vector<16xi32> to vector<1xi32>
      %squeeze3A = vector.extract %slice3A[0] : i32 from vector<1xi32>
      %slice3A_111 = vector.extract_strided_slice %get3A_106 {offsets = [0], sizes = [1], strides = [1]} : vector<16xi32> to vector<1xi32>
      %squeeze3A_112 = vector.extract %slice3A_111[0] : i32 from vector<1xi32>
      %get3A_113 = arith.index_cast %squeeze3A : i32 to index
      %get3A_114 = arith.constant 0 : index
      %get3A_115 = tpu.vector_load %arg23[%get3A_113, %get3A_114] {strides = array<i32>} : memref<400x32xf32, #tpu.memory_space<vmem>>, vector<1x16xf32>,
      %get3A_116 = vector.shape_cast %get3A_115 : vector<1x16xf32> to vector<16xf32>
      %swap3A = arith.index_cast %add3A_110 : i32 to index
      %swap3A_117 = arith.constant 0 : index
      %swap3A_118 = tpu.vector_load %arg20[%swap3A, %swap3A_117] {strides = array<i32>} : memref<256x64xf32, #tpu.memory_space<vmem>>, vector<1x16xf32>,
      %swap3A_119 = vector.shape_cast %swap3A_118 : vector<1x16xf32> to vector<16xf32>
      %swap3A_120 = vector.shape_cast %get3A_116 : vector<16xf32> to vector<1x16xf32>
      tpu.vector_store %arg20[%swap3A, %swap3A_117], %swap3A_120 {strides = array<i32>} : memref<256x64xf32, #tpu.memory_space<vmem>>, vector<1x16xf32>,
      %get3A_121 = arith.index_cast %squeeze3A : i32 to index
      %get3A_122 = arith.constant 16 : index
      %get3A_123 = tpu.vector_load %arg23[%get3A_121, %get3A_122] {strides = array<i32>} : memref<400x32xf32, #tpu.memory_space<vmem>>, vector<1x16xf32>,
      %get3A_124 = vector.shape_cast %get3A_123 : vector<1x16xf32> to vector<16xf32>
      %swap3A_125 = arith.index_cast %add3A_110 : i32 to index
      %swap3A_126 = arith.constant 16 : index
      %swap3A_127 = tpu.vector_load %arg20[%swap3A_125, %swap3A_126] {strides = array<i32>} : memref<256x64xf32, #tpu.memory_space<vmem>>, vector<1x16xf32>,
      %swap3A_128 = vector.shape_cast %swap3A_127 : vector<1x16xf32> to vector<16xf32>
      %swap3A_129 = vector.shape_cast %get3A_124 : vector<16xf32> to vector<1x16xf32>
      tpu.vector_store %arg20[%swap3A_125, %swap3A_126], %swap3A_129 {strides = array<i32>} : memref<256x64xf32, #tpu.memory_space<vmem>>, vector<1x16xf32>,
      %get3A_130 = arith.index_cast %squeeze3A_112 : i32 to index
      %get3A_131 = arith.constant 0 : index
      %get3A_132 = tpu.vector_load %arg23[%get3A_130, %get3A_131] {strides = array<i32>} : memref<400x32xf32, #tpu.memory_space<vmem>>, vector<1x16xf32>,
      %get3A_133 = vector.shape_cast %get3A_132 : vector<1x16xf32> to vector<16xf32>
      %swap3A_134 = arith.index_cast %add3A_110 : i32 to index
      %swap3A_135 = arith.constant 32 : index
      %swap3A_136 = tpu.vector_load %arg20[%swap3A_134, %swap3A_135] {strides = array<i32>} : memref<256x64xf32, #tpu.memory_space<vmem>>, vector<1x16xf32>,
      %swap3A_137 = vector.shape_cast %swap3A_136 : vector<1x16xf32> to vector<16xf32>
      %swap3A_138 = vector.shape_cast %get3A_133 : vector<16xf32> to vector<1x16xf32>
      tpu.vector_store %arg20[%swap3A_134, %swap3A_135], %swap3A_138 {strides = array<i32>} : memref<256x64xf32, #tpu.memory_space<vmem>>, vector<1x16xf32>,
      %get3A_139 = arith.index_cast %squeeze3A_112 : i32 to index
      %get3A_140 = arith.constant 16 : index
      %get3A_141 = tpu.vector_load %arg23[%get3A_139, %get3A_140] {strides = array<i32>} : memref<400x32xf32, #tpu.memory_space<vmem>>, vector<1x16xf32>,
      %get3A_142 = vector.shape_cast %get3A_141 : vector<1x16xf32> to vector<16xf32>
      %swap3A_143 = arith.index_cast %add3A_110 : i32 to index
      %swap3A_144 = arith.constant 48 : index
      %swap3A_145 = tpu.vector_load %arg20[%swap3A_143, %swap3A_144] {strides = array<i32>} : memref<256x64xf32, #tpu.memory_space<vmem>>, vector<1x16xf32>,
      %swap3A_146 = vector.shape_cast %swap3A_145 : vector<1x16xf32> to vector<16xf32>
      %swap3A_147 = vector.shape_cast %get3A_142 : vector<16xf32> to vector<1x16xf32>
      tpu.vector_store %arg20[%swap3A_143, %swap3A_144], %swap3A_147 {strides = array<i32>} : memref<256x64xf32, #tpu.memory_space<vmem>>, vector<1x16xf32>,
      %mul3A_148 = arith.constant 16 : i32
      %mul3A_149 = arith.muli %scan3A_97, %mul3A_148 : i32
      %add3A_150 = arith.constant 1 : i32
      %add3A_151 = arith.addi %mul3A_149, %add3A_150 : i32
      %slice3A_152 = vector.extract_strided_slice %get3A_101 {offsets = [1], sizes = [1], strides = [1]} : vector<16xi32> to vector<1xi32>
      %squeeze3A_153 = vector.extract %slice3A_152[0] : i32 from vector<1xi32>
      %slice3A_154 = vector.extract_strided_slice %get3A_106 {offsets = [1], sizes = [1], strides = [1]} : vector<16xi32> to vector<1xi32>
      %squeeze3A_155 = vector.extract %slice3A_154[0] : i32 from vector<1xi32>
      %get3A_156 = arith.index_cast %squeeze3A_153 : i32 to index
      %get3A_157 = arith.constant 0 : index
      %get3A_158 = tpu.vector_load %arg23[%get3A_156, %get3A_157] {strides = array<i32>} : memref<400x32xf32, #tpu.memory_space<vmem>>, vector<1x16xf32>,
      %get3A_159 = vector.shape_cast %get3A_158 : vector<1x16xf32> to vector<16xf32>
      %swap3A_160 = arith.index_cast %add3A_151 : i32 to index
      %swap3A_161 = arith.constant 0 : index
      %swap3A_162 = tpu.vector_load %arg20[%swap3A_160, %swap3A_161] {strides = array<i32>} : memref<256x64xf32, #tpu.memory_space<vmem>>, vector<1x16xf32>,
      %swap3A_163 = vector.shape_cast %swap3A_162 : vector<1x16xf32> to vector<16xf32>
      %swap3A_164 = vector.shape_cast %get3A_159 : vector<16xf32> to vector<1x16xf32>
      tpu.vector_store %arg20[%swap3A_160, %swap3A_161], %swap3A_164 {strides = array<i32>} : memref<256x64xf32, #tpu.memory_space<vmem>>, vector<1x16xf32>,
      %get3A_165 = arith.index_cast %squeeze3A_153 : i32 to index
      %get3A_166 = arith.constant 16 : index
      %get3A_167 = tpu.vector_load %arg23[%get3A_165, %get3A_166] {strides = array<i32>} : memref<400x32xf32, #tpu.memory_space<vmem>>, vector<1x16xf32>,
      %get3A_168 = vector.shape_cast %get3A_167 : vector<1x16xf32> to vector<16xf32>
      %swap3A_169 = arith.index_cast %add3A_151 : i32 to index
      %swap3A_170 = arith.constant 16 : index
      %swap3A_171 = tpu.vector_load %arg20[%swap3A_169, %swap3A_170] {strides = array<i32>} : memref<256x64xf32, #tpu.memory_space<vmem>>, vector<1x16xf32>,
      %swap3A_172 = vector.shape_cast %swap3A_171 : vector<1x16xf32> to vector<16xf32>
      %swap3A_173 = vector.shape_cast %get3A_168 : vector<16xf32> to vector<1x16xf32>
      tpu.vector_store %arg20[%swap3A_169, %swap3A_170], %swap3A_173 {strides = array<i32>} : memref<256x64xf32, #tpu.memory_space<vmem>>, vector<1x16xf32>,
      %get3A_174 = arith.index_cast %squeeze3A_155 : i32 to index
      %get3A_175 = arith.constant 0 : index
      %get3A_176 = tpu.vector_load %arg23[%get3A_174, %get3A_175] {strides = array<i32>} : memref<400x32xf32, #tpu.memory_space<vmem>>, vector<1x16xf32>,
      %get3A_177 = vector.shape_cast %get3A_176 : vector<1x16xf32> to vector<16xf32>
      %swap3A_178 = arith.index_cast %add3A_151 : i32 to index
      %swap3A_179 = arith.constant 32 : index
      %swap3A_180 = tpu.vector_load %arg20[%swap3A_178, %swap3A_179] {strides = array<i32>} : memref<256x64xf32, #tpu.memory_space<vmem>>, vector<1x16xf32>,
      %swap3A_181 = vector.shape_cast %swap3A_180 : vector<1x16xf32> to vector<16xf32>
      %swap3A_182 = vector.shape_cast %get3A_177 : vector<16xf32> to vector<1x16xf32>
      tpu.vector_store %arg20[%swap3A_178, %swap3A_179], %swap3A_182 {strides = array<i32>} : memref<256x64xf32, #tpu.memory_space<vmem>>, vector<1x16xf32>,
      %get3A_183 = arith.index_cast %squeeze3A_155 : i32 to index
      %get3A_184 = arith.constant 16 : index
      %get3A_185 = tpu.vector_load %arg23[%get3A_183, %get3A_184] {strides = array<i32>} : memref<400x32xf32, #tpu.memory_space<vmem>>, vector<1x16xf32>,
      %get3A_186 = vector.shape_cast %get3A_185 : vector<1x16xf32> to vector<16xf32>
      %swap3A_187 = arith.index_cast %add3A_151 : i32 to index
      %swap3A_188 = arith.constant 48 : index
      %swap3A_189 = tpu.vector_load %arg20[%swap3A_187, %swap3A_188] {strides = array<i32>} : memref<256x64xf32, #tpu.memory_space<vmem>>, vector<1x16xf32>,
      %swap3A_190 = vector.shape_cast %swap3A_189 : vector<1x16xf32> to vector<16xf32>
      %swap3A_191 = vector.shape_cast %get3A_186 : vector<16xf32> to vector<1x16xf32>
      tpu.vector_store %arg20[%swap3A_187, %swap3A_188], %swap3A_191 {strides = array<i32>} : memref<256x64xf32, #tpu.memory_space<vmem>>, vector<1x16xf32>,
      %mul3A_192 = arith.constant 16 : i32
      %mul3A_193 = arith.muli %scan3A_97, %mul3A_192 : i32
      %add3A_194 = arith.constant 2 : i32
      %add3A_195 = arith.addi %mul3A_193, %add3A_194 : i32
      %slice3A_196 = vector.extract_strided_slice %get3A_101 {offsets = [2], sizes = [1], strides = [1]} : vector<16xi32> to vector<1xi32>
      %squeeze3A_197 = vector.extract %slice3A_196[0] : i32 from vector<1xi32>
      %slice3A_198 = vector.extract_strided_slice %get3A_106 {offsets = [2], sizes = [1], strides = [1]} : vector<16xi32> to vector<1xi32>
      %squeeze3A_199 = vector.extract %slice3A_198[0] : i32 from vector<1xi32>
      %get3A_200 = arith.index_cast %squeeze3A_197 : i32 to index
      %get3A_201 = arith.constant 0 : index
      %get3A_202 = tpu.vector_load %arg23[%get3A_200, %get3A_201] {strides = array<i32>} : memref<400x32xf32, #tpu.memory_space<vmem>>, vector<1x16xf32>,
      %get3A_203 = vector.shape_cast %get3A_202 : vector<1x16xf32> to vector<16xf32>
      %swap3A_204 = arith.index_cast %add3A_195 : i32 to index
      %swap3A_205 = arith.constant 0 : index
      %swap3A_206 = tpu.vector_load %arg20[%swap3A_204, %swap3A_205] {strides = array<i32>} : memref<256x64xf32, #tpu.memory_space<vmem>>, vector<1x16xf32>,
      %swap3A_207 = vector.shape_cast %swap3A_206 : vector<1x16xf32> to vector<16xf32>
      %swap3A_208 = vector.shape_cast %get3A_203 : vector<16xf32> to vector<1x16xf32>
      tpu.vector_store %arg20[%swap3A_204, %swap3A_205], %swap3A_208 {strides = array<i32>} : memref<256x64xf32, #tpu.memory_space<vmem>>, vector<1x16xf32>,
      %get3A_209 = arith.index_cast %squeeze3A_197 : i32 to index
      %get3A_210 = arith.constant 16 : index
      %get3A_211 = tpu.vector_load %arg23[%get3A_209, %get3A_210] {strides = array<i32>} : memref<400x32xf32, #tpu.memory_space<vmem>>, vector<1x16xf32>,
      %get3A_212 = vector.shape_cast %get3A_211 : vector<1x16xf32> to vector<16xf32>
      %swap3A_213 = arith.index_cast %add3A_195 : i32 to index
      %swap3A_214 = arith.constant 16 : index
      %swap3A_215 = tpu.vector_load %arg20[%swap3A_213, %swap3A_214] {strides = array<i32>} : memref<256x64xf32, #tpu.memory_space<vmem>>, vector<1x16xf32>,
      %swap3A_216 = vector.shape_cast %swap3A_215 : vector<1x16xf32> to vector<16xf32>
      %swap3A_217 = vector.shape_cast %get3A_212 : vector<16xf32> to vector<1x16xf32>
      tpu.vector_store %arg20[%swap3A_213, %swap3A_214], %swap3A_217 {strides = array<i32>} : memref<256x64xf32, #tpu.memory_space<vmem>>, vector<1x16xf32>,
      %get3A_218 = arith.index_cast %squeeze3A_199 : i32 to index
      %get3A_219 = arith.constant 0 : index
      %get3A_220 = tpu.vector_load %arg23[%get3A_218, %get3A_219] {strides = array<i32>} : memref<400x32xf32, #tpu.memory_space<vmem>>, vector<1x16xf32>,
      %get3A_221 = vector.shape_cast %get3A_220 : vector<1x16xf32> to vector<16xf32>
      %swap3A_222 = arith.index_cast %add3A_195 : i32 to index
      %swap3A_223 = arith.constant 32 : index
      %swap3A_224 = tpu.vector_load %arg20[%swap3A_222, %swap3A_223] {strides = array<i32>} : memref<256x64xf32, #tpu.memory_space<vmem>>, vector<1x16xf32>,
      %swap3A_225 = vector.shape_cast %swap3A_224 : vector<1x16xf32> to vector<16xf32>
      %swap3A_226 = vector.shape_cast %get3A_221 : vector<16xf32> to vector<1x16xf32>
      tpu.vector_store %arg20[%swap3A_222, %swap3A_223], %swap3A_226 {strides = array<i32>} : memref<256x64xf32, #tpu.memory_space<vmem>>, vector<1x16xf32>,
      %get3A_227 = arith.index_cast %squeeze3A_199 : i32 to index
      %get3A_228 = arith.constant 16 : index
      %get3A_229 = tpu.vector_load %arg23[%get3A_227, %get3A_228] {strides = array<i32>} : memref<400x32xf32, #tpu.memory_space<vmem>>, vector<1x16xf32>,
      %get3A_230 = vector.shape_cast %get3A_229 : vector<1x16xf32> to vector<16xf32>
      %swap3A_231 = arith.index_cast %add3A_195 : i32 to index
      %swap3A_232 = arith.constant 48 : index
      %swap3A_233 = tpu.vector_load %arg20[%swap3A_231, %swap3A_232] {strides = array<i32>} : memref<256x64xf32, #tpu.memory_space<vmem>>, vector<1x16xf32>,
      %swap3A_234 = vector.shape_cast %swap3A_233 : vector<1x16xf32> to vector<16xf32>
      %swap3A_235 = vector.shape_cast %get3A_230 : vector<16xf32> to vector<1x16xf32>
      tpu.vector_store %arg20[%swap3A_231, %swap3A_232], %swap3A_235 {strides = array<i32>} : memref<256x64xf32, #tpu.memory_space<vmem>>, vector<1x16xf32>,
      %mul3A_236 = arith.constant 16 : i32
      %mul3A_237 = arith.muli %scan3A_97, %mul3A_236 : i32
      %add3A_238 = arith.constant 3 : i32
      %add3A_239 = arith.addi %mul3A_237, %add3A_238 : i32
      %slice3A_240 = vector.extract_strided_slice %get3A_101 {offsets = [3], sizes = [1], strides = [1]} : vector<16xi32> to vector<1xi32>
      %squeeze3A_241 = vector.extract %slice3A_240[0] : i32 from vector<1xi32>
      %slice3A_242 = vector.extract_strided_slice %get3A_106 {offsets = [3], sizes = [1], strides = [1]} : vector<16xi32> to vector<1xi32>
      %squeeze3A_243 = vector.extract %slice3A_242[0] : i32 from vector<1xi32>
      %get3A_244 = arith.index_cast %squeeze3A_241 : i32 to index
      %get3A_245 = arith.constant 0 : index
      %get3A_246 = tpu.vector_load %arg23[%get3A_244, %get3A_245] {strides = array<i32>} : memref<400x32xf32, #tpu.memory_space<vmem>>, vector<1x16xf32>,
      %get3A_247 = vector.shape_cast %get3A_246 : vector<1x16xf32> to vector<16xf32>
      %swap3A_248 = arith.index_cast %add3A_239 : i32 to index
      %swap3A_249 = arith.constant 0 : index
      %swap3A_250 = tpu.vector_load %arg20[%swap3A_248, %swap3A_249] {strides = array<i32>} : memref<256x64xf32, #tpu.memory_space<vmem>>, vector<1x16xf32>,
      %swap3A_251 = vector.shape_cast %swap3A_250 : vector<1x16xf32> to vector<16xf32>
      %swap3A_252 = vector.shape_cast %get3A_247 : vector<16xf32> to vector<1x16xf32>
      tpu.vector_store %arg20[%swap3A_248, %swap3A_249], %swap3A_252 {strides = array<i32>} : memref<256x64xf32, #tpu.memory_space<vmem>>, vector<1x16xf32>,
      %get3A_253 = arith.index_cast %squeeze3A_241 : i32 to index
      %get3A_254 = arith.constant 16 : index
      %get3A_255 = tpu.vector_load %arg23[%get3A_253, %get3A_254] {strides = array<i32>} : memref<400x32xf32, #tpu.memory_space<vmem>>, vector<1x16xf32>,
      %get3A_256 = vector.shape_cast %get3A_255 : vector<1x16xf32> to vector<16xf32>
      %swap3A_257 = arith.index_cast %add3A_239 : i32 to index
      %swap3A_258 = arith.constant 16 : index
      %swap3A_259 = tpu.vector_load %arg20[%swap3A_257, %swap3A_258] {strides = array<i32>} : memref<256x64xf32, #tpu.memory_space<vmem>>, vector<1x16xf32>,
      %swap3A_260 = vector.shape_cast %swap3A_259 : vector<1x16xf32> to vector<16xf32>
      %swap3A_261 = vector.shape_cast %get3A_256 : vector<16xf32> to vector<1x16xf32>
      tpu.vector_store %arg20[%swap3A_257, %swap3A_258], %swap3A_261 {strides = array<i32>} : memref<256x64xf32, #tpu.memory_space<vmem>>, vector<1x16xf32>,
      %get3A_262 = arith.index_cast %squeeze3A_243 : i32 to index
      %get3A_263 = arith.constant 0 : index
      %get3A_264 = tpu.vector_load %arg23[%get3A_262, %get3A_263] {strides = array<i32>} : memref<400x32xf32, #tpu.memory_space<vmem>>, vector<1x16xf32>,
      %get3A_265 = vector.shape_cast %get3A_264 : vector<1x16xf32> to vector<16xf32>
      %swap3A_266 = arith.index_cast %add3A_239 : i32 to index
      %swap3A_267 = arith.constant 32 : index
      %swap3A_268 = tpu.vector_load %arg20[%swap3A_266, %swap3A_267] {strides = array<i32>} : memref<256x64xf32, #tpu.memory_space<vmem>>, vector<1x16xf32>,
      %swap3A_269 = vector.shape_cast %swap3A_268 : vector<1x16xf32> to vector<16xf32>
      %swap3A_270 = vector.shape_cast %get3A_265 : vector<16xf32> to vector<1x16xf32>
      tpu.vector_store %arg20[%swap3A_266, %swap3A_267], %swap3A_270 {strides = array<i32>} : memref<256x64xf32, #tpu.memory_space<vmem>>, vector<1x16xf32>,
      %get3A_271 = arith.index_cast %squeeze3A_243 : i32 to index
      %get3A_272 = arith.constant 16 : index
      %get3A_273 = tpu.vector_load %arg23[%get3A_271, %get3A_272] {strides = array<i32>} : memref<400x32xf32, #tpu.memory_space<vmem>>, vector<1x16xf32>,
      %get3A_274 = vector.shape_cast %get3A_273 : vector<1x16xf32> to vector<16xf32>
      %swap3A_275 = arith.index_cast %add3A_239 : i32 to index
      %swap3A_276 = arith.constant 48 : index
      %swap3A_277 = tpu.vector_load %arg20[%swap3A_275, %swap3A_276] {strides = array<i32>} : memref<256x64xf32, #tpu.memory_space<vmem>>, vector<1x16xf32>,
      %swap3A_278 = vector.shape_cast %swap3A_277 : vector<1x16xf32> to vector<16xf32>
      %swap3A_279 = vector.shape_cast %get3A_274 : vector<16xf32> to vector<1x16xf32>
      tpu.vector_store %arg20[%swap3A_275, %swap3A_276], %swap3A_279 {strides = array<i32>} : memref<256x64xf32, #tpu.memory_space<vmem>>, vector<1x16xf32>,
      %mul3A_280 = arith.constant 16 : i32
      %mul3A_281 = arith.muli %scan3A_97, %mul3A_280 : i32
      %add3A_282 = arith.constant 4 : i32
      %add3A_283 = arith.addi %mul3A_281, %add3A_282 : i32
      %slice3A_284 = vector.extract_strided_slice %get3A_101 {offsets = [4], sizes = [1], strides = [1]} : vector<16xi32> to vector<1xi32>
      %squeeze3A_285 = vector.extract %slice3A_284[0] : i32 from vector<1xi32>
      %slice3A_286 = vector.extract_strided_slice %get3A_106 {offsets = [4], sizes = [1], strides = [1]} : vector<16xi32> to vector<1xi32>
      %squeeze3A_287 = vector.extract %slice3A_286[0] : i32 from vector<1xi32>
      %get3A_288 = arith.index_cast %squeeze3A_285 : i32 to index
      %get3A_289 = arith.constant 0 : index
      %get3A_290 = tpu.vector_load %arg23[%get3A_288, %get3A_289] {strides = array<i32>} : memref<400x32xf32, #tpu.memory_space<vmem>>, vector<1x16xf32>,
      %get3A_291 = vector.shape_cast %get3A_290 : vector<1x16xf32> to vector<16xf32>
      %swap3A_292 = arith.index_cast %add3A_283 : i32 to index
      %swap3A_293 = arith.constant 0 : index
      %swap3A_294 = tpu.vector_load %arg20[%swap3A_292, %swap3A_293] {strides = array<i32>} : memref<256x64xf32, #tpu.memory_space<vmem>>, vector<1x16xf32>,
      %swap3A_295 = vector.shape_cast %swap3A_294 : vector<1x16xf32> to vector<16xf32>
      %swap3A_296 = vector.shape_cast %get3A_291 : vector<16xf32> to vector<1x16xf32>
      tpu.vector_store %arg20[%swap3A_292, %swap3A_293], %swap3A_296 {strides = array<i32>} : memref<256x64xf32, #tpu.memory_space<vmem>>, vector<1x16xf32>,
      %get3A_297 = arith.index_cast %squeeze3A_285 : i32 to index
      %get3A_298 = arith.constant 16 : index
      %get3A_299 = tpu.vector_load %arg23[%get3A_297, %get3A_298] {strides = array<i32>} : memref<400x32xf32, #tpu.memory_space<vmem>>, vector<1x16xf32>,
      %get3A_300 = vector.shape_cast %get3A_299 : vector<1x16xf32> to vector<16xf32>
      %swap3A_301 = arith.index_cast %add3A_283 : i32 to index
      %swap3A_302 = arith.constant 16 : index
      %swap3A_303 = tpu.vector_load %arg20[%swap3A_301, %swap3A_302] {strides = array<i32>} : memref<256x64xf32, #tpu.memory_space<vmem>>, vector<1x16xf32>,
      %swap3A_304 = vector.shape_cast %swap3A_303 : vector<1x16xf32> to vector<16xf32>
      %swap3A_305 = vector.shape_cast %get3A_300 : vector<16xf32> to vector<1x16xf32>
      tpu.vector_store %arg20[%swap3A_301, %swap3A_302], %swap3A_305 {strides = array<i32>} : memref<256x64xf32, #tpu.memory_space<vmem>>, vector<1x16xf32>,
      %get3A_306 = arith.index_cast %squeeze3A_287 : i32 to index
      %get3A_307 = arith.constant 0 : index
      %get3A_308 = tpu.vector_load %arg23[%get3A_306, %get3A_307] {strides = array<i32>} : memref<400x32xf32, #tpu.memory_space<vmem>>, vector<1x16xf32>,
      %get3A_309 = vector.shape_cast %get3A_308 : vector<1x16xf32> to vector<16xf32>
      %swap3A_310 = arith.index_cast %add3A_283 : i32 to index
      %swap3A_311 = arith.constant 32 : index
      %swap3A_312 = tpu.vector_load %arg20[%swap3A_310, %swap3A_311] {strides = array<i32>} : memref<256x64xf32, #tpu.memory_space<vmem>>, vector<1x16xf32>,
      %swap3A_313 = vector.shape_cast %swap3A_312 : vector<1x16xf32> to vector<16xf32>
      %swap3A_314 = vector.shape_cast %get3A_309 : vector<16xf32> to vector<1x16xf32>
      tpu.vector_store %arg20[%swap3A_310, %swap3A_311], %swap3A_314 {strides = array<i32>} : memref<256x64xf32, #tpu.memory_space<vmem>>, vector<1x16xf32>,
      %get3A_315 = arith.index_cast %squeeze3A_287 : i32 to index
      %get3A_316 = arith.constant 16 : index
      %get3A_317 = tpu.vector_load %arg23[%get3A_315, %get3A_316] {strides = array<i32>} : memref<400x32xf32, #tpu.memory_space<vmem>>, vector<1x16xf32>,
      %get3A_318 = vector.shape_cast %get3A_317 : vector<1x16xf32> to vector<16xf32>
      %swap3A_319 = arith.index_cast %add3A_283 : i32 to index
      %swap3A_320 = arith.constant 48 : index
      %swap3A_321 = tpu.vector_load %arg20[%swap3A_319, %swap3A_320] {strides = array<i32>} : memref<256x64xf32, #tpu.memory_space<vmem>>, vector<1x16xf32>,
      %swap3A_322 = vector.shape_cast %swap3A_321 : vector<1x16xf32> to vector<16xf32>
      %swap3A_323 = vector.shape_cast %get3A_318 : vector<16xf32> to vector<1x16xf32>
      tpu.vector_store %arg20[%swap3A_319, %swap3A_320], %swap3A_323 {strides = array<i32>} : memref<256x64xf32, #tpu.memory_space<vmem>>, vector<1x16xf32>,
      %mul3A_324 = arith.constant 16 : i32
      %mul3A_325 = arith.muli %scan3A_97, %mul3A_324 : i32
      %add3A_326 = arith.constant 5 : i32
      %add3A_327 = arith.addi %mul3A_325, %add3A_326 : i32
      %slice3A_328 = vector.extract_strided_slice %get3A_101 {offsets = [5], sizes = [1], strides = [1]} : vector<16xi32> to vector<1xi32>
      %squeeze3A_329 = vector.extract %slice3A_328[0] : i32 from vector<1xi32>
      %slice3A_330 = vector.extract_strided_slice %get3A_106 {offsets = [5], sizes = [1], strides = [1]} : vector<16xi32> to vector<1xi32>
      %squeeze3A_331 = vector.extract %slice3A_330[0] : i32 from vector<1xi32>
      %get3A_332 = arith.index_cast %squeeze3A_329 : i32 to index
      %get3A_333 = arith.constant 0 : index
      %get3A_334 = tpu.vector_load %arg23[%get3A_332, %get3A_333] {strides = array<i32>} : memref<400x32xf32, #tpu.memory_space<vmem>>, vector<1x16xf32>,
      %get3A_335 = vector.shape_cast %get3A_334 : vector<1x16xf32> to vector<16xf32>
      %swap3A_336 = arith.index_cast %add3A_327 : i32 to index
      %swap3A_337 = arith.constant 0 : index
      %swap3A_338 = tpu.vector_load %arg20[%swap3A_336, %swap3A_337] {strides = array<i32>} : memref<256x64xf32, #tpu.memory_space<vmem>>, vector<1x16xf32>,
      %swap3A_339 = vector.shape_cast %swap3A_338 : vector<1x16xf32> to vector<16xf32>
      %swap3A_340 = vector.shape_cast %get3A_335 : vector<16xf32> to vector<1x16xf32>
      tpu.vector_store %arg20[%swap3A_336, %swap3A_337], %swap3A_340 {strides = array<i32>} : memref<256x64xf32, #tpu.memory_space<vmem>>, vector<1x16xf32>,
      %get3A_341 = arith.index_cast %squeeze3A_329 : i32 to index
      %get3A_342 = arith.constant 16 : index
      %get3A_343 = tpu.vector_load %arg23[%get3A_341, %get3A_342] {strides = array<i32>} : memref<400x32xf32, #tpu.memory_space<vmem>>, vector<1x16xf32>,
      %get3A_344 = vector.shape_cast %get3A_343 : vector<1x16xf32> to vector<16xf32>
      %swap3A_345 = arith.index_cast %add3A_327 : i32 to index
      %swap3A_346 = arith.constant 16 : index
      %swap3A_347 = tpu.vector_load %arg20[%swap3A_345, %swap3A_346] {strides = array<i32>} : memref<256x64xf32, #tpu.memory_space<vmem>>, vector<1x16xf32>,
      %swap3A_348 = vector.shape_cast %swap3A_347 : vector<1x16xf32> to vector<16xf32>
      %swap3A_349 = vector.shape_cast %get3A_344 : vector<16xf32> to vector<1x16xf32>
      tpu.vector_store %arg20[%swap3A_345, %swap3A_346], %swap3A_349 {strides = array<i32>} : memref<256x64xf32, #tpu.memory_space<vmem>>, vector<1x16xf32>,
      %get3A_350 = arith.index_cast %squeeze3A_331 : i32 to index
      %get3A_351 = arith.constant 0 : index
      %get3A_352 = tpu.vector_load %arg23[%get3A_350, %get3A_351] {strides = array<i32>} : memref<400x32xf32, #tpu.memory_space<vmem>>, vector<1x16xf32>,
      %get3A_353 = vector.shape_cast %get3A_352 : vector<1x16xf32> to vector<16xf32>
      %swap3A_354 = arith.index_cast %add3A_327 : i32 to index
      %swap3A_355 = arith.constant 32 : index
      %swap3A_356 = tpu.vector_load %arg20[%swap3A_354, %swap3A_355] {strides = array<i32>} : memref<256x64xf32, #tpu.memory_space<vmem>>, vector<1x16xf32>,
      %swap3A_357 = vector.shape_cast %swap3A_356 : vector<1x16xf32> to vector<16xf32>
      %swap3A_358 = vector.shape_cast %get3A_353 : vector<16xf32> to vector<1x16xf32>
      tpu.vector_store %arg20[%swap3A_354, %swap3A_355], %swap3A_358 {strides = array<i32>} : memref<256x64xf32, #tpu.memory_space<vmem>>, vector<1x16xf32>,
      %get3A_359 = arith.index_cast %squeeze3A_331 : i32 to index
      %get3A_360 = arith.constant 16 : index
      %get3A_361 = tpu.vector_load %arg23[%get3A_359, %get3A_360] {strides = array<i32>} : memref<400x32xf32, #tpu.memory_space<vmem>>, vector<1x16xf32>,
      %get3A_362 = vector.shape_cast %get3A_361 : vector<1x16xf32> to vector<16xf32>
      %swap3A_363 = arith.index_cast %add3A_327 : i32 to index
      %swap3A_364 = arith.constant 48 : index
      %swap3A_365 = tpu.vector_load %arg20[%swap3A_363, %swap3A_364] {strides = array<i32>} : memref<256x64xf32, #tpu.memory_space<vmem>>, vector<1x16xf32>,
      %swap3A_366 = vector.shape_cast %swap3A_365 : vector<1x16xf32> to vector<16xf32>
      %swap3A_367 = vector.shape_cast %get3A_362 : vector<16xf32> to vector<1x16xf32>
      tpu.vector_store %arg20[%swap3A_363, %swap3A_364], %swap3A_367 {strides = array<i32>} : memref<256x64xf32, #tpu.memory_space<vmem>>, vector<1x16xf32>,
      %mul3A_368 = arith.constant 16 : i32
      %mul3A_369 = arith.muli %scan3A_97, %mul3A_368 : i32
      %add3A_370 = arith.constant 6 : i32
      %add3A_371 = arith.addi %mul3A_369, %add3A_370 : i32
      %slice3A_372 = vector.extract_strided_slice %get3A_101 {offsets = [6], sizes = [1], strides = [1]} : vector<16xi32> to vector<1xi32>
      %squeeze3A_373 = vector.extract %slice3A_372[0] : i32 from vector<1xi32>
      %slice3A_374 = vector.extract_strided_slice %get3A_106 {offsets = [6], sizes = [1], strides = [1]} : vector<16xi32> to vector<1xi32>
      %squeeze3A_375 = vector.extract %slice3A_374[0] : i32 from vector<1xi32>
      %get3A_376 = arith.index_cast %squeeze3A_373 : i32 to index
      %get3A_377 = arith.constant 0 : index
      %get3A_378 = tpu.vector_load %arg23[%get3A_376, %get3A_377] {strides = array<i32>} : memref<400x32xf32, #tpu.memory_space<vmem>>, vector<1x16xf32>,
      %get3A_379 = vector.shape_cast %get3A_378 : vector<1x16xf32> to vector<16xf32>
      %swap3A_380 = arith.index_cast %add3A_371 : i32 to index
      %swap3A_381 = arith.constant 0 : index
      %swap3A_382 = tpu.vector_load %arg20[%swap3A_380, %swap3A_381] {strides = array<i32>} : memref<256x64xf32, #tpu.memory_space<vmem>>, vector<1x16xf32>,
      %swap3A_383 = vector.shape_cast %swap3A_382 : vector<1x16xf32> to vector<16xf32>
      %swap3A_384 = vector.shape_cast %get3A_379 : vector<16xf32> to vector<1x16xf32>
      tpu.vector_store %arg20[%swap3A_380, %swap3A_381], %swap3A_384 {strides = array<i32>} : memref<256x64xf32, #tpu.memory_space<vmem>>, vector<1x16xf32>,
      %get3A_385 = arith.index_cast %squeeze3A_373 : i32 to index
      %get3A_386 = arith.constant 16 : index
      %get3A_387 = tpu.vector_load %arg23[%get3A_385, %get3A_386] {strides = array<i32>} : memref<400x32xf32, #tpu.memory_space<vmem>>, vector<1x16xf32>,
      %get3A_388 = vector.shape_cast %get3A_387 : vector<1x16xf32> to vector<16xf32>
      %swap3A_389 = arith.index_cast %add3A_371 : i32 to index
      %swap3A_390 = arith.constant 16 : index
      %swap3A_391 = tpu.vector_load %arg20[%swap3A_389, %swap3A_390] {strides = array<i32>} : memref<256x64xf32, #tpu.memory_space<vmem>>, vector<1x16xf32>,
      %swap3A_392 = vector.shape_cast %swap3A_391 : vector<1x16xf32> to vector<16xf32>
      %swap3A_393 = vector.shape_cast %get3A_388 : vector<16xf32> to vector<1x16xf32>
      tpu.vector_store %arg20[%swap3A_389, %swap3A_390], %swap3A_393 {strides = array<i32>} : memref<256x64xf32, #tpu.memory_space<vmem>>, vector<1x16xf32>,
      %get3A_394 = arith.index_cast %squeeze3A_375 : i32 to index
      %get3A_395 = arith.constant 0 : index
      %get3A_396 = tpu.vector_load %arg23[%get3A_394, %get3A_395] {strides = array<i32>} : memref<400x32xf32, #tpu.memory_space<vmem>>, vector<1x16xf32>,
      %get3A_397 = vector.shape_cast %get3A_396 : vector<1x16xf32> to vector<16xf32>
      %swap3A_398 = arith.index_cast %add3A_371 : i32 to index
      %swap3A_399 = arith.constant 32 : index
      %swap3A_400 = tpu.vector_load %arg20[%swap3A_398, %swap3A_399] {strides = array<i32>} : memref<256x64xf32, #tpu.memory_space<vmem>>, vector<1x16xf32>,
      %swap3A_401 = vector.shape_cast %swap3A_400 : vector<1x16xf32> to vector<16xf32>
      %swap3A_402 = vector.shape_cast %get3A_397 : vector<16xf32> to vector<1x16xf32>
      tpu.vector_store %arg20[%swap3A_398, %swap3A_399], %swap3A_402 {strides = array<i32>} : memref<256x64xf32, #tpu.memory_space<vmem>>, vector<1x16xf32>,
      %get3A_403 = arith.index_cast %squeeze3A_375 : i32 to index
      %get3A_404 = arith.constant 16 : index
      %get3A_405 = tpu.vector_load %arg23[%get3A_403, %get3A_404] {strides = array<i32>} : memref<400x32xf32, #tpu.memory_space<vmem>>, vector<1x16xf32>,
      %get3A_406 = vector.shape_cast %get3A_405 : vector<1x16xf32> to vector<16xf32>
      %swap3A_407 = arith.index_cast %add3A_371 : i32 to index
      %swap3A_408 = arith.constant 48 : index
      %swap3A_409 = tpu.vector_load %arg20[%swap3A_407, %swap3A_408] {strides = array<i32>} : memref<256x64xf32, #tpu.memory_space<vmem>>, vector<1x16xf32>,
      %swap3A_410 = vector.shape_cast %swap3A_409 : vector<1x16xf32> to vector<16xf32>
      %swap3A_411 = vector.shape_cast %get3A_406 : vector<16xf32> to vector<1x16xf32>
      tpu.vector_store %arg20[%swap3A_407, %swap3A_408], %swap3A_411 {strides = array<i32>} : memref<256x64xf32, #tpu.memory_space<vmem>>, vector<1x16xf32>,
      %mul3A_412 = arith.constant 16 : i32
      %mul3A_413 = arith.muli %scan3A_97, %mul3A_412 : i32
      %add3A_414 = arith.constant 7 : i32
      %add3A_415 = arith.addi %mul3A_413, %add3A_414 : i32
      %slice3A_416 = vector.extract_strided_slice %get3A_101 {offsets = [7], sizes = [1], strides = [1]} : vector<16xi32> to vector<1xi32>
      %squeeze3A_417 = vector.extract %slice3A_416[0] : i32 from vector<1xi32>
      %slice3A_418 = vector.extract_strided_slice %get3A_106 {offsets = [7], sizes = [1], strides = [1]} : vector<16xi32> to vector<1xi32>
      %squeeze3A_419 = vector.extract %slice3A_418[0] : i32 from vector<1xi32>
      %get3A_420 = arith.index_cast %squeeze3A_417 : i32 to index
      %get3A_421 = arith.constant 0 : index
      %get3A_422 = tpu.vector_load %arg23[%get3A_420, %get3A_421] {strides = array<i32>} : memref<400x32xf32, #tpu.memory_space<vmem>>, vector<1x16xf32>,
      %get3A_423 = vector.shape_cast %get3A_422 : vector<1x16xf32> to vector<16xf32>
      %swap3A_424 = arith.index_cast %add3A_415 : i32 to index
      %swap3A_425 = arith.constant 0 : index
      %swap3A_426 = tpu.vector_load %arg20[%swap3A_424, %swap3A_425] {strides = array<i32>} : memref<256x64xf32, #tpu.memory_space<vmem>>, vector<1x16xf32>,
      %swap3A_427 = vector.shape_cast %swap3A_426 : vector<1x16xf32> to vector<16xf32>
      %swap3A_428 = vector.shape_cast %get3A_423 : vector<16xf32> to vector<1x16xf32>
      tpu.vector_store %arg20[%swap3A_424, %swap3A_425], %swap3A_428 {strides = array<i32>} : memref<256x64xf32, #tpu.memory_space<vmem>>, vector<1x16xf32>,
      %get3A_429 = arith.index_cast %squeeze3A_417 : i32 to index
      %get3A_430 = arith.constant 16 : index
      %get3A_431 = tpu.vector_load %arg23[%get3A_429, %get3A_430] {strides = array<i32>} : memref<400x32xf32, #tpu.memory_space<vmem>>, vector<1x16xf32>,
      %get3A_432 = vector.shape_cast %get3A_431 : vector<1x16xf32> to vector<16xf32>
      %swap3A_433 = arith.index_cast %add3A_415 : i32 to index
      %swap3A_434 = arith.constant 16 : index
      %swap3A_435 = tpu.vector_load %arg20[%swap3A_433, %swap3A_434] {strides = array<i32>} : memref<256x64xf32, #tpu.memory_space<vmem>>, vector<1x16xf32>,
      %swap3A_436 = vector.shape_cast %swap3A_435 : vector<1x16xf32> to vector<16xf32>
      %swap3A_437 = vector.shape_cast %get3A_432 : vector<16xf32> to vector<1x16xf32>
      tpu.vector_store %arg20[%swap3A_433, %swap3A_434], %swap3A_437 {strides = array<i32>} : memref<256x64xf32, #tpu.memory_space<vmem>>, vector<1x16xf32>,
      %get3A_438 = arith.index_cast %squeeze3A_419 : i32 to index
      %get3A_439 = arith.constant 0 : index
      %get3A_440 = tpu.vector_load %arg23[%get3A_438, %get3A_439] {strides = array<i32>} : memref<400x32xf32, #tpu.memory_space<vmem>>, vector<1x16xf32>,
      %get3A_441 = vector.shape_cast %get3A_440 : vector<1x16xf32> to vector<16xf32>
      %swap3A_442 = arith.index_cast %add3A_415 : i32 to index
      %swap3A_443 = arith.constant 32 : index
      %swap3A_444 = tpu.vector_load %arg20[%swap3A_442, %swap3A_443] {strides = array<i32>} : memref<256x64xf32, #tpu.memory_space<vmem>>, vector<1x16xf32>,
      %swap3A_445 = vector.shape_cast %swap3A_444 : vector<1x16xf32> to vector<16xf32>
      %swap3A_446 = vector.shape_cast %get3A_441 : vector<16xf32> to vector<1x16xf32>
      tpu.vector_store %arg20[%swap3A_442, %swap3A_443], %swap3A_446 {strides = array<i32>} : memref<256x64xf32, #tpu.memory_space<vmem>>, vector<1x16xf32>,
      %get3A_447 = arith.index_cast %squeeze3A_419 : i32 to index
      %get3A_448 = arith.constant 16 : index
      %get3A_449 = tpu.vector_load %arg23[%get3A_447, %get3A_448] {strides = array<i32>} : memref<400x32xf32, #tpu.memory_space<vmem>>, vector<1x16xf32>,
      %get3A_450 = vector.shape_cast %get3A_449 : vector<1x16xf32> to vector<16xf32>
      %swap3A_451 = arith.index_cast %add3A_415 : i32 to index
      %swap3A_452 = arith.constant 48 : index
      %swap3A_453 = tpu.vector_load %arg20[%swap3A_451, %swap3A_452] {strides = array<i32>} : memref<256x64xf32, #tpu.memory_space<vmem>>, vector<1x16xf32>,
      %swap3A_454 = vector.shape_cast %swap3A_453 : vector<1x16xf32> to vector<16xf32>
      %swap3A_455 = vector.shape_cast %get3A_450 : vector<16xf32> to vector<1x16xf32>
      tpu.vector_store %arg20[%swap3A_451, %swap3A_452], %swap3A_455 {strides = array<i32>} : memref<256x64xf32, #tpu.memory_space<vmem>>, vector<1x16xf32>,
      %mul3A_456 = arith.constant 16 : i32
      %mul3A_457 = arith.muli %scan3A_97, %mul3A_456 : i32
      %add3A_458 = arith.constant 8 : i32
      %add3A_459 = arith.addi %mul3A_457, %add3A_458 : i32
      %slice3A_460 = vector.extract_strided_slice %get3A_101 {offsets = [8], sizes = [1], strides = [1]} : vector<16xi32> to vector<1xi32>
      %squeeze3A_461 = vector.extract %slice3A_460[0] : i32 from vector<1xi32>
      %slice3A_462 = vector.extract_strided_slice %get3A_106 {offsets = [8], sizes = [1], strides = [1]} : vector<16xi32> to vector<1xi32>
      %squeeze3A_463 = vector.extract %slice3A_462[0] : i32 from vector<1xi32>
      %get3A_464 = arith.index_cast %squeeze3A_461 : i32 to index
      %get3A_465 = arith.constant 0 : index
      %get3A_466 = tpu.vector_load %arg23[%get3A_464, %get3A_465] {strides = array<i32>} : memref<400x32xf32, #tpu.memory_space<vmem>>, vector<1x16xf32>,
      %get3A_467 = vector.shape_cast %get3A_466 : vector<1x16xf32> to vector<16xf32>
      %swap3A_468 = arith.index_cast %add3A_459 : i32 to index
      %swap3A_469 = arith.constant 0 : index
      %swap3A_470 = tpu.vector_load %arg20[%swap3A_468, %swap3A_469] {strides = array<i32>} : memref<256x64xf32, #tpu.memory_space<vmem>>, vector<1x16xf32>,
      %swap3A_471 = vector.shape_cast %swap3A_470 : vector<1x16xf32> to vector<16xf32>
      %swap3A_472 = vector.shape_cast %get3A_467 : vector<16xf32> to vector<1x16xf32>
      tpu.vector_store %arg20[%swap3A_468, %swap3A_469], %swap3A_472 {strides = array<i32>} : memref<256x64xf32, #tpu.memory_space<vmem>>, vector<1x16xf32>,
      %get3A_473 = arith.index_cast %squeeze3A_461 : i32 to index
      %get3A_474 = arith.constant 16 : index
      %get3A_475 = tpu.vector_load %arg23[%get3A_473, %get3A_474] {strides = array<i32>} : memref<400x32xf32, #tpu.memory_space<vmem>>, vector<1x16xf32>,
      %get3A_476 = vector.shape_cast %get3A_475 : vector<1x16xf32> to vector<16xf32>
      %swap3A_477 = arith.index_cast %add3A_459 : i32 to index
      %swap3A_478 = arith.constant 16 : index
      %swap3A_479 = tpu.vector_load %arg20[%swap3A_477, %swap3A_478] {strides = array<i32>} : memref<256x64xf32, #tpu.memory_space<vmem>>, vector<1x16xf32>,
      %swap3A_480 = vector.shape_cast %swap3A_479 : vector<1x16xf32> to vector<16xf32>
      %swap3A_481 = vector.shape_cast %get3A_476 : vector<16xf32> to vector<1x16xf32>
      tpu.vector_store %arg20[%swap3A_477, %swap3A_478], %swap3A_481 {strides = array<i32>} : memref<256x64xf32, #tpu.memory_space<vmem>>, vector<1x16xf32>,
      %get3A_482 = arith.index_cast %squeeze3A_463 : i32 to index
      %get3A_483 = arith.constant 0 : index
      %get3A_484 = tpu.vector_load %arg23[%get3A_482, %get3A_483] {strides = array<i32>} : memref<400x32xf32, #tpu.memory_space<vmem>>, vector<1x16xf32>,
      %get3A_485 = vector.shape_cast %get3A_484 : vector<1x16xf32> to vector<16xf32>
      %swap3A_486 = arith.index_cast %add3A_459 : i32 to index
      %swap3A_487 = arith.constant 32 : index
      %swap3A_488 = tpu.vector_load %arg20[%swap3A_486, %swap3A_487] {strides = array<i32>} : memref<256x64xf32, #tpu.memory_space<vmem>>, vector<1x16xf32>,
      %swap3A_489 = vector.shape_cast %swap3A_488 : vector<1x16xf32> to vector<16xf32>
      %swap3A_490 = vector.shape_cast %get3A_485 : vector<16xf32> to vector<1x16xf32>
      tpu.vector_store %arg20[%swap3A_486, %swap3A_487], %swap3A_490 {strides = array<i32>} : memref<256x64xf32, #tpu.memory_space<vmem>>, vector<1x16xf32>,
      %get3A_491 = arith.index_cast %squeeze3A_463 : i32 to index
      %get3A_492 = arith.constant 16 : index
      %get3A_493 = tpu.vector_load %arg23[%get3A_491, %get3A_492] {strides = array<i32>} : memref<400x32xf32, #tpu.memory_space<vmem>>, vector<1x16xf32>,
      %get3A_494 = vector.shape_cast %get3A_493 : vector<1x16xf32> to vector<16xf32>
      %swap3A_495 = arith.index_cast %add3A_459 : i32 to index
      %swap3A_496 = arith.constant 48 : index
      %swap3A_497 = tpu.vector_load %arg20[%swap3A_495, %swap3A_496] {strides = array<i32>} : memref<256x64xf32, #tpu.memory_space<vmem>>, vector<1x16xf32>,
      %swap3A_498 = vector.shape_cast %swap3A_497 : vector<1x16xf32> to vector<16xf32>
      %swap3A_499 = vector.shape_cast %get3A_494 : vector<16xf32> to vector<1x16xf32>
      tpu.vector_store %arg20[%swap3A_495, %swap3A_496], %swap3A_499 {strides = array<i32>} : memref<256x64xf32, #tpu.memory_space<vmem>>, vector<1x16xf32>,
      %mul3A_500 = arith.constant 16 : i32
      %mul3A_501 = arith.muli %scan3A_97, %mul3A_500 : i32
      %add3A_502 = arith.constant 9 : i32
      %add3A_503 = arith.addi %mul3A_501, %add3A_502 : i32
      %slice3A_504 = vector.extract_strided_slice %get3A_101 {offsets = [9], sizes = [1], strides = [1]} : vector<16xi32> to vector<1xi32>
      %squeeze3A_505 = vector.extract %slice3A_504[0] : i32 from vector<1xi32>
      %slice3A_506 = vector.extract_strided_slice %get3A_106 {offsets = [9], sizes = [1], strides = [1]} : vector<16xi32> to vector<1xi32>
      %squeeze3A_507 = vector.extract %slice3A_506[0] : i32 from vector<1xi32>
      %get3A_508 = arith.index_cast %squeeze3A_505 : i32 to index
      %get3A_509 = arith.constant 0 : index
      %get3A_510 = tpu.vector_load %arg23[%get3A_508, %get3A_509] {strides = array<i32>} : memref<400x32xf32, #tpu.memory_space<vmem>>, vector<1x16xf32>,
      %get3A_511 = vector.shape_cast %get3A_510 : vector<1x16xf32> to vector<16xf32>
      %swap3A_512 = arith.index_cast %add3A_503 : i32 to index
      %swap3A_513 = arith.constant 0 : index
      %swap3A_514 = tpu.vector_load %arg20[%swap3A_512, %swap3A_513] {strides = array<i32>} : memref<256x64xf32, #tpu.memory_space<vmem>>, vector<1x16xf32>,
      %swap3A_515 = vector.shape_cast %swap3A_514 : vector<1x16xf32> to vector<16xf32>
      %swap3A_516 = vector.shape_cast %get3A_511 : vector<16xf32> to vector<1x16xf32>
      tpu.vector_store %arg20[%swap3A_512, %swap3A_513], %swap3A_516 {strides = array<i32>} : memref<256x64xf32, #tpu.memory_space<vmem>>, vector<1x16xf32>,
      %get3A_517 = arith.index_cast %squeeze3A_505 : i32 to index
      %get3A_518 = arith.constant 16 : index
      %get3A_519 = tpu.vector_load %arg23[%get3A_517, %get3A_518] {strides = array<i32>} : memref<400x32xf32, #tpu.memory_space<vmem>>, vector<1x16xf32>,
      %get3A_520 = vector.shape_cast %get3A_519 : vector<1x16xf32> to vector<16xf32>
      %swap3A_521 = arith.index_cast %add3A_503 : i32 to index
      %swap3A_522 = arith.constant 16 : index
      %swap3A_523 = tpu.vector_load %arg20[%swap3A_521, %swap3A_522] {strides = array<i32>} : memref<256x64xf32, #tpu.memory_space<vmem>>, vector<1x16xf32>,
      %swap3A_524 = vector.shape_cast %swap3A_523 : vector<1x16xf32> to vector<16xf32>
      %swap3A_525 = vector.shape_cast %get3A_520 : vector<16xf32> to vector<1x16xf32>
      tpu.vector_store %arg20[%swap3A_521, %swap3A_522], %swap3A_525 {strides = array<i32>} : memref<256x64xf32, #tpu.memory_space<vmem>>, vector<1x16xf32>,
      %get3A_526 = arith.index_cast %squeeze3A_507 : i32 to index
      %get3A_527 = arith.constant 0 : index
      %get3A_528 = tpu.vector_load %arg23[%get3A_526, %get3A_527] {strides = array<i32>} : memref<400x32xf32, #tpu.memory_space<vmem>>, vector<1x16xf32>,
      %get3A_529 = vector.shape_cast %get3A_528 : vector<1x16xf32> to vector<16xf32>
      %swap3A_530 = arith.index_cast %add3A_503 : i32 to index
      %swap3A_531 = arith.constant 32 : index
      %swap3A_532 = tpu.vector_load %arg20[%swap3A_530, %swap3A_531] {strides = array<i32>} : memref<256x64xf32, #tpu.memory_space<vmem>>, vector<1x16xf32>,
      %swap3A_533 = vector.shape_cast %swap3A_532 : vector<1x16xf32> to vector<16xf32>
      %swap3A_534 = vector.shape_cast %get3A_529 : vector<16xf32> to vector<1x16xf32>
      tpu.vector_store %arg20[%swap3A_530, %swap3A_531], %swap3A_534 {strides = array<i32>} : memref<256x64xf32, #tpu.memory_space<vmem>>, vector<1x16xf32>,
      %get3A_535 = arith.index_cast %squeeze3A_507 : i32 to index
      %get3A_536 = arith.constant 16 : index
      %get3A_537 = tpu.vector_load %arg23[%get3A_535, %get3A_536] {strides = array<i32>} : memref<400x32xf32, #tpu.memory_space<vmem>>, vector<1x16xf32>,
      %get3A_538 = vector.shape_cast %get3A_537 : vector<1x16xf32> to vector<16xf32>
      %swap3A_539 = arith.index_cast %add3A_503 : i32 to index
      %swap3A_540 = arith.constant 48 : index
      %swap3A_541 = tpu.vector_load %arg20[%swap3A_539, %swap3A_540] {strides = array<i32>} : memref<256x64xf32, #tpu.memory_space<vmem>>, vector<1x16xf32>,
      %swap3A_542 = vector.shape_cast %swap3A_541 : vector<1x16xf32> to vector<16xf32>
      %swap3A_543 = vector.shape_cast %get3A_538 : vector<16xf32> to vector<1x16xf32>
      tpu.vector_store %arg20[%swap3A_539, %swap3A_540], %swap3A_543 {strides = array<i32>} : memref<256x64xf32, #tpu.memory_space<vmem>>, vector<1x16xf32>,
      %mul3A_544 = arith.constant 16 : i32
      %mul3A_545 = arith.muli %scan3A_97, %mul3A_544 : i32
      %add3A_546 = arith.constant 10 : i32
      %add3A_547 = arith.addi %mul3A_545, %add3A_546 : i32
      %slice3A_548 = vector.extract_strided_slice %get3A_101 {offsets = [10], sizes = [1], strides = [1]} : vector<16xi32> to vector<1xi32>
      %squeeze3A_549 = vector.extract %slice3A_548[0] : i32 from vector<1xi32>
      %slice3A_550 = vector.extract_strided_slice %get3A_106 {offsets = [10], sizes = [1], strides = [1]} : vector<16xi32> to vector<1xi32>
      %squeeze3A_551 = vector.extract %slice3A_550[0] : i32 from vector<1xi32>
      %get3A_552 = arith.index_cast %squeeze3A_549 : i32 to index
      %get3A_553 = arith.constant 0 : index
      %get3A_554 = tpu.vector_load %arg23[%get3A_552, %get3A_553] {strides = array<i32>} : memref<400x32xf32, #tpu.memory_space<vmem>>, vector<1x16xf32>,
      %get3A_555 = vector.shape_cast %get3A_554 : vector<1x16xf32> to vector<16xf32>
      %swap3A_556 = arith.index_cast %add3A_547 : i32 to index
      %swap3A_557 = arith.constant 0 : index
      %swap3A_558 = tpu.vector_load %arg20[%swap3A_556, %swap3A_557] {strides = array<i32>} : memref<256x64xf32, #tpu.memory_space<vmem>>, vector<1x16xf32>,
      %swap3A_559 = vector.shape_cast %swap3A_558 : vector<1x16xf32> to vector<16xf32>
      %swap3A_560 = vector.shape_cast %get3A_555 : vector<16xf32> to vector<1x16xf32>
      tpu.vector_store %arg20[%swap3A_556, %swap3A_557], %swap3A_560 {strides = array<i32>} : memref<256x64xf32, #tpu.memory_space<vmem>>, vector<1x16xf32>,
      %get3A_561 = arith.index_cast %squeeze3A_549 : i32 to index
      %get3A_562 = arith.constant 16 : index
      %get3A_563 = tpu.vector_load %arg23[%get3A_561, %get3A_562] {strides = array<i32>} : memref<400x32xf32, #tpu.memory_space<vmem>>, vector<1x16xf32>,
      %get3A_564 = vector.shape_cast %get3A_563 : vector<1x16xf32> to vector<16xf32>
      %swap3A_565 = arith.index_cast %add3A_547 : i32 to index
      %swap3A_566 = arith.constant 16 : index
      %swap3A_567 = tpu.vector_load %arg20[%swap3A_565, %swap3A_566] {strides = array<i32>} : memref<256x64xf32, #tpu.memory_space<vmem>>, vector<1x16xf32>,
      %swap3A_568 = vector.shape_cast %swap3A_567 : vector<1x16xf32> to vector<16xf32>
      %swap3A_569 = vector.shape_cast %get3A_564 : vector<16xf32> to vector<1x16xf32>
      tpu.vector_store %arg20[%swap3A_565, %swap3A_566], %swap3A_569 {strides = array<i32>} : memref<256x64xf32, #tpu.memory_space<vmem>>, vector<1x16xf32>,
      %get3A_570 = arith.index_cast %squeeze3A_551 : i32 to index
      %get3A_571 = arith.constant 0 : index
      %get3A_572 = tpu.vector_load %arg23[%get3A_570, %get3A_571] {strides = array<i32>} : memref<400x32xf32, #tpu.memory_space<vmem>>, vector<1x16xf32>,
      %get3A_573 = vector.shape_cast %get3A_572 : vector<1x16xf32> to vector<16xf32>
      %swap3A_574 = arith.index_cast %add3A_547 : i32 to index
      %swap3A_575 = arith.constant 32 : index
      %swap3A_576 = tpu.vector_load %arg20[%swap3A_574, %swap3A_575] {strides = array<i32>} : memref<256x64xf32, #tpu.memory_space<vmem>>, vector<1x16xf32>,
      %swap3A_577 = vector.shape_cast %swap3A_576 : vector<1x16xf32> to vector<16xf32>
      %swap3A_578 = vector.shape_cast %get3A_573 : vector<16xf32> to vector<1x16xf32>
      tpu.vector_store %arg20[%swap3A_574, %swap3A_575], %swap3A_578 {strides = array<i32>} : memref<256x64xf32, #tpu.memory_space<vmem>>, vector<1x16xf32>,
      %get3A_579 = arith.index_cast %squeeze3A_551 : i32 to index
      %get3A_580 = arith.constant 16 : index
      %get3A_581 = tpu.vector_load %arg23[%get3A_579, %get3A_580] {strides = array<i32>} : memref<400x32xf32, #tpu.memory_space<vmem>>, vector<1x16xf32>,
      %get3A_582 = vector.shape_cast %get3A_581 : vector<1x16xf32> to vector<16xf32>
      %swap3A_583 = arith.index_cast %add3A_547 : i32 to index
      %swap3A_584 = arith.constant 48 : index
      %swap3A_585 = tpu.vector_load %arg20[%swap3A_583, %swap3A_584] {strides = array<i32>} : memref<256x64xf32, #tpu.memory_space<vmem>>, vector<1x16xf32>,
      %swap3A_586 = vector.shape_cast %swap3A_585 : vector<1x16xf32> to vector<16xf32>
      %swap3A_587 = vector.shape_cast %get3A_582 : vector<16xf32> to vector<1x16xf32>
      tpu.vector_store %arg20[%swap3A_583, %swap3A_584], %swap3A_587 {strides = array<i32>} : memref<256x64xf32, #tpu.memory_space<vmem>>, vector<1x16xf32>,
      %mul3A_588 = arith.constant 16 : i32
      %mul3A_589 = arith.muli %scan3A_97, %mul3A_588 : i32
      %add3A_590 = arith.constant 11 : i32
      %add3A_591 = arith.addi %mul3A_589, %add3A_590 : i32
      %slice3A_592 = vector.extract_strided_slice %get3A_101 {offsets = [11], sizes = [1], strides = [1]} : vector<16xi32> to vector<1xi32>
      %squeeze3A_593 = vector.extract %slice3A_592[0] : i32 from vector<1xi32>
      %slice3A_594 = vector.extract_strided_slice %get3A_106 {offsets = [11], sizes = [1], strides = [1]} : vector<16xi32> to vector<1xi32>
      %squeeze3A_595 = vector.extract %slice3A_594[0] : i32 from vector<1xi32>
      %get3A_596 = arith.index_cast %squeeze3A_593 : i32 to index
      %get3A_597 = arith.constant 0 : index
      %get3A_598 = tpu.vector_load %arg23[%get3A_596, %get3A_597] {strides = array<i32>} : memref<400x32xf32, #tpu.memory_space<vmem>>, vector<1x16xf32>,
      %get3A_599 = vector.shape_cast %get3A_598 : vector<1x16xf32> to vector<16xf32>
      %swap3A_600 = arith.index_cast %add3A_591 : i32 to index
      %swap3A_601 = arith.constant 0 : index
      %swap3A_602 = tpu.vector_load %arg20[%swap3A_600, %swap3A_601] {strides = array<i32>} : memref<256x64xf32, #tpu.memory_space<vmem>>, vector<1x16xf32>,
      %swap3A_603 = vector.shape_cast %swap3A_602 : vector<1x16xf32> to vector<16xf32>
      %swap3A_604 = vector.shape_cast %get3A_599 : vector<16xf32> to vector<1x16xf32>
      tpu.vector_store %arg20[%swap3A_600, %swap3A_601], %swap3A_604 {strides = array<i32>} : memref<256x64xf32, #tpu.memory_space<vmem>>, vector<1x16xf32>,
      %get3A_605 = arith.index_cast %squeeze3A_593 : i32 to index
      %get3A_606 = arith.constant 16 : index
      %get3A_607 = tpu.vector_load %arg23[%get3A_605, %get3A_606] {strides = array<i32>} : memref<400x32xf32, #tpu.memory_space<vmem>>, vector<1x16xf32>,
      %get3A_608 = vector.shape_cast %get3A_607 : vector<1x16xf32> to vector<16xf32>
      %swap3A_609 = arith.index_cast %add3A_591 : i32 to index
      %swap3A_610 = arith.constant 16 : index
      %swap3A_611 = tpu.vector_load %arg20[%swap3A_609, %swap3A_610] {strides = array<i32>} : memref<256x64xf32, #tpu.memory_space<vmem>>, vector<1x16xf32>,
      %swap3A_612 = vector.shape_cast %swap3A_611 : vector<1x16xf32> to vector<16xf32>
      %swap3A_613 = vector.shape_cast %get3A_608 : vector<16xf32> to vector<1x16xf32>
      tpu.vector_store %arg20[%swap3A_609, %swap3A_610], %swap3A_613 {strides = array<i32>} : memref<256x64xf32, #tpu.memory_space<vmem>>, vector<1x16xf32>,
      %get3A_614 = arith.index_cast %squeeze3A_595 : i32 to index
      %get3A_615 = arith.constant 0 : index
      %get3A_616 = tpu.vector_load %arg23[%get3A_614, %get3A_615] {strides = array<i32>} : memref<400x32xf32, #tpu.memory_space<vmem>>, vector<1x16xf32>,
      %get3A_617 = vector.shape_cast %get3A_616 : vector<1x16xf32> to vector<16xf32>
      %swap3A_618 = arith.index_cast %add3A_591 : i32 to index
      %swap3A_619 = arith.constant 32 : index
      %swap3A_620 = tpu.vector_load %arg20[%swap3A_618, %swap3A_619] {strides = array<i32>} : memref<256x64xf32, #tpu.memory_space<vmem>>, vector<1x16xf32>,
      %swap3A_621 = vector.shape_cast %swap3A_620 : vector<1x16xf32> to vector<16xf32>
      %swap3A_622 = vector.shape_cast %get3A_617 : vector<16xf32> to vector<1x16xf32>
      tpu.vector_store %arg20[%swap3A_618, %swap3A_619], %swap3A_622 {strides = array<i32>} : memref<256x64xf32, #tpu.memory_space<vmem>>, vector<1x16xf32>,
      %get3A_623 = arith.index_cast %squeeze3A_595 : i32 to index
      %get3A_624 = arith.constant 16 : index
      %get3A_625 = tpu.vector_load %arg23[%get3A_623, %get3A_624] {strides = array<i32>} : memref<400x32xf32, #tpu.memory_space<vmem>>, vector<1x16xf32>,
      %get3A_626 = vector.shape_cast %get3A_625 : vector<1x16xf32> to vector<16xf32>
      %swap3A_627 = arith.index_cast %add3A_591 : i32 to index
      %swap3A_628 = arith.constant 48 : index
      %swap3A_629 = tpu.vector_load %arg20[%swap3A_627, %swap3A_628] {strides = array<i32>} : memref<256x64xf32, #tpu.memory_space<vmem>>, vector<1x16xf32>,
      %swap3A_630 = vector.shape_cast %swap3A_629 : vector<1x16xf32> to vector<16xf32>
      %swap3A_631 = vector.shape_cast %get3A_626 : vector<16xf32> to vector<1x16xf32>
      tpu.vector_store %arg20[%swap3A_627, %swap3A_628], %swap3A_631 {strides = array<i32>} : memref<256x64xf32, #tpu.memory_space<vmem>>, vector<1x16xf32>,
      %mul3A_632 = arith.constant 16 : i32
      %mul3A_633 = arith.muli %scan3A_97, %mul3A_632 : i32
      %add3A_634 = arith.constant 12 : i32
      %add3A_635 = arith.addi %mul3A_633, %add3A_634 : i32
      %slice3A_636 = vector.extract_strided_slice %get3A_101 {offsets = [12], sizes = [1], strides = [1]} : vector<16xi32> to vector<1xi32>
      %squeeze3A_637 = vector.extract %slice3A_636[0] : i32 from vector<1xi32>
      %slice3A_638 = vector.extract_strided_slice %get3A_106 {offsets = [12], sizes = [1], strides = [1]} : vector<16xi32> to vector<1xi32>
      %squeeze3A_639 = vector.extract %slice3A_638[0] : i32 from vector<1xi32>
      %get3A_640 = arith.index_cast %squeeze3A_637 : i32 to index
      %get3A_641 = arith.constant 0 : index
      %get3A_642 = tpu.vector_load %arg23[%get3A_640, %get3A_641] {strides = array<i32>} : memref<400x32xf32, #tpu.memory_space<vmem>>, vector<1x16xf32>,
      %get3A_643 = vector.shape_cast %get3A_642 : vector<1x16xf32> to vector<16xf32>
      %swap3A_644 = arith.index_cast %add3A_635 : i32 to index
      %swap3A_645 = arith.constant 0 : index
      %swap3A_646 = tpu.vector_load %arg20[%swap3A_644, %swap3A_645] {strides = array<i32>} : memref<256x64xf32, #tpu.memory_space<vmem>>, vector<1x16xf32>,
      %swap3A_647 = vector.shape_cast %swap3A_646 : vector<1x16xf32> to vector<16xf32>
      %swap3A_648 = vector.shape_cast %get3A_643 : vector<16xf32> to vector<1x16xf32>
      tpu.vector_store %arg20[%swap3A_644, %swap3A_645], %swap3A_648 {strides = array<i32>} : memref<256x64xf32, #tpu.memory_space<vmem>>, vector<1x16xf32>,
      %get3A_649 = arith.index_cast %squeeze3A_637 : i32 to index
      %get3A_650 = arith.constant 16 : index
      %get3A_651 = tpu.vector_load %arg23[%get3A_649, %get3A_650] {strides = array<i32>} : memref<400x32xf32, #tpu.memory_space<vmem>>, vector<1x16xf32>,
      %get3A_652 = vector.shape_cast %get3A_651 : vector<1x16xf32> to vector<16xf32>
      %swap3A_653 = arith.index_cast %add3A_635 : i32 to index
      %swap3A_654 = arith.constant 16 : index
      %swap3A_655 = tpu.vector_load %arg20[%swap3A_653, %swap3A_654] {strides = array<i32>} : memref<256x64xf32, #tpu.memory_space<vmem>>, vector<1x16xf32>,
      %swap3A_656 = vector.shape_cast %swap3A_655 : vector<1x16xf32> to vector<16xf32>
      %swap3A_657 = vector.shape_cast %get3A_652 : vector<16xf32> to vector<1x16xf32>
      tpu.vector_store %arg20[%swap3A_653, %swap3A_654], %swap3A_657 {strides = array<i32>} : memref<256x64xf32, #tpu.memory_space<vmem>>, vector<1x16xf32>,
      %get3A_658 = arith.index_cast %squeeze3A_639 : i32 to index
      %get3A_659 = arith.constant 0 : index
      %get3A_660 = tpu.vector_load %arg23[%get3A_658, %get3A_659] {strides = array<i32>} : memref<400x32xf32, #tpu.memory_space<vmem>>, vector<1x16xf32>,
      %get3A_661 = vector.shape_cast %get3A_660 : vector<1x16xf32> to vector<16xf32>
      %swap3A_662 = arith.index_cast %add3A_635 : i32 to index
      %swap3A_663 = arith.constant 32 : index
      %swap3A_664 = tpu.vector_load %arg20[%swap3A_662, %swap3A_663] {strides = array<i32>} : memref<256x64xf32, #tpu.memory_space<vmem>>, vector<1x16xf32>,
      %swap3A_665 = vector.shape_cast %swap3A_664 : vector<1x16xf32> to vector<16xf32>
      %swap3A_666 = vector.shape_cast %get3A_661 : vector<16xf32> to vector<1x16xf32>
      tpu.vector_store %arg20[%swap3A_662, %swap3A_663], %swap3A_666 {strides = array<i32>} : memref<256x64xf32, #tpu.memory_space<vmem>>, vector<1x16xf32>,
      %get3A_667 = arith.index_cast %squeeze3A_639 : i32 to index
      %get3A_668 = arith.constant 16 : index
      %get3A_669 = tpu.vector_load %arg23[%get3A_667, %get3A_668] {strides = array<i32>} : memref<400x32xf32, #tpu.memory_space<vmem>>, vector<1x16xf32>,
      %get3A_670 = vector.shape_cast %get3A_669 : vector<1x16xf32> to vector<16xf32>
      %swap3A_671 = arith.index_cast %add3A_635 : i32 to index
      %swap3A_672 = arith.constant 48 : index
      %swap3A_673 = tpu.vector_load %arg20[%swap3A_671, %swap3A_672] {strides = array<i32>} : memref<256x64xf32, #tpu.memory_space<vmem>>, vector<1x16xf32>,
      %swap3A_674 = vector.shape_cast %swap3A_673 : vector<1x16xf32> to vector<16xf32>
      %swap3A_675 = vector.shape_cast %get3A_670 : vector<16xf32> to vector<1x16xf32>
      tpu.vector_store %arg20[%swap3A_671, %swap3A_672], %swap3A_675 {strides = array<i32>} : memref<256x64xf32, #tpu.memory_space<vmem>>, vector<1x16xf32>,
      %mul3A_676 = arith.constant 16 : i32
      %mul3A_677 = arith.muli %scan3A_97, %mul3A_676 : i32
      %add3A_678 = arith.constant 13 : i32
      %add3A_679 = arith.addi %mul3A_677, %add3A_678 : i32
      %slice3A_680 = vector.extract_strided_slice %get3A_101 {offsets = [13], sizes = [1], strides = [1]} : vector<16xi32> to vector<1xi32>
      %squeeze3A_681 = vector.extract %slice3A_680[0] : i32 from vector<1xi32>
      %slice3A_682 = vector.extract_strided_slice %get3A_106 {offsets = [13], sizes = [1], strides = [1]} : vector<16xi32> to vector<1xi32>
      %squeeze3A_683 = vector.extract %slice3A_682[0] : i32 from vector<1xi32>
      %get3A_684 = arith.index_cast %squeeze3A_681 : i32 to index
      %get3A_685 = arith.constant 0 : index
      %get3A_686 = tpu.vector_load %arg23[%get3A_684, %get3A_685] {strides = array<i32>} : memref<400x32xf32, #tpu.memory_space<vmem>>, vector<1x16xf32>,
      %get3A_687 = vector.shape_cast %get3A_686 : vector<1x16xf32> to vector<16xf32>
      %swap3A_688 = arith.index_cast %add3A_679 : i32 to index
      %swap3A_689 = arith.constant 0 : index
      %swap3A_690 = tpu.vector_load %arg20[%swap3A_688, %swap3A_689] {strides = array<i32>} : memref<256x64xf32, #tpu.memory_space<vmem>>, vector<1x16xf32>,
      %swap3A_691 = vector.shape_cast %swap3A_690 : vector<1x16xf32> to vector<16xf32>
      %swap3A_692 = vector.shape_cast %get3A_687 : vector<16xf32> to vector<1x16xf32>
      tpu.vector_store %arg20[%swap3A_688, %swap3A_689], %swap3A_692 {strides = array<i32>} : memref<256x64xf32, #tpu.memory_space<vmem>>, vector<1x16xf32>,
      %get3A_693 = arith.index_cast %squeeze3A_681 : i32 to index
      %get3A_694 = arith.constant 16 : index
      %get3A_695 = tpu.vector_load %arg23[%get3A_693, %get3A_694] {strides = array<i32>} : memref<400x32xf32, #tpu.memory_space<vmem>>, vector<1x16xf32>,
      %get3A_696 = vector.shape_cast %get3A_695 : vector<1x16xf32> to vector<16xf32>
      %swap3A_697 = arith.index_cast %add3A_679 : i32 to index
      %swap3A_698 = arith.constant 16 : index
      %swap3A_699 = tpu.vector_load %arg20[%swap3A_697, %swap3A_698] {strides = array<i32>} : memref<256x64xf32, #tpu.memory_space<vmem>>, vector<1x16xf32>,
      %swap3A_700 = vector.shape_cast %swap3A_699 : vector<1x16xf32> to vector<16xf32>
      %swap3A_701 = vector.shape_cast %get3A_696 : vector<16xf32> to vector<1x16xf32>
      tpu.vector_store %arg20[%swap3A_697, %swap3A_698], %swap3A_701 {strides = array<i32>} : memref<256x64xf32, #tpu.memory_space<vmem>>, vector<1x16xf32>,
      %get3A_702 = arith.index_cast %squeeze3A_683 : i32 to index
      %get3A_703 = arith.constant 0 : index
      %get3A_704 = tpu.vector_load %arg23[%get3A_702, %get3A_703] {strides = array<i32>} : memref<400x32xf32, #tpu.memory_space<vmem>>, vector<1x16xf32>,
      %get3A_705 = vector.shape_cast %get3A_704 : vector<1x16xf32> to vector<16xf32>
      %swap3A_706 = arith.index_cast %add3A_679 : i32 to index
      %swap3A_707 = arith.constant 32 : index
      %swap3A_708 = tpu.vector_load %arg20[%swap3A_706, %swap3A_707] {strides = array<i32>} : memref<256x64xf32, #tpu.memory_space<vmem>>, vector<1x16xf32>,
      %swap3A_709 = vector.shape_cast %swap3A_708 : vector<1x16xf32> to vector<16xf32>
      %swap3A_710 = vector.shape_cast %get3A_705 : vector<16xf32> to vector<1x16xf32>
      tpu.vector_store %arg20[%swap3A_706, %swap3A_707], %swap3A_710 {strides = array<i32>} : memref<256x64xf32, #tpu.memory_space<vmem>>, vector<1x16xf32>,
      %get3A_711 = arith.index_cast %squeeze3A_683 : i32 to index
      %get3A_712 = arith.constant 16 : index
      %get3A_713 = tpu.vector_load %arg23[%get3A_711, %get3A_712] {strides = array<i32>} : memref<400x32xf32, #tpu.memory_space<vmem>>, vector<1x16xf32>,
      %get3A_714 = vector.shape_cast %get3A_713 : vector<1x16xf32> to vector<16xf32>
      %swap3A_715 = arith.index_cast %add3A_679 : i32 to index
      %swap3A_716 = arith.constant 48 : index
      %swap3A_717 = tpu.vector_load %arg20[%swap3A_715, %swap3A_716] {strides = array<i32>} : memref<256x64xf32, #tpu.memory_space<vmem>>, vector<1x16xf32>,
      %swap3A_718 = vector.shape_cast %swap3A_717 : vector<1x16xf32> to vector<16xf32>
      %swap3A_719 = vector.shape_cast %get3A_714 : vector<16xf32> to vector<1x16xf32>
      tpu.vector_store %arg20[%swap3A_715, %swap3A_716], %swap3A_719 {strides = array<i32>} : memref<256x64xf32, #tpu.memory_space<vmem>>, vector<1x16xf32>,
      %mul3A_720 = arith.constant 16 : i32
      %mul3A_721 = arith.muli %scan3A_97, %mul3A_720 : i32
      %add3A_722 = arith.constant 14 : i32
      %add3A_723 = arith.addi %mul3A_721, %add3A_722 : i32
      %slice3A_724 = vector.extract_strided_slice %get3A_101 {offsets = [14], sizes = [1], strides = [1]} : vector<16xi32> to vector<1xi32>
      %squeeze3A_725 = vector.extract %slice3A_724[0] : i32 from vector<1xi32>
      %slice3A_726 = vector.extract_strided_slice %get3A_106 {offsets = [14], sizes = [1], strides = [1]} : vector<16xi32> to vector<1xi32>
      %squeeze3A_727 = vector.extract %slice3A_726[0] : i32 from vector<1xi32>
      %get3A_728 = arith.index_cast %squeeze3A_725 : i32 to index
      %get3A_729 = arith.constant 0 : index
      %get3A_730 = tpu.vector_load %arg23[%get3A_728, %get3A_729] {strides = array<i32>} : memref<400x32xf32, #tpu.memory_space<vmem>>, vector<1x16xf32>,
      %get3A_731 = vector.shape_cast %get3A_730 : vector<1x16xf32> to vector<16xf32>
      %swap3A_732 = arith.index_cast %add3A_723 : i32 to index
      %swap3A_733 = arith.constant 0 : index
      %swap3A_734 = tpu.vector_load %arg20[%swap3A_732, %swap3A_733] {strides = array<i32>} : memref<256x64xf32, #tpu.memory_space<vmem>>, vector<1x16xf32>,
      %swap3A_735 = vector.shape_cast %swap3A_734 : vector<1x16xf32> to vector<16xf32>
      %swap3A_736 = vector.shape_cast %get3A_731 : vector<16xf32> to vector<1x16xf32>
      tpu.vector_store %arg20[%swap3A_732, %swap3A_733], %swap3A_736 {strides = array<i32>} : memref<256x64xf32, #tpu.memory_space<vmem>>, vector<1x16xf32>,
      %get3A_737 = arith.index_cast %squeeze3A_725 : i32 to index
      %get3A_738 = arith.constant 16 : index
      %get3A_739 = tpu.vector_load %arg23[%get3A_737, %get3A_738] {strides = array<i32>} : memref<400x32xf32, #tpu.memory_space<vmem>>, vector<1x16xf32>,
      %get3A_740 = vector.shape_cast %get3A_739 : vector<1x16xf32> to vector<16xf32>
      %swap3A_741 = arith.index_cast %add3A_723 : i32 to index
      %swap3A_742 = arith.constant 16 : index
      %swap3A_743 = tpu.vector_load %arg20[%swap3A_741, %swap3A_742] {strides = array<i32>} : memref<256x64xf32, #tpu.memory_space<vmem>>, vector<1x16xf32>,
      %swap3A_744 = vector.shape_cast %swap3A_743 : vector<1x16xf32> to vector<16xf32>
      %swap3A_745 = vector.shape_cast %get3A_740 : vector<16xf32> to vector<1x16xf32>
      tpu.vector_store %arg20[%swap3A_741, %swap3A_742], %swap3A_745 {strides = array<i32>} : memref<256x64xf32, #tpu.memory_space<vmem>>, vector<1x16xf32>,
      %get3A_746 = arith.index_cast %squeeze3A_727 : i32 to index
      %get3A_747 = arith.constant 0 : index
      %get3A_748 = tpu.vector_load %arg23[%get3A_746, %get3A_747] {strides = array<i32>} : memref<400x32xf32, #tpu.memory_space<vmem>>, vector<1x16xf32>,
      %get3A_749 = vector.shape_cast %get3A_748 : vector<1x16xf32> to vector<16xf32>
      %swap3A_750 = arith.index_cast %add3A_723 : i32 to index
      %swap3A_751 = arith.constant 32 : index
      %swap3A_752 = tpu.vector_load %arg20[%swap3A_750, %swap3A_751] {strides = array<i32>} : memref<256x64xf32, #tpu.memory_space<vmem>>, vector<1x16xf32>,
      %swap3A_753 = vector.shape_cast %swap3A_752 : vector<1x16xf32> to vector<16xf32>
      %swap3A_754 = vector.shape_cast %get3A_749 : vector<16xf32> to vector<1x16xf32>
      tpu.vector_store %arg20[%swap3A_750, %swap3A_751], %swap3A_754 {strides = array<i32>} : memref<256x64xf32, #tpu.memory_space<vmem>>, vector<1x16xf32>,
      %get3A_755 = arith.index_cast %squeeze3A_727 : i32 to index
      %get3A_756 = arith.constant 16 : index
      %get3A_757 = tpu.vector_load %arg23[%get3A_755, %get3A_756] {strides = array<i32>} : memref<400x32xf32, #tpu.memory_space<vmem>>, vector<1x16xf32>,
      %get3A_758 = vector.shape_cast %get3A_757 : vector<1x16xf32> to vector<16xf32>
      %swap3A_759 = arith.index_cast %add3A_723 : i32 to index
      %swap3A_760 = arith.constant 48 : index
      %swap3A_761 = tpu.vector_load %arg20[%swap3A_759, %swap3A_760] {strides = array<i32>} : memref<256x64xf32, #tpu.memory_space<vmem>>, vector<1x16xf32>,
      %swap3A_762 = vector.shape_cast %swap3A_761 : vector<1x16xf32> to vector<16xf32>
      %swap3A_763 = vector.shape_cast %get3A_758 : vector<16xf32> to vector<1x16xf32>
      tpu.vector_store %arg20[%swap3A_759, %swap3A_760], %swap3A_763 {strides = array<i32>} : memref<256x64xf32, #tpu.memory_space<vmem>>, vector<1x16xf32>,
      %mul3A_764 = arith.constant 16 : i32
      %mul3A_765 = arith.muli %scan3A_97, %mul3A_764 : i32
      %add3A_766 = arith.constant 15 : i32
      %add3A_767 = arith.addi %mul3A_765, %add3A_766 : i32
      %slice3A_768 = vector.extract_strided_slice %get3A_101 {offsets = [15], sizes = [1], strides = [1]} : vector<16xi32> to vector<1xi32>
      %squeeze3A_769 = vector.extract %slice3A_768[0] : i32 from vector<1xi32>
      %slice3A_770 = vector.extract_strided_slice %get3A_106 {offsets = [15], sizes = [1], strides = [1]} : vector<16xi32> to vector<1xi32>
      %squeeze3A_771 = vector.extract %slice3A_770[0] : i32 from vector<1xi32>
      %get3A_772 = arith.index_cast %squeeze3A_769 : i32 to index
      %get3A_773 = arith.constant 0 : index
      %get3A_774 = tpu.vector_load %arg23[%get3A_772, %get3A_773] {strides = array<i32>} : memref<400x32xf32, #tpu.memory_space<vmem>>, vector<1x16xf32>,
      %get3A_775 = vector.shape_cast %get3A_774 : vector<1x16xf32> to vector<16xf32>
      %swap3A_776 = arith.index_cast %add3A_767 : i32 to index
      %swap3A_777 = arith.constant 0 : index
      %swap3A_778 = tpu.vector_load %arg20[%swap3A_776, %swap3A_777] {strides = array<i32>} : memref<256x64xf32, #tpu.memory_space<vmem>>, vector<1x16xf32>,
      %swap3A_779 = vector.shape_cast %swap3A_778 : vector<1x16xf32> to vector<16xf32>
      %swap3A_780 = vector.shape_cast %get3A_775 : vector<16xf32> to vector<1x16xf32>
      tpu.vector_store %arg20[%swap3A_776, %swap3A_777], %swap3A_780 {strides = array<i32>} : memref<256x64xf32, #tpu.memory_space<vmem>>, vector<1x16xf32>,
      %get3A_781 = arith.index_cast %squeeze3A_769 : i32 to index
      %get3A_782 = arith.constant 16 : index
      %get3A_783 = tpu.vector_load %arg23[%get3A_781, %get3A_782] {strides = array<i32>} : memref<400x32xf32, #tpu.memory_space<vmem>>, vector<1x16xf32>,
      %get3A_784 = vector.shape_cast %get3A_783 : vector<1x16xf32> to vector<16xf32>
      %swap3A_785 = arith.index_cast %add3A_767 : i32 to index
      %swap3A_786 = arith.constant 16 : index
      %swap3A_787 = tpu.vector_load %arg20[%swap3A_785, %swap3A_786] {strides = array<i32>} : memref<256x64xf32, #tpu.memory_space<vmem>>, vector<1x16xf32>,
      %swap3A_788 = vector.shape_cast %swap3A_787 : vector<1x16xf32> to vector<16xf32>
      %swap3A_789 = vector.shape_cast %get3A_784 : vector<16xf32> to vector<1x16xf32>
      tpu.vector_store %arg20[%swap3A_785, %swap3A_786], %swap3A_789 {strides = array<i32>} : memref<256x64xf32, #tpu.memory_space<vmem>>, vector<1x16xf32>,
      %get3A_790 = arith.index_cast %squeeze3A_771 : i32 to index
      %get3A_791 = arith.constant 0 : index
      %get3A_792 = tpu.vector_load %arg23[%get3A_790, %get3A_791] {strides = array<i32>} : memref<400x32xf32, #tpu.memory_space<vmem>>, vector<1x16xf32>,
      %get3A_793 = vector.shape_cast %get3A_792 : vector<1x16xf32> to vector<16xf32>
      %swap3A_794 = arith.index_cast %add3A_767 : i32 to index
      %swap3A_795 = arith.constant 32 : index
      %swap3A_796 = tpu.vector_load %arg20[%swap3A_794, %swap3A_795] {strides = array<i32>} : memref<256x64xf32, #tpu.memory_space<vmem>>, vector<1x16xf32>,
      %swap3A_797 = vector.shape_cast %swap3A_796 : vector<1x16xf32> to vector<16xf32>
      %swap3A_798 = vector.shape_cast %get3A_793 : vector<16xf32> to vector<1x16xf32>
      tpu.vector_store %arg20[%swap3A_794, %swap3A_795], %swap3A_798 {strides = array<i32>} : memref<256x64xf32, #tpu.memory_space<vmem>>, vector<1x16xf32>,
      %get3A_799 = arith.index_cast %squeeze3A_771 : i32 to index
      %get3A_800 = arith.constant 16 : index
      %get3A_801 = tpu.vector_load %arg23[%get3A_799, %get3A_800] {strides = array<i32>} : memref<400x32xf32, #tpu.memory_space<vmem>>, vector<1x16xf32>,
      %get3A_802 = vector.shape_cast %get3A_801 : vector<1x16xf32> to vector<16xf32>
      %swap3A_803 = arith.index_cast %add3A_767 : i32 to index
      %swap3A_804 = arith.constant 48 : index
      %swap3A_805 = tpu.vector_load %arg20[%swap3A_803, %swap3A_804] {strides = array<i32>} : memref<256x64xf32, #tpu.memory_space<vmem>>, vector<1x16xf32>,
      %swap3A_806 = vector.shape_cast %swap3A_805 : vector<1x16xf32> to vector<16xf32>
      %swap3A_807 = vector.shape_cast %get3A_802 : vector<16xf32> to vector<1x16xf32>
      tpu.vector_store %arg20[%swap3A_803, %swap3A_804], %swap3A_807 {strides = array<i32>} : memref<256x64xf32, #tpu.memory_space<vmem>>, vector<1x16xf32>,
    }
    %scan3A_50 = arith.constant 16 : i32
    %dma_wait3A_51 = arith.constant 0 : i32
    %dma_wait3A_52 = arith.constant 0 : i32
    %dma_wait3A_53 = arith.constant 0 : i32
    %dma_wait3A_54 = tpu.memref_slice %arg17[%dma_wait3A_52, %dma_wait3A_53] : memref<256x64xf32, #tpu.memory_space<vmem>> -> memref<128x64xf32, #tpu.memory_space<vmem>>
    %dma_wait3A_55 = arith.constant 0 : i32
    %dma_wait3A_56 = tpu.memref_slice %arg8[%dma_wait3A_51, %dma_wait3A_55] : memref<2x128xi32, #tpu.memory_space<vmem>> -> memref<1x128xi32, #tpu.memory_space<vmem>>
    %dma_wait3A_57 = tpu.memref_squeeze %dma_wait3A_56 : memref<1x128xi32, #tpu.memory_space<vmem>> -> memref<128xi32, #tpu.memory_space<vmem>>
    %dma_wait3A_58 = arith.constant 0 : i32
    %dma_wait3A_59 = arith.constant 0 : i32
    %dma_wait3A_60 = tpu.memref_slice %arg5[%dma_wait3A_58, %dma_wait3A_59] : memref<1000000x64xf32, #tpu.memory_space<hbm>> -> memref<1000000x64xf32, #tpu.memory_space<hbm>>
    tpu.wait_indirect_dma semaphore(%arg24 : memref<!tpu.dma_semaphore, #tpu.memory_space<semaphore_mem>>) src(%dma_wait3A_60 : memref<1000000x64xf32, #tpu.memory_space<hbm>>) dst(%dma_wait3A_54 : memref<128x64xf32, #tpu.memory_space<vmem>>)
    %dma_wait3A_61 = arith.constant 1 : i32
    %dma_wait3A_62 = arith.constant 128 : i32
    %dma_wait3A_63 = arith.constant 0 : i32
    %dma_wait3A_64 = tpu.memref_slice %arg17[%dma_wait3A_62, %dma_wait3A_63] : memref<256x64xf32, #tpu.memory_space<vmem>> -> memref<128x64xf32, #tpu.memory_space<vmem>>
    %dma_wait3A_65 = arith.constant 0 : i32
    %dma_wait3A_66 = tpu.memref_slice %arg8[%dma_wait3A_61, %dma_wait3A_65] : memref<2x128xi32, #tpu.memory_space<vmem>> -> memref<1x128xi32, #tpu.memory_space<vmem>>
    %dma_wait3A_67 = tpu.memref_squeeze %dma_wait3A_66 : memref<1x128xi32, #tpu.memory_space<vmem>> -> memref<128xi32, #tpu.memory_space<vmem>>
    %dma_wait3A_68 = arith.constant 0 : i32
    %dma_wait3A_69 = arith.constant 0 : i32
    %dma_wait3A_70 = tpu.memref_slice %arg5[%dma_wait3A_68, %dma_wait3A_69] : memref<1000000x64xf32, #tpu.memory_space<hbm>> -> memref<1000000x64xf32, #tpu.memory_space<hbm>>
    tpu.wait_indirect_dma semaphore(%arg24 : memref<!tpu.dma_semaphore, #tpu.memory_space<semaphore_mem>>) src(%dma_wait3A_70 : memref<1000000x64xf32, #tpu.memory_space<hbm>>) dst(%dma_wait3A_64 : memref<128x64xf32, #tpu.memory_space<vmem>>)
    %dma_start3A_71 = arith.constant 0 : i32
    %dma_start3A_72 = tpu.memref_slice %arg7[%add3A_36, %dma_start3A_71] : memref<819200x128xf32, #tpu.memory_space<hbm>> -> memref<256x64xf32, #tpu.memory_space<hbm>>
    %dma_start3A_73 = arith.constant 0 : i32
    %dma_start3A_74 = tpu.memref_slice %arg7[%add3A_36, %dma_start3A_73] : memref<819200x128xf32, #tpu.memory_space<hbm>> -> memref<256x64xf32, #tpu.memory_space<hbm>>
    tpu.enqueue_dma source(%arg17 : memref<256x64xf32, #tpu.memory_space<vmem>>) target(%dma_start3A_74 : memref<256x64xf32, #tpu.memory_space<hbm>>) target_semaphore(%arg27 : memref<!tpu.dma_semaphore, #tpu.memory_space<semaphore_mem>>)
    %dma_start3A_75 = arith.constant 64 : i32
    %dma_start3A_76 = tpu.memref_slice %arg7[%add3A_36, %dma_start3A_75] : memref<819200x128xf32, #tpu.memory_space<hbm>> -> memref<256x64xf32, #tpu.memory_space<hbm>>
    %dma_start3A_77 = arith.constant 64 : i32
    %dma_start3A_78 = tpu.memref_slice %arg7[%add3A_36, %dma_start3A_77] : memref<819200x128xf32, #tpu.memory_space<hbm>> -> memref<256x64xf32, #tpu.memory_space<hbm>>
    tpu.enqueue_dma source(%arg20 : memref<256x64xf32, #tpu.memory_space<vmem>>) target(%dma_start3A_78 : memref<256x64xf32, #tpu.memory_space<hbm>>) target_semaphore(%arg27 : memref<!tpu.dma_semaphore, #tpu.memory_space<semaphore_mem>>)
    %sub3A_79 = arith.constant 256 : i32
    %sub3A_80 = arith.subi %add3A_36, %sub3A_79 : i32
    %dma_wait3A_81 = arith.constant 0 : i32
    %dma_wait3A_82 = tpu.memref_slice %arg7[%sub3A_80, %dma_wait3A_81] : memref<819200x128xf32, #tpu.memory_space<hbm>> -> memref<256x64xf32, #tpu.memory_space<hbm>>
    %dma_wait3A_83 = arith.constant 0 : i32
    %dma_wait3A_84 = tpu.memref_slice %arg7[%sub3A_80, %dma_wait3A_83] : memref<819200x128xf32, #tpu.memory_space<hbm>> -> memref<256x64xf32, #tpu.memory_space<hbm>>
    tpu.wait_dma2 semaphore(%arg29 : memref<!tpu.dma_semaphore, #tpu.memory_space<semaphore_mem>>) src(%arg19 : memref<256x64xf32, #tpu.memory_space<vmem>>) dst(%dma_wait3A_84 : memref<256x64xf32, #tpu.memory_space<hbm>>)
    %dma_wait3A_85 = arith.constant 64 : i32
    %dma_wait3A_86 = tpu.memref_slice %arg7[%sub3A_80, %dma_wait3A_85] : memref<819200x128xf32, #tpu.memory_space<hbm>> -> memref<256x64xf32, #tpu.memory_space<hbm>>
    %dma_wait3A_87 = arith.constant 64 : i32
    %dma_wait3A_88 = tpu.memref_slice %arg7[%sub3A_80, %dma_wait3A_87] : memref<819200x128xf32, #tpu.memory_space<hbm>> -> memref<256x64xf32, #tpu.memory_space<hbm>>
    tpu.wait_dma2 semaphore(%arg29 : memref<!tpu.dma_semaphore, #tpu.memory_space<semaphore_mem>>) src(%arg22 : memref<256x64xf32, #tpu.memory_space<vmem>>) dst(%dma_wait3A_88 : memref<256x64xf32, #tpu.memory_space<hbm>>)
    %dma_wait3A_89 = arith.constant 0 : i32
    %dma_wait3A_90 = tpu.memref_slice %arg7[%add3A_36, %dma_wait3A_89] : memref<819200x128xf32, #tpu.memory_space<hbm>> -> memref<256x64xf32, #tpu.memory_space<hbm>>
    %dma_wait3A_91 = arith.constant 0 : i32
    %dma_wait3A_92 = tpu.memref_slice %arg7[%add3A_36, %dma_wait3A_91] : memref<819200x128xf32, #tpu.memory_space<hbm>> -> memref<256x64xf32, #tpu.memory_space<hbm>>
    tpu.wait_dma2 semaphore(%arg27 : memref<!tpu.dma_semaphore, #tpu.memory_space<semaphore_mem>>) src(%arg17 : memref<256x64xf32, #tpu.memory_space<vmem>>) dst(%dma_wait3A_92 : memref<256x64xf32, #tpu.memory_space<hbm>>)
    %dma_wait3A_93 = arith.constant 64 : i32
    %dma_wait3A_94 = tpu.memref_slice %arg7[%add3A_36, %dma_wait3A_93] : memref<819200x128xf32, #tpu.memory_space<hbm>> -> memref<256x64xf32, #tpu.memory_space<hbm>>
    %dma_wait3A_95 = arith.constant 64 : i32
    %dma_wait3A_96 = tpu.memref_slice %arg7[%add3A_36, %dma_wait3A_95] : memref<819200x128xf32, #tpu.memory_space<hbm>> -> memref<256x64xf32, #tpu.memory_space<hbm>>
    tpu.wait_dma2 semaphore(%arg27 : memref<!tpu.dma_semaphore, #tpu.memory_space<semaphore_mem>>) src(%arg20 : memref<256x64xf32, #tpu.memory_space<vmem>>) dst(%dma_wait3A_96 : memref<256x64xf32, #tpu.memory_space<hbm>>)
    return
  }
}

</mosaic_0001>

<sc_bundles>
// kernel: kernel.3.cloned.1.call-start
scs
__scs_entry_jumppad:
0x0: {  	(pc) =	sbr.rel $0x88, $3  }
0x1: {  	(tag) =	ssettag $0x0;
	lr =	simm.s32 $0x1  }
0x2: {  	[smem:$0x3F9C] =	sst lr;
	_ =	strace $0xD0000000  }
0x3: {  	_ = 	snop  }
0x4: {  	_ = 	snop  }
0x5: {  	_ = 	snop  }
0x6: {  	_ = 	snop  }
0x7: {  	_ = 	snop  }
__scs_overlays_trampoline_lowered:
0x8: {  	[smem:$0x3FAB] =	sst s0  }
0x9: {  	[smem:$0x3FAC] =	sst s1  }
0xa: {  	[smem:$0x3FAD] =	sst s2  }
0xb: {  	[smem:$0x3FAE] =	sst s3  }
0xc: {  	[smem:$0x3FAF] =	sst s4  }
0xd: {  	[smem:$0x3FB0] =	sst s5  }
0xe: {  	[smem:$0x3FB1] =	sst s6  }
0xf: {  	[smem:$0x3FB2] =	sst s7  }
0x10: {  	[smem:$0x3FB3] =	sst s8  }
0x11: {  	[smem:$0x3FB4] =	sst s9;
	s0 =	simm.s32 @!p0 $0x0  }
0x12: {  	s1 =	sld [smem:$0x3F9A];
	s0 =	simm.s32 @p0 $0x1  }
0x13: {  	[smem:$0x3FB5] =	sst s0;
	s0 =	simm.s32 @!p1 $0x0  }
0x14: {  	s2 =	sld [smem:$0x3F99];
	s0 =	simm.s32 @p1 $0x1  }
0x15: {  	[smem:$0x3FB6] =	sst s0;
	s0 =	simm.s32 @!p2 $0x0  }
0x16: {  	s3 =	sld [smem:$0x3FDB];
	s0 =	simm.s32 @p2 $0x1  }
0x17: {  	s4 =	simm.s32 $0x1BF5;
	[smem:$0x3FB8] =	sst s0  }
0x18: {  	s0 =	sld [smem:$0x3F9B];
	_ =	swait.ge [sflag:s4], $0x0  }
0x19: {  	s7 =	sld [smem:$0x3F9C]  }
0x1a: {  	s8 =	sadd.s32 $0xFFFFE003, lr  }
0x1b: {  	s9 =	sadd.s32 $0xFFFFFEF7, lr;
	s5 =	simm.s32 $0xFFFFFFFF;
	p2 =	slt.u32 s8, $0xFFFFF086  }
0x1c: {  	p1 =	slt.u32 s9, $0xF7A;
	s5 =	simm.s32 @!p2 $0x0  }
0x1d: {  	s5 =	simm.s32 @p1 $0x1;
	p0 =	seq.s32 s7, s2  }
0x1e: {  	s7 =	smul.u32 @!p0 $0xF7A, s2;
	p2 =	seq.s32 @!p0 s5, $0x0  }
0x1f: {  	s9 =	smul.u32 $0xF7A, s1;
	s8 =	simm.s32 @!p0 $0x1BF5;
	p2 =	por !p2, p0  }
0x20: {  	[sflag:s8] =	ssyncset.s32 @!p0 $0xFFFFF086;
	s6 =	sadd.s32 @!p0 s3, s7;
	s7 =	simm.s32 @!p0 $0x108  }
0x21: {  	s3 =	sadd.s32 s3, s9;
	s6 =	sadd.s32 @!p0 $0x88, s6;
	s7 =	simm.s32 @p2 $0x1082  }
0x22: {  	[simem:s7], [sflag:s8] =	dma.local @!p0 [hbm:s6], $0xF7A  }
0x23: {  	s9 =	sor.u32 $0xD0000000, s2;
	s6 =	simm.s32 $0x108;
	_ =	swait.ge @!p0 [sflag:s8], $0x0  }
0x24: {  	s3 =	sadd.s32 $0x88, s3;
	s6 =	simm.s32 @!p1 $0x1082;
	[sflag:s4] =	ssyncset.s32 $0xFFFFF086  }
0x25: {  	[simem:s6], [sflag:s4] =	dma.local [hbm:s3], $0xF7A  }
0x26: {  	[smem:$0x3F9C] =	sst s1;
	(tag) =	ssettag s2;
	_ =	strace s9  }
0x27: {  	s1 =	sld [smem:$0x3FAC]  }
0x28: {  	s2 =	sld [smem:$0x3FAD]  }
0x29: {  	s4 =	sld [smem:$0x3FAF]  }
0x2a: {  	p0 =	seq.s32 s5, $0x0;
	s5 =	sld [smem:$0x3FB0]  }
0x2b: {  	s6 =	sld [smem:$0x3FB1]  }
0x2c: {  	s7 =	sld [smem:$0x3FB2]  }
0x2d: {  	s3 =	simm.s32 $0x108;
	s8 =	sld [smem:$0x3FB3]  }
0x2e: {  	s3 =	simm.s32 @!p0 $0x1082;
	s9 =	sld [smem:$0x3FB4]  }
0x2f: {  	lr =	sadd.s32 s0, s3;
	s0 =	sld [smem:$0x3FAB]  }
0x30: {  	s3 =	sld [smem:$0x3FAE]  }
0x31: {  	[smem:$0x3FB7] =	sst s10  }
0x32: {  	s10 =	sld [smem:$0x3FB5];
	_ =	sdelay $0x3  }
0x33: {  	p0 =	seq.s32 s10, $0x1;
	s10 =	sld [smem:$0x3FB7];
	_ =	sdelay $0x3  }
0x34: {  	[smem:$0x3FB7] =	sst s10  }
0x35: {  	s10 =	sld [smem:$0x3FB6];
	_ =	sdelay $0x3  }
0x36: {  	p1 =	seq.s32 s10, $0x1;
	s10 =	sld [smem:$0x3FB7];
	_ =	sdelay $0x3  }
0x37: {  	[smem:$0x3FB7] =	sst s10  }
0x38: {  	s10 =	sld [smem:$0x3FB8]  }
0x39: {  	_ = 	snop;
	(pc) =	sbr.ind lr, $3  }
0x3a: {  	_ = 	snop  }
0x3b: {  	_ = 	snop  }
0x3c: {  	p2 =	seq.s32 s10, $0x1;
	s10 =	sld [smem:$0x3FB7]  }
0x3d: {  	_ =	shalt  }
0x3e: {  	_ =	shalt  }
0x3f: {  	_ =	shalt  }
0x40: {  	_ =	shalt  }
0x41: {  	_ =	shalt  }
0x42: {  	_ =	shalt  }
0x43: {  	_ =	shalt  }
0x44: {  	_ =	shalt  }
0x45: {  	_ =	shalt  }
0x46: {  	_ =	shalt  }
0x47: {  	_ =	shalt  }
0x48: {  	_ =	shalt  }
0x49: {  	_ =	shalt  }
0x4a: {  	_ =	shalt  }
0x4b: {  	_ =	shalt  }
0x4c: {  	_ =	shalt  }
0x4d: {  	_ =	shalt  }
0x4e: {  	_ =	shalt  }
0x4f: {  	_ =	shalt  }
0x50: {  	_ =	shalt  }
0x51: {  	_ =	shalt  }
0x52: {  	_ =	shalt  }
0x53: {  	_ =	shalt  }
0x54: {  	_ =	shalt  }
0x55: {  	_ =	shalt  }
0x56: {  	_ =	shalt  }
0x57: {  	_ =	shalt  }
0x58: {  	_ =	shalt  }
0x59: {  	_ =	shalt  }
0x5a: {  	_ =	shalt  }
0x5b: {  	_ =	shalt  }
0x5c: {  	_ =	shalt  }
0x5d: {  	_ =	shalt  }
0x5e: {  	_ =	shalt  }
0x5f: {  	_ =	shalt  }
0x60: {  	_ =	shalt  }
0x61: {  	_ =	shalt  }
0x62: {  	_ =	shalt  }
0x63: {  	_ =	shalt  }
0x64: {  	_ =	shalt  }
0x65: {  	_ =	shalt  }
0x66: {  	_ =	shalt  }
0x67: {  	_ =	shalt  }
0x68: {  	_ =	shalt  }
0x69: {  	_ =	shalt  }
0x6a: {  	_ =	shalt  }
0x6b: {  	_ =	shalt  }
0x6c: {  	_ =	shalt  }
0x6d: {  	_ =	shalt  }
0x6e: {  	_ =	shalt  }
0x6f: {  	_ =	shalt  }
0x70: {  	_ =	shalt  }
0x71: {  	_ =	shalt  }
0x72: {  	_ =	shalt  }
0x73: {  	_ =	shalt  }
0x74: {  	_ =	shalt  }
0x75: {  	_ =	shalt  }
0x76: {  	_ =	shalt  }
0x77: {  	_ =	shalt  }
0x78: {  	_ =	shalt  }
0x79: {  	_ =	shalt  }
0x7a: {  	_ =	shalt  }
0x7b: {  	_ =	shalt  }
0x7c: {  	_ =	shalt  }
0x7d: {  	_ =	shalt  }
0x7e: {  	_ =	shalt  }
0x7f: {  	_ =	shalt  }
0x80: {  	_ =	shalt  }
0x81: {  	_ =	shalt  }
0x82: {  	_ =	shalt  }
0x83: {  	_ =	shalt  }
0x84: {  	_ =	shalt  }
0x85: {  	_ =	shalt  }
0x86: {  	_ =	shalt  }
0x87: {  	_ =	shalt  }
.Lfunc_end0:
.L_simem_size_0:
called_computation_lowered:
.L_overlay_start_0:
0x88: {  	s2 =	sld [smem:$0x3FD9]  }
0x89: {  	s3 =	sld [smem:$0x3FFE];
	_ =	sdelay $0x1  }
0x8a: {  	s1 =	srdreg.scid  }
0x8b: {  	s0 =	sand.u32 $0x1, s1  }
0x8c: {  	s17 =	sshll.u32 s0, $0xA;
	s2 =	sadd.s32 s3, s2  }
0x8d: {  	s2 =	sadd.s32 s2, s17  }
0x8e: {  	[smem:$0x3FC3] =	sst s2  }
0x8f: {  	_ = 	snop  }
0x90: {  	s2 =	sld [smem:$0x3FD0];
	(tm) =	ssettm $0x1  }
0x91: {  	s18 =	sld [smem:$0x3FFB];
	_ =	sdelay $0x3  }
0x92: {  	_ =	strace s18  }
0x93: {  	s3 =	sld [smem:$0x3FFC];
	_ =	sdelay $0x3  }
0x94: {  	_ =	strace s3  }
0x95: {  	s3 =	sld [smem:$0x3FFD];
	_ =	sdelay $0x3  }
0x96: {  	_ =	strace s3  }
0x97: {  	_ =	strace $0x8FFFFFFF  }
0x98: {  	s19 =	sld [smem:$0x3FDB];
	_ =	sdelay $0x1  }
0x99: {  	s4 =	simm.s32 $_scs_section_size  }
0x9a: {  	s5 =	simm.s32 $_size__tile_overlayer_lowered;
	s6 =	simm.s32 $_tile_overlayer_lowered  }
0x9b: {  	s22 =	simm.s32 $0x1BFF;
	s21 =	sshll.u32 s6, $0x1;
	s3 =	sadd.s32 s4, s19  }
0x9c: {  	s7 =	simm.s32 $0x0;
	s20 =	sshll.u32 s5, $0x1;
	s5 =	sadd.s32 s21, s3  }
0x9d: {  	[timem:s7], [sflag:s22] =	dma.local [hbm:s5], s20  }
0x9e: {  	_ =	swait.ge [sflag:s22], s20  }
0x9f: {  	s4 =	ssub.s32 $0x0, s20;
	[sflag:s22] =	ssyncset.done $0x0  }
0xa0: {  	[sflag:s22] =	ssyncadd.s32 s4;
	_ =	sdelay $0x1  }
0xa1: {  	s23 =	simm.s32 $0x1B8B  }
0xa2: {  	_ =	swait.ge [sflag:s23], $0x1  }
0xa3: {  	[sflag:s23] =	ssyncset.done $0x0  }
0xa4: {  	s25 =	simm.s32 $0x1B8E;
	s24 =	sld [smem:$0x3FFE];
	[sflag:s23] =	ssyncadd.s32 $0xFFFFFFFF  }
0xa5: {  	s26 =	simm.s32 $execute0_lowered;
	[smem:$0x3FD2] =	sst s25  }
0xa6: {  	s5 =	sshll.u32 s26, $0x1;
	_ =	strace $0x80000046;
	[dreg:$0x1] =	wrdreg $0xFFFFFFFF  }
0xa7: {  	s28 =	simm.s32 $_size_execute0_lowered;
	s3 =	sadd.s32 s3, s5;
	[dreg:$0x0] =	wrdreg $0x0  }
0xa8: {  	s5 =	sshll.u32 s28, $0x1;
	[dreg:$0x2] =	wrdreg s3  }
0xa9: {  	[dreg:$0x3] =	wrdreg s5  }
0xaa: {  	[dreg:$0x4] =	wrdreg $0xC0  }
0xab: {  	_ =	task [dreg:s7], $0x5FFFF  }
0xac: {  	[dreg:$0x1] =	wrdreg $0xFFFFFFFF  }
0xad: {  	[dreg:$0x0] =	wrdreg $0x60  }
0xae: {  	[dreg:$0x2] =	wrdreg s24  }
0xaf: {  	[dreg:$0x3] =	wrdreg s2  }
0xb0: {  	[dreg:$0x4] =	wrdreg $0x9  }
0xb1: {  	_ =	task.clear_ibuf [dreg:s7], $0x5FFFF;
	_ =	strace $0x90000046  }
0xb2: {  	s29 =	simm.s32 $0x9;
	_ =	strace $0x80000048  }
0xb3: {  	_ =	swait.ge [sflag:s29], $0x1  }
0xb4: {  	[sflag:s29] =	ssyncadd.s32 $0xFFFFFFFF  }
0xb5: {  	_ =	strace $0x90000048  }
0xb6: {  	_ =	sfence  }
0xb7: {  	s30 =	sld [smem:$0x0];
	_ =	sdelay $0x2  }
0xb8: {  	s31 =	sshll.u32 s1, $0xD;
	s1 =	sshrl.u32 s1, $0x2  }
0xb9: {  	s3 =	sand.u32 $0x4000, s31;
	s1 =	sadd.s32 s1, s30  }
0xba: {  	s0 =	sor.u32 s3, s0;
	s1 =	sshll.u32 s1, $0x11  }
0xbb: {  	s0 =	sor.u32 s1, s0  }
0xbc: {  	s0 =	sadd.s32 $0x8F2B, s0  }
0xbd: {  	[sflag:s0] =	ssyncadd.remote.s32 $0x1  }
0xbe: {  	_ =	sfence.sel $0xFFFF  }
0xbf: {  	[dreg:$0x0] =	wrdreg $0xFFFFFFFF;
	(pc) =	sbr.abs _section_cstart, $3  }
0xc0: {  	[dreg:$0x1] =	wrdreg $0xFFFFFFFF  }
0xc1: {  	_ =	task.clear_ibuf [dreg:s7], $0x2FFFF;
	_ =	strace $0x9FFFFFFF  }
0xc2: {  	(tm) =	ssettm $0x7FFFFFFF  }
0xc3: {  	_ =	shalt  }
tec
execute0_lowered:
.L_overlay_start_1:
0x0: {  	(tag) =	ssettag $0x1  }
0x1: {  	s0 =	rddreg [dreg:$0x0]  }
0x2: {  	s1 =	rddreg [dreg:$0x1];
	s2 =	simm.s32 $0x0  }
0x3: {  	s20 =	srdreg.scid;
	s3 =	stileid.u32;
	s28 =	simm.s32 $0x100  }
0x4: {  	s31 =	simm.s32 $0x4900;
	s12 =	simm.s32 $0x200;
	s18 =	simm.s32 $0x8900  }
0x5: {  	s29 =	simm.s32 $0x2;
	s13 =	simm.s32 $0x0;
	[smem:$0x7FF] =	sst s2  }
0x6: {  	s4 =	sadd.s32 $0x32C00, s0;
	s5 =	sadd.s32 $0x19C00, s0;
	s2 =	sand.u32 $0x1, s20  }
0x7: {  	s3 =	sshll.u32 s3, $0x1;
	s6 =	sadd.s32 $0xC00, s0;
	s7 =	sadd.s32 $0xF43000, s0  }
0x8: {  	s0 =	sadd.s32 $0x4BC00, s0;
	s8 =	ssub.s32 $0x2, s2;
	s2 =	sor.u32 s2, s3  }
0x9: {  	s15 =	sadd.s32 $0x8, s1;
	s20 =	simm.s32 $0x1;
	s11 =	smul.u32 $0xC80, s2  }
0xa: {  	_ =	strace $0x80000047;
	[dreg:$0x3] =	wrdreg s0;
	s9 =	smul.u32 $0x320000, s2  }
0xb: {  	s3 =	simm.s32 $0x3;
	s21 =	sshrl.u32 s8, $0x1;
	s10 =	smul.u32 $0x64, s2  }
0xc: {  	s14 =	smul.u32 $0x6400, s2;
	s22 =	ssub.s32 s8, s21;
	s21 =	simm.s32 $0x7  }
0xd: {  	s8 =	simm.s32 $0x40;
	s23 =	sadd.s32 s4, s11;
	s24 =	sadd.s32 s5, s11  }
0xe: {  	s25 =	sadd.s32 s6, s11;
	s26 =	sshrl.u32 s9, $0x3;
	[dreg:$0x4] =	wrdreg s23  }
0xf: {  	s16 =	sor.u32 $0x3, s10;
	s0 =	smax.u32 s22, $0x1;
	[dreg:$0x5] =	wrdreg s24  }
0x10: {  	s11 =	simm.s32 $0xC900;
	[dreg:$0x6] =	wrdreg s25;
	s2 =	sadd.s32 s1, s26  }
0x11: {  	[dreg:$0x9] =	wrdreg s0;
	s24 =	simm.s32 $0x80;
	s30 =	sadd.s32 $0x63000, s2  }
0x12: {  	s25 =	simm.s32 $0x900;
	s2 =	sadd.s32 $0x63008, s2;
	[dreg:$0x7] =	wrdreg s30  }
0x13: {  	s0 =	simm.s32 $0x4;
	s26 =	simm.s32 $0x500;
	[dreg:$0x8] =	wrdreg s2  }
.LBB2_1:
0x14: {  	[dreg:$0xa] =	wrdreg s13  }
0x15: {  	s2 =	simm.s32 $0x0;
	s23 =	rddreg [dreg:$0x3];
	s17 =	simm.s32 $0x18900  }
0x16: {  	[tilespmem:s17], [sflag:$0x7] =	stream.linear.gather [hbm4b:s23+s2], $0x3200, $0x38;
	[tilespmem:$0x1BB00] =	vst v63  }
0x17: {  	_ =	swait.ge [sflag:s21], $0x3200  }
0x18: {  	[sflag:s21] =	ssyncset.done $0x0  }
0x19: {  	s30 =	rddreg [dreg:$0x4];
	[sflag:s21] =	ssyncadd.s32 $0xFFFFCE00  }
0x1a: {  	[tilespmem:s2], [sflag:$0x7] =	stream.linear.gather [hbm4b:s30+s2], $0x100, $0x38;
	[tilespmem:$0x1BB00] =	vst v63  }
0x1b: {  	_ =	swait.ge [sflag:s21], $0x100  }
0x1c: {  	[sflag:s21] =	ssyncset.done $0x0  }
0x1d: {  	s19 =	simm.s32 $0x300;
	s17 =	rddreg [dreg:$0x5];
	[sflag:s21] =	ssyncadd.s32 $0xFFFFFF00  }
0x1e: {  	[tilespmem:s19], [sflag:$0x7] =	stream.linear.gather [hbm4b:s17+s2], $0x100, $0x38;
	[tilespmem:$0x1BB00] =	vst v63  }
0x1f: {  	_ =	swait.ge [sflag:s21], $0x100  }
0x20: {  	[sflag:s21] =	ssyncset.done $0x0  }
0x21: {  	s23 =	simm.s32 $0x600;
	s22 =	rddreg [dreg:$0x6];
	[sflag:s21] =	ssyncadd.s32 $0xFFFFFF00  }
0x22: {  	[tilespmem:s23], [sflag:$0x7] =	stream.linear.gather [hbm4b:s22+s2], $0x100, $0x38;
	[tilespmem:$0x1BB00] =	vst v63  }
0x23: {  	_ =	swait.ge [sflag:s21], $0x100  }
0x24: {  	[sflag:s21] =	ssyncset.done $0x0  }
0x25: {  	[sflag:s21] =	ssyncadd.s32 $0xFFFFFF00  }
0x26: {  	[tilespmem:s25], [sflag:$0x1] =	stream.indirect.gather [hbm4b:s7+s24], $0x40, s2, s24, $0xb8;
	[tilespmem:$0x1BB00] =	vst v63  }
0x27: {  	s30 =	simm.s32 $0x2900;
	s17 =	simm.s32 $0x0  }
0x28: {  	[tilespmem:s30], [sflag:$0x1] =	stream.indirect.gather [hbm4b:s7+s24], $0x40, s24, s24, $0xb8;
	[tilespmem:$0x1BB00] =	vst v63  }
.LBB2_2:
0x29: {  	p0 =	seq.s32 s17, $0x0  }
0x2a: {  	s19 =	smul.u32 $0x3, s17;
	s13 =	simm.s32 @!p0 $0x5  }
0x2b: {  	_ =	swait.ge @!p0 [sflag:s13], $0x4000  }
0x2c: {  	s2 =	sadd.s32 $0x1, s19;
	[sflag:s13] =	ssyncset.done @!p0 $0x0  }
0x2d: {  	s22 =	sadd.s32 s10, s2;
	[sflag:s13] =	ssyncadd.s32 @!p0 $0xFFFFC000  }
0x2e: {  	s22 =	sshll.u32 s22, $0x5;
	_ =	swait.ge @!p0 [sflag:s13], $0x4000  }
0x2f: {  	s22 =	sand.u32 $0x1FFFFFE0, s22;
	[sflag:s13] =	ssyncset.done @!p0 $0x0  }
0x30: {  	s30 =	simm.s32 $0x0;
	s23 =	sadd.s32 s4, s22;
	[sflag:s13] =	ssyncadd.s32 @!p0 $0xFFFFC000  }
0x31: {  	[tilespmem:s28], [sflag:$0x7] =	stream.linear.gather [hbm4b:s23+s30], $0x100, $0x38;
	[tilespmem:$0x1BB00] =	vst v63  }
0x32: {  	_ =	swait.ge [sflag:s21], $0x100  }
0x33: {  	[sflag:s21] =	ssyncset.done $0x0  }
0x34: {  	s13 =	sadd.s32 s5, s22;
	s23 =	simm.s32 $0x400;
	[sflag:s21] =	ssyncadd.s32 $0xFFFFFF00  }
0x35: {  	[tilespmem:s23], [sflag:$0x7] =	stream.linear.gather [hbm4b:s13+s30], $0x100, $0x38;
	[tilespmem:$0x1BB00] =	vst v63  }
0x36: {  	_ =	swait.ge [sflag:s21], $0x100  }
0x37: {  	[sflag:s21] =	ssyncset.done $0x0  }
0x38: {  	s22 =	sadd.s32 s6, s22;
	s23 =	simm.s32 $0x700;
	[sflag:s21] =	ssyncadd.s32 $0xFFFFFF00  }
0x39: {  	[tilespmem:s23], [sflag:$0x7] =	stream.linear.gather [hbm4b:s22+s30], $0x100, $0x38;
	[tilespmem:$0x1BB00] =	vst v63  }
0x3a: {  	_ =	swait.ge [sflag:s21], $0x100  }
0x3b: {  	[sflag:s21] =	ssyncset.done $0x0  }
0x3c: {  	[sflag:s21] =	ssyncadd.s32 $0xFFFFFF00  }
0x3d: {  	[tilespmem:s31], [sflag:$0x2] =	stream.indirect.gather [hbm4b:s7+s24], $0x40, s28, s24, $0xb8;
	[tilespmem:$0x1BB00] =	vst v63  }
0x3e: {  	s13 =	smul.u32 $0x300, s17;
	s22 =	simm.s32 $0x180;
	s23 =	simm.s32 $0x6900  }
0x3f: {  	[tilespmem:s23], [sflag:$0x2] =	stream.indirect.gather [hbm4b:s7+s24], $0x40, s22, s24, $0xb8;
	[tilespmem:$0x1BB00] =	vst v63  }
0x40: {  	s13 =	sadd.s32 s14, s13;
	s22 =	simm.s32 $0xCB00  }
.LBB2_3:
0x41: {  	s23 =	sshra.s32 s30, $0x2  }
0x42: {  	v0 =	vld [tilespmem:s23+$0x300];
	_ =	sdelay $0x4  }
0x43: {  	v0 =	vshll.u32 v0, $0x7  }
0x44: {  	v1 =	vshra.s32 v0, $0x2  }
0x45: {  	(v2sf) =	vpush v1, $0x0;
	_ =	sdelay $0x4  }
0x46: {  	v61 =	vld [tilespmem:s23+$0x600];
	_ =	sdelay $0x4  }
0x47: {  	v0 =	vshll.u32 v61, $0x7  }
0x48: {  	v0 =	vshra.s32 v0, $0x2  }
0x49: {  	(v2sf) =	vpush v0, $0x0;
	_ =	sdelay $0x2  }
0x4a: {  	s23 =	spop (v2sf)  }
0x4b: {  	v2 =	vld [tilespmem:s23+$0x18900];
	_ =	sdelay $0x4  }
0x4c: {  	[tilespmem:s22+$0xFFFFFE00] =	vst v2  }
0x4d: {  	v2 =	vld [tilespmem:s23+$0x18910];
	_ =	sdelay $0x1  }
0x4e: {  	(v2sf) =	vpush v1, $0x1;
	_ =	sdelay $0x2  }
0x4f: {  	s23 =	spop (v2sf);
	[tilespmem:s22+$0xFFFFFE10] =	vst v2  }
0x50: {  	v2 =	vld [tilespmem:s23+$0x18900];
	_ =	sdelay $0x4  }
0x51: {  	[tilespmem:s22+$0xFFFFFE20] =	vst v2  }
0x52: {  	v2 =	vld [tilespmem:s23+$0x18910];
	_ =	sdelay $0x1  }
0x53: {  	(v2sf) =	vpush v0, $0x1;
	_ =	sdelay $0x2  }
0x54: {  	s23 =	spop (v2sf);
	[tilespmem:s22+$0xFFFFFE30] =	vst v2  }
0x55: {  	v2 =	vld [tilespmem:s23+$0x18900];
	_ =	sdelay $0x4  }
0x56: {  	[tilespmem:s22+$0xFFFFFE40] =	vst v2  }
0x57: {  	v2 =	vld [tilespmem:s23+$0x18910];
	_ =	sdelay $0x1  }
0x58: {  	(v2sf) =	vpush v1, $0x2;
	_ =	sdelay $0x2  }
0x59: {  	s23 =	spop (v2sf);
	[tilespmem:s22+$0xFFFFFE50] =	vst v2  }
0x5a: {  	v2 =	vld [tilespmem:s23+$0x18900];
	_ =	sdelay $0x4  }
0x5b: {  	[tilespmem:s22+$0xFFFFFE60] =	vst v2  }
0x5c: {  	v2 =	vld [tilespmem:s23+$0x18910];
	_ =	sdelay $0x1  }
0x5d: {  	(v2sf) =	vpush v0, $0x2;
	_ =	sdelay $0x2  }
0x5e: {  	s23 =	spop (v2sf);
	[tilespmem:s22+$0xFFFFFE70] =	vst v2  }
0x5f: {  	v2 =	vld [tilespmem:s23+$0x18900];
	_ =	sdelay $0x4  }
0x60: {  	[tilespmem:s22+$0xFFFFFE80] =	vst v2  }
0x61: {  	v2 =	vld [tilespmem:s23+$0x18910];
	_ =	sdelay $0x1  }
0x62: {  	(v2sf) =	vpush v1, $0x3;
	_ =	sdelay $0x2  }
0x63: {  	s23 =	spop (v2sf);
	[tilespmem:s22+$0xFFFFFE90] =	vst v2  }
0x64: {  	v2 =	vld [tilespmem:s23+$0x18900];
	_ =	sdelay $0x4  }
0x65: {  	[tilespmem:s22+$0xFFFFFEA0] =	vst v2  }
0x66: {  	v2 =	vld [tilespmem:s23+$0x18910];
	_ =	sdelay $0x1  }
0x67: {  	(v2sf) =	vpush v0, $0x3;
	_ =	sdelay $0x2  }
0x68: {  	s23 =	spop (v2sf);
	[tilespmem:s22+$0xFFFFFEB0] =	vst v2  }
0x69: {  	v2 =	vld [tilespmem:s23+$0x18900];
	_ =	sdelay $0x4  }
0x6a: {  	[tilespmem:s22+$0xFFFFFEC0] =	vst v2  }
0x6b: {  	v2 =	vld [tilespmem:s23+$0x18910];
	_ =	sdelay $0x1  }
0x6c: {  	(v2sf) =	vpush v1, $0x4;
	_ =	sdelay $0x2  }
0x6d: {  	s23 =	spop (v2sf);
	[tilespmem:s22+$0xFFFFFED0] =	vst v2  }
0x6e: {  	v2 =	vld [tilespmem:s23+$0x18900];
	_ =	sdelay $0x4  }
0x6f: {  	[tilespmem:s22+$0xFFFFFEE0] =	vst v2  }
0x70: {  	v2 =	vld [tilespmem:s23+$0x18910];
	_ =	sdelay $0x1  }
0x71: {  	(v2sf) =	vpush v0, $0x4;
	_ =	sdelay $0x2  }
0x72: {  	s23 =	spop (v2sf);
	[tilespmem:s22+$0xFFFFFEF0] =	vst v2  }
0x73: {  	v2 =	vld [tilespmem:s23+$0x18900];
	_ =	sdelay $0x4  }
0x74: {  	[tilespmem:s22+$0xFFFFFF00] =	vst v2  }
0x75: {  	v2 =	vld [tilespmem:s23+$0x18910];
	_ =	sdelay $0x1  }
0x76: {  	(v2sf) =	vpush v1, $0x5;
	_ =	sdelay $0x2  }
0x77: {  	s23 =	spop (v2sf);
	[tilespmem:s22+$0xFFFFFF10] =	vst v2  }
0x78: {  	v2 =	vld [tilespmem:s23+$0x18900];
	_ =	sdelay $0x4  }
0x79: {  	[tilespmem:s22+$0xFFFFFF20] =	vst v2  }
0x7a: {  	v2 =	vld [tilespmem:s23+$0x18910];
	_ =	sdelay $0x1  }
0x7b: {  	(v2sf) =	vpush v0, $0x5;
	_ =	sdelay $0x2  }
0x7c: {  	s23 =	spop (v2sf);
	[tilespmem:s22+$0xFFFFFF30] =	vst v2  }
0x7d: {  	v2 =	vld [tilespmem:s23+$0x18900];
	_ =	sdelay $0x4  }
0x7e: {  	[tilespmem:s22+$0xFFFFFF40] =	vst v2  }
0x7f: {  	v2 =	vld [tilespmem:s23+$0x18910];
	_ =	sdelay $0x1  }
0x80: {  	(v2sf) =	vpush v1, $0x6;
	_ =	sdelay $0x2  }
0x81: {  	s23 =	spop (v2sf);
	[tilespmem:s22+$0xFFFFFF50] =	vst v2  }
0x82: {  	v2 =	vld [tilespmem:s23+$0x18900];
	_ =	sdelay $0x4  }
0x83: {  	[tilespmem:s22+$0xFFFFFF60] =	vst v2  }
0x84: {  	v2 =	vld [tilespmem:s23+$0x18910];
	_ =	sdelay $0x1  }
0x85: {  	(v2sf) =	vpush v0, $0x6;
	_ =	sdelay $0x2  }
0x86: {  	s23 =	spop (v2sf);
	[tilespmem:s22+$0xFFFFFF70] =	vst v2  }
0x87: {  	v2 =	vld [tilespmem:s23+$0x18900];
	_ =	sdelay $0x4  }
0x88: {  	[tilespmem:s22+$0xFFFFFF80] =	vst v2  }
0x89: {  	v2 =	vld [tilespmem:s23+$0x18910];
	_ =	sdelay $0x1  }
0x8a: {  	(v2sf) =	vpush v1, $0x7;
	_ =	sdelay $0x2  }
0x8b: {  	s23 =	spop (v2sf);
	[tilespmem:s22+$0xFFFFFF90] =	vst v2  }
0x8c: {  	v2 =	vld [tilespmem:s23+$0x18900];
	_ =	sdelay $0x4  }
0x8d: {  	[tilespmem:s22+$0xFFFFFFA0] =	vst v2  }
0x8e: {  	v2 =	vld [tilespmem:s23+$0x18910];
	_ =	sdelay $0x1  }
0x8f: {  	(v2sf) =	vpush v0, $0x7;
	_ =	sdelay $0x2  }
0x90: {  	s23 =	spop (v2sf);
	[tilespmem:s22+$0xFFFFFFB0] =	vst v2  }
0x91: {  	v2 =	vld [tilespmem:s23+$0x18900];
	_ =	sdelay $0x4  }
0x92: {  	[tilespmem:s22+$0xFFFFFFC0] =	vst v2  }
0x93: {  	v2 =	vld [tilespmem:s23+$0x18910];
	_ =	sdelay $0x1  }
0x94: {  	(v2sf) =	vpush v1, $0x8;
	_ =	sdelay $0x2  }
0x95: {  	s23 =	spop (v2sf);
	[tilespmem:s22+$0xFFFFFFD0] =	vst v2  }
0x96: {  	v2 =	vld [tilespmem:s23+$0x18900];
	_ =	sdelay $0x4  }
0x97: {  	[tilespmem:s22+$0xFFFFFFE0] =	vst v2  }
0x98: {  	v2 =	vld [tilespmem:s23+$0x18910];
	_ =	sdelay $0x1  }
0x99: {  	(v2sf) =	vpush v0, $0x8;
	_ =	sdelay $0x2  }
0x9a: {  	s23 =	spop (v2sf);
	[tilespmem:s22+$0xFFFFFFF0] =	vst v2  }
0x9b: {  	v2 =	vld [tilespmem:s23+$0x18900];
	_ =	sdelay $0x4  }
0x9c: {  	[tilespmem:s22+$0x0] =	vst v2  }
0x9d: {  	v2 =	vld [tilespmem:s23+$0x18910];
	_ =	sdelay $0x1  }
0x9e: {  	(v2sf) =	vpush v1, $0x9;
	_ =	sdelay $0x2  }
0x9f: {  	s23 =	spop (v2sf);
	[tilespmem:s22+$0x10] =	vst v2  }
0xa0: {  	v2 =	vld [tilespmem:s23+$0x18900];
	_ =	sdelay $0x4  }
0xa1: {  	[tilespmem:s22+$0x20] =	vst v2  }
0xa2: {  	v2 =	vld [tilespmem:s23+$0x18910];
	_ =	sdelay $0x1  }
0xa3: {  	(v2sf) =	vpush v0, $0x9;
	_ =	sdelay $0x2  }
0xa4: {  	s23 =	spop (v2sf);
	[tilespmem:s22+$0x30] =	vst v2  }
0xa5: {  	v2 =	vld [tilespmem:s23+$0x18900];
	_ =	sdelay $0x4  }
0xa6: {  	[tilespmem:s22+$0x40] =	vst v2  }
0xa7: {  	v2 =	vld [tilespmem:s23+$0x18910];
	_ =	sdelay $0x1  }
0xa8: {  	(v2sf) =	vpush v1, $0xA;
	_ =	sdelay $0x2  }
0xa9: {  	s23 =	spop (v2sf);
	[tilespmem:s22+$0x50] =	vst v2  }
0xaa: {  	v2 =	vld [tilespmem:s23+$0x18900];
	_ =	sdelay $0x4  }
0xab: {  	[tilespmem:s22+$0x60] =	vst v2  }
0xac: {  	v2 =	vld [tilespmem:s23+$0x18910];
	_ =	sdelay $0x1  }
0xad: {  	(v2sf) =	vpush v0, $0xA;
	_ =	sdelay $0x2  }
0xae: {  	s23 =	spop (v2sf);
	[tilespmem:s22+$0x70] =	vst v2  }
0xaf: {  	v2 =	vld [tilespmem:s23+$0x18900];
	_ =	sdelay $0x4  }
0xb0: {  	[tilespmem:s22+$0x80] =	vst v2  }
0xb1: {  	v2 =	vld [tilespmem:s23+$0x18910];
	_ =	sdelay $0x1  }
0xb2: {  	(v2sf) =	vpush v1, $0xB;
	_ =	sdelay $0x2  }
0xb3: {  	s23 =	spop (v2sf);
	[tilespmem:s22+$0x90] =	vst v2  }
0xb4: {  	v2 =	vld [tilespmem:s23+$0x18900];
	_ =	sdelay $0x4  }
0xb5: {  	[tilespmem:s22+$0xA0] =	vst v2  }
0xb6: {  	v2 =	vld [tilespmem:s23+$0x18910];
	_ =	sdelay $0x1  }
0xb7: {  	(v2sf) =	vpush v0, $0xB;
	_ =	sdelay $0x2  }
0xb8: {  	s23 =	spop (v2sf);
	[tilespmem:s22+$0xB0] =	vst v2  }
0xb9: {  	v2 =	vld [tilespmem:s23+$0x18900];
	_ =	sdelay $0x4  }
0xba: {  	[tilespmem:s22+$0xC0] =	vst v2  }
0xbb: {  	v2 =	vld [tilespmem:s23+$0x18910];
	_ =	sdelay $0x1  }
0xbc: {  	(v2sf) =	vpush v1, $0xC;
	_ =	sdelay $0x2  }
0xbd: {  	s23 =	spop (v2sf);
	[tilespmem:s22+$0xD0] =	vst v2  }
0xbe: {  	v2 =	vld [tilespmem:s23+$0x18900];
	_ =	sdelay $0x4  }
0xbf: {  	[tilespmem:s22+$0xE0] =	vst v2  }
0xc0: {  	v2 =	vld [tilespmem:s23+$0x18910];
	_ =	sdelay $0x1  }
0xc1: {  	(v2sf) =	vpush v0, $0xC;
	_ =	sdelay $0x2  }
0xc2: {  	s23 =	spop (v2sf);
	[tilespmem:s22+$0xF0] =	vst v2  }
0xc3: {  	v2 =	vld [tilespmem:s23+$0x18900];
	_ =	sdelay $0x4  }
0xc4: {  	[tilespmem:s22+$0x100] =	vst v2  }
0xc5: {  	v2 =	vld [tilespmem:s23+$0x18910];
	_ =	sdelay $0x1  }
0xc6: {  	(v2sf) =	vpush v1, $0xD;
	_ =	sdelay $0x2  }
0xc7: {  	s23 =	spop (v2sf);
	[tilespmem:s22+$0x110] =	vst v2  }
0xc8: {  	v2 =	vld [tilespmem:s23+$0x18900];
	_ =	sdelay $0x4  }
0xc9: {  	[tilespmem:s22+$0x120] =	vst v2  }
0xca: {  	v2 =	vld [tilespmem:s23+$0x18910];
	_ =	sdelay $0x1  }
0xcb: {  	(v2sf) =	vpush v0, $0xD;
	_ =	sdelay $0x2  }
0xcc: {  	s23 =	spop (v2sf);
	[tilespmem:s22+$0x130] =	vst v2  }
0xcd: {  	v2 =	vld [tilespmem:s23+$0x18900];
	_ =	sdelay $0x4  }
0xce: {  	[tilespmem:s22+$0x140] =	vst v2  }
0xcf: {  	v2 =	vld [tilespmem:s23+$0x18910];
	_ =	sdelay $0x1  }
0xd0: {  	(v2sf) =	vpush v1, $0xE;
	_ =	sdelay $0x2  }
0xd1: {  	s23 =	spop (v2sf);
	[tilespmem:s22+$0x150] =	vst v2  }
0xd2: {  	v2 =	vld [tilespmem:s23+$0x18900];
	_ =	sdelay $0x4  }
0xd3: {  	[tilespmem:s22+$0x160] =	vst v2  }
0xd4: {  	v2 =	vld [tilespmem:s23+$0x18910];
	_ =	sdelay $0x1  }
0xd5: {  	(v2sf) =	vpush v0, $0xE;
	_ =	sdelay $0x2  }
0xd6: {  	s23 =	spop (v2sf);
	[tilespmem:s22+$0x170] =	vst v2  }
0xd7: {  	v2 =	vld [tilespmem:s23+$0x18900];
	_ =	sdelay $0x4  }
0xd8: {  	[tilespmem:s22+$0x180] =	vst v2  }
0xd9: {  	v2 =	vld [tilespmem:s23+$0x18910];
	_ =	sdelay $0x1  }
0xda: {  	(v2sf) =	vpush v1, $0xF;
	_ =	sdelay $0x2  }
0xdb: {  	s23 =	spop (v2sf);
	[tilespmem:s22+$0x190] =	vst v2  }
0xdc: {  	v62 =	vld [tilespmem:s23+$0x18900];
	_ =	sdelay $0x4  }
0xdd: {  	[tilespmem:s22+$0x1A0] =	vst v62  }
0xde: {  	v1 =	vld [tilespmem:s23+$0x18910];
	_ =	sdelay $0x1  }
0xdf: {  	(v2sf) =	vpush v0, $0xF;
	_ =	sdelay $0x2  }
0xe0: {  	s23 =	spop (v2sf);
	[tilespmem:s22+$0x1B0] =	vst v1  }
0xe1: {  	v63 =	vld [tilespmem:s23+$0x18900];
	_ =	sdelay $0x4  }
0xe2: {  	[tilespmem:s22+$0x1C0] =	vst v63  }
0xe3: {  	v0 =	vld [tilespmem:s23+$0x18910];
	_ =	sdelay $0x4  }
0xe4: {  	s23 =	spop (v2sf);
	[tilespmem:s22+$0x1D0] =	vst v0  }
0xe5: {  	v0 =	vld [tilespmem:s23+$0x18900];
	_ =	sdelay $0x4  }
0xe6: {  	[tilespmem:s22+$0x1E0] =	vst v0  }
0xe7: {  	p1 =	sne.s32 s30, $0x3C0;
	v0 =	vld [tilespmem:s23+$0x18910]  }
.Ltmp0:
0xe8: {  	_ = 	snop;
	(pc) =	sbr.rel @p1 .LBB2_3-.Ltmp0, $2  }
0xe9: {  	_ =	sdelay $0x2  }
0xea: {  	s30 =	sadd.s32 $0x40, s30;
	[tilespmem:s22+$0x1F0] =	vst v0;
	s22 =	sadd.s32 $0x400, s22  }
0xeb: {  	_ =	swait.ge [sflag:s20], $0x2000  }
0xec: {  	[sflag:s20] =	ssyncset.done $0x0  }
0xed: {  	[sflag:s20] =	ssyncadd.s32 $0xFFFFE000  }
0xee: {  	_ =	swait.ge [sflag:s20], $0x2000  }
0xef: {  	s13 =	sshll.u32 s13, $0x4;
	[sflag:s20] =	ssyncset.done $0x0  }
0xf0: {  	s22 =	sadd.s32 s1, s13;
	[sflag:s20] =	ssyncadd.s32 $0xFFFFE000  }
0xf1: {  	[hbm4b:s22+s8] =	stream.strided.scatter [tilespmem:s25], [sflag:$0x4], $0x4000, s24, s8, $0x38;
	[tilespmem:$0x1BB00] =	vst v63  }
0xf2: {  	s13 =	sadd.s32 s13, s15  }
0xf3: {  	[hbm4b:s13+s8] =	stream.strided.scatter [tilespmem:s11], [sflag:$0x4], $0x4000, s24, s8, $0x38;
	[tilespmem:$0x1BB00] =	vst v63  }
0xf4: {  	s13 =	simm.s32 @!p0 $0x6  }
0xf5: {  	_ =	swait.ge @!p0 [sflag:s13], $0x4000  }
0xf6: {  	s30 =	sadd.s32 $0x2, s19;
	[sflag:s13] =	ssyncset.done @!p0 $0x0  }
0xf7: {  	s23 =	sadd.s32 s10, s30;
	[sflag:s13] =	ssyncadd.s32 @!p0 $0xFFFFC000  }
0xf8: {  	s22 =	sshll.u32 s23, $0x5;
	_ =	swait.ge @!p0 [sflag:s13], $0x4000  }
0xf9: {  	s22 =	sand.u32 $0x1FFFFFE0, s22;
	[sflag:s13] =	ssyncset.done @!p0 $0x0  }
0xfa: {  	s23 =	sadd.s32 s4, s22;
	[sflag:s13] =	ssyncadd.s32 @!p0 $0xFFFFC000;
	s13 =	simm.s32 $0x0  }
0xfb: {  	[tilespmem:s12], [sflag:$0x7] =	stream.linear.gather [hbm4b:s23+s13], $0x100, $0x38;
	[tilespmem:$0x1BB00] =	vst v63  }
0xfc: {  	_ =	swait.ge [sflag:s21], $0x100  }
0xfd: {  	[sflag:s21] =	ssyncset.done $0x0  }
0xfe: {  	s23 =	sadd.s32 s5, s22;
	[sflag:s21] =	ssyncadd.s32 $0xFFFFFF00  }
0xff: {  	[tilespmem:s26], [sflag:$0x7] =	stream.linear.gather [hbm4b:s23+s13], $0x100, $0x38;
	[tilespmem:$0x1BB00] =	vst v63  }
0x100: {  	_ =	swait.ge [sflag:s21], $0x100  }
0x101: {  	[sflag:s21] =	ssyncset.done $0x0  }
0x102: {  	s22 =	sadd.s32 s6, s22;
	s23 =	simm.s32 $0x800;
	[sflag:s21] =	ssyncadd.s32 $0xFFFFFF00  }
0x103: {  	[tilespmem:s23], [sflag:$0x7] =	stream.linear.gather [hbm4b:s22+s13], $0x100, $0x38;
	[tilespmem:$0x1BB00] =	vst v63  }
0x104: {  	_ =	swait.ge [sflag:s21], $0x100  }
0x105: {  	[sflag:s21] =	ssyncset.done $0x0  }
0x106: {  	[sflag:s21] =	ssyncadd.s32 $0xFFFFFF00  }
0x107: {  	[tilespmem:s18], [sflag:$0x3] =	stream.indirect.gather [hbm4b:s7+s24], $0x40, s12, s24, $0xb8;
	[tilespmem:$0x1BB00] =	vst v63  }
0x108: {  	s22 =	simm.s32 $0x280;
	s23 =	simm.s32 $0xA900  }
0x109: {  	[tilespmem:s23], [sflag:$0x3] =	stream.indirect.gather [hbm4b:s7+s24], $0x40, s22, s24, $0xb8;
	[tilespmem:$0x1BB00] =	vst v63  }
0x10a: {  	s22 =	simm.s32 $0x10B00  }
.LBB2_5:
0x10b: {  	s23 =	sshra.s32 s13, $0x2  }
0x10c: {  	v0 =	vld [tilespmem:s23+$0x400];
	_ =	sdelay $0x4  }
0x10d: {  	v0 =	vshll.u32 v0, $0x7  }
0x10e: {  	v1 =	vshra.s32 v0, $0x2  }
0x10f: {  	(v2sf) =	vpush v1, $0x0;
	_ =	sdelay $0x4  }
0x110: {  	v61 =	vld [tilespmem:s23+$0x700];
	_ =	sdelay $0x4  }
0x111: {  	v0 =	vshll.u32 v61, $0x7  }
0x112: {  	v0 =	vshra.s32 v0, $0x2  }
0x113: {  	(v2sf) =	vpush v0, $0x0;
	_ =	sdelay $0x2  }
0x114: {  	s23 =	spop (v2sf)  }
0x115: {  	v2 =	vld [tilespmem:s23+$0x18900];
	_ =	sdelay $0x4  }
0x116: {  	[tilespmem:s22+$0xFFFFFE00] =	vst v2  }
0x117: {  	v2 =	vld [tilespmem:s23+$0x18910];
	_ =	sdelay $0x1  }
0x118: {  	(v2sf) =	vpush v1, $0x1;
	_ =	sdelay $0x2  }
0x119: {  	s23 =	spop (v2sf);
	[tilespmem:s22+$0xFFFFFE10] =	vst v2  }
0x11a: {  	v2 =	vld [tilespmem:s23+$0x18900];
	_ =	sdelay $0x4  }
0x11b: {  	[tilespmem:s22+$0xFFFFFE20] =	vst v2  }
0x11c: {  	v2 =	vld [tilespmem:s23+$0x18910];
	_ =	sdelay $0x1  }
0x11d: {  	(v2sf) =	vpush v0, $0x1;
	_ =	sdelay $0x2  }
0x11e: {  	s23 =	spop (v2sf);
	[tilespmem:s22+$0xFFFFFE30] =	vst v2  }
0x11f: {  	v2 =	vld [tilespmem:s23+$0x18900];
	_ =	sdelay $0x4  }
0x120: {  	[tilespmem:s22+$0xFFFFFE40] =	vst v2  }
0x121: {  	v2 =	vld [tilespmem:s23+$0x18910];
	_ =	sdelay $0x1  }
0x122: {  	(v2sf) =	vpush v1, $0x2;
	_ =	sdelay $0x2  }
0x123: {  	s23 =	spop (v2sf);
	[tilespmem:s22+$0xFFFFFE50] =	vst v2  }
0x124: {  	v2 =	vld [tilespmem:s23+$0x18900];
	_ =	sdelay $0x4  }
0x125: {  	[tilespmem:s22+$0xFFFFFE60] =	vst v2  }
0x126: {  	v2 =	vld [tilespmem:s23+$0x18910];
	_ =	sdelay $0x1  }
0x127: {  	(v2sf) =	vpush v0, $0x2;
	_ =	sdelay $0x2  }
0x128: {  	s23 =	spop (v2sf);
	[tilespmem:s22+$0xFFFFFE70] =	vst v2  }
0x129: {  	v2 =	vld [tilespmem:s23+$0x18900];
	_ =	sdelay $0x4  }
0x12a: {  	[tilespmem:s22+$0xFFFFFE80] =	vst v2  }
0x12b: {  	v2 =	vld [tilespmem:s23+$0x18910];
	_ =	sdelay $0x1  }
0x12c: {  	(v2sf) =	vpush v1, $0x3;
	_ =	sdelay $0x2  }
0x12d: {  	s23 =	spop (v2sf);
	[tilespmem:s22+$0xFFFFFE90] =	vst v2  }
0x12e: {  	v2 =	vld [tilespmem:s23+$0x18900];
	_ =	sdelay $0x4  }
0x12f: {  	[tilespmem:s22+$0xFFFFFEA0] =	vst v2  }
0x130: {  	v2 =	vld [tilespmem:s23+$0x18910];
	_ =	sdelay $0x1  }
0x131: {  	(v2sf) =	vpush v0, $0x3;
	_ =	sdelay $0x2  }
0x132: {  	s23 =	spop (v2sf);
	[tilespmem:s22+$0xFFFFFEB0] =	vst v2  }
0x133: {  	v2 =	vld [tilespmem:s23+$0x18900];
	_ =	sdelay $0x4  }
0x134: {  	[tilespmem:s22+$0xFFFFFEC0] =	vst v2  }
0x135: {  	v2 =	vld [tilespmem:s23+$0x18910];
	_ =	sdelay $0x1  }
0x136: {  	(v2sf) =	vpush v1, $0x4;
	_ =	sdelay $0x2  }
0x137: {  	s23 =	spop (v2sf);
	[tilespmem:s22+$0xFFFFFED0] =	vst v2  }
0x138: {  	v2 =	vld [tilespmem:s23+$0x18900];
	_ =	sdelay $0x4  }
0x139: {  	[tilespmem:s22+$0xFFFFFEE0] =	vst v2  }
0x13a: {  	v2 =	vld [tilespmem:s23+$0x18910];
	_ =	sdelay $0x1  }
0x13b: {  	(v2sf) =	vpush v0, $0x4;
	_ =	sdelay $0x2  }
0x13c: {  	s23 =	spop (v2sf);
	[tilespmem:s22+$0xFFFFFEF0] =	vst v2  }
0x13d: {  	v2 =	vld [tilespmem:s23+$0x18900];
	_ =	sdelay $0x4  }
0x13e: {  	[tilespmem:s22+$0xFFFFFF00] =	vst v2  }
0x13f: {  	v2 =	vld [tilespmem:s23+$0x18910];
	_ =	sdelay $0x1  }
0x140: {  	(v2sf) =	vpush v1, $0x5;
	_ =	sdelay $0x2  }
0x141: {  	s23 =	spop (v2sf);
	[tilespmem:s22+$0xFFFFFF10] =	vst v2  }
0x142: {  	v2 =	vld [tilespmem:s23+$0x18900];
	_ =	sdelay $0x4  }
0x143: {  	[tilespmem:s22+$0xFFFFFF20] =	vst v2  }
0x144: {  	v2 =	vld [tilespmem:s23+$0x18910];
	_ =	sdelay $0x1  }
0x145: {  	(v2sf) =	vpush v0, $0x5;
	_ =	sdelay $0x2  }
0x146: {  	s23 =	spop (v2sf);
	[tilespmem:s22+$0xFFFFFF30] =	vst v2  }
0x147: {  	v2 =	vld [tilespmem:s23+$0x18900];
	_ =	sdelay $0x4  }
0x148: {  	[tilespmem:s22+$0xFFFFFF40] =	vst v2  }
0x149: {  	v2 =	vld [tilespmem:s23+$0x18910];
	_ =	sdelay $0x1  }
0x14a: {  	(v2sf) =	vpush v1, $0x6;
	_ =	sdelay $0x2  }
0x14b: {  	s23 =	spop (v2sf);
	[tilespmem:s22+$0xFFFFFF50] =	vst v2  }
0x14c: {  	v2 =	vld [tilespmem:s23+$0x18900];
	_ =	sdelay $0x4  }
0x14d: {  	[tilespmem:s22+$0xFFFFFF60] =	vst v2  }
0x14e: {  	v2 =	vld [tilespmem:s23+$0x18910];
	_ =	sdelay $0x1  }
0x14f: {  	(v2sf) =	vpush v0, $0x6;
	_ =	sdelay $0x2  }
0x150: {  	s23 =	spop (v2sf);
	[tilespmem:s22+$0xFFFFFF70] =	vst v2  }
0x151: {  	v2 =	vld [tilespmem:s23+$0x18900];
	_ =	sdelay $0x4  }
0x152: {  	[tilespmem:s22+$0xFFFFFF80] =	vst v2  }
0x153: {  	v2 =	vld [tilespmem:s23+$0x18910];
	_ =	sdelay $0x1  }
0x154: {  	(v2sf) =	vpush v1, $0x7;
	_ =	sdelay $0x2  }
0x155: {  	s23 =	spop (v2sf);
	[tilespmem:s22+$0xFFFFFF90] =	vst v2  }
0x156: {  	v2 =	vld [tilespmem:s23+$0x18900];
	_ =	sdelay $0x4  }
0x157: {  	[tilespmem:s22+$0xFFFFFFA0] =	vst v2  }
0x158: {  	v2 =	vld [tilespmem:s23+$0x18910];
	_ =	sdelay $0x1  }
0x159: {  	(v2sf) =	vpush v0, $0x7;
	_ =	sdelay $0x2  }
0x15a: {  	s23 =	spop (v2sf);
	[tilespmem:s22+$0xFFFFFFB0] =	vst v2  }
0x15b: {  	v2 =	vld [tilespmem:s23+$0x18900];
	_ =	sdelay $0x4  }
0x15c: {  	[tilespmem:s22+$0xFFFFFFC0] =	vst v2  }
0x15d: {  	v2 =	vld [tilespmem:s23+$0x18910];
	_ =	sdelay $0x1  }
0x15e: {  	(v2sf) =	vpush v1, $0x8;
	_ =	sdelay $0x2  }
0x15f: {  	s23 =	spop (v2sf);
	[tilespmem:s22+$0xFFFFFFD0] =	vst v2  }
0x160: {  	v2 =	vld [tilespmem:s23+$0x18900];
	_ =	sdelay $0x4  }
0x161: {  	[tilespmem:s22+$0xFFFFFFE0] =	vst v2  }
0x162: {  	v2 =	vld [tilespmem:s23+$0x18910];
	_ =	sdelay $0x1  }
0x163: {  	(v2sf) =	vpush v0, $0x8;
	_ =	sdelay $0x2  }
0x164: {  	s23 =	spop (v2sf);
	[tilespmem:s22+$0xFFFFFFF0] =	vst v2  }
0x165: {  	v2 =	vld [tilespmem:s23+$0x18900];
	_ =	sdelay $0x4  }
0x166: {  	[tilespmem:s22+$0x0] =	vst v2  }
0x167: {  	v2 =	vld [tilespmem:s23+$0x18910];
	_ =	sdelay $0x1  }
0x168: {  	(v2sf) =	vpush v1, $0x9;
	_ =	sdelay $0x2  }
0x169: {  	s23 =	spop (v2sf);
	[tilespmem:s22+$0x10] =	vst v2  }
0x16a: {  	v2 =	vld [tilespmem:s23+$0x18900];
	_ =	sdelay $0x4  }
0x16b: {  	[tilespmem:s22+$0x20] =	vst v2  }
0x16c: {  	v2 =	vld [tilespmem:s23+$0x18910];
	_ =	sdelay $0x1  }
0x16d: {  	(v2sf) =	vpush v0, $0x9;
	_ =	sdelay $0x2  }
0x16e: {  	s23 =	spop (v2sf);
	[tilespmem:s22+$0x30] =	vst v2  }
0x16f: {  	v2 =	vld [tilespmem:s23+$0x18900];
	_ =	sdelay $0x4  }
0x170: {  	[tilespmem:s22+$0x40] =	vst v2  }
0x171: {  	v2 =	vld [tilespmem:s23+$0x18910];
	_ =	sdelay $0x1  }
0x172: {  	(v2sf) =	vpush v1, $0xA;
	_ =	sdelay $0x2  }
0x173: {  	s23 =	spop (v2sf);
	[tilespmem:s22+$0x50] =	vst v2  }
0x174: {  	v2 =	vld [tilespmem:s23+$0x18900];
	_ =	sdelay $0x4  }
0x175: {  	[tilespmem:s22+$0x60] =	vst v2  }
0x176: {  	v2 =	vld [tilespmem:s23+$0x18910];
	_ =	sdelay $0x1  }
0x177: {  	(v2sf) =	vpush v0, $0xA;
	_ =	sdelay $0x2  }
0x178: {  	s23 =	spop (v2sf);
	[tilespmem:s22+$0x70] =	vst v2  }
0x179: {  	v2 =	vld [tilespmem:s23+$0x18900];
	_ =	sdelay $0x4  }
0x17a: {  	[tilespmem:s22+$0x80] =	vst v2  }
0x17b: {  	v2 =	vld [tilespmem:s23+$0x18910];
	_ =	sdelay $0x1  }
0x17c: {  	(v2sf) =	vpush v1, $0xB;
	_ =	sdelay $0x2  }
0x17d: {  	s23 =	spop (v2sf);
	[tilespmem:s22+$0x90] =	vst v2  }
0x17e: {  	v2 =	vld [tilespmem:s23+$0x18900];
	_ =	sdelay $0x4  }
0x17f: {  	[tilespmem:s22+$0xA0] =	vst v2  }
0x180: {  	v2 =	vld [tilespmem:s23+$0x18910];
	_ =	sdelay $0x1  }
0x181: {  	(v2sf) =	vpush v0, $0xB;
	_ =	sdelay $0x2  }
0x182: {  	s23 =	spop (v2sf);
	[tilespmem:s22+$0xB0] =	vst v2  }
0x183: {  	v2 =	vld [tilespmem:s23+$0x18900];
	_ =	sdelay $0x4  }
0x184: {  	[tilespmem:s22+$0xC0] =	vst v2  }
0x185: {  	v2 =	vld [tilespmem:s23+$0x18910];
	_ =	sdelay $0x1  }
0x186: {  	(v2sf) =	vpush v1, $0xC;
	_ =	sdelay $0x2  }
0x187: {  	s23 =	spop (v2sf);
	[tilespmem:s22+$0xD0] =	vst v2  }
0x188: {  	v2 =	vld [tilespmem:s23+$0x18900];
	_ =	sdelay $0x4  }
0x189: {  	[tilespmem:s22+$0xE0] =	vst v2  }
0x18a: {  	v2 =	vld [tilespmem:s23+$0x18910];
	_ =	sdelay $0x1  }
0x18b: {  	(v2sf) =	vpush v0, $0xC;
	_ =	sdelay $0x2  }
0x18c: {  	s23 =	spop (v2sf);
	[tilespmem:s22+$0xF0] =	vst v2  }
0x18d: {  	v2 =	vld [tilespmem:s23+$0x18900];
	_ =	sdelay $0x4  }
0x18e: {  	[tilespmem:s22+$0x100] =	vst v2  }
0x18f: {  	v2 =	vld [tilespmem:s23+$0x18910];
	_ =	sdelay $0x1  }
0x190: {  	(v2sf) =	vpush v1, $0xD;
	_ =	sdelay $0x2  }
0x191: {  	s23 =	spop (v2sf);
	[tilespmem:s22+$0x110] =	vst v2  }
0x192: {  	v2 =	vld [tilespmem:s23+$0x18900];
	_ =	sdelay $0x4  }
0x193: {  	[tilespmem:s22+$0x120] =	vst v2  }
0x194: {  	v2 =	vld [tilespmem:s23+$0x18910];
	_ =	sdelay $0x1  }
0x195: {  	(v2sf) =	vpush v0, $0xD;
	_ =	sdelay $0x2  }
0x196: {  	s23 =	spop (v2sf);
	[tilespmem:s22+$0x130] =	vst v2  }
0x197: {  	v2 =	vld [tilespmem:s23+$0x18900];
	_ =	sdelay $0x4  }
0x198: {  	[tilespmem:s22+$0x140] =	vst v2  }
0x199: {  	v2 =	vld [tilespmem:s23+$0x18910];
	_ =	sdelay $0x1  }
0x19a: {  	(v2sf) =	vpush v1, $0xE;
	_ =	sdelay $0x2  }
0x19b: {  	s23 =	spop (v2sf);
	[tilespmem:s22+$0x150] =	vst v2  }
0x19c: {  	v2 =	vld [tilespmem:s23+$0x18900];
	_ =	sdelay $0x4  }
0x19d: {  	[tilespmem:s22+$0x160] =	vst v2  }
0x19e: {  	v2 =	vld [tilespmem:s23+$0x18910];
	_ =	sdelay $0x1  }
0x19f: {  	(v2sf) =	vpush v0, $0xE;
	_ =	sdelay $0x2  }
0x1a0: {  	s23 =	spop (v2sf);
	[tilespmem:s22+$0x170] =	vst v2  }
0x1a1: {  	v2 =	vld [tilespmem:s23+$0x18900];
	_ =	sdelay $0x4  }
0x1a2: {  	[tilespmem:s22+$0x180] =	vst v2  }
0x1a3: {  	v2 =	vld [tilespmem:s23+$0x18910];
	_ =	sdelay $0x1  }
0x1a4: {  	(v2sf) =	vpush v1, $0xF;
	_ =	sdelay $0x2  }
0x1a5: {  	s23 =	spop (v2sf);
	[tilespmem:s22+$0x190] =	vst v2  }
0x1a6: {  	v62 =	vld [tilespmem:s23+$0x18900];
	_ =	sdelay $0x4  }
0x1a7: {  	[tilespmem:s22+$0x1A0] =	vst v62  }
0x1a8: {  	v1 =	vld [tilespmem:s23+$0x18910];
	_ =	sdelay $0x1  }
0x1a9: {  	(v2sf) =	vpush v0, $0xF;
	_ =	sdelay $0x2  }
0x1aa: {  	s23 =	spop (v2sf);
	[tilespmem:s22+$0x1B0] =	vst v1  }
0x1ab: {  	v63 =	vld [tilespmem:s23+$0x18900];
	_ =	sdelay $0x4  }
0x1ac: {  	[tilespmem:s22+$0x1C0] =	vst v63  }
0x1ad: {  	v0 =	vld [tilespmem:s23+$0x18910];
	_ =	sdelay $0x4  }
0x1ae: {  	s23 =	spop (v2sf);
	[tilespmem:s22+$0x1D0] =	vst v0  }
0x1af: {  	v0 =	vld [tilespmem:s23+$0x18900];
	_ =	sdelay $0x4  }
0x1b0: {  	[tilespmem:s22+$0x1E0] =	vst v0  }
0x1b1: {  	p0 =	sne.s32 s13, $0x3C0;
	v0 =	vld [tilespmem:s23+$0x18910]  }
.Ltmp1:
0x1b2: {  	_ = 	snop;
	(pc) =	sbr.rel @p0 .LBB2_5-.Ltmp1, $2  }
0x1b3: {  	_ =	sdelay $0x2  }
0x1b4: {  	s13 =	sadd.s32 $0x40, s13;
	[tilespmem:s22+$0x1F0] =	vst v0;
	s22 =	sadd.s32 $0x400, s22  }
0x1b5: {  	_ =	swait.ge [sflag:s29], $0x2000  }
0x1b6: {  	[sflag:s29] =	ssyncset.done $0x0  }
0x1b7: {  	s2 =	sshll.u32 s2, $0xF;
	[sflag:s29] =	ssyncadd.s32 $0xFFFFE000  }
0x1b8: {  	s2 =	sadd.s32 s9, s2;
	_ =	swait.ge [sflag:s29], $0x2000  }
0x1b9: {  	s2 =	sshrl.u32 s2, $0x3;
	[sflag:s29] =	ssyncset.done $0x0  }
0x1ba: {  	s13 =	sadd.s32 s1, s2;
	[sflag:s29] =	ssyncadd.s32 $0xFFFFE000  }
0x1bb: {  	[hbm4b:s13+s8] =	stream.strided.scatter [tilespmem:s31], [sflag:$0x5], $0x4000, s24, s8, $0x38;
	[tilespmem:$0x1BB00] =	vst v63  }
0x1bc: {  	s23 =	simm.s32 $0x10900;
	s2 =	sadd.s32 s2, s15  }
0x1bd: {  	[hbm4b:s2+s8] =	stream.strided.scatter [tilespmem:s23], [sflag:$0x5], $0x4000, s24, s8, $0x38;
	[tilespmem:$0x1BB00] =	vst v63  }
0x1be: {  	_ =	swait.ge [sflag:s0], $0x4000  }
0x1bf: {  	[sflag:s0] =	ssyncset.done $0x0  }
0x1c0: {  	s19 =	sadd.s32 s19, s16;
	[sflag:s0] =	ssyncadd.s32 $0xFFFFC000  }
0x1c1: {  	s2 =	sshll.u32 s19, $0x5;
	_ =	swait.ge [sflag:s0], $0x4000  }
0x1c2: {  	s13 =	sand.u32 $0x1FFFFFE0, s2;
	[sflag:s0] =	ssyncset.done $0x0  }
0x1c3: {  	s2 =	simm.s32 $0x0;
	s22 =	sadd.s32 s4, s13;
	[sflag:s0] =	ssyncadd.s32 $0xFFFFC000  }
0x1c4: {  	[tilespmem:s2], [sflag:$0x7] =	stream.linear.gather [hbm4b:s22+s2], $0x100, $0x38;
	[tilespmem:$0x1BB00] =	vst v63  }
0x1c5: {  	_ =	swait.ge [sflag:s21], $0x100  }
0x1c6: {  	[sflag:s21] =	ssyncset.done $0x0  }
0x1c7: {  	s23 =	sadd.s32 s5, s13;
	s22 =	simm.s32 $0x300;
	[sflag:s21] =	ssyncadd.s32 $0xFFFFFF00  }
0x1c8: {  	[tilespmem:s22], [sflag:$0x7] =	stream.linear.gather [hbm4b:s23+s2], $0x100, $0x38;
	[tilespmem:$0x1BB00] =	vst v63  }
0x1c9: {  	_ =	swait.ge [sflag:s21], $0x100  }
0x1ca: {  	[sflag:s21] =	ssyncset.done $0x0  }
0x1cb: {  	s13 =	sadd.s32 s6, s13;
	s22 =	simm.s32 $0x600;
	[sflag:s21] =	ssyncadd.s32 $0xFFFFFF00  }
0x1cc: {  	[tilespmem:s22], [sflag:$0x7] =	stream.linear.gather [hbm4b:s13+s2], $0x100, $0x38;
	[tilespmem:$0x1BB00] =	vst v63  }
0x1cd: {  	_ =	swait.ge [sflag:s21], $0x100  }
0x1ce: {  	[sflag:s21] =	ssyncset.done $0x0  }
0x1cf: {  	[sflag:s21] =	ssyncadd.s32 $0xFFFFFF00  }
0x1d0: {  	[tilespmem:s25], [sflag:$0x1] =	stream.indirect.gather [hbm4b:s7+s24], $0x40, s2, s24, $0xb8;
	[tilespmem:$0x1BB00] =	vst v63  }
0x1d1: {  	s23 =	simm.s32 $0x2900;
	s13 =	simm.s32 $0x14B00  }
0x1d2: {  	[tilespmem:s23], [sflag:$0x1] =	stream.indirect.gather [hbm4b:s7+s24], $0x40, s24, s24, $0xb8;
	[tilespmem:$0x1BB00] =	vst v63  }
.LBB2_7:
0x1d3: {  	s19 =	sshra.s32 s2, $0x2  }
0x1d4: {  	v0 =	vld [tilespmem:s19+$0x500];
	_ =	sdelay $0x4  }
0x1d5: {  	v0 =	vshll.u32 v0, $0x7  }
0x1d6: {  	v1 =	vshra.s32 v0, $0x2  }
0x1d7: {  	(v2sf) =	vpush v1, $0x0;
	_ =	sdelay $0x4  }
0x1d8: {  	v61 =	vld [tilespmem:s19+$0x800];
	_ =	sdelay $0x4  }
0x1d9: {  	v0 =	vshll.u32 v61, $0x7  }
0x1da: {  	v0 =	vshra.s32 v0, $0x2  }
0x1db: {  	(v2sf) =	vpush v0, $0x0;
	_ =	sdelay $0x2  }
0x1dc: {  	s22 =	spop (v2sf)  }
0x1dd: {  	v2 =	vld [tilespmem:s22+$0x18900];
	_ =	sdelay $0x4  }
0x1de: {  	[tilespmem:s13+$0xFFFFFE00] =	vst v2  }
0x1df: {  	v2 =	vld [tilespmem:s22+$0x18910];
	_ =	sdelay $0x1  }
0x1e0: {  	(v2sf) =	vpush v1, $0x1;
	_ =	sdelay $0x2  }
0x1e1: {  	s23 =	spop (v2sf);
	[tilespmem:s13+$0xFFFFFE10] =	vst v2  }
0x1e2: {  	v2 =	vld [tilespmem:s23+$0x18900];
	_ =	sdelay $0x4  }
0x1e3: {  	[tilespmem:s13+$0xFFFFFE20] =	vst v2  }
0x1e4: {  	v2 =	vld [tilespmem:s23+$0x18910];
	_ =	sdelay $0x1  }
0x1e5: {  	(v2sf) =	vpush v0, $0x1;
	_ =	sdelay $0x2  }
0x1e6: {  	s22 =	spop (v2sf);
	[tilespmem:s13+$0xFFFFFE30] =	vst v2  }
0x1e7: {  	v2 =	vld [tilespmem:s22+$0x18900];
	_ =	sdelay $0x4  }
0x1e8: {  	[tilespmem:s13+$0xFFFFFE40] =	vst v2  }
0x1e9: {  	v2 =	vld [tilespmem:s22+$0x18910];
	_ =	sdelay $0x1  }
0x1ea: {  	(v2sf) =	vpush v1, $0x2;
	_ =	sdelay $0x2  }
0x1eb: {  	s23 =	spop (v2sf);
	[tilespmem:s13+$0xFFFFFE50] =	vst v2  }
0x1ec: {  	v2 =	vld [tilespmem:s23+$0x18900];
	_ =	sdelay $0x4  }
0x1ed: {  	[tilespmem:s13+$0xFFFFFE60] =	vst v2  }
0x1ee: {  	v2 =	vld [tilespmem:s23+$0x18910];
	_ =	sdelay $0x1  }
0x1ef: {  	(v2sf) =	vpush v0, $0x2;
	_ =	sdelay $0x2  }
0x1f0: {  	s22 =	spop (v2sf);
	[tilespmem:s13+$0xFFFFFE70] =	vst v2  }
0x1f1: {  	v2 =	vld [tilespmem:s22+$0x18900];
	_ =	sdelay $0x4  }
0x1f2: {  	[tilespmem:s13+$0xFFFFFE80] =	vst v2  }
0x1f3: {  	v2 =	vld [tilespmem:s22+$0x18910];
	_ =	sdelay $0x1  }
0x1f4: {  	(v2sf) =	vpush v1, $0x3;
	_ =	sdelay $0x2  }
0x1f5: {  	s23 =	spop (v2sf);
	[tilespmem:s13+$0xFFFFFE90] =	vst v2  }
0x1f6: {  	v2 =	vld [tilespmem:s23+$0x18900];
	_ =	sdelay $0x4  }
0x1f7: {  	[tilespmem:s13+$0xFFFFFEA0] =	vst v2  }
0x1f8: {  	v2 =	vld [tilespmem:s23+$0x18910];
	_ =	sdelay $0x1  }
0x1f9: {  	(v2sf) =	vpush v0, $0x3;
	_ =	sdelay $0x2  }
0x1fa: {  	s22 =	spop (v2sf);
	[tilespmem:s13+$0xFFFFFEB0] =	vst v2  }
0x1fb: {  	v2 =	vld [tilespmem:s22+$0x18900];
	_ =	sdelay $0x4  }
0x1fc: {  	[tilespmem:s13+$0xFFFFFEC0] =	vst v2  }
0x1fd: {  	v2 =	vld [tilespmem:s22+$0x18910];
	_ =	sdelay $0x1  }
0x1fe: {  	(v2sf) =	vpush v1, $0x4;
	_ =	sdelay $0x2  }
0x1ff: {  	s23 =	spop (v2sf);
	[tilespmem:s13+$0xFFFFFED0] =	vst v2  }
0x200: {  	v2 =	vld [tilespmem:s23+$0x18900];
	_ =	sdelay $0x4  }
0x201: {  	[tilespmem:s13+$0xFFFFFEE0] =	vst v2  }
0x202: {  	v2 =	vld [tilespmem:s23+$0x18910];
	_ =	sdelay $0x1  }
0x203: {  	(v2sf) =	vpush v0, $0x4;
	_ =	sdelay $0x2  }
0x204: {  	s22 =	spop (v2sf);
	[tilespmem:s13+$0xFFFFFEF0] =	vst v2  }
0x205: {  	v2 =	vld [tilespmem:s22+$0x18900];
	_ =	sdelay $0x4  }
0x206: {  	[tilespmem:s13+$0xFFFFFF00] =	vst v2  }
0x207: {  	v2 =	vld [tilespmem:s22+$0x18910];
	_ =	sdelay $0x1  }
0x208: {  	(v2sf) =	vpush v1, $0x5;
	_ =	sdelay $0x2  }
0x209: {  	s23 =	spop (v2sf);
	[tilespmem:s13+$0xFFFFFF10] =	vst v2  }
0x20a: {  	v2 =	vld [tilespmem:s23+$0x18900];
	_ =	sdelay $0x4  }
0x20b: {  	[tilespmem:s13+$0xFFFFFF20] =	vst v2  }
0x20c: {  	v2 =	vld [tilespmem:s23+$0x18910];
	_ =	sdelay $0x1  }
0x20d: {  	(v2sf) =	vpush v0, $0x5;
	_ =	sdelay $0x2  }
0x20e: {  	s22 =	spop (v2sf);
	[tilespmem:s13+$0xFFFFFF30] =	vst v2  }
0x20f: {  	v2 =	vld [tilespmem:s22+$0x18900];
	_ =	sdelay $0x4  }
0x210: {  	[tilespmem:s13+$0xFFFFFF40] =	vst v2  }
0x211: {  	v2 =	vld [tilespmem:s22+$0x18910];
	_ =	sdelay $0x1  }
0x212: {  	(v2sf) =	vpush v1, $0x6;
	_ =	sdelay $0x2  }
0x213: {  	s23 =	spop (v2sf);
	[tilespmem:s13+$0xFFFFFF50] =	vst v2  }
0x214: {  	v2 =	vld [tilespmem:s23+$0x18900];
	_ =	sdelay $0x4  }
0x215: {  	[tilespmem:s13+$0xFFFFFF60] =	vst v2  }
0x216: {  	v2 =	vld [tilespmem:s23+$0x18910];
	_ =	sdelay $0x1  }
0x217: {  	(v2sf) =	vpush v0, $0x6;
	_ =	sdelay $0x2  }
0x218: {  	s22 =	spop (v2sf);
	[tilespmem:s13+$0xFFFFFF70] =	vst v2  }
0x219: {  	v2 =	vld [tilespmem:s22+$0x18900];
	_ =	sdelay $0x4  }
0x21a: {  	[tilespmem:s13+$0xFFFFFF80] =	vst v2  }
0x21b: {  	v2 =	vld [tilespmem:s22+$0x18910];
	_ =	sdelay $0x1  }
0x21c: {  	(v2sf) =	vpush v1, $0x7;
	_ =	sdelay $0x2  }
0x21d: {  	s23 =	spop (v2sf);
	[tilespmem:s13+$0xFFFFFF90] =	vst v2  }
0x21e: {  	v2 =	vld [tilespmem:s23+$0x18900];
	_ =	sdelay $0x4  }
0x21f: {  	[tilespmem:s13+$0xFFFFFFA0] =	vst v2  }
0x220: {  	v2 =	vld [tilespmem:s23+$0x18910];
	_ =	sdelay $0x1  }
0x221: {  	(v2sf) =	vpush v0, $0x7;
	_ =	sdelay $0x2  }
0x222: {  	s22 =	spop (v2sf);
	[tilespmem:s13+$0xFFFFFFB0] =	vst v2  }
0x223: {  	v2 =	vld [tilespmem:s22+$0x18900];
	_ =	sdelay $0x4  }
0x224: {  	[tilespmem:s13+$0xFFFFFFC0] =	vst v2  }
0x225: {  	v2 =	vld [tilespmem:s22+$0x18910];
	_ =	sdelay $0x1  }
0x226: {  	(v2sf) =	vpush v1, $0x8;
	_ =	sdelay $0x2  }
0x227: {  	s23 =	spop (v2sf);
	[tilespmem:s13+$0xFFFFFFD0] =	vst v2  }
0x228: {  	v2 =	vld [tilespmem:s23+$0x18900];
	_ =	sdelay $0x4  }
0x229: {  	[tilespmem:s13+$0xFFFFFFE0] =	vst v2  }
0x22a: {  	v2 =	vld [tilespmem:s23+$0x18910];
	_ =	sdelay $0x1  }
0x22b: {  	(v2sf) =	vpush v0, $0x8;
	_ =	sdelay $0x2  }
0x22c: {  	s22 =	spop (v2sf);
	[tilespmem:s13+$0xFFFFFFF0] =	vst v2  }
0x22d: {  	v2 =	vld [tilespmem:s22+$0x18900];
	_ =	sdelay $0x4  }
0x22e: {  	[tilespmem:s13+$0x0] =	vst v2  }
0x22f: {  	v2 =	vld [tilespmem:s22+$0x18910];
	_ =	sdelay $0x1  }
0x230: {  	(v2sf) =	vpush v1, $0x9;
	_ =	sdelay $0x2  }
0x231: {  	s23 =	spop (v2sf);
	[tilespmem:s13+$0x10] =	vst v2  }
0x232: {  	v2 =	vld [tilespmem:s23+$0x18900];
	_ =	sdelay $0x4  }
0x233: {  	[tilespmem:s13+$0x20] =	vst v2  }
0x234: {  	v2 =	vld [tilespmem:s23+$0x18910];
	_ =	sdelay $0x1  }
0x235: {  	(v2sf) =	vpush v0, $0x9;
	_ =	sdelay $0x2  }
0x236: {  	s22 =	spop (v2sf);
	[tilespmem:s13+$0x30] =	vst v2  }
0x237: {  	v2 =	vld [tilespmem:s22+$0x18900];
	_ =	sdelay $0x4  }
0x238: {  	[tilespmem:s13+$0x40] =	vst v2  }
0x239: {  	v2 =	vld [tilespmem:s22+$0x18910];
	_ =	sdelay $0x1  }
0x23a: {  	(v2sf) =	vpush v1, $0xA;
	_ =	sdelay $0x2  }
0x23b: {  	s23 =	spop (v2sf);
	[tilespmem:s13+$0x50] =	vst v2  }
0x23c: {  	v2 =	vld [tilespmem:s23+$0x18900];
	_ =	sdelay $0x4  }
0x23d: {  	[tilespmem:s13+$0x60] =	vst v2  }
0x23e: {  	v2 =	vld [tilespmem:s23+$0x18910];
	_ =	sdelay $0x1  }
0x23f: {  	(v2sf) =	vpush v0, $0xA;
	_ =	sdelay $0x2  }
0x240: {  	s22 =	spop (v2sf);
	[tilespmem:s13+$0x70] =	vst v2  }
0x241: {  	v2 =	vld [tilespmem:s22+$0x18900];
	_ =	sdelay $0x4  }
0x242: {  	[tilespmem:s13+$0x80] =	vst v2  }
0x243: {  	v2 =	vld [tilespmem:s22+$0x18910];
	_ =	sdelay $0x1  }
0x244: {  	(v2sf) =	vpush v1, $0xB;
	_ =	sdelay $0x2  }
0x245: {  	s23 =	spop (v2sf);
	[tilespmem:s13+$0x90] =	vst v2  }
0x246: {  	v2 =	vld [tilespmem:s23+$0x18900];
	_ =	sdelay $0x4  }
0x247: {  	[tilespmem:s13+$0xA0] =	vst v2  }
0x248: {  	v2 =	vld [tilespmem:s23+$0x18910];
	_ =	sdelay $0x1  }
0x249: {  	(v2sf) =	vpush v0, $0xB;
	_ =	sdelay $0x2  }
0x24a: {  	s22 =	spop (v2sf);
	[tilespmem:s13+$0xB0] =	vst v2  }
0x24b: {  	v2 =	vld [tilespmem:s22+$0x18900];
	_ =	sdelay $0x4  }
0x24c: {  	[tilespmem:s13+$0xC0] =	vst v2  }
0x24d: {  	v2 =	vld [tilespmem:s22+$0x18910];
	_ =	sdelay $0x1  }
0x24e: {  	(v2sf) =	vpush v1, $0xC;
	_ =	sdelay $0x2  }
0x24f: {  	s23 =	spop (v2sf);
	[tilespmem:s13+$0xD0] =	vst v2  }
0x250: {  	v2 =	vld [tilespmem:s23+$0x18900];
	_ =	sdelay $0x4  }
0x251: {  	[tilespmem:s13+$0xE0] =	vst v2  }
0x252: {  	v2 =	vld [tilespmem:s23+$0x18910];
	_ =	sdelay $0x1  }
0x253: {  	(v2sf) =	vpush v0, $0xC;
	_ =	sdelay $0x2  }
0x254: {  	s22 =	spop (v2sf);
	[tilespmem:s13+$0xF0] =	vst v2  }
0x255: {  	v2 =	vld [tilespmem:s22+$0x18900];
	_ =	sdelay $0x4  }
0x256: {  	[tilespmem:s13+$0x100] =	vst v2  }
0x257: {  	v2 =	vld [tilespmem:s22+$0x18910];
	_ =	sdelay $0x1  }
0x258: {  	(v2sf) =	vpush v1, $0xD;
	_ =	sdelay $0x2  }
0x259: {  	s23 =	spop (v2sf);
	[tilespmem:s13+$0x110] =	vst v2  }
0x25a: {  	v2 =	vld [tilespmem:s23+$0x18900];
	_ =	sdelay $0x4  }
0x25b: {  	[tilespmem:s13+$0x120] =	vst v2  }
0x25c: {  	v2 =	vld [tilespmem:s23+$0x18910];
	_ =	sdelay $0x1  }
0x25d: {  	(v2sf) =	vpush v0, $0xD;
	_ =	sdelay $0x2  }
0x25e: {  	s22 =	spop (v2sf);
	[tilespmem:s13+$0x130] =	vst v2  }
0x25f: {  	v2 =	vld [tilespmem:s22+$0x18900];
	_ =	sdelay $0x4  }
0x260: {  	[tilespmem:s13+$0x140] =	vst v2  }
0x261: {  	v2 =	vld [tilespmem:s22+$0x18910];
	_ =	sdelay $0x1  }
0x262: {  	(v2sf) =	vpush v1, $0xE;
	_ =	sdelay $0x2  }
0x263: {  	s23 =	spop (v2sf);
	[tilespmem:s13+$0x150] =	vst v2  }
0x264: {  	v2 =	vld [tilespmem:s23+$0x18900];
	_ =	sdelay $0x4  }
0x265: {  	[tilespmem:s13+$0x160] =	vst v2  }
0x266: {  	v2 =	vld [tilespmem:s23+$0x18910];
	_ =	sdelay $0x1  }
0x267: {  	(v2sf) =	vpush v0, $0xE;
	_ =	sdelay $0x2  }
0x268: {  	s22 =	spop (v2sf);
	[tilespmem:s13+$0x170] =	vst v2  }
0x269: {  	v2 =	vld [tilespmem:s22+$0x18900];
	_ =	sdelay $0x4  }
0x26a: {  	[tilespmem:s13+$0x180] =	vst v2  }
0x26b: {  	v2 =	vld [tilespmem:s22+$0x18910];
	_ =	sdelay $0x1  }
0x26c: {  	(v2sf) =	vpush v1, $0xF;
	_ =	sdelay $0x2  }
0x26d: {  	s23 =	spop (v2sf);
	[tilespmem:s13+$0x190] =	vst v2  }
0x26e: {  	v62 =	vld [tilespmem:s23+$0x18900];
	_ =	sdelay $0x4  }
0x26f: {  	[tilespmem:s13+$0x1A0] =	vst v62  }
0x270: {  	v1 =	vld [tilespmem:s23+$0x18910];
	_ =	sdelay $0x1  }
0x271: {  	(v2sf) =	vpush v0, $0xF;
	_ =	sdelay $0x2  }
0x272: {  	s22 =	spop (v2sf);
	[tilespmem:s13+$0x1B0] =	vst v1  }
0x273: {  	v63 =	vld [tilespmem:s22+$0x18900];
	_ =	sdelay $0x4  }
0x274: {  	[tilespmem:s13+$0x1C0] =	vst v63  }
0x275: {  	v0 =	vld [tilespmem:s22+$0x18910];
	_ =	sdelay $0x4  }
0x276: {  	s23 =	spop (v2sf);
	[tilespmem:s13+$0x1D0] =	vst v0  }
0x277: {  	v0 =	vld [tilespmem:s23+$0x18900];
	_ =	sdelay $0x4  }
0x278: {  	[tilespmem:s13+$0x1E0] =	vst v0  }
0x279: {  	p0 =	sne.s32 s2, $0x3C0;
	v0 =	vld [tilespmem:s23+$0x18910]  }
.Ltmp2:
0x27a: {  	_ = 	snop;
	(pc) =	sbr.rel @p0 .LBB2_7-.Ltmp2, $2  }
0x27b: {  	_ =	sdelay $0x2  }
0x27c: {  	s2 =	sadd.s32 $0x40, s2;
	[tilespmem:s13+$0x1F0] =	vst v0;
	s13 =	sadd.s32 $0x400, s13  }
0x27d: {  	_ =	swait.ge [sflag:s3], $0x2000  }
0x27e: {  	[sflag:s3] =	ssyncset.done $0x0  }
0x27f: {  	s2 =	sshll.u32 s30, $0xF;
	s17 =	sadd.s32 $0x1, s17;
	[sflag:s3] =	ssyncadd.s32 $0xFFFFE000  }
0x280: {  	s2 =	sadd.s32 s9, s2;
	p0 =	sne.s32 s17, $0x21;
	_ =	swait.ge [sflag:s3], $0x2000  }
.Ltmp3:
0x281: {  	s2 =	sshrl.u32 s2, $0x3;
	[sflag:s3] =	ssyncset.done $0x0;
	(pc) =	sbr.rel @p0 .LBB2_2-.Ltmp3, $4  }
0x282: {  	s13 =	sadd.s32 s1, s2;
	[sflag:s3] =	ssyncadd.s32 $0xFFFFE000  }
0x283: {  	[hbm4b:s13+s8] =	stream.strided.scatter [tilespmem:s18], [sflag:$0x6], $0x4000, s24, s8, $0x38;
	[tilespmem:$0x1BB00] =	vst v63  }
0x284: {  	s30 =	simm.s32 $0x14900;
	s2 =	sadd.s32 s2, s15  }
0x285: {  	[hbm4b:s2+s8] =	stream.strided.scatter [tilespmem:s30], [sflag:$0x6], $0x4000, s24, s8, $0x38;
	[tilespmem:$0x1BB00] =	vst v63  }
0x286: {  	s2 =	simm.s32 $0x5  }
0x287: {  	_ =	swait.ge [sflag:s2], $0x4000  }
0x288: {  	[sflag:s2] =	ssyncset.done $0x0  }
0x289: {  	[sflag:s2] =	ssyncadd.s32 $0xFFFFC000  }
0x28a: {  	_ =	swait.ge [sflag:s2], $0x4000  }
0x28b: {  	[sflag:s2] =	ssyncset.done $0x0  }
0x28c: {  	s13 =	simm.s32 $0xCB00;
	[sflag:s2] =	ssyncadd.s32 $0xFFFFC000;
	s2 =	simm.s32 $0x0  }
.LBB2_10:
0x28d: {  	s17 =	sshra.s32 s2, $0x2  }
0x28e: {  	v0 =	vld [tilespmem:s17+$0x300];
	_ =	sdelay $0x4  }
0x28f: {  	v0 =	vshll.u32 v0, $0x7  }
0x290: {  	v1 =	vshra.s32 v0, $0x2  }
0x291: {  	(v2sf) =	vpush v1, $0x0;
	_ =	sdelay $0x4  }
0x292: {  	v61 =	vld [tilespmem:s17+$0x600];
	_ =	sdelay $0x4  }
0x293: {  	v0 =	vshll.u32 v61, $0x7  }
0x294: {  	v0 =	vshra.s32 v0, $0x2  }
0x295: {  	(v2sf) =	vpush v0, $0x0;
	_ =	sdelay $0x2  }
0x296: {  	s19 =	spop (v2sf)  }
0x297: {  	v2 =	vld [tilespmem:s19+$0x18900];
	_ =	sdelay $0x4  }
0x298: {  	[tilespmem:s13+$0xFFFFFE00] =	vst v2  }
0x299: {  	v2 =	vld [tilespmem:s19+$0x18910];
	_ =	sdelay $0x1  }
0x29a: {  	(v2sf) =	vpush v1, $0x1;
	_ =	sdelay $0x2  }
0x29b: {  	s22 =	spop (v2sf);
	[tilespmem:s13+$0xFFFFFE10] =	vst v2  }
0x29c: {  	v2 =	vld [tilespmem:s22+$0x18900];
	_ =	sdelay $0x4  }
0x29d: {  	[tilespmem:s13+$0xFFFFFE20] =	vst v2  }
0x29e: {  	v2 =	vld [tilespmem:s22+$0x18910];
	_ =	sdelay $0x1  }
0x29f: {  	(v2sf) =	vpush v0, $0x1;
	_ =	sdelay $0x2  }
0x2a0: {  	s23 =	spop (v2sf);
	[tilespmem:s13+$0xFFFFFE30] =	vst v2  }
0x2a1: {  	v2 =	vld [tilespmem:s23+$0x18900];
	_ =	sdelay $0x4  }
0x2a2: {  	[tilespmem:s13+$0xFFFFFE40] =	vst v2  }
0x2a3: {  	v2 =	vld [tilespmem:s23+$0x18910];
	_ =	sdelay $0x1  }
0x2a4: {  	(v2sf) =	vpush v1, $0x2;
	_ =	sdelay $0x2  }
0x2a5: {  	s30 =	spop (v2sf);
	[tilespmem:s13+$0xFFFFFE50] =	vst v2  }
0x2a6: {  	v2 =	vld [tilespmem:s30+$0x18900];
	_ =	sdelay $0x4  }
0x2a7: {  	[tilespmem:s13+$0xFFFFFE60] =	vst v2  }
0x2a8: {  	v2 =	vld [tilespmem:s30+$0x18910];
	_ =	sdelay $0x1  }
0x2a9: {  	(v2sf) =	vpush v0, $0x2;
	_ =	sdelay $0x2  }
0x2aa: {  	s19 =	spop (v2sf);
	[tilespmem:s13+$0xFFFFFE70] =	vst v2  }
0x2ab: {  	v2 =	vld [tilespmem:s19+$0x18900];
	_ =	sdelay $0x4  }
0x2ac: {  	[tilespmem:s13+$0xFFFFFE80] =	vst v2  }
0x2ad: {  	v2 =	vld [tilespmem:s19+$0x18910];
	_ =	sdelay $0x1  }
0x2ae: {  	(v2sf) =	vpush v1, $0x3;
	_ =	sdelay $0x2  }
0x2af: {  	s22 =	spop (v2sf);
	[tilespmem:s13+$0xFFFFFE90] =	vst v2  }
0x2b0: {  	v2 =	vld [tilespmem:s22+$0x18900];
	_ =	sdelay $0x4  }
0x2b1: {  	[tilespmem:s13+$0xFFFFFEA0] =	vst v2  }
0x2b2: {  	v2 =	vld [tilespmem:s22+$0x18910];
	_ =	sdelay $0x1  }
0x2b3: {  	(v2sf) =	vpush v0, $0x3;
	_ =	sdelay $0x2  }
0x2b4: {  	s23 =	spop (v2sf);
	[tilespmem:s13+$0xFFFFFEB0] =	vst v2  }
0x2b5: {  	v2 =	vld [tilespmem:s23+$0x18900];
	_ =	sdelay $0x4  }
0x2b6: {  	[tilespmem:s13+$0xFFFFFEC0] =	vst v2  }
0x2b7: {  	v2 =	vld [tilespmem:s23+$0x18910];
	_ =	sdelay $0x1  }
0x2b8: {  	(v2sf) =	vpush v1, $0x4;
	_ =	sdelay $0x2  }
0x2b9: {  	s30 =	spop (v2sf);
	[tilespmem:s13+$0xFFFFFED0] =	vst v2  }
0x2ba: {  	v2 =	vld [tilespmem:s30+$0x18900];
	_ =	sdelay $0x4  }
0x2bb: {  	[tilespmem:s13+$0xFFFFFEE0] =	vst v2  }
0x2bc: {  	v2 =	vld [tilespmem:s30+$0x18910];
	_ =	sdelay $0x1  }
0x2bd: {  	(v2sf) =	vpush v0, $0x4;
	_ =	sdelay $0x2  }
0x2be: {  	s19 =	spop (v2sf);
	[tilespmem:s13+$0xFFFFFEF0] =	vst v2  }
0x2bf: {  	v2 =	vld [tilespmem:s19+$0x18900];
	_ =	sdelay $0x4  }
0x2c0: {  	[tilespmem:s13+$0xFFFFFF00] =	vst v2  }
0x2c1: {  	v2 =	vld [tilespmem:s19+$0x18910];
	_ =	sdelay $0x1  }
0x2c2: {  	(v2sf) =	vpush v1, $0x5;
	_ =	sdelay $0x2  }
0x2c3: {  	s22 =	spop (v2sf);
	[tilespmem:s13+$0xFFFFFF10] =	vst v2  }
0x2c4: {  	v2 =	vld [tilespmem:s22+$0x18900];
	_ =	sdelay $0x4  }
0x2c5: {  	[tilespmem:s13+$0xFFFFFF20] =	vst v2  }
0x2c6: {  	v2 =	vld [tilespmem:s22+$0x18910];
	_ =	sdelay $0x1  }
0x2c7: {  	(v2sf) =	vpush v0, $0x5;
	_ =	sdelay $0x2  }
0x2c8: {  	s23 =	spop (v2sf);
	[tilespmem:s13+$0xFFFFFF30] =	vst v2  }
0x2c9: {  	v2 =	vld [tilespmem:s23+$0x18900];
	_ =	sdelay $0x4  }
0x2ca: {  	[tilespmem:s13+$0xFFFFFF40] =	vst v2  }
0x2cb: {  	v2 =	vld [tilespmem:s23+$0x18910];
	_ =	sdelay $0x1  }
0x2cc: {  	(v2sf) =	vpush v1, $0x6;
	_ =	sdelay $0x2  }
0x2cd: {  	s30 =	spop (v2sf);
	[tilespmem:s13+$0xFFFFFF50] =	vst v2  }
0x2ce: {  	v2 =	vld [tilespmem:s30+$0x18900];
	_ =	sdelay $0x4  }
0x2cf: {  	[tilespmem:s13+$0xFFFFFF60] =	vst v2  }
0x2d0: {  	v2 =	vld [tilespmem:s30+$0x18910];
	_ =	sdelay $0x1  }
0x2d1: {  	(v2sf) =	vpush v0, $0x6;
	_ =	sdelay $0x2  }
0x2d2: {  	s19 =	spop (v2sf);
	[tilespmem:s13+$0xFFFFFF70] =	vst v2  }
0x2d3: {  	v2 =	vld [tilespmem:s19+$0x18900];
	_ =	sdelay $0x4  }
0x2d4: {  	[tilespmem:s13+$0xFFFFFF80] =	vst v2  }
0x2d5: {  	v2 =	vld [tilespmem:s19+$0x18910];
	_ =	sdelay $0x1  }
0x2d6: {  	(v2sf) =	vpush v1, $0x7;
	_ =	sdelay $0x2  }
0x2d7: {  	s22 =	spop (v2sf);
	[tilespmem:s13+$0xFFFFFF90] =	vst v2  }
0x2d8: {  	v2 =	vld [tilespmem:s22+$0x18900];
	_ =	sdelay $0x4  }
0x2d9: {  	[tilespmem:s13+$0xFFFFFFA0] =	vst v2  }
0x2da: {  	v2 =	vld [tilespmem:s22+$0x18910];
	_ =	sdelay $0x1  }
0x2db: {  	(v2sf) =	vpush v0, $0x7;
	_ =	sdelay $0x2  }
0x2dc: {  	s23 =	spop (v2sf);
	[tilespmem:s13+$0xFFFFFFB0] =	vst v2  }
0x2dd: {  	v2 =	vld [tilespmem:s23+$0x18900];
	_ =	sdelay $0x4  }
0x2de: {  	[tilespmem:s13+$0xFFFFFFC0] =	vst v2  }
0x2df: {  	v2 =	vld [tilespmem:s23+$0x18910];
	_ =	sdelay $0x1  }
0x2e0: {  	(v2sf) =	vpush v1, $0x8;
	_ =	sdelay $0x2  }
0x2e1: {  	s30 =	spop (v2sf);
	[tilespmem:s13+$0xFFFFFFD0] =	vst v2  }
0x2e2: {  	v2 =	vld [tilespmem:s30+$0x18900];
	_ =	sdelay $0x4  }
0x2e3: {  	[tilespmem:s13+$0xFFFFFFE0] =	vst v2  }
0x2e4: {  	v2 =	vld [tilespmem:s30+$0x18910];
	_ =	sdelay $0x1  }
0x2e5: {  	(v2sf) =	vpush v0, $0x8;
	_ =	sdelay $0x2  }
0x2e6: {  	s19 =	spop (v2sf);
	[tilespmem:s13+$0xFFFFFFF0] =	vst v2  }
0x2e7: {  	v2 =	vld [tilespmem:s19+$0x18900];
	_ =	sdelay $0x4  }
0x2e8: {  	[tilespmem:s13+$0x0] =	vst v2  }
0x2e9: {  	v2 =	vld [tilespmem:s19+$0x18910];
	_ =	sdelay $0x1  }
0x2ea: {  	(v2sf) =	vpush v1, $0x9;
	_ =	sdelay $0x2  }
0x2eb: {  	s22 =	spop (v2sf);
	[tilespmem:s13+$0x10] =	vst v2  }
0x2ec: {  	v2 =	vld [tilespmem:s22+$0x18900];
	_ =	sdelay $0x4  }
0x2ed: {  	[tilespmem:s13+$0x20] =	vst v2  }
0x2ee: {  	v2 =	vld [tilespmem:s22+$0x18910];
	_ =	sdelay $0x1  }
0x2ef: {  	(v2sf) =	vpush v0, $0x9;
	_ =	sdelay $0x2  }
0x2f0: {  	s23 =	spop (v2sf);
	[tilespmem:s13+$0x30] =	vst v2  }
0x2f1: {  	v2 =	vld [tilespmem:s23+$0x18900];
	_ =	sdelay $0x4  }
0x2f2: {  	[tilespmem:s13+$0x40] =	vst v2  }
0x2f3: {  	v2 =	vld [tilespmem:s23+$0x18910];
	_ =	sdelay $0x1  }
0x2f4: {  	(v2sf) =	vpush v1, $0xA;
	_ =	sdelay $0x2  }
0x2f5: {  	s30 =	spop (v2sf);
	[tilespmem:s13+$0x50] =	vst v2  }
0x2f6: {  	v2 =	vld [tilespmem:s30+$0x18900];
	_ =	sdelay $0x4  }
0x2f7: {  	[tilespmem:s13+$0x60] =	vst v2  }
0x2f8: {  	v2 =	vld [tilespmem:s30+$0x18910];
	_ =	sdelay $0x1  }
0x2f9: {  	(v2sf) =	vpush v0, $0xA;
	_ =	sdelay $0x2  }
0x2fa: {  	s19 =	spop (v2sf);
	[tilespmem:s13+$0x70] =	vst v2  }
0x2fb: {  	v2 =	vld [tilespmem:s19+$0x18900];
	_ =	sdelay $0x4  }
0x2fc: {  	[tilespmem:s13+$0x80] =	vst v2  }
0x2fd: {  	v2 =	vld [tilespmem:s19+$0x18910];
	_ =	sdelay $0x1  }
0x2fe: {  	(v2sf) =	vpush v1, $0xB;
	_ =	sdelay $0x2  }
0x2ff: {  	s22 =	spop (v2sf);
	[tilespmem:s13+$0x90] =	vst v2  }
0x300: {  	v2 =	vld [tilespmem:s22+$0x18900];
	_ =	sdelay $0x4  }
0x301: {  	[tilespmem:s13+$0xA0] =	vst v2  }
0x302: {  	v2 =	vld [tilespmem:s22+$0x18910];
	_ =	sdelay $0x1  }
0x303: {  	(v2sf) =	vpush v0, $0xB;
	_ =	sdelay $0x2  }
0x304: {  	s23 =	spop (v2sf);
	[tilespmem:s13+$0xB0] =	vst v2  }
0x305: {  	v2 =	vld [tilespmem:s23+$0x18900];
	_ =	sdelay $0x4  }
0x306: {  	[tilespmem:s13+$0xC0] =	vst v2  }
0x307: {  	v2 =	vld [tilespmem:s23+$0x18910];
	_ =	sdelay $0x1  }
0x308: {  	(v2sf) =	vpush v1, $0xC;
	_ =	sdelay $0x2  }
0x309: {  	s30 =	spop (v2sf);
	[tilespmem:s13+$0xD0] =	vst v2  }
0x30a: {  	v2 =	vld [tilespmem:s30+$0x18900];
	_ =	sdelay $0x4  }
0x30b: {  	[tilespmem:s13+$0xE0] =	vst v2  }
0x30c: {  	v2 =	vld [tilespmem:s30+$0x18910];
	_ =	sdelay $0x1  }
0x30d: {  	(v2sf) =	vpush v0, $0xC;
	_ =	sdelay $0x2  }
0x30e: {  	s19 =	spop (v2sf);
	[tilespmem:s13+$0xF0] =	vst v2  }
0x30f: {  	v2 =	vld [tilespmem:s19+$0x18900];
	_ =	sdelay $0x4  }
0x310: {  	[tilespmem:s13+$0x100] =	vst v2  }
0x311: {  	v2 =	vld [tilespmem:s19+$0x18910];
	_ =	sdelay $0x1  }
0x312: {  	(v2sf) =	vpush v1, $0xD;
	_ =	sdelay $0x2  }
0x313: {  	s22 =	spop (v2sf);
	[tilespmem:s13+$0x110] =	vst v2  }
0x314: {  	v2 =	vld [tilespmem:s22+$0x18900];
	_ =	sdelay $0x4  }
0x315: {  	[tilespmem:s13+$0x120] =	vst v2  }
0x316: {  	v2 =	vld [tilespmem:s22+$0x18910];
	_ =	sdelay $0x1  }
0x317: {  	(v2sf) =	vpush v0, $0xD;
	_ =	sdelay $0x2  }
0x318: {  	s23 =	spop (v2sf);
	[tilespmem:s13+$0x130] =	vst v2  }
0x319: {  	v2 =	vld [tilespmem:s23+$0x18900];
	_ =	sdelay $0x4  }
0x31a: {  	[tilespmem:s13+$0x140] =	vst v2  }
0x31b: {  	v2 =	vld [tilespmem:s23+$0x18910];
	_ =	sdelay $0x1  }
0x31c: {  	(v2sf) =	vpush v1, $0xE;
	_ =	sdelay $0x2  }
0x31d: {  	s30 =	spop (v2sf);
	[tilespmem:s13+$0x150] =	vst v2  }
0x31e: {  	v2 =	vld [tilespmem:s30+$0x18900];
	_ =	sdelay $0x4  }
0x31f: {  	[tilespmem:s13+$0x160] =	vst v2  }
0x320: {  	v2 =	vld [tilespmem:s30+$0x18910];
	_ =	sdelay $0x1  }
0x321: {  	(v2sf) =	vpush v0, $0xE;
	_ =	sdelay $0x2  }
0x322: {  	s19 =	spop (v2sf);
	[tilespmem:s13+$0x170] =	vst v2  }
0x323: {  	v2 =	vld [tilespmem:s19+$0x18900];
	_ =	sdelay $0x4  }
0x324: {  	[tilespmem:s13+$0x180] =	vst v2  }
0x325: {  	v2 =	vld [tilespmem:s19+$0x18910];
	_ =	sdelay $0x1  }
0x326: {  	(v2sf) =	vpush v1, $0xF;
	_ =	sdelay $0x2  }
0x327: {  	s22 =	spop (v2sf);
	[tilespmem:s13+$0x190] =	vst v2  }
0x328: {  	v62 =	vld [tilespmem:s22+$0x18900];
	_ =	sdelay $0x4  }
0x329: {  	[tilespmem:s13+$0x1A0] =	vst v62  }
0x32a: {  	v1 =	vld [tilespmem:s22+$0x18910];
	_ =	sdelay $0x1  }
0x32b: {  	(v2sf) =	vpush v0, $0xF;
	_ =	sdelay $0x2  }
0x32c: {  	s23 =	spop (v2sf);
	[tilespmem:s13+$0x1B0] =	vst v1  }
0x32d: {  	v63 =	vld [tilespmem:s23+$0x18900];
	_ =	sdelay $0x4  }
0x32e: {  	[tilespmem:s13+$0x1C0] =	vst v63  }
0x32f: {  	v0 =	vld [tilespmem:s23+$0x18910];
	_ =	sdelay $0x4  }
0x330: {  	s30 =	spop (v2sf);
	[tilespmem:s13+$0x1D0] =	vst v0  }
0x331: {  	v0 =	vld [tilespmem:s30+$0x18900];
	_ =	sdelay $0x4  }
0x332: {  	[tilespmem:s13+$0x1E0] =	vst v0  }
0x333: {  	p0 =	sne.s32 s2, $0x3C0;
	v0 =	vld [tilespmem:s30+$0x18910]  }
.Ltmp4:
0x334: {  	_ = 	snop;
	(pc) =	sbr.rel @p0 .LBB2_10-.Ltmp4, $2  }
0x335: {  	_ =	sdelay $0x2  }
0x336: {  	s2 =	sadd.s32 $0x40, s2;
	[tilespmem:s13+$0x1F0] =	vst v0;
	s13 =	sadd.s32 $0x400, s13  }
0x337: {  	_ =	swait.ge [sflag:s20], $0x2000  }
0x338: {  	[sflag:s20] =	ssyncset.done $0x0  }
0x339: {  	[sflag:s20] =	ssyncadd.s32 $0xFFFFE000  }
0x33a: {  	_ =	swait.ge [sflag:s20], $0x2000  }
0x33b: {  	[sflag:s20] =	ssyncset.done $0x0  }
0x33c: {  	s2 =	rddreg [dreg:$0x7];
	[sflag:s20] =	ssyncadd.s32 $0xFFFFE000  }
0x33d: {  	[hbm4b:s2+s8] =	stream.strided.scatter [tilespmem:s25], [sflag:$0x4], $0x4000, s24, s8, $0x38;
	[tilespmem:$0x1BB00] =	vst v63  }
0x33e: {  	s23 =	simm.s32 $0x6;
	s22 =	rddreg [dreg:$0x8]  }
0x33f: {  	[hbm4b:s22+s8] =	stream.strided.scatter [tilespmem:s11], [sflag:$0x4], $0x4000, s24, s8, $0x38;
	[tilespmem:$0x1BB00] =	vst v63  }
0x340: {  	_ =	swait.ge [sflag:s23], $0x4000  }
0x341: {  	[sflag:s23] =	ssyncset.done $0x0  }
0x342: {  	[sflag:s23] =	ssyncadd.s32 $0xFFFFC000  }
0x343: {  	_ =	swait.ge [sflag:s23], $0x4000  }
0x344: {  	[sflag:s23] =	ssyncset.done $0x0  }
0x345: {  	[sflag:s23] =	ssyncadd.s32 $0xFFFFC000  }
0x346: {  	_ =	swait.ge [sflag:s0], $0x4000  }
0x347: {  	[sflag:s0] =	ssyncset.done $0x0  }
0x348: {  	[sflag:s0] =	ssyncadd.s32 $0xFFFFC000  }
0x349: {  	_ =	swait.ge [sflag:s0], $0x4000  }
0x34a: {  	s13 =	rddreg [dreg:$0xa]  }
0x34b: {  	s30 =	rddreg [dreg:$0x9];
	s13 =	sadd.s32 $0x1, s13  }
0x34c: {  	p0 =	sne.s32 s13, s30  }
.Ltmp5:
0x34d: {  	_ = 	snop;
	(pc) =	sbr.rel @p0 .LBB2_1-.Ltmp5, $3  }
0x34e: {  	_ =	sdelay $0x1  }
0x34f: {  	[sflag:s0] =	ssyncset.done $0x0  }
0x350: {  	[sflag:s0] =	ssyncadd.s32 $0xFFFFC000  }
0x351: {  	_ =	sfence.sel $0x180000  }
0x352: {  	[bflag:$0x0] =	sbarrier.arrive $0xFFFF  }
0x353: {  	_ =	strace $0x90000047  }
0x354: {  	s0 =	stileid.u32;
	[bflag:$0x2] =	sbarrier.arrive $0xFFFF  }
0x355: {  	p0 =	sne.s32 s0, $0x0;
	s0 =	rddreg [dreg:$0x2]  }
0x356: {  	s0 =	sadd.s32 @!p0 $0x100000, s0  }
0x357: {  	[sflag:s0] =	ssyncadd.tile.s32 @!p0 $0x1;
	_ =	shalt  }
.Lfunc_end2:
_tile_overlayer_lowered:
.L_overlay_start_2:
0x358: {  	(tag) =	ssettag $0x2  }
0x359: {  	s0 =	rddreg [dreg:$0x0];
	s2 =	stileid.u32  }
0x35a: {  	s1 =	rddreg [dreg:$0x1];
	p0 =	sne.s32 s2, $0x0  }
0x35b: {  	s3 =	rddreg [dreg:$0x2];
	[bflag:$0x3] =	sbarrier.arrive $0xFFFF;
	s2 =	simm.s32 @!p0 $0x1C07  }
0x35c: {  	[timem:s3], [sflag:s2] =	dma.local @!p0 [hbm:s0], s1  }
0x35d: {  	s0 =	simm.s32 @!p0 $0x7  }
0x35e: {  	_ =	swait.ge @!p0 [sflag:s0], s1  }
0x35f: {  	s1 =	ssub.s32 @!p0 $0x0, s1;
	[sflag:s0] =	ssyncset.done @!p0 $0x0  }
0x360: {  	[sflag:s0] =	ssyncadd.s32 @!p0 s1  }
0x361: {  	[bflag:$0x3] =	sbarrier.arrive $0xFFFF  }
0x362: {  	_ =	shalt  }

</sc_bundles>
